<compile_context>
chip_gen: v7x
topology: tpu7x:2x2x1
jax: 0.10.2.dev20260603
libtpu: 0.0.44.dev20260713+nightly
codegen_flags: <defaults>
</compile_context>

<pallas_src>
import functools

import jax
import jax.numpy as jnp
from jax import lax
from jax.experimental import pallas as pl
from jax.experimental.pallas import tpu as pltpu
from jax.experimental.pallas import tpu_sc as plsc

N = 10000
E = 320000
D = 128
H = 128
C = 10
ALPHA = 0.1

NC = 2
NS = 16
NW = NC * NS
LANE = 16

EPW = E // NW
TCH = E // 128
CPW = 80
SST = 16
NSTG = CPW // SST
PADROWS = CPW * NW
NPAD = 10240
RPT = NPAD // NS

B = 1024
G = -(-N // B)

_mesh = plsc.VectorSubcoreMesh(
    core_axis_name="c", subcore_axis_name="s", num_cores=NC, num_subcores=NS)


@functools.partial(
    pl.kernel,
    out_type=(jax.ShapeDtypeStruct((NW * N,), jnp.float32),
              jax.ShapeDtypeStruct((NW * N,), jnp.float32)),
    mesh=_mesh,
    compiler_params=pltpu.CompilerParams(needs_layout_passes=False),
    scratch_types=[
        pltpu.VMEM((EPW,), jnp.int32),
        pltpu.VMEM((EPW,), jnp.int32),
        pltpu.VMEM((N,), jnp.float32),
        pltpu.VMEM((N,), jnp.float32),
    ],
)
def _deg_kernel(src_hbm, dst_hbm, do_hbm, di_hbm, sidx, didx, dout, din):
    cid = lax.axis_index("c")
    sid = lax.axis_index("s")
    wid = cid * NS + sid
    base = wid * EPW
    pltpu.sync_copy(src_hbm.at[pl.ds(base, EPW)], sidx)
    pltpu.sync_copy(dst_hbm.at[pl.ds(base, EPW)], didx)

    zeros = jnp.zeros((LANE,), jnp.float32)

    def zero_body(i, carry):
        dout[pl.ds(i * LANE, LANE)] = zeros
        din[pl.ds(i * LANE, LANE)] = zeros
        return carry

    lax.fori_loop(0, N // LANE, zero_body, 0)

    ones = jnp.ones((LANE,), jnp.float32)

    def body(k, carry):
        si = sidx[pl.ds(k * LANE, LANE)]
        plsc.addupdate_scatter(dout, [si], ones)
        di = didx[pl.ds(k * LANE, LANE)]
        plsc.addupdate_scatter(din, [di], ones)
        return carry

    lax.fori_loop(0, EPW // LANE, body, 0)

    pltpu.sync_copy(dout, do_hbm.at[pl.ds(wid * N, N)])
    pltpu.sync_copy(din, di_hbm.at[pl.ds(wid * N, N)])


@functools.partial(
    pl.kernel,
    out_type=jax.ShapeDtypeStruct((NC, NPAD, H), jnp.float32),
    mesh=_mesh,
    compiler_params=pltpu.CompilerParams(needs_layout_passes=False),
    scratch_types=[
        pltpu.VMEM_SHARED((NPAD, H), jnp.float32),
        pltpu.VMEM((SST, 128), jnp.int32),
        pltpu.VMEM((SST, 128), jnp.int32),
        pltpu.VMEM((2, 128, H), jnp.float32),
        pltpu.SemaphoreType.DMA((2,)),
    ],
)
def _agg_kernel(y_hbm, src_hbm, dst_hbm, zer_hbm, out_hbm,
                acc, srows, drows, rbuf, sem):
    cid = lax.axis_index("c")
    sid = lax.axis_index("s")
    wid = cid * NS + sid
    n_w = jnp.clip(TCH - wid * CPW, 0, CPW)

    pltpu.sync_copy(zer_hbm, acc.at[pl.ds(sid * RPT, RPT)])
    plsc.subcore_barrier()

    def stage(t, carry):
        row0 = wid * CPW + t * SST
        pltpu.sync_copy(src_hbm.at[pl.ds(row0, SST)], srows)
        pltpu.sync_copy(dst_hbm.at[pl.ds(row0, SST)], drows)
        n_t = jnp.clip(n_w - t * SST, 0, SST)

        @pl.when(n_t > 0)
        def _():
            pltpu.async_copy(y_hbm.at[srows.at[0]], rbuf.at[0], sem.at[0])

        def body(j, c2):
            p = lax.rem(j, 2)
            q = lax.rem(j + 1, 2)

            @pl.when(j + 1 < n_t)
            def _():
                pltpu.async_copy(y_hbm.at[srows.at[j + 1]], rbuf.at[q],
                                 sem.at[q])

            pltpu.make_async_copy(y_hbm.at[srows.at[j]], rbuf.at[p],
                                  sem.at[p]).wait()
            pltpu.sync_copy(rbuf.at[p], acc.at[drows.at[j]], add=True)
            return c2

        lax.fori_loop(0, n_t, body, 0)
        return carry

    lax.fori_loop(0, NSTG, stage, 0)
    plsc.subcore_barrier()
    pltpu.sync_copy(acc.at[pl.ds(sid * RPT, RPT)],
                    out_hbm.at[cid, pl.ds(sid * RPT, RPT)])


@functools.partial(
    pl.kernel,
    out_type=(jax.ShapeDtypeStruct((PADROWS * 128,), jnp.float32),
              jax.ShapeDtypeStruct((NW * N,), jnp.float32)),
    mesh=_mesh,
    compiler_params=pltpu.CompilerParams(needs_layout_passes=False),
    scratch_types=[
        pltpu.VMEM((EPW,), jnp.int32),
        pltpu.VMEM((EPW,), jnp.int32),
        pltpu.VMEM((EPW,), jnp.float32),
        pltpu.VMEM((N,), jnp.float32),
        pltpu.VMEM((N,), jnp.float32),
        pltpu.VMEM((N,), jnp.float32),
    ],
)
def _z_kernel(es_hbm, ed_hbm, src_hbm, dst_hbm, z_hbm, den_hbm,
              sidx, didx, zbuf, esv, edv, denv):
    cid = lax.axis_index("c")
    sid = lax.axis_index("s")
    wid = cid * NS + sid
    base = wid * EPW
    pltpu.sync_copy(src_hbm.at[pl.ds(base, EPW)], sidx)
    pltpu.sync_copy(dst_hbm.at[pl.ds(base, EPW)], didx)
    pltpu.sync_copy(es_hbm, esv)
    pltpu.sync_copy(ed_hbm, edv)

    zeros = jnp.zeros((LANE,), jnp.float32)
    neg = jnp.full((LANE,), -3.0e38, jnp.float32)

    def mx(i, carry):
        a, b = carry
        denv[pl.ds(i * LANE, LANE)] = zeros
        return (jnp.maximum(a, esv[pl.ds(i * LANE, LANE)]),
                jnp.maximum(b, edv[pl.ds(i * LANE, LANE)]))

    am, bm = lax.fori_loop(0, N // LANE, mx, (neg, neg))
    s_max = jnp.max(am) + jnp.max(bm)
    g_bound = jnp.maximum(s_max, ALPHA * s_max)

    def body(k, carry):
        sl = pl.ds(k * LANE, LANE)
        si = sidx[sl]
        di = didx[sl]
        s = plsc.load_gather(esv, [si]) + plsc.load_gather(edv, [di])
        e = jnp.maximum(s, ALPHA * s)
        z = jnp.exp(e - g_bound)
        zbuf[sl] = z
        plsc.addupdate_scatter(denv, [di], z)
        return carry

    lax.fori_loop(0, EPW // LANE, body, 0)

    pltpu.sync_copy(zbuf, z_hbm.at[pl.ds(base, EPW)])
    pltpu.sync_copy(denv, den_hbm.at[pl.ds(wid * N, N)])


@functools.partial(
    pl.kernel,
    out_type=jax.ShapeDtypeStruct((NC, NPAD, H), jnp.float32),
    mesh=_mesh,
    compiler_params=pltpu.CompilerParams(needs_layout_passes=False),
    scratch_types=[
        pltpu.VMEM_SHARED((NPAD, H), jnp.float32),
        pltpu.VMEM((SST, 128), jnp.int32),
        pltpu.VMEM((SST, 128), jnp.int32),
        pltpu.VMEM((SST, 128), jnp.float32),
        pltpu.VMEM((2, 128, H), jnp.float32),
        pltpu.SemaphoreType.DMA((2,)),
    ],
)
def _wagg_kernel(wh_hbm, src_hbm, dst_hbm, z_hbm, zer_hbm, out_hbm,
                 acc, srows, drows, zrows, rbuf, sem):
    cid = lax.axis_index("c")
    sid = lax.axis_index("s")
    wid = cid * NS + sid
    n_w = jnp.clip(TCH - wid * CPW, 0, CPW)

    pltpu.sync_copy(zer_hbm, acc.at[pl.ds(sid * RPT, RPT)])
    plsc.subcore_barrier()

    def stage(t, carry):
        row0 = wid * CPW + t * SST
        pltpu.sync_copy(src_hbm.at[pl.ds(row0, SST)], srows)
        pltpu.sync_copy(dst_hbm.at[pl.ds(row0, SST)], drows)
        pltpu.sync_copy(z_hbm.at[pl.ds(row0, SST)], zrows)
        n_t = jnp.clip(n_w - t * SST, 0, SST)

        @pl.when(n_t > 0)
        def _():
            pltpu.async_copy(wh_hbm.at[srows.at[0]], rbuf.at[0], sem.at[0])

        def body(j, c2):
            p = lax.rem(j, 2)
            q = lax.rem(j + 1, 2)

            @pl.when(j + 1 < n_t)
            def _():
                pltpu.async_copy(wh_hbm.at[srows.at[j + 1]], rbuf.at[q],
                                 sem.at[q])

            pltpu.make_async_copy(wh_hbm.at[srows.at[j]], rbuf.at[p],
                                  sem.at[p]).wait()
            jv = jnp.full((LANE,), j, jnp.int32)

            def scale(r8, c3):
                for rr in range(8):
                    r = r8 * 8 + rr
                    zr = plsc.load_gather(
                        zrows, [jv, jnp.full((LANE,), r, jnp.int32)])
                    for cc in range(H // LANE):
                        cs = pl.ds(cc * LANE, LANE)
                        rbuf[p, r, cs] = rbuf[p, r, cs] * zr
                return c3

            lax.fori_loop(0, 16, scale, 0)
            pltpu.sync_copy(rbuf.at[p], acc.at[drows.at[j]], add=True)
            return c2

        lax.fori_loop(0, n_t, body, 0)
        return carry

    lax.fori_loop(0, NSTG, stage, 0)
    plsc.subcore_barrier()
    pltpu.sync_copy(acc.at[pl.ds(sid * RPT, RPT)],
                    out_hbm.at[cid, pl.ds(sid * RPT, RPT)])


def _gcn1_tc(x_ref, degp_ref, w1_ref, y_ref):
    deg = jnp.sum(degp_ref[...], axis=0)
    scale = lax.rsqrt(jnp.maximum(deg, 1.0))
    xs = x_ref[...] * scale[:, None]
    y_ref[...] = jnp.dot(xs, w1_ref[...], preferred_element_type=jnp.float32)


def _gat_tc(aggp_ref, degp_ref, w2_ref, as_ref, ad_ref,
            wh_ref, es_ref, ed_ref):
    agg = aggp_ref[0] + aggp_ref[1]
    deg = jnp.sum(degp_ref[...], axis=0)
    h = jnp.maximum(agg * lax.rsqrt(jnp.maximum(deg, 1.0))[:, None], 0.0)
    wh = jnp.dot(h, w2_ref[...], preferred_element_type=jnp.float32)
    wh_ref[...] = wh
    es_ref[...] = jnp.broadcast_to(jnp.dot(wh, as_ref[...])[None, None, :],
                                   (1, 8, B))
    ed_ref[...] = jnp.broadcast_to(jnp.dot(wh, ad_ref[...])[None, None, :],
                                   (1, 8, B))


def _head_tc(h2p_ref, denp_ref, wp_ref, bp_ref, out_ref):
    h2 = h2p_ref[0] + h2p_ref[1]
    den = jnp.sum(denp_ref[...], axis=0)
    h2 = h2 * (1.0 / (den + 1e-16))[:, None]
    h2 = jnp.where(h2 > 0.0, h2, jnp.exp(h2) - 1.0)
    out_ref[...] = (jnp.dot(h2, wp_ref[...], preferred_element_type=jnp.float32)
                    + bp_ref[...][None, :])


def kernel(x, edge_index, W1, W2, a_src, a_dst, Wp, bp):
    src = edge_index[0]
    dst = edge_index[1]
    src2d = jnp.pad(src.reshape(TCH, 128), ((0, PADROWS - TCH), (0, 0)))
    dst2d = jnp.pad(dst.reshape(TCH, 128), ((0, PADROWS - TCH), (0, 0)))
    zer = jnp.zeros((RPT, H), jnp.float32)

    dof, dif = _deg_kernel(src, dst)
    dop = dof.reshape(NW, N)
    dip = dif.reshape(NW, N)

    y = pl.pallas_call(
        _gcn1_tc,
        grid=(G,),
        in_specs=[
            pl.BlockSpec((B, D), lambda g: (g, 0)),
            pl.BlockSpec((NW, B), lambda g: (0, g)),
            pl.BlockSpec((D, H), lambda g: (0, 0)),
        ],
        out_specs=pl.BlockSpec((B, H), lambda g: (g, 0)),
        out_shape=jax.ShapeDtypeStruct((N, H), jnp.float32),
    )(x, dop, W1)

    aggp = _agg_kernel(y, src2d, dst2d, zer)

    wh, es2, ed2 = pl.pallas_call(
        _gat_tc,
        grid=(G,),
        in_specs=[
            pl.BlockSpec((NC, B, H), lambda g: (0, g, 0)),
            pl.BlockSpec((NW, B), lambda g: (0, g)),
            pl.BlockSpec((H, H), lambda g: (0, 0)),
            pl.BlockSpec((H,), lambda g: (0,)),
            pl.BlockSpec((H,), lambda g: (0,)),
        ],
        out_specs=[
            pl.BlockSpec((B, H), lambda g: (g, 0)),
            pl.BlockSpec((1, 8, B), lambda g: (g, 0, 0)),
            pl.BlockSpec((1, 8, B), lambda g: (g, 0, 0)),
        ],
        out_shape=[
            jax.ShapeDtypeStruct((N, H), jnp.float32),
            jax.ShapeDtypeStruct((G, 8, B), jnp.float32),
            jax.ShapeDtypeStruct((G, 8, B), jnp.float32),
        ],
    )(aggp, dip, W2, a_src, a_dst)

    es = es2[:, 0, :].reshape(G * B)[:N]
    ed = ed2[:, 0, :].reshape(G * B)[:N]

    zf, denf = _z_kernel(es, ed, src, dst)
    denp = denf.reshape(NW, N)
    z2d = zf.reshape(PADROWS, 128)

    h2p = _wagg_kernel(wh, src2d, dst2d, z2d, zer)

    logits = pl.pallas_call(
        _head_tc,
        grid=(G,),
        in_specs=[
            pl.BlockSpec((NC, B, H), lambda g: (0, g, 0)),
            pl.BlockSpec((NW, B), lambda g: (0, g)),
            pl.BlockSpec((H, C), lambda g: (0, 0)),
            pl.BlockSpec((C,), lambda g: (0,)),
        ],
        out_specs=pl.BlockSpec((B, C), lambda g: (g, 0)),
        out_shape=jax.ShapeDtypeStruct((N, C), jnp.float32),
    )(h2p, denp, Wp, bp)

    return logits

# --- scband reference (transcript-rebuilt; emitter-appended) ---
"""Pipeline reference for scband-graph-eshgat-30709016167022 (READ-ONLY COPY).

The authoritative reference and input builder live on the scoring server;
editing this copy changes nothing except your own understanding.
"""

import jax, jax.numpy as jnp
import numpy as np

N = 10000
E = 320000
D = 128   # w_embedding_dim
H = 128   # hid_dim
C = 10    # class_size
ALPHA = 0.1  # leaky-relu slope of HyperGraphAttentionLayerSparse


def setup_inputs(seed: int = 0) -> dict:
    key = jax.random.key(seed)
    ks = jax.random.split(key, 8)
    x = jax.random.normal(ks[0], (N, D), dtype=jnp.float32)
    edge_index = jax.random.randint(ks[1], (2, E), 0, N, dtype=jnp.int32)
    s = 1.0 / np.sqrt(H)
    W1 = jax.random.normal(ks[2], (D, H), dtype=jnp.float32) * s
    W2 = jax.random.normal(ks[3], (H, H), dtype=jnp.float32) * s
    a_src = jax.random.normal(ks[4], (H,), dtype=jnp.float32) * s
    a_dst = jax.random.normal(ks[5], (H,), dtype=jnp.float32) * s
    Wp = jax.random.normal(ks[6], (H, C), dtype=jnp.float32) * s
    bp = jnp.zeros((C,), dtype=jnp.float32)
    return {"x": x, "edge_index": edge_index, "W1": W1, "W2": W2,
            "a_src": a_src, "a_dst": a_dst, "Wp": Wp, "bp": bp}


def reference(x, edge_index, W1, W2, a_src, a_dst, Wp, bp):
    src = edge_index[0]
    dst = edge_index[1]

    # ---- layer 0: GraphConvolution (GCN with symmetric degree norm) ----
    ones_e = jnp.ones((E,), dtype=jnp.float32)
    deg_in = jax.ops.segment_sum(ones_e, dst, num_segments=N)
    deg_out = jax.ops.segment_sum(ones_e, src, num_segments=N)
    norm = 1.0 / jnp.sqrt(jnp.clip(deg_out, 1.0)[src] * jnp.clip(deg_in, 1.0)[dst])
    agg = jnp.zeros((N, D), dtype=x.dtype).at[dst].add(x[src] * norm[:, None])
    h = jax.nn.relu(agg @ W1)

    # ---- layer 1: HyperGraphAttentionLayerSparse (GAT-style sparse attention) ----
    Wh = h @ W2
    es = Wh @ a_src
    ed = Wh @ a_dst
    e = jax.nn.leaky_relu(es[src] + ed[dst], negative_slope=ALPHA)
    m = jax.ops.segment_max(e, dst, num_segments=N)
    m = jnp.where(jnp.isfinite(m), m, 0.0)
    z = jnp.exp(e - m[dst])
    denom = jax.ops.segment_sum(z, dst, num_segments=N)
    att = z / (denom[dst] + 1e-16)
    h2 = jnp.zeros((N, H), dtype=x.dtype).at[dst].add(att[:, None] * Wh[src])
    h2 = jax.nn.elu(h2)

    # ---- prediction head ----
    logits = h2 @ Wp + bp
    return logits

if __name__ == "__main__":
    import jax
    _d = setup_inputs()
    print(jax.jit(kernel)(*tuple(_d.values())))

</pallas_src>

<mosaic_0001>
#map = affine_map<(d0, d1) -> (0, 0)>
#map1 = affine_map<(d0, d1) -> (0, 0, 0)>
module attributes {stable_mosaic.version = 14 : i64} {
  func.func @_agg_kernel(%arg0: i32, %arg1: i32, %arg2: memref<10000x128xf32, #tpu.memory_space<hbm>>, %arg3: memref<2560x128xi32, #tpu.memory_space<hbm>>, %arg4: memref<2560x128xi32, #tpu.memory_space<hbm>>, %arg5: memref<640x128xf32, #tpu.memory_space<hbm>>, %arg6: memref<2x10240x128xf32, #tpu.memory_space<hbm>>, %arg7: memref<10240x128xf32, #tpu.memory_space<vmem_shared>>, %arg8: memref<16x128xi32, #tpu.memory_space<vmem>>, %arg9: memref<16x128xi32, #tpu.memory_space<vmem>>, %arg10: memref<2x128x128xf32, #tpu.memory_space<vmem>>, %arg11: memref<2x!tpu.dma_semaphore, #tpu.memory_space<semaphore_mem>>) attributes {dimension_semantics = [#tpu.dimension_semantics<core_parallel>, #tpu.dimension_semantics<subcore_parallel>], iteration_bounds = array<i64: 2, 16>, scalar_prefetch = 0 : i64, scratch_operands = 5 : i64, tpu.core_type = #tpu.core_type<sc_vector_subcore>, window_params = [{transform_indices = #map}, {transform_indices = #map}, {transform_indices = #map}, {transform_indices = #map}, {transform_indices = #map1}]} {
    %mul3A = arith.constant 16 : i32
    %mul3A_0 = arith.muli %arg0, %mul3A : i32
    %add3A = arith.addi %mul3A_0, %arg1 : i32
    %mul3A_1 = arith.constant 80 : i32
    %mul3A_2 = arith.muli %add3A, %mul3A_1 : i32
    %sub3A = arith.constant 2500 : i32
    %sub3A_3 = arith.subi %sub3A, %mul3A_2 : i32
    %jit3A = arith.constant 0 : i32
    %jit3A_4 = arith.constant 80 : i32
    %max3A = arith.maxsi %jit3A, %sub3A_3 : i32
    %min3A = arith.minsi %jit3A_4, %max3A : i32
    %mul3A_5 = arith.constant 640 : i32
    %mul3A_6 = arith.muli %arg1, %mul3A_5 : i32
    "tpu.region"() ({
      %run_scoped3A = tpu.sem_alloc : memref<!tpu.dma_semaphore, #tpu.memory_space<semaphore_mem>>
      %dma_start3A = arith.constant 0 : i32
      %dma_start3A_17 = tpu.memref_slice %arg7[%mul3A_6, %dma_start3A] : memref<10240x128xf32, #tpu.memory_space<vmem_shared>> -> memref<640x128xf32, #tpu.memory_space<vmem_shared>>
      tpu.enqueue_dma source(%arg5 : memref<640x128xf32, #tpu.memory_space<hbm>>) target(%dma_start3A_17 : memref<640x128xf32, #tpu.memory_space<vmem_shared>>) target_semaphore(%run_scoped3A : memref<!tpu.dma_semaphore, #tpu.memory_space<semaphore_mem>>)
      %dma_wait3A = arith.constant 0 : i32
      %dma_wait3A_18 = tpu.memref_slice %arg7[%mul3A_6, %dma_wait3A] : memref<10240x128xf32, #tpu.memory_space<vmem_shared>> -> memref<640x128xf32, #tpu.memory_space<vmem_shared>>
      tpu.wait_dma2 semaphore(%run_scoped3A : memref<!tpu.dma_semaphore, #tpu.memory_space<semaphore_mem>>) src(%arg5 : memref<640x128xf32, #tpu.memory_space<hbm>>) dst(%dma_wait3A_18 : memref<640x128xf32, #tpu.memory_space<vmem_shared>>)
      tpu.yield
    }) : () -> ()
    %barrier3A = arith.constant 0 : index
    tpu.barrier barrier_id(%barrier3A)
    %scan3A = arith.constant 0 : i32
    %scan3A_7 = arith.constant 0 : i32
    %scan3A_8 = arith.constant 5 : i32
    %scan3A_9 = arith.addi %scan3A_7, %scan3A_8 : i32
    %scan3A_10 = arith.constant 1 : i32
    scf.for %scan3A_17 = %scan3A_7 to %scan3A_9 step %scan3A_10  : i32 {
      %mul3A_18 = arith.constant 80 : i32
      %mul3A_19 = arith.muli %add3A, %mul3A_18 : i32
      %mul3A_20 = arith.constant 16 : i32
      %mul3A_21 = arith.muli %scan3A_17, %mul3A_20 : i32
      %add3A_22 = arith.addi %mul3A_19, %mul3A_21 : i32
      "tpu.region"() ({
        %run_scoped3A = tpu.sem_alloc : memref<!tpu.dma_semaphore, #tpu.memory_space<semaphore_mem>>
        %dma_start3A = arith.constant 0 : i32
        %dma_start3A_41 = tpu.memref_slice %arg3[%add3A_22, %dma_start3A] : memref<2560x128xi32, #tpu.memory_space<hbm>> -> memref<16x128xi32, #tpu.memory_space<hbm>>
        %dma_start3A_42 = arith.constant 0 : i32
        %dma_start3A_43 = tpu.memref_slice %arg3[%add3A_22, %dma_start3A_42] : memref<2560x128xi32, #tpu.memory_space<hbm>> -> memref<16x128xi32, #tpu.memory_space<hbm>>
        tpu.enqueue_dma source(%dma_start3A_43 : memref<16x128xi32, #tpu.memory_space<hbm>>) target(%arg8 : memref<16x128xi32, #tpu.memory_space<vmem>>) target_semaphore(%run_scoped3A : memref<!tpu.dma_semaphore, #tpu.memory_space<semaphore_mem>>)
        %dma_wait3A = arith.constant 0 : i32
        %dma_wait3A_44 = tpu.memref_slice %arg3[%add3A_22, %dma_wait3A] : memref<2560x128xi32, #tpu.memory_space<hbm>> -> memref<16x128xi32, #tpu.memory_space<hbm>>
        %dma_wait3A_45 = arith.constant 0 : i32
        %dma_wait3A_46 = tpu.memref_slice %arg3[%add3A_22, %dma_wait3A_45] : memref<2560x128xi32, #tpu.memory_space<hbm>> -> memref<16x128xi32, #tpu.memory_space<hbm>>
        tpu.wait_dma2 semaphore(%run_scoped3A : memref<!tpu.dma_semaphore, #tpu.memory_space<semaphore_mem>>) src(%dma_wait3A_46 : memref<16x128xi32, #tpu.memory_space<hbm>>) dst(%arg8 : memref<16x128xi32, #tpu.memory_space<vmem>>)
        tpu.yield
      }) : () -> ()
      "tpu.region"() ({
        %run_scoped3A = tpu.sem_alloc : memref<!tpu.dma_semaphore, #tpu.memory_space<semaphore_mem>>
        %dma_start3A = arith.constant 0 : i32
        %dma_start3A_41 = tpu.memref_slice %arg4[%add3A_22, %dma_start3A] : memref<2560x128xi32, #tpu.memory_space<hbm>> -> memref<16x128xi32, #tpu.memory_space<hbm>>
        %dma_start3A_42 = arith.constant 0 : i32
        %dma_start3A_43 = tpu.memref_slice %arg4[%add3A_22, %dma_start3A_42] : memref<2560x128xi32, #tpu.memory_space<hbm>> -> memref<16x128xi32, #tpu.memory_space<hbm>>
        tpu.enqueue_dma source(%dma_start3A_43 : memref<16x128xi32, #tpu.memory_space<hbm>>) target(%arg9 : memref<16x128xi32, #tpu.memory_space<vmem>>) target_semaphore(%run_scoped3A : memref<!tpu.dma_semaphore, #tpu.memory_space<semaphore_mem>>)
        %dma_wait3A = arith.constant 0 : i32
        %dma_wait3A_44 = tpu.memref_slice %arg4[%add3A_22, %dma_wait3A] : memref<2560x128xi32, #tpu.memory_space<hbm>> -> memref<16x128xi32, #tpu.memory_space<hbm>>
        %dma_wait3A_45 = arith.constant 0 : i32
        %dma_wait3A_46 = tpu.memref_slice %arg4[%add3A_22, %dma_wait3A_45] : memref<2560x128xi32, #tpu.memory_space<hbm>> -> memref<16x128xi32, #tpu.memory_space<hbm>>
        tpu.wait_dma2 semaphore(%run_scoped3A : memref<!tpu.dma_semaphore, #tpu.memory_space<semaphore_mem>>) src(%dma_wait3A_46 : memref<16x128xi32, #tpu.memory_space<hbm>>) dst(%arg9 : memref<16x128xi32, #tpu.memory_space<vmem>>)
        tpu.yield
      }) : () -> ()
      %mul3A_23 = arith.constant 16 : i32
      %mul3A_24 = arith.muli %scan3A_17, %mul3A_23 : i32
      %sub3A_25 = arith.subi %min3A, %mul3A_24 : i32
      %jit3A_26 = arith.constant 0 : i32
      %jit3A_27 = arith.constant 16 : i32
      %max3A_28 = arith.maxsi %jit3A_26, %sub3A_25 : i32
      %min3A_29 = arith.minsi %jit3A_27, %max3A_28 : i32
      %gt3A = arith.constant 0 : i32
      %gt3A_30 = arith.cmpi sgt, %min3A_29, %gt3A : i32
      %convert_element_type3A = arith.extui %gt3A_30 : i1 to i32
      %cond3A = arith.constant 0 : i32
      %cond3A_31 = arith.cmpi ne, %convert_element_type3A, %cond3A : i32
      scf.if %cond3A_31 {
        %dma_start3A = arith.constant 0 : i32
        %dma_start3A_41 = arith.constant 0 : i32
        %dma_start3A_42 = arith.constant 0 : i32
        %dma_start3A_43 = arith.constant 0 : i32
        %dma_start3A_44 = arith.constant 0 : i32
        %dma_start3A_45 = tpu.memref_slice %arg10[%dma_start3A_41, %dma_start3A_43, %dma_start3A_44] : memref<2x128x128xf32, #tpu.memory_space<vmem>> -> memref<1x128x128xf32, #tpu.memory_space<vmem>>
        %dma_start3A_46 = tpu.memref_squeeze %dma_start3A_45 : memref<1x128x128xf32, #tpu.memory_space<vmem>> -> memref<128x128xf32, #tpu.memory_space<vmem>>
        %dma_start3A_47 = arith.constant 0 : i32
        %dma_start3A_48 = tpu.memref_slice %arg8[%dma_start3A, %dma_start3A_47] : memref<16x128xi32, #tpu.memory_space<vmem>> -> memref<1x128xi32, #tpu.memory_space<vmem>>
        %dma_start3A_49 = tpu.memref_squeeze %dma_start3A_48 : memref<1x128xi32, #tpu.memory_space<vmem>> -> memref<128xi32, #tpu.memory_space<vmem>>
        %dma_start3A_50 = arith.constant 0 : i32
        %dma_start3A_51 = arith.constant 0 : i32
        %dma_start3A_52 = tpu.memref_slice %arg2[%dma_start3A_50, %dma_start3A_51] : memref<10000x128xf32, #tpu.memory_space<hbm>> -> memref<10000x128xf32, #tpu.memory_space<hbm>>
        %dma_start3A_53 = tpu.memref_slice %arg11[%dma_start3A_42] : memref<2x!tpu.dma_semaphore, #tpu.memory_space<semaphore_mem>> -> memref<1x!tpu.dma_semaphore, #tpu.memory_space<semaphore_mem>>
        %dma_start3A_54 = tpu.memref_squeeze %dma_start3A_53 : memref<1x!tpu.dma_semaphore, #tpu.memory_space<semaphore_mem>> -> memref<!tpu.dma_semaphore, #tpu.memory_space<semaphore_mem>>
        tpu.enqueue_indirect_dma source(%dma_start3A_52 : memref<10000x128xf32, #tpu.memory_space<hbm>>) target(%dma_start3A_46 : memref<128x128xf32, #tpu.memory_space<vmem>>) offsets(%dma_start3A_49 : memref<128xi32, #tpu.memory_space<vmem>>) semaphore(%dma_start3A_54 : memref<!tpu.dma_semaphore, #tpu.memory_space<semaphore_mem>>)
      } else {
      }
      %while3A = arith.constant 0 : i32
      %while3A_32 = arith.constant 0 : i32
      %while3A_33 = arith.subi %min3A_29, %while3A_32 : i32
      %while3A_34 = arith.addi %while3A_32, %while3A_33 : i32
      %while3A_35 = arith.constant 1 : i32
      %while3A_36 = arith.divsi %while3A_33, %while3A_35 : i32
      %while3A_37 = arith.muli %while3A_36, %while3A_35 : i32
      %while3A_38 = arith.addi %while3A_32, %while3A_37 : i32
      %while3A_39 = arith.constant 1 : i32
      scf.for %while3A_41 = %while3A_32 to %while3A_38 step %while3A_39  : i32 {
        %rem3A = arith.constant 2 : i32
        %rem3A_42 = arith.remsi %while3A_41, %rem3A : i32
        %add3A_43 = arith.constant 1 : i32
        %add3A_44 = arith.addi %while3A_41, %add3A_43 : i32
        %rem3A_45 = arith.constant 2 : i32
        %rem3A_46 = arith.remsi %add3A_44, %rem3A_45 : i32
        %add3A_47 = arith.constant 1 : i32
        %add3A_48 = arith.addi %while3A_41, %add3A_47 : i32
        %lt3A = arith.cmpi slt, %add3A_48, %min3A_29 : i32
        %convert_element_type3A_49 = arith.extui %lt3A : i1 to i32
        %cond3A_50 = arith.constant 0 : i32
        %cond3A_51 = arith.cmpi ne, %convert_element_type3A_49, %cond3A_50 : i32
        scf.if %cond3A_51 {
          %add3A_63 = arith.constant 1 : i32
          %add3A_64 = arith.addi %while3A_41, %add3A_63 : i32
          %dma_start3A = arith.constant 0 : i32
          %dma_start3A_65 = arith.constant 0 : i32
          %dma_start3A_66 = tpu.memref_slice %arg10[%rem3A_46, %dma_start3A, %dma_start3A_65] : memref<2x128x128xf32, #tpu.memory_space<vmem>> -> memref<1x128x128xf32, #tpu.memory_space<vmem>>
          %dma_start3A_67 = tpu.memref_squeeze %dma_start3A_66 : memref<1x128x128xf32, #tpu.memory_space<vmem>> -> memref<128x128xf32, #tpu.memory_space<vmem>>
          %dma_start3A_68 = arith.constant 0 : i32
          %dma_start3A_69 = tpu.memref_slice %arg8[%add3A_64, %dma_start3A_68] : memref<16x128xi32, #tpu.memory_space<vmem>> -> memref<1x128xi32, #tpu.memory_space<vmem>>
          %dma_start3A_70 = tpu.memref_squeeze %dma_start3A_69 : memref<1x128xi32, #tpu.memory_space<vmem>> -> memref<128xi32, #tpu.memory_space<vmem>>
          %dma_start3A_71 = arith.constant 0 : i32
          %dma_start3A_72 = arith.constant 0 : i32
          %dma_start3A_73 = tpu.memref_slice %arg2[%dma_start3A_71, %dma_start3A_72] : memref<10000x128xf32, #tpu.memory_space<hbm>> -> memref<10000x128xf32, #tpu.memory_space<hbm>>
          %dma_start3A_74 = tpu.memref_slice %arg11[%rem3A_46] : memref<2x!tpu.dma_semaphore, #tpu.memory_space<semaphore_mem>> -> memref<1x!tpu.dma_semaphore, #tpu.memory_space<semaphore_mem>>
          %dma_start3A_75 = tpu.memref_squeeze %dma_start3A_74 : memref<1x!tpu.dma_semaphore, #tpu.memory_space<semaphore_mem>> -> memref<!tpu.dma_semaphore, #tpu.memory_space<semaphore_mem>>
          tpu.enqueue_indirect_dma source(%dma_start3A_73 : memref<10000x128xf32, #tpu.memory_space<hbm>>) target(%dma_start3A_67 : memref<128x128xf32, #tpu.memory_space<vmem>>) offsets(%dma_start3A_70 : memref<128xi32, #tpu.memory_space<vmem>>) semaphore(%dma_start3A_75 : memref<!tpu.dma_semaphore, #tpu.memory_space<semaphore_mem>>)
        } else {
        }
        %dma_wait3A = arith.constant 0 : i32
        %dma_wait3A_52 = arith.constant 0 : i32
        %dma_wait3A_53 = tpu.memref_slice %arg10[%rem3A_42, %dma_wait3A, %dma_wait3A_52] : memref<2x128x128xf32, #tpu.memory_space<vmem>> -> memref<1x128x128xf32, #tpu.memory_space<vmem>>
        %dma_wait3A_54 = tpu.memref_squeeze %dma_wait3A_53 : memref<1x128x128xf32, #tpu.memory_space<vmem>> -> memref<128x128xf32, #tpu.memory_space<vmem>>
        %dma_wait3A_55 = arith.constant 0 : i32
        %dma_wait3A_56 = tpu.memref_slice %arg8[%while3A_41, %dma_wait3A_55] : memref<16x128xi32, #tpu.memory_space<vmem>> -> memref<1x128xi32, #tpu.memory_space<vmem>>
        %dma_wait3A_57 = tpu.memref_squeeze %dma_wait3A_56 : memref<1x128xi32, #tpu.memory_space<vmem>> -> memref<128xi32, #tpu.memory_space<vmem>>
        %dma_wait3A_58 = arith.constant 0 : i32
        %dma_wait3A_59 = arith.constant 0 : i32
        %dma_wait3A_60 = tpu.memref_slice %arg2[%dma_wait3A_58, %dma_wait3A_59] : memref<10000x128xf32, #tpu.memory_space<hbm>> -> memref<10000x128xf32, #tpu.memory_space<hbm>>
        %dma_wait3A_61 = tpu.memref_slice %arg11[%rem3A_42] : memref<2x!tpu.dma_semaphore, #tpu.memory_space<semaphore_mem>> -> memref<1x!tpu.dma_semaphore, #tpu.memory_space<semaphore_mem>>
        %dma_wait3A_62 = tpu.memref_squeeze %dma_wait3A_61 : memref<1x!tpu.dma_semaphore, #tpu.memory_space<semaphore_mem>> -> memref<!tpu.dma_semaphore, #tpu.memory_space<semaphore_mem>>
        tpu.wait_indirect_dma semaphore(%dma_wait3A_62 : memref<!tpu.dma_semaphore, #tpu.memory_space<semaphore_mem>>) src(%dma_wait3A_60 : memref<10000x128xf32, #tpu.memory_space<hbm>>) dst(%dma_wait3A_54 : memref<128x128xf32, #tpu.memory_space<vmem>>)
        "tpu.region"() ({
          %run_scoped3A = tpu.sem_alloc : memref<!tpu.dma_semaphore, #tpu.memory_space<semaphore_mem>>
          %dma_start3A = arith.constant 0 : i32
          %dma_start3A_63 = arith.constant 0 : i32
          %dma_start3A_64 = tpu.memref_slice %arg10[%rem3A_42, %dma_start3A, %dma_start3A_63] : memref<2x128x128xf32, #tpu.memory_space<vmem>> -> memref<1x128x128xf32, #tpu.memory_space<vmem>>
          %dma_start3A_65 = tpu.memref_squeeze %dma_start3A_64 : memref<1x128x128xf32, #tpu.memory_space<vmem>> -> memref<128x128xf32, #tpu.memory_space<vmem>>
          %dma_start3A_66 = arith.constant 0 : i32
          %dma_start3A_67 = tpu.memref_slice %arg9[%while3A_41, %dma_start3A_66] : memref<16x128xi32, #tpu.memory_space<vmem>> -> memref<1x128xi32, #tpu.memory_space<vmem>>
          %dma_start3A_68 = tpu.memref_squeeze %dma_start3A_67 : memref<1x128xi32, #tpu.memory_space<vmem>> -> memref<128xi32, #tpu.memory_space<vmem>>
          %dma_start3A_69 = arith.constant 0 : i32
          %dma_start3A_70 = arith.constant 0 : i32
          %dma_start3A_71 = tpu.memref_slice %arg7[%dma_start3A_69, %dma_start3A_70] : memref<10240x128xf32, #tpu.memory_space<vmem_shared>> -> memref<10240x128xf32, #tpu.memory_space<vmem_shared>>
          tpu.enqueue_indirect_dma source(%dma_start3A_65 : memref<128x128xf32, #tpu.memory_space<vmem>>) target(%dma_start3A_71 : memref<10240x128xf32, #tpu.memory_space<vmem_shared>>) offsets(%dma_start3A_68 : memref<128xi32, #tpu.memory_space<vmem>>) semaphore(%run_scoped3A : memref<!tpu.dma_semaphore, #tpu.memory_space<semaphore_mem>>) {add = true}
          %dma_wait3A_72 = arith.constant 0 : i32
          %dma_wait3A_73 = arith.constant 0 : i32
          %dma_wait3A_74 = tpu.memref_slice %arg10[%rem3A_42, %dma_wait3A_72, %dma_wait3A_73] : memref<2x128x128xf32, #tpu.memory_space<vmem>> -> memref<1x128x128xf32, #tpu.memory_space<vmem>>
          %dma_wait3A_75 = tpu.memref_squeeze %dma_wait3A_74 : memref<1x128x128xf32, #tpu.memory_space<vmem>> -> memref<128x128xf32, #tpu.memory_space<vmem>>
          %dma_wait3A_76 = arith.constant 0 : i32
          %dma_wait3A_77 = tpu.memref_slice %arg9[%while3A_41, %dma_wait3A_76] : memref<16x128xi32, #tpu.memory_space<vmem>> -> memref<1x128xi32, #tpu.memory_space<vmem>>
          %dma_wait3A_78 = tpu.memref_squeeze %dma_wait3A_77 : memref<1x128xi32, #tpu.memory_space<vmem>> -> memref<128xi32, #tpu.memory_space<vmem>>
          %dma_wait3A_79 = arith.constant 0 : i32
          %dma_wait3A_80 = arith.constant 0 : i32
          %dma_wait3A_81 = tpu.memref_slice %arg7[%dma_wait3A_79, %dma_wait3A_80] : memref<10240x128xf32, #tpu.memory_space<vmem_shared>> -> memref<10240x128xf32, #tpu.memory_space<vmem_shared>>
          tpu.wait_indirect_dma semaphore(%run_scoped3A : memref<!tpu.dma_semaphore, #tpu.memory_space<semaphore_mem>>) src(%dma_wait3A_75 : memref<128x128xf32, #tpu.memory_space<vmem>>) dst(%dma_wait3A_81 : memref<10240x128xf32, #tpu.memory_space<vmem_shared>>)
          tpu.yield
        }) : () -> ()
      }
      %while3A_40 = arith.constant 1 : i32
      scf.for %while3A_41 = %while3A_38 to %while3A_34 step %while3A_40  : i32 {
        %rem3A = arith.constant 2 : i32
        %rem3A_42 = arith.remsi %while3A_41, %rem3A : i32
        %add3A_43 = arith.constant 1 : i32
        %add3A_44 = arith.addi %while3A_41, %add3A_43 : i32
        %rem3A_45 = arith.constant 2 : i32
        %rem3A_46 = arith.remsi %add3A_44, %rem3A_45 : i32
        %add3A_47 = arith.constant 1 : i32
        %add3A_48 = arith.addi %while3A_41, %add3A_47 : i32
        %lt3A = arith.cmpi slt, %add3A_48, %min3A_29 : i32
        %convert_element_type3A_49 = arith.extui %lt3A : i1 to i32
        %cond3A_50 = arith.constant 0 : i32
        %cond3A_51 = arith.cmpi ne, %convert_element_type3A_49, %cond3A_50 : i32
        scf.if %cond3A_51 {
          %add3A_63 = arith.constant 1 : i32
          %add3A_64 = arith.addi %while3A_41, %add3A_63 : i32
          %dma_start3A = arith.constant 0 : i32
          %dma_start3A_65 = arith.constant 0 : i32
          %dma_start3A_66 = tpu.memref_slice %arg10[%rem3A_46, %dma_start3A, %dma_start3A_65] : memref<2x128x128xf32, #tpu.memory_space<vmem>> -> memref<1x128x128xf32, #tpu.memory_space<vmem>>
          %dma_start3A_67 = tpu.memref_squeeze %dma_start3A_66 : memref<1x128x128xf32, #tpu.memory_space<vmem>> -> memref<128x128xf32, #tpu.memory_space<vmem>>
          %dma_start3A_68 = arith.constant 0 : i32
          %dma_start3A_69 = tpu.memref_slice %arg8[%add3A_64, %dma_start3A_68] : memref<16x128xi32, #tpu.memory_space<vmem>> -> memref<1x128xi32, #tpu.memory_space<vmem>>
          %dma_start3A_70 = tpu.memref_squeeze %dma_start3A_69 : memref<1x128xi32, #tpu.memory_space<vmem>> -> memref<128xi32, #tpu.memory_space<vmem>>
          %dma_start3A_71 = arith.constant 0 : i32
          %dma_start3A_72 = arith.constant 0 : i32
          %dma_start3A_73 = tpu.memref_slice %arg2[%dma_start3A_71, %dma_start3A_72] : memref<10000x128xf32, #tpu.memory_space<hbm>> -> memref<10000x128xf32, #tpu.memory_space<hbm>>
          %dma_start3A_74 = tpu.memref_slice %arg11[%rem3A_46] : memref<2x!tpu.dma_semaphore, #tpu.memory_space<semaphore_mem>> -> memref<1x!tpu.dma_semaphore, #tpu.memory_space<semaphore_mem>>
          %dma_start3A_75 = tpu.memref_squeeze %dma_start3A_74 : memref<1x!tpu.dma_semaphore, #tpu.memory_space<semaphore_mem>> -> memref<!tpu.dma_semaphore, #tpu.memory_space<semaphore_mem>>
          tpu.enqueue_indirect_dma source(%dma_start3A_73 : memref<10000x128xf32, #tpu.memory_space<hbm>>) target(%dma_start3A_67 : memref<128x128xf32, #tpu.memory_space<vmem>>) offsets(%dma_start3A_70 : memref<128xi32, #tpu.memory_space<vmem>>) semaphore(%dma_start3A_75 : memref<!tpu.dma_semaphore, #tpu.memory_space<semaphore_mem>>)
        } else {
        }
        %dma_wait3A = arith.constant 0 : i32
        %dma_wait3A_52 = arith.constant 0 : i32
        %dma_wait3A_53 = tpu.memref_slice %arg10[%rem3A_42, %dma_wait3A, %dma_wait3A_52] : memref<2x128x128xf32, #tpu.memory_space<vmem>> -> memref<1x128x128xf32, #tpu.memory_space<vmem>>
        %dma_wait3A_54 = tpu.memref_squeeze %dma_wait3A_53 : memref<1x128x128xf32, #tpu.memory_space<vmem>> -> memref<128x128xf32, #tpu.memory_space<vmem>>
        %dma_wait3A_55 = arith.constant 0 : i32
        %dma_wait3A_56 = tpu.memref_slice %arg8[%while3A_41, %dma_wait3A_55] : memref<16x128xi32, #tpu.memory_space<vmem>> -> memref<1x128xi32, #tpu.memory_space<vmem>>
        %dma_wait3A_57 = tpu.memref_squeeze %dma_wait3A_56 : memref<1x128xi32, #tpu.memory_space<vmem>> -> memref<128xi32, #tpu.memory_space<vmem>>
        %dma_wait3A_58 = arith.constant 0 : i32
        %dma_wait3A_59 = arith.constant 0 : i32
        %dma_wait3A_60 = tpu.memref_slice %arg2[%dma_wait3A_58, %dma_wait3A_59] : memref<10000x128xf32, #tpu.memory_space<hbm>> -> memref<10000x128xf32, #tpu.memory_space<hbm>>
        %dma_wait3A_61 = tpu.memref_slice %arg11[%rem3A_42] : memref<2x!tpu.dma_semaphore, #tpu.memory_space<semaphore_mem>> -> memref<1x!tpu.dma_semaphore, #tpu.memory_space<semaphore_mem>>
        %dma_wait3A_62 = tpu.memref_squeeze %dma_wait3A_61 : memref<1x!tpu.dma_semaphore, #tpu.memory_space<semaphore_mem>> -> memref<!tpu.dma_semaphore, #tpu.memory_space<semaphore_mem>>
        tpu.wait_indirect_dma semaphore(%dma_wait3A_62 : memref<!tpu.dma_semaphore, #tpu.memory_space<semaphore_mem>>) src(%dma_wait3A_60 : memref<10000x128xf32, #tpu.memory_space<hbm>>) dst(%dma_wait3A_54 : memref<128x128xf32, #tpu.memory_space<vmem>>)
        "tpu.region"() ({
          %run_scoped3A = tpu.sem_alloc : memref<!tpu.dma_semaphore, #tpu.memory_space<semaphore_mem>>
          %dma_start3A = arith.constant 0 : i32
          %dma_start3A_63 = arith.constant 0 : i32
          %dma_start3A_64 = tpu.memref_slice %arg10[%rem3A_42, %dma_start3A, %dma_start3A_63] : memref<2x128x128xf32, #tpu.memory_space<vmem>> -> memref<1x128x128xf32, #tpu.memory_space<vmem>>
          %dma_start3A_65 = tpu.memref_squeeze %dma_start3A_64 : memref<1x128x128xf32, #tpu.memory_space<vmem>> -> memref<128x128xf32, #tpu.memory_space<vmem>>
          %dma_start3A_66 = arith.constant 0 : i32
          %dma_start3A_67 = tpu.memref_slice %arg9[%while3A_41, %dma_start3A_66] : memref<16x128xi32, #tpu.memory_space<vmem>> -> memref<1x128xi32, #tpu.memory_space<vmem>>
          %dma_start3A_68 = tpu.memref_squeeze %dma_start3A_67 : memref<1x128xi32, #tpu.memory_space<vmem>> -> memref<128xi32, #tpu.memory_space<vmem>>
          %dma_start3A_69 = arith.constant 0 : i32
          %dma_start3A_70 = arith.constant 0 : i32
          %dma_start3A_71 = tpu.memref_slice %arg7[%dma_start3A_69, %dma_start3A_70] : memref<10240x128xf32, #tpu.memory_space<vmem_shared>> -> memref<10240x128xf32, #tpu.memory_space<vmem_shared>>
          tpu.enqueue_indirect_dma source(%dma_start3A_65 : memref<128x128xf32, #tpu.memory_space<vmem>>) target(%dma_start3A_71 : memref<10240x128xf32, #tpu.memory_space<vmem_shared>>) offsets(%dma_start3A_68 : memref<128xi32, #tpu.memory_space<vmem>>) semaphore(%run_scoped3A : memref<!tpu.dma_semaphore, #tpu.memory_space<semaphore_mem>>) {add = true}
          %dma_wait3A_72 = arith.constant 0 : i32
          %dma_wait3A_73 = arith.constant 0 : i32
          %dma_wait3A_74 = tpu.memref_slice %arg10[%rem3A_42, %dma_wait3A_72, %dma_wait3A_73] : memref<2x128x128xf32, #tpu.memory_space<vmem>> -> memref<1x128x128xf32, #tpu.memory_space<vmem>>
          %dma_wait3A_75 = tpu.memref_squeeze %dma_wait3A_74 : memref<1x128x128xf32, #tpu.memory_space<vmem>> -> memref<128x128xf32, #tpu.memory_space<vmem>>
          %dma_wait3A_76 = arith.constant 0 : i32
          %dma_wait3A_77 = tpu.memref_slice %arg9[%while3A_41, %dma_wait3A_76] : memref<16x128xi32, #tpu.memory_space<vmem>> -> memref<1x128xi32, #tpu.memory_space<vmem>>
          %dma_wait3A_78 = tpu.memref_squeeze %dma_wait3A_77 : memref<1x128xi32, #tpu.memory_space<vmem>> -> memref<128xi32, #tpu.memory_space<vmem>>
          %dma_wait3A_79 = arith.constant 0 : i32
          %dma_wait3A_80 = arith.constant 0 : i32
          %dma_wait3A_81 = tpu.memref_slice %arg7[%dma_wait3A_79, %dma_wait3A_80] : memref<10240x128xf32, #tpu.memory_space<vmem_shared>> -> memref<10240x128xf32, #tpu.memory_space<vmem_shared>>
          tpu.wait_indirect_dma semaphore(%run_scoped3A : memref<!tpu.dma_semaphore, #tpu.memory_space<semaphore_mem>>) src(%dma_wait3A_75 : memref<128x128xf32, #tpu.memory_space<vmem>>) dst(%dma_wait3A_81 : memref<10240x128xf32, #tpu.memory_space<vmem_shared>>)
          tpu.yield
        }) : () -> ()
      }
    }
    %scan3A_11 = arith.constant 5 : i32
    %barrier3A_12 = arith.constant 0 : index
    tpu.barrier barrier_id(%barrier3A_12)
    %mul3A_13 = arith.constant 640 : i32
    %mul3A_14 = arith.muli %arg1, %mul3A_13 : i32
    %mul3A_15 = arith.constant 640 : i32
    %mul3A_16 = arith.muli %arg1, %mul3A_15 : i32
    "tpu.region"() ({
      %run_scoped3A = tpu.sem_alloc : memref<!tpu.dma_semaphore, #tpu.memory_space<semaphore_mem>>
      %dma_start3A = arith.constant 0 : i32
      %dma_start3A_17 = tpu.memref_slice %arg6[%arg0, %mul3A_16, %dma_start3A] : memref<2x10240x128xf32, #tpu.memory_space<hbm>> -> memref<1x640x128xf32, #tpu.memory_space<hbm>>
      %dma_start3A_18 = tpu.memref_squeeze %dma_start3A_17 : memref<1x640x128xf32, #tpu.memory_space<hbm>> -> memref<640x128xf32, #tpu.memory_space<hbm>>
      %dma_start3A_19 = arith.constant 0 : i32
      %dma_start3A_20 = tpu.memref_slice %arg7[%mul3A_14, %dma_start3A_19] : memref<10240x128xf32, #tpu.memory_space<vmem_shared>> -> memref<640x128xf32, #tpu.memory_space<vmem_shared>>
      tpu.enqueue_dma source(%dma_start3A_20 : memref<640x128xf32, #tpu.memory_space<vmem_shared>>) target(%dma_start3A_18 : memref<640x128xf32, #tpu.memory_space<hbm>>) target_semaphore(%run_scoped3A : memref<!tpu.dma_semaphore, #tpu.memory_space<semaphore_mem>>)
      %dma_wait3A = arith.constant 0 : i32
      %dma_wait3A_21 = tpu.memref_slice %arg6[%arg0, %mul3A_16, %dma_wait3A] : memref<2x10240x128xf32, #tpu.memory_space<hbm>> -> memref<1x640x128xf32, #tpu.memory_space<hbm>>
      %dma_wait3A_22 = tpu.memref_squeeze %dma_wait3A_21 : memref<1x640x128xf32, #tpu.memory_space<hbm>> -> memref<640x128xf32, #tpu.memory_space<hbm>>
      %dma_wait3A_23 = arith.constant 0 : i32
      %dma_wait3A_24 = tpu.memref_slice %arg7[%mul3A_14, %dma_wait3A_23] : memref<10240x128xf32, #tpu.memory_space<vmem_shared>> -> memref<640x128xf32, #tpu.memory_space<vmem_shared>>
      tpu.wait_dma2 semaphore(%run_scoped3A : memref<!tpu.dma_semaphore, #tpu.memory_space<semaphore_mem>>) src(%dma_wait3A_24 : memref<640x128xf32, #tpu.memory_space<vmem_shared>>) dst(%dma_wait3A_22 : memref<640x128xf32, #tpu.memory_space<hbm>>)
      tpu.yield
    }) : () -> ()
    return
  }
}

#map = affine_map<(d0, d1) -> (0)>
module attributes {stable_mosaic.version = 14 : i64} {
  func.func @_deg_kernel(%arg0: i32, %arg1: i32, %arg2: memref<320000xi32, #tpu.memory_space<hbm>>, %arg3: memref<320000xi32, #tpu.memory_space<hbm>>, %arg4: memref<320000xf32, #tpu.memory_space<hbm>>, %arg5: memref<320000xf32, #tpu.memory_space<hbm>>, %arg6: memref<10000xi32, #tpu.memory_space<vmem>>, %arg7: memref<10000xi32, #tpu.memory_space<vmem>>, %arg8: memref<10000xf32, #tpu.memory_space<vmem>>, %arg9: memref<10000xf32, #tpu.memory_space<vmem>>) attributes {dimension_semantics = [#tpu.dimension_semantics<core_parallel>, #tpu.dimension_semantics<subcore_parallel>], iteration_bounds = array<i64: 2, 16>, scalar_prefetch = 0 : i64, scratch_operands = 4 : i64, tpu.core_type = #tpu.core_type<sc_vector_subcore>, window_params = [{transform_indices = #map}, {transform_indices = #map}, {transform_indices = #map}, {transform_indices = #map}]} {
    %mul3A = arith.constant 16 : i32
    %mul3A_0 = arith.muli %arg0, %mul3A : i32
    %add3A = arith.addi %mul3A_0, %arg1 : i32
    %mul3A_1 = arith.constant 10000 : i32
    %mul3A_2 = arith.muli %add3A, %mul3A_1 : i32
    "tpu.region"() ({
      %run_scoped3A = tpu.sem_alloc : memref<!tpu.dma_semaphore, #tpu.memory_space<semaphore_mem>>
      %dma_start3A = tpu.memref_slice %arg2[%mul3A_2] : memref<320000xi32, #tpu.memory_space<hbm>> -> memref<10000xi32, #tpu.memory_space<hbm>>
      %dma_start3A_21 = tpu.memref_slice %arg2[%mul3A_2] : memref<320000xi32, #tpu.memory_space<hbm>> -> memref<10000xi32, #tpu.memory_space<hbm>>
      tpu.enqueue_dma source(%dma_start3A_21 : memref<10000xi32, #tpu.memory_space<hbm>>) target(%arg6 : memref<10000xi32, #tpu.memory_space<vmem>>) target_semaphore(%run_scoped3A : memref<!tpu.dma_semaphore, #tpu.memory_space<semaphore_mem>>)
      %dma_wait3A = tpu.memref_slice %arg2[%mul3A_2] : memref<320000xi32, #tpu.memory_space<hbm>> -> memref<10000xi32, #tpu.memory_space<hbm>>
      %dma_wait3A_22 = tpu.memref_slice %arg2[%mul3A_2] : memref<320000xi32, #tpu.memory_space<hbm>> -> memref<10000xi32, #tpu.memory_space<hbm>>
      tpu.wait_dma2 semaphore(%run_scoped3A : memref<!tpu.dma_semaphore, #tpu.memory_space<semaphore_mem>>) src(%dma_wait3A_22 : memref<10000xi32, #tpu.memory_space<hbm>>) dst(%arg6 : memref<10000xi32, #tpu.memory_space<vmem>>)
      tpu.yield
    }) : () -> ()
    "tpu.region"() ({
      %run_scoped3A = tpu.sem_alloc : memref<!tpu.dma_semaphore, #tpu.memory_space<semaphore_mem>>
      %dma_start3A = tpu.memref_slice %arg3[%mul3A_2] : memref<320000xi32, #tpu.memory_space<hbm>> -> memref<10000xi32, #tpu.memory_space<hbm>>
      %dma_start3A_21 = tpu.memref_slice %arg3[%mul3A_2] : memref<320000xi32, #tpu.memory_space<hbm>> -> memref<10000xi32, #tpu.memory_space<hbm>>
      tpu.enqueue_dma source(%dma_start3A_21 : memref<10000xi32, #tpu.memory_space<hbm>>) target(%arg7 : memref<10000xi32, #tpu.memory_space<vmem>>) target_semaphore(%run_scoped3A : memref<!tpu.dma_semaphore, #tpu.memory_space<semaphore_mem>>)
      %dma_wait3A = tpu.memref_slice %arg3[%mul3A_2] : memref<320000xi32, #tpu.memory_space<hbm>> -> memref<10000xi32, #tpu.memory_space<hbm>>
      %dma_wait3A_22 = tpu.memref_slice %arg3[%mul3A_2] : memref<320000xi32, #tpu.memory_space<hbm>> -> memref<10000xi32, #tpu.memory_space<hbm>>
      tpu.wait_dma2 semaphore(%run_scoped3A : memref<!tpu.dma_semaphore, #tpu.memory_space<semaphore_mem>>) src(%dma_wait3A_22 : memref<10000xi32, #tpu.memory_space<hbm>>) dst(%arg7 : memref<10000xi32, #tpu.memory_space<vmem>>)
      tpu.yield
    }) : () -> ()
    %broadcast_in_dim3A = arith.constant 0.000000e+00 : f32
    %broadcast_in_dim3A_3 = vector.broadcast %broadcast_in_dim3A : f32 to vector<16xf32>
    %scan3A = arith.constant 0 : i32
    %scan3A_4 = arith.constant 0 : i32
    %scan3A_5 = arith.constant 625 : i32
    %scan3A_6 = arith.addi %scan3A_4, %scan3A_5 : i32
    %scan3A_7 = arith.constant 1 : i32
    scf.for %scan3A_21 = %scan3A_4 to %scan3A_6 step %scan3A_7  : i32 {
      %mul3A_22 = arith.constant 16 : i32
      %mul3A_23 = arith.muli %scan3A_21, %mul3A_22 : i32
      %swap3A = arith.index_cast %mul3A_23 : i32 to index
      %swap3A_24 = tpu.vector_load %arg8[%swap3A] {strides = array<i32>} : memref<10000xf32, #tpu.memory_space<vmem>>, vector<16xf32>,
      tpu.vector_store %arg8[%swap3A], %broadcast_in_dim3A_3 {strides = array<i32>} : memref<10000xf32, #tpu.memory_space<vmem>>, vector<16xf32>,
      %mul3A_25 = arith.constant 16 : i32
      %mul3A_26 = arith.muli %scan3A_21, %mul3A_25 : i32
      %swap3A_27 = arith.index_cast %mul3A_26 : i32 to index
      %swap3A_28 = tpu.vector_load %arg9[%swap3A_27] {strides = array<i32>} : memref<10000xf32, #tpu.memory_space<vmem>>, vector<16xf32>,
      tpu.vector_store %arg9[%swap3A_27], %broadcast_in_dim3A_3 {strides = array<i32>} : memref<10000xf32, #tpu.memory_space<vmem>>, vector<16xf32>,
    }
    %scan3A_8 = arith.constant 625 : i32
    %broadcast_in_dim3A_9 = arith.constant 1.000000e+00 : f32
    %broadcast_in_dim3A_10 = vector.broadcast %broadcast_in_dim3A_9 : f32 to vector<16xf32>
    %scan3A_11 = arith.constant 0 : i32
    %scan3A_12 = arith.constant 0 : i32
    %scan3A_13 = arith.constant 625 : i32
    %scan3A_14 = arith.addi %scan3A_12, %scan3A_13 : i32
    %scan3A_15 = arith.constant 1 : i32
    scf.for %scan3A_21 = %scan3A_12 to %scan3A_14 step %scan3A_15  : i32 {
      %mul3A_22 = arith.constant 16 : i32
      %mul3A_23 = arith.muli %scan3A_21, %mul3A_22 : i32
      %get3A = arith.index_cast %mul3A_23 : i32 to index
      %get3A_24 = tpu.vector_load %arg6[%get3A] {strides = array<i32>} : memref<10000xi32, #tpu.memory_space<vmem>>, vector<16xi32>,
      tpu.vector_store_idx %arg8[%get3A_24], %broadcast_in_dim3A_10 {add = true} : memref<10000xf32, #tpu.memory_space<vmem>>[vector<16xi32>], vector<16xf32>,
      %mul3A_25 = arith.constant 16 : i32
      %mul3A_26 = arith.muli %scan3A_21, %mul3A_25 : i32
      %get3A_27 = arith.index_cast %mul3A_26 : i32 to index
      %get3A_28 = tpu.vector_load %arg7[%get3A_27] {strides = array<i32>} : memref<10000xi32, #tpu.memory_space<vmem>>, vector<16xi32>,
      tpu.vector_store_idx %arg9[%get3A_28], %broadcast_in_dim3A_10 {add = true} : memref<10000xf32, #tpu.memory_space<vmem>>[vector<16xi32>], vector<16xf32>,
    }
    %scan3A_16 = arith.constant 625 : i32
    %mul3A_17 = arith.constant 10000 : i32
    %mul3A_18 = arith.muli %add3A, %mul3A_17 : i32
    "tpu.region"() ({
      %run_scoped3A = tpu.sem_alloc : memref<!tpu.dma_semaphore, #tpu.memory_space<semaphore_mem>>
      %dma_start3A = tpu.memref_slice %arg4[%mul3A_18] : memref<320000xf32, #tpu.memory_space<hbm>> -> memref<10000xf32, #tpu.memory_space<hbm>>
      %dma_start3A_21 = tpu.memref_slice %arg4[%mul3A_18] : memref<320000xf32, #tpu.memory_space<hbm>> -> memref<10000xf32, #tpu.memory_space<hbm>>
      tpu.enqueue_dma source(%arg8 : memref<10000xf32, #tpu.memory_space<vmem>>) target(%dma_start3A_21 : memref<10000xf32, #tpu.memory_space<hbm>>) target_semaphore(%run_scoped3A : memref<!tpu.dma_semaphore, #tpu.memory_space<semaphore_mem>>)
      %dma_wait3A = tpu.memref_slice %arg4[%mul3A_18] : memref<320000xf32, #tpu.memory_space<hbm>> -> memref<10000xf32, #tpu.memory_space<hbm>>
      %dma_wait3A_22 = tpu.memref_slice %arg4[%mul3A_18] : memref<320000xf32, #tpu.memory_space<hbm>> -> memref<10000xf32, #tpu.memory_space<hbm>>
      tpu.wait_dma2 semaphore(%run_scoped3A : memref<!tpu.dma_semaphore, #tpu.memory_space<semaphore_mem>>) src(%arg8 : memref<10000xf32, #tpu.memory_space<vmem>>) dst(%dma_wait3A_22 : memref<10000xf32, #tpu.memory_space<hbm>>)
      tpu.yield
    }) : () -> ()
    %mul3A_19 = arith.constant 10000 : i32
    %mul3A_20 = arith.muli %add3A, %mul3A_19 : i32
    "tpu.region"() ({
      %run_scoped3A = tpu.sem_alloc : memref<!tpu.dma_semaphore, #tpu.memory_space<semaphore_mem>>
      %dma_start3A = tpu.memref_slice %arg5[%mul3A_20] : memref<320000xf32, #tpu.memory_space<hbm>> -> memref<10000xf32, #tpu.memory_space<hbm>>
      %dma_start3A_21 = tpu.memref_slice %arg5[%mul3A_20] : memref<320000xf32, #tpu.memory_space<hbm>> -> memref<10000xf32, #tpu.memory_space<hbm>>
      tpu.enqueue_dma source(%arg9 : memref<10000xf32, #tpu.memory_space<vmem>>) target(%dma_start3A_21 : memref<10000xf32, #tpu.memory_space<hbm>>) target_semaphore(%run_scoped3A : memref<!tpu.dma_semaphore, #tpu.memory_space<semaphore_mem>>)
      %dma_wait3A = tpu.memref_slice %arg5[%mul3A_20] : memref<320000xf32, #tpu.memory_space<hbm>> -> memref<10000xf32, #tpu.memory_space<hbm>>
      %dma_wait3A_22 = tpu.memref_slice %arg5[%mul3A_20] : memref<320000xf32, #tpu.memory_space<hbm>> -> memref<10000xf32, #tpu.memory_space<hbm>>
      tpu.wait_dma2 semaphore(%run_scoped3A : memref<!tpu.dma_semaphore, #tpu.memory_space<semaphore_mem>>) src(%arg9 : memref<10000xf32, #tpu.memory_space<vmem>>) dst(%dma_wait3A_22 : memref<10000xf32, #tpu.memory_space<hbm>>)
      tpu.yield
    }) : () -> ()
    return
  }
}

#map = affine_map<(d0, d1) -> (0, 0)>
#map1 = affine_map<(d0, d1) -> (0, 0, 0)>
module attributes {stable_mosaic.version = 14 : i64} {
  func.func @_wagg_kernel(%arg0: i32, %arg1: i32, %arg2: memref<10000x128xf32, #tpu.memory_space<hbm>>, %arg3: memref<2560x128xi32, #tpu.memory_space<hbm>>, %arg4: memref<2560x128xi32, #tpu.memory_space<hbm>>, %arg5: memref<2560x128xf32, #tpu.memory_space<hbm>>, %arg6: memref<640x128xf32, #tpu.memory_space<hbm>>, %arg7: memref<2x10240x128xf32, #tpu.memory_space<hbm>>, %arg8: memref<10240x128xf32, #tpu.memory_space<vmem_shared>>, %arg9: memref<16x128xi32, #tpu.memory_space<vmem>>, %arg10: memref<16x128xi32, #tpu.memory_space<vmem>>, %arg11: memref<16x128xf32, #tpu.memory_space<vmem>>, %arg12: memref<2x128x128xf32, #tpu.memory_space<vmem>>, %arg13: memref<2x!tpu.dma_semaphore, #tpu.memory_space<semaphore_mem>>) attributes {dimension_semantics = [#tpu.dimension_semantics<core_parallel>, #tpu.dimension_semantics<subcore_parallel>], iteration_bounds = array<i64: 2, 16>, scalar_prefetch = 0 : i64, scratch_operands = 6 : i64, tpu.core_type = #tpu.core_type<sc_vector_subcore>, window_params = [{transform_indices = #map}, {transform_indices = #map}, {transform_indices = #map}, {transform_indices = #map}, {transform_indices = #map}, {transform_indices = #map1}]} {
    %mul3A = arith.constant 16 : i32
    %mul3A_0 = arith.muli %arg0, %mul3A : i32
    %add3A = arith.addi %mul3A_0, %arg1 : i32
    %mul3A_1 = arith.constant 80 : i32
    %mul3A_2 = arith.muli %add3A, %mul3A_1 : i32
    %sub3A = arith.constant 2500 : i32
    %sub3A_3 = arith.subi %sub3A, %mul3A_2 : i32
    %jit3A = arith.constant 0 : i32
    %jit3A_4 = arith.constant 80 : i32
    %max3A = arith.maxsi %jit3A, %sub3A_3 : i32
    %min3A = arith.minsi %jit3A_4, %max3A : i32
    %mul3A_5 = arith.constant 640 : i32
    %mul3A_6 = arith.muli %arg1, %mul3A_5 : i32
    "tpu.region"() ({
      %run_scoped3A = tpu.sem_alloc : memref<!tpu.dma_semaphore, #tpu.memory_space<semaphore_mem>>
      %dma_start3A = arith.constant 0 : i32
      %dma_start3A_17 = tpu.memref_slice %arg8[%mul3A_6, %dma_start3A] : memref<10240x128xf32, #tpu.memory_space<vmem_shared>> -> memref<640x128xf32, #tpu.memory_space<vmem_shared>>
      tpu.enqueue_dma source(%arg6 : memref<640x128xf32, #tpu.memory_space<hbm>>) target(%dma_start3A_17 : memref<640x128xf32, #tpu.memory_space<vmem_shared>>) target_semaphore(%run_scoped3A : memref<!tpu.dma_semaphore, #tpu.memory_space<semaphore_mem>>)
      %dma_wait3A = arith.constant 0 : i32
      %dma_wait3A_18 = tpu.memref_slice %arg8[%mul3A_6, %dma_wait3A] : memref<10240x128xf32, #tpu.memory_space<vmem_shared>> -> memref<640x128xf32, #tpu.memory_space<vmem_shared>>
      tpu.wait_dma2 semaphore(%run_scoped3A : memref<!tpu.dma_semaphore, #tpu.memory_space<semaphore_mem>>) src(%arg6 : memref<640x128xf32, #tpu.memory_space<hbm>>) dst(%dma_wait3A_18 : memref<640x128xf32, #tpu.memory_space<vmem_shared>>)
      tpu.yield
    }) : () -> ()
    %barrier3A = arith.constant 0 : index
    tpu.barrier barrier_id(%barrier3A)
    %scan3A = arith.constant 0 : i32
    %scan3A_7 = arith.constant 0 : i32
    %scan3A_8 = arith.constant 5 : i32
    %scan3A_9 = arith.addi %scan3A_7, %scan3A_8 : i32
    %scan3A_10 = arith.constant 1 : i32
    scf.for %scan3A_17 = %scan3A_7 to %scan3A_9 step %scan3A_10  : i32 {
      %mul3A_18 = arith.constant 80 : i32
      %mul3A_19 = arith.muli %add3A, %mul3A_18 : i32
      %mul3A_20 = arith.constant 16 : i32
      %mul3A_21 = arith.muli %scan3A_17, %mul3A_20 : i32
      %add3A_22 = arith.addi %mul3A_19, %mul3A_21 : i32
      "tpu.region"() ({
        %run_scoped3A = tpu.sem_alloc : memref<!tpu.dma_semaphore, #tpu.memory_space<semaphore_mem>>
        %dma_start3A = arith.constant 0 : i32
        %dma_start3A_41 = tpu.memref_slice %arg3[%add3A_22, %dma_start3A] : memref<2560x128xi32, #tpu.memory_space<hbm>> -> memref<16x128xi32, #tpu.memory_space<hbm>>
        %dma_start3A_42 = arith.constant 0 : i32
        %dma_start3A_43 = tpu.memref_slice %arg3[%add3A_22, %dma_start3A_42] : memref<2560x128xi32, #tpu.memory_space<hbm>> -> memref<16x128xi32, #tpu.memory_space<hbm>>
        tpu.enqueue_dma source(%dma_start3A_43 : memref<16x128xi32, #tpu.memory_space<hbm>>) target(%arg9 : memref<16x128xi32, #tpu.memory_space<vmem>>) target_semaphore(%run_scoped3A : memref<!tpu.dma_semaphore, #tpu.memory_space<semaphore_mem>>)
        %dma_wait3A = arith.constant 0 : i32
        %dma_wait3A_44 = tpu.memref_slice %arg3[%add3A_22, %dma_wait3A] : memref<2560x128xi32, #tpu.memory_space<hbm>> -> memref<16x128xi32, #tpu.memory_space<hbm>>
        %dma_wait3A_45 = arith.constant 0 : i32
        %dma_wait3A_46 = tpu.memref_slice %arg3[%add3A_22, %dma_wait3A_45] : memref<2560x128xi32, #tpu.memory_space<hbm>> -> memref<16x128xi32, #tpu.memory_space<hbm>>
        tpu.wait_dma2 semaphore(%run_scoped3A : memref<!tpu.dma_semaphore, #tpu.memory_space<semaphore_mem>>) src(%dma_wait3A_46 : memref<16x128xi32, #tpu.memory_space<hbm>>) dst(%arg9 : memref<16x128xi32, #tpu.memory_space<vmem>>)
        tpu.yield
      }) : () -> ()
      "tpu.region"() ({
        %run_scoped3A = tpu.sem_alloc : memref<!tpu.dma_semaphore, #tpu.memory_space<semaphore_mem>>
        %dma_start3A = arith.constant 0 : i32
        %dma_start3A_41 = tpu.memref_slice %arg4[%add3A_22, %dma_start3A] : memref<2560x128xi32, #tpu.memory_space<hbm>> -> memref<16x128xi32, #tpu.memory_space<hbm>>
        %dma_start3A_42 = arith.constant 0 : i32
        %dma_start3A_43 = tpu.memref_slice %arg4[%add3A_22, %dma_start3A_42] : memref<2560x128xi32, #tpu.memory_space<hbm>> -> memref<16x128xi32, #tpu.memory_space<hbm>>
        tpu.enqueue_dma source(%dma_start3A_43 : memref<16x128xi32, #tpu.memory_space<hbm>>) target(%arg10 : memref<16x128xi32, #tpu.memory_space<vmem>>) target_semaphore(%run_scoped3A : memref<!tpu.dma_semaphore, #tpu.memory_space<semaphore_mem>>)
        %dma_wait3A = arith.constant 0 : i32
        %dma_wait3A_44 = tpu.memref_slice %arg4[%add3A_22, %dma_wait3A] : memref<2560x128xi32, #tpu.memory_space<hbm>> -> memref<16x128xi32, #tpu.memory_space<hbm>>
        %dma_wait3A_45 = arith.constant 0 : i32
        %dma_wait3A_46 = tpu.memref_slice %arg4[%add3A_22, %dma_wait3A_45] : memref<2560x128xi32, #tpu.memory_space<hbm>> -> memref<16x128xi32, #tpu.memory_space<hbm>>
        tpu.wait_dma2 semaphore(%run_scoped3A : memref<!tpu.dma_semaphore, #tpu.memory_space<semaphore_mem>>) src(%dma_wait3A_46 : memref<16x128xi32, #tpu.memory_space<hbm>>) dst(%arg10 : memref<16x128xi32, #tpu.memory_space<vmem>>)
        tpu.yield
      }) : () -> ()
      "tpu.region"() ({
        %run_scoped3A = tpu.sem_alloc : memref<!tpu.dma_semaphore, #tpu.memory_space<semaphore_mem>>
        %dma_start3A = arith.constant 0 : i32
        %dma_start3A_41 = tpu.memref_slice %arg5[%add3A_22, %dma_start3A] : memref<2560x128xf32, #tpu.memory_space<hbm>> -> memref<16x128xf32, #tpu.memory_space<hbm>>
        %dma_start3A_42 = arith.constant 0 : i32
        %dma_start3A_43 = tpu.memref_slice %arg5[%add3A_22, %dma_start3A_42] : memref<2560x128xf32, #tpu.memory_space<hbm>> -> memref<16x128xf32, #tpu.memory_space<hbm>>
        tpu.enqueue_dma source(%dma_start3A_43 : memref<16x128xf32, #tpu.memory_space<hbm>>) target(%arg11 : memref<16x128xf32, #tpu.memory_space<vmem>>) target_semaphore(%run_scoped3A : memref<!tpu.dma_semaphore, #tpu.memory_space<semaphore_mem>>)
        %dma_wait3A = arith.constant 0 : i32
        %dma_wait3A_44 = tpu.memref_slice %arg5[%add3A_22, %dma_wait3A] : memref<2560x128xf32, #tpu.memory_space<hbm>> -> memref<16x128xf32, #tpu.memory_space<hbm>>
        %dma_wait3A_45 = arith.constant 0 : i32
        %dma_wait3A_46 = tpu.memref_slice %arg5[%add3A_22, %dma_wait3A_45] : memref<2560x128xf32, #tpu.memory_space<hbm>> -> memref<16x128xf32, #tpu.memory_space<hbm>>
        tpu.wait_dma2 semaphore(%run_scoped3A : memref<!tpu.dma_semaphore, #tpu.memory_space<semaphore_mem>>) src(%dma_wait3A_46 : memref<16x128xf32, #tpu.memory_space<hbm>>) dst(%arg11 : memref<16x128xf32, #tpu.memory_space<vmem>>)
        tpu.yield
      }) : () -> ()
      %mul3A_23 = arith.constant 16 : i32
      %mul3A_24 = arith.muli %scan3A_17, %mul3A_23 : i32
      %sub3A_25 = arith.subi %min3A, %mul3A_24 : i32
      %jit3A_26 = arith.constant 0 : i32
      %jit3A_27 = arith.constant 16 : i32
      %max3A_28 = arith.maxsi %jit3A_26, %sub3A_25 : i32
      %min3A_29 = arith.minsi %jit3A_27, %max3A_28 : i32
      %gt3A = arith.constant 0 : i32
      %gt3A_30 = arith.cmpi sgt, %min3A_29, %gt3A : i32
      %convert_element_type3A = arith.extui %gt3A_30 : i1 to i32
      %cond3A = arith.constant 0 : i32
      %cond3A_31 = arith.cmpi ne, %convert_element_type3A, %cond3A : i32
      scf.if %cond3A_31 {
        %dma_start3A = arith.constant 0 : i32
        %dma_start3A_41 = arith.constant 0 : i32
        %dma_start3A_42 = arith.constant 0 : i32
        %dma_start3A_43 = arith.constant 0 : i32
        %dma_start3A_44 = arith.constant 0 : i32
        %dma_start3A_45 = tpu.memref_slice %arg12[%dma_start3A_41, %dma_start3A_43, %dma_start3A_44] : memref<2x128x128xf32, #tpu.memory_space<vmem>> -> memref<1x128x128xf32, #tpu.memory_space<vmem>>
        %dma_start3A_46 = tpu.memref_squeeze %dma_start3A_45 : memref<1x128x128xf32, #tpu.memory_space<vmem>> -> memref<128x128xf32, #tpu.memory_space<vmem>>
        %dma_start3A_47 = arith.constant 0 : i32
        %dma_start3A_48 = tpu.memref_slice %arg9[%dma_start3A, %dma_start3A_47] : memref<16x128xi32, #tpu.memory_space<vmem>> -> memref<1x128xi32, #tpu.memory_space<vmem>>
        %dma_start3A_49 = tpu.memref_squeeze %dma_start3A_48 : memref<1x128xi32, #tpu.memory_space<vmem>> -> memref<128xi32, #tpu.memory_space<vmem>>
        %dma_start3A_50 = arith.constant 0 : i32
        %dma_start3A_51 = arith.constant 0 : i32
        %dma_start3A_52 = tpu.memref_slice %arg2[%dma_start3A_50, %dma_start3A_51] : memref<10000x128xf32, #tpu.memory_space<hbm>> -> memref<10000x128xf32, #tpu.memory_space<hbm>>
        %dma_start3A_53 = tpu.memref_slice %arg13[%dma_start3A_42] : memref<2x!tpu.dma_semaphore, #tpu.memory_space<semaphore_mem>> -> memref<1x!tpu.dma_semaphore, #tpu.memory_space<semaphore_mem>>
        %dma_start3A_54 = tpu.memref_squeeze %dma_start3A_53 : memref<1x!tpu.dma_semaphore, #tpu.memory_space<semaphore_mem>> -> memref<!tpu.dma_semaphore, #tpu.memory_space<semaphore_mem>>
        tpu.enqueue_indirect_dma source(%dma_start3A_52 : memref<10000x128xf32, #tpu.memory_space<hbm>>) target(%dma_start3A_46 : memref<128x128xf32, #tpu.memory_space<vmem>>) offsets(%dma_start3A_49 : memref<128xi32, #tpu.memory_space<vmem>>) semaphore(%dma_start3A_54 : memref<!tpu.dma_semaphore, #tpu.memory_space<semaphore_mem>>)
      } else {
      }
      %while3A = arith.constant 0 : i32
      %while3A_32 = arith.constant 0 : i32
      %while3A_33 = arith.subi %min3A_29, %while3A_32 : i32
      %while3A_34 = arith.addi %while3A_32, %while3A_33 : i32
      %while3A_35 = arith.constant 1 : i32
      %while3A_36 = arith.divsi %while3A_33, %while3A_35 : i32
      %while3A_37 = arith.muli %while3A_36, %while3A_35 : i32
      %while3A_38 = arith.addi %while3A_32, %while3A_37 : i32
      %while3A_39 = arith.constant 1 : i32
      scf.for %while3A_41 = %while3A_32 to %while3A_38 step %while3A_39  : i32 {
        %rem3A = arith.constant 2 : i32
        %rem3A_42 = arith.remsi %while3A_41, %rem3A : i32
        %add3A_43 = arith.constant 1 : i32
        %add3A_44 = arith.addi %while3A_41, %add3A_43 : i32
        %rem3A_45 = arith.constant 2 : i32
        %rem3A_46 = arith.remsi %add3A_44, %rem3A_45 : i32
        %add3A_47 = arith.constant 1 : i32
        %add3A_48 = arith.addi %while3A_41, %add3A_47 : i32
        %lt3A = arith.cmpi slt, %add3A_48, %min3A_29 : i32
        %convert_element_type3A_49 = arith.extui %lt3A : i1 to i32
        %cond3A_50 = arith.constant 0 : i32
        %cond3A_51 = arith.cmpi ne, %convert_element_type3A_49, %cond3A_50 : i32
        scf.if %cond3A_51 {
          %add3A_69 = arith.constant 1 : i32
          %add3A_70 = arith.addi %while3A_41, %add3A_69 : i32
          %dma_start3A = arith.constant 0 : i32
          %dma_start3A_71 = arith.constant 0 : i32
          %dma_start3A_72 = tpu.memref_slice %arg12[%rem3A_46, %dma_start3A, %dma_start3A_71] : memref<2x128x128xf32, #tpu.memory_space<vmem>> -> memref<1x128x128xf32, #tpu.memory_space<vmem>>
          %dma_start3A_73 = tpu.memref_squeeze %dma_start3A_72 : memref<1x128x128xf32, #tpu.memory_space<vmem>> -> memref<128x128xf32, #tpu.memory_space<vmem>>
          %dma_start3A_74 = arith.constant 0 : i32
          %dma_start3A_75 = tpu.memref_slice %arg9[%add3A_70, %dma_start3A_74] : memref<16x128xi32, #tpu.memory_space<vmem>> -> memref<1x128xi32, #tpu.memory_space<vmem>>
          %dma_start3A_76 = tpu.memref_squeeze %dma_start3A_75 : memref<1x128xi32, #tpu.memory_space<vmem>> -> memref<128xi32, #tpu.memory_space<vmem>>
          %dma_start3A_77 = arith.constant 0 : i32
          %dma_start3A_78 = arith.constant 0 : i32
          %dma_start3A_79 = tpu.memref_slice %arg2[%dma_start3A_77, %dma_start3A_78] : memref<10000x128xf32, #tpu.memory_space<hbm>> -> memref<10000x128xf32, #tpu.memory_space<hbm>>
          %dma_start3A_80 = tpu.memref_slice %arg13[%rem3A_46] : memref<2x!tpu.dma_semaphore, #tpu.memory_space<semaphore_mem>> -> memref<1x!tpu.dma_semaphore, #tpu.memory_space<semaphore_mem>>
          %dma_start3A_81 = tpu.memref_squeeze %dma_start3A_80 : memref<1x!tpu.dma_semaphore, #tpu.memory_space<semaphore_mem>> -> memref<!tpu.dma_semaphore, #tpu.memory_space<semaphore_mem>>
          tpu.enqueue_indirect_dma source(%dma_start3A_79 : memref<10000x128xf32, #tpu.memory_space<hbm>>) target(%dma_start3A_73 : memref<128x128xf32, #tpu.memory_space<vmem>>) offsets(%dma_start3A_76 : memref<128xi32, #tpu.memory_space<vmem>>) semaphore(%dma_start3A_81 : memref<!tpu.dma_semaphore, #tpu.memory_space<semaphore_mem>>)
        } else {
        }
        %dma_wait3A = arith.constant 0 : i32
        %dma_wait3A_52 = arith.constant 0 : i32
        %dma_wait3A_53 = tpu.memref_slice %arg12[%rem3A_42, %dma_wait3A, %dma_wait3A_52] : memref<2x128x128xf32, #tpu.memory_space<vmem>> -> memref<1x128x128xf32, #tpu.memory_space<vmem>>
        %dma_wait3A_54 = tpu.memref_squeeze %dma_wait3A_53 : memref<1x128x128xf32, #tpu.memory_space<vmem>> -> memref<128x128xf32, #tpu.memory_space<vmem>>
        %dma_wait3A_55 = arith.constant 0 : i32
        %dma_wait3A_56 = tpu.memref_slice %arg9[%while3A_41, %dma_wait3A_55] : memref<16x128xi32, #tpu.memory_space<vmem>> -> memref<1x128xi32, #tpu.memory_space<vmem>>
        %dma_wait3A_57 = tpu.memref_squeeze %dma_wait3A_56 : memref<1x128xi32, #tpu.memory_space<vmem>> -> memref<128xi32, #tpu.memory_space<vmem>>
        %dma_wait3A_58 = arith.constant 0 : i32
        %dma_wait3A_59 = arith.constant 0 : i32
        %dma_wait3A_60 = tpu.memref_slice %arg2[%dma_wait3A_58, %dma_wait3A_59] : memref<10000x128xf32, #tpu.memory_space<hbm>> -> memref<10000x128xf32, #tpu.memory_space<hbm>>
        %dma_wait3A_61 = tpu.memref_slice %arg13[%rem3A_42] : memref<2x!tpu.dma_semaphore, #tpu.memory_space<semaphore_mem>> -> memref<1x!tpu.dma_semaphore, #tpu.memory_space<semaphore_mem>>
        %dma_wait3A_62 = tpu.memref_squeeze %dma_wait3A_61 : memref<1x!tpu.dma_semaphore, #tpu.memory_space<semaphore_mem>> -> memref<!tpu.dma_semaphore, #tpu.memory_space<semaphore_mem>>
        tpu.wait_indirect_dma semaphore(%dma_wait3A_62 : memref<!tpu.dma_semaphore, #tpu.memory_space<semaphore_mem>>) src(%dma_wait3A_60 : memref<10000x128xf32, #tpu.memory_space<hbm>>) dst(%dma_wait3A_54 : memref<128x128xf32, #tpu.memory_space<vmem>>)
        %broadcast_in_dim3A = vector.broadcast %while3A_41 : i32 to vector<16xi32>
        %scan3A_63 = arith.constant 0 : i32
        %scan3A_64 = arith.constant 0 : i32
        %scan3A_65 = arith.constant 16 : i32
        %scan3A_66 = arith.addi %scan3A_64, %scan3A_65 : i32
        %scan3A_67 = arith.constant 1 : i32
        scf.for %scan3A_69 = %scan3A_64 to %scan3A_66 step %scan3A_67  : i32 {
          %mul3A_70 = arith.constant 8 : i32
          %mul3A_71 = arith.muli %scan3A_69, %mul3A_70 : i32
          %add3A_72 = arith.constant 0 : i32
          %add3A_73 = arith.addi %mul3A_71, %add3A_72 : i32
          %broadcast_in_dim3A_74 = vector.broadcast %add3A_73 : i32 to vector<16xi32>
          %gather3A = tpu.vector_load_idx %arg11[%broadcast_in_dim3A, %broadcast_in_dim3A_74] : memref<16x128xf32, #tpu.memory_space<vmem>>[vector<16xi32>, vector<16xi32>], vector<16xf32>,
          %get3A = arith.index_cast %rem3A_42 : i32 to index
          %get3A_75 = arith.index_cast %add3A_73 : i32 to index
          %get3A_76 = arith.constant 0 : index
          %get3A_77 = tpu.vector_load %arg12[%get3A, %get3A_75, %get3A_76] {strides = array<i32>} : memref<2x128x128xf32, #tpu.memory_space<vmem>>, vector<16xf32>,
          %mul3A_78 = arith.mulf %get3A_77, %gather3A : vector<16xf32>
          %swap3A = arith.index_cast %rem3A_42 : i32 to index
          %swap3A_79 = arith.index_cast %add3A_73 : i32 to index
          %swap3A_80 = arith.constant 0 : index
          %swap3A_81 = tpu.vector_load %arg12[%swap3A, %swap3A_79, %swap3A_80] {strides = array<i32>} : memref<2x128x128xf32, #tpu.memory_space<vmem>>, vector<16xf32>,
          tpu.vector_store %arg12[%swap3A, %swap3A_79, %swap3A_80], %mul3A_78 {strides = array<i32>} : memref<2x128x128xf32, #tpu.memory_space<vmem>>, vector<16xf32>,
          %get3A_82 = arith.index_cast %rem3A_42 : i32 to index
          %get3A_83 = arith.index_cast %add3A_73 : i32 to index
          %get3A_84 = arith.constant 16 : index
          %get3A_85 = tpu.vector_load %arg12[%get3A_82, %get3A_83, %get3A_84] {strides = array<i32>} : memref<2x128x128xf32, #tpu.memory_space<vmem>>, vector<16xf32>,
          %mul3A_86 = arith.mulf %get3A_85, %gather3A : vector<16xf32>
          %swap3A_87 = arith.index_cast %rem3A_42 : i32 to index
          %swap3A_88 = arith.index_cast %add3A_73 : i32 to index
          %swap3A_89 = arith.constant 16 : index
          %swap3A_90 = tpu.vector_load %arg12[%swap3A_87, %swap3A_88, %swap3A_89] {strides = array<i32>} : memref<2x128x128xf32, #tpu.memory_space<vmem>>, vector<16xf32>,
          tpu.vector_store %arg12[%swap3A_87, %swap3A_88, %swap3A_89], %mul3A_86 {strides = array<i32>} : memref<2x128x128xf32, #tpu.memory_space<vmem>>, vector<16xf32>,
          %get3A_91 = arith.index_cast %rem3A_42 : i32 to index
          %get3A_92 = arith.index_cast %add3A_73 : i32 to index
          %get3A_93 = arith.constant 32 : index
          %get3A_94 = tpu.vector_load %arg12[%get3A_91, %get3A_92, %get3A_93] {strides = array<i32>} : memref<2x128x128xf32, #tpu.memory_space<vmem>>, vector<16xf32>,
          %mul3A_95 = arith.mulf %get3A_94, %gather3A : vector<16xf32>
          %swap3A_96 = arith.index_cast %rem3A_42 : i32 to index
          %swap3A_97 = arith.index_cast %add3A_73 : i32 to index
          %swap3A_98 = arith.constant 32 : index
          %swap3A_99 = tpu.vector_load %arg12[%swap3A_96, %swap3A_97, %swap3A_98] {strides = array<i32>} : memref<2x128x128xf32, #tpu.memory_space<vmem>>, vector<16xf32>,
          tpu.vector_store %arg12[%swap3A_96, %swap3A_97, %swap3A_98], %mul3A_95 {strides = array<i32>} : memref<2x128x128xf32, #tpu.memory_space<vmem>>, vector<16xf32>,
          %get3A_100 = arith.index_cast %rem3A_42 : i32 to index
          %get3A_101 = arith.index_cast %add3A_73 : i32 to index
          %get3A_102 = arith.constant 48 : index
          %get3A_103 = tpu.vector_load %arg12[%get3A_100, %get3A_101, %get3A_102] {strides = array<i32>} : memref<2x128x128xf32, #tpu.memory_space<vmem>>, vector<16xf32>,
          %mul3A_104 = arith.mulf %get3A_103, %gather3A : vector<16xf32>
          %swap3A_105 = arith.index_cast %rem3A_42 : i32 to index
          %swap3A_106 = arith.index_cast %add3A_73 : i32 to index
          %swap3A_107 = arith.constant 48 : index
          %swap3A_108 = tpu.vector_load %arg12[%swap3A_105, %swap3A_106, %swap3A_107] {strides = array<i32>} : memref<2x128x128xf32, #tpu.memory_space<vmem>>, vector<16xf32>,
          tpu.vector_store %arg12[%swap3A_105, %swap3A_106, %swap3A_107], %mul3A_104 {strides = array<i32>} : memref<2x128x128xf32, #tpu.memory_space<vmem>>, vector<16xf32>,
          %get3A_109 = arith.index_cast %rem3A_42 : i32 to index
          %get3A_110 = arith.index_cast %add3A_73 : i32 to index
          %get3A_111 = arith.constant 64 : index
          %get3A_112 = tpu.vector_load %arg12[%get3A_109, %get3A_110, %get3A_111] {strides = array<i32>} : memref<2x128x128xf32, #tpu.memory_space<vmem>>, vector<16xf32>,
          %mul3A_113 = arith.mulf %get3A_112, %gather3A : vector<16xf32>
          %swap3A_114 = arith.index_cast %rem3A_42 : i32 to index
          %swap3A_115 = arith.index_cast %add3A_73 : i32 to index
          %swap3A_116 = arith.constant 64 : index
          %swap3A_117 = tpu.vector_load %arg12[%swap3A_114, %swap3A_115, %swap3A_116] {strides = array<i32>} : memref<2x128x128xf32, #tpu.memory_space<vmem>>, vector<16xf32>,
          tpu.vector_store %arg12[%swap3A_114, %swap3A_115, %swap3A_116], %mul3A_113 {strides = array<i32>} : memref<2x128x128xf32, #tpu.memory_space<vmem>>, vector<16xf32>,
          %get3A_118 = arith.index_cast %rem3A_42 : i32 to index
          %get3A_119 = arith.index_cast %add3A_73 : i32 to index
          %get3A_120 = arith.constant 80 : index
          %get3A_121 = tpu.vector_load %arg12[%get3A_118, %get3A_119, %get3A_120] {strides = array<i32>} : memref<2x128x128xf32, #tpu.memory_space<vmem>>, vector<16xf32>,
          %mul3A_122 = arith.mulf %get3A_121, %gather3A : vector<16xf32>
          %swap3A_123 = arith.index_cast %rem3A_42 : i32 to index
          %swap3A_124 = arith.index_cast %add3A_73 : i32 to index
          %swap3A_125 = arith.constant 80 : index
          %swap3A_126 = tpu.vector_load %arg12[%swap3A_123, %swap3A_124, %swap3A_125] {strides = array<i32>} : memref<2x128x128xf32, #tpu.memory_space<vmem>>, vector<16xf32>,
          tpu.vector_store %arg12[%swap3A_123, %swap3A_124, %swap3A_125], %mul3A_122 {strides = array<i32>} : memref<2x128x128xf32, #tpu.memory_space<vmem>>, vector<16xf32>,
          %get3A_127 = arith.index_cast %rem3A_42 : i32 to index
          %get3A_128 = arith.index_cast %add3A_73 : i32 to index
          %get3A_129 = arith.constant 96 : index
          %get3A_130 = tpu.vector_load %arg12[%get3A_127, %get3A_128, %get3A_129] {strides = array<i32>} : memref<2x128x128xf32, #tpu.memory_space<vmem>>, vector<16xf32>,
          %mul3A_131 = arith.mulf %get3A_130, %gather3A : vector<16xf32>
          %swap3A_132 = arith.index_cast %rem3A_42 : i32 to index
          %swap3A_133 = arith.index_cast %add3A_73 : i32 to index
          %swap3A_134 = arith.constant 96 : index
          %swap3A_135 = tpu.vector_load %arg12[%swap3A_132, %swap3A_133, %swap3A_134] {strides = array<i32>} : memref<2x128x128xf32, #tpu.memory_space<vmem>>, vector<16xf32>,
          tpu.vector_store %arg12[%swap3A_132, %swap3A_133, %swap3A_134], %mul3A_131 {strides = array<i32>} : memref<2x128x128xf32, #tpu.memory_space<vmem>>, vector<16xf32>,
          %get3A_136 = arith.index_cast %rem3A_42 : i32 to index
          %get3A_137 = arith.index_cast %add3A_73 : i32 to index
          %get3A_138 = arith.constant 112 : index
          %get3A_139 = tpu.vector_load %arg12[%get3A_136, %get3A_137, %get3A_138] {strides = array<i32>} : memref<2x128x128xf32, #tpu.memory_space<vmem>>, vector<16xf32>,
          %mul3A_140 = arith.mulf %get3A_139, %gather3A : vector<16xf32>
          %swap3A_141 = arith.index_cast %rem3A_42 : i32 to index
          %swap3A_142 = arith.index_cast %add3A_73 : i32 to index
          %swap3A_143 = arith.constant 112 : index
          %swap3A_144 = tpu.vector_load %arg12[%swap3A_141, %swap3A_142, %swap3A_143] {strides = array<i32>} : memref<2x128x128xf32, #tpu.memory_space<vmem>>, vector<16xf32>,
          tpu.vector_store %arg12[%swap3A_141, %swap3A_142, %swap3A_143], %mul3A_140 {strides = array<i32>} : memref<2x128x128xf32, #tpu.memory_space<vmem>>, vector<16xf32>,
          %mul3A_145 = arith.constant 8 : i32
          %mul3A_146 = arith.muli %scan3A_69, %mul3A_145 : i32
          %add3A_147 = arith.constant 1 : i32
          %add3A_148 = arith.addi %mul3A_146, %add3A_147 : i32
          %broadcast_in_dim3A_149 = vector.broadcast %add3A_148 : i32 to vector<16xi32>
          %gather3A_150 = tpu.vector_load_idx %arg11[%broadcast_in_dim3A, %broadcast_in_dim3A_149] : memref<16x128xf32, #tpu.memory_space<vmem>>[vector<16xi32>, vector<16xi32>], vector<16xf32>,
          %get3A_151 = arith.index_cast %rem3A_42 : i32 to index
          %get3A_152 = arith.index_cast %add3A_148 : i32 to index
          %get3A_153 = arith.constant 0 : index
          %get3A_154 = tpu.vector_load %arg12[%get3A_151, %get3A_152, %get3A_153] {strides = array<i32>} : memref<2x128x128xf32, #tpu.memory_space<vmem>>, vector<16xf32>,
          %mul3A_155 = arith.mulf %get3A_154, %gather3A_150 : vector<16xf32>
          %swap3A_156 = arith.index_cast %rem3A_42 : i32 to index
          %swap3A_157 = arith.index_cast %add3A_148 : i32 to index
          %swap3A_158 = arith.constant 0 : index
          %swap3A_159 = tpu.vector_load %arg12[%swap3A_156, %swap3A_157, %swap3A_158] {strides = array<i32>} : memref<2x128x128xf32, #tpu.memory_space<vmem>>, vector<16xf32>,
          tpu.vector_store %arg12[%swap3A_156, %swap3A_157, %swap3A_158], %mul3A_155 {strides = array<i32>} : memref<2x128x128xf32, #tpu.memory_space<vmem>>, vector<16xf32>,
          %get3A_160 = arith.index_cast %rem3A_42 : i32 to index
          %get3A_161 = arith.index_cast %add3A_148 : i32 to index
          %get3A_162 = arith.constant 16 : index
          %get3A_163 = tpu.vector_load %arg12[%get3A_160, %get3A_161, %get3A_162] {strides = array<i32>} : memref<2x128x128xf32, #tpu.memory_space<vmem>>, vector<16xf32>,
          %mul3A_164 = arith.mulf %get3A_163, %gather3A_150 : vector<16xf32>
          %swap3A_165 = arith.index_cast %rem3A_42 : i32 to index
          %swap3A_166 = arith.index_cast %add3A_148 : i32 to index
          %swap3A_167 = arith.constant 16 : index
          %swap3A_168 = tpu.vector_load %arg12[%swap3A_165, %swap3A_166, %swap3A_167] {strides = array<i32>} : memref<2x128x128xf32, #tpu.memory_space<vmem>>, vector<16xf32>,
          tpu.vector_store %arg12[%swap3A_165, %swap3A_166, %swap3A_167], %mul3A_164 {strides = array<i32>} : memref<2x128x128xf32, #tpu.memory_space<vmem>>, vector<16xf32>,
          %get3A_169 = arith.index_cast %rem3A_42 : i32 to index
          %get3A_170 = arith.index_cast %add3A_148 : i32 to index
          %get3A_171 = arith.constant 32 : index
          %get3A_172 = tpu.vector_load %arg12[%get3A_169, %get3A_170, %get3A_171] {strides = array<i32>} : memref<2x128x128xf32, #tpu.memory_space<vmem>>, vector<16xf32>,
          %mul3A_173 = arith.mulf %get3A_172, %gather3A_150 : vector<16xf32>
          %swap3A_174 = arith.index_cast %rem3A_42 : i32 to index
          %swap3A_175 = arith.index_cast %add3A_148 : i32 to index
          %swap3A_176 = arith.constant 32 : index
          %swap3A_177 = tpu.vector_load %arg12[%swap3A_174, %swap3A_175, %swap3A_176] {strides = array<i32>} : memref<2x128x128xf32, #tpu.memory_space<vmem>>, vector<16xf32>,
          tpu.vector_store %arg12[%swap3A_174, %swap3A_175, %swap3A_176], %mul3A_173 {strides = array<i32>} : memref<2x128x128xf32, #tpu.memory_space<vmem>>, vector<16xf32>,
          %get3A_178 = arith.index_cast %rem3A_42 : i32 to index
          %get3A_179 = arith.index_cast %add3A_148 : i32 to index
          %get3A_180 = arith.constant 48 : index
          %get3A_181 = tpu.vector_load %arg12[%get3A_178, %get3A_179, %get3A_180] {strides = array<i32>} : memref<2x128x128xf32, #tpu.memory_space<vmem>>, vector<16xf32>,
          %mul3A_182 = arith.mulf %get3A_181, %gather3A_150 : vector<16xf32>
          %swap3A_183 = arith.index_cast %rem3A_42 : i32 to index
          %swap3A_184 = arith.index_cast %add3A_148 : i32 to index
          %swap3A_185 = arith.constant 48 : index
          %swap3A_186 = tpu.vector_load %arg12[%swap3A_183, %swap3A_184, %swap3A_185] {strides = array<i32>} : memref<2x128x128xf32, #tpu.memory_space<vmem>>, vector<16xf32>,
          tpu.vector_store %arg12[%swap3A_183, %swap3A_184, %swap3A_185], %mul3A_182 {strides = array<i32>} : memref<2x128x128xf32, #tpu.memory_space<vmem>>, vector<16xf32>,
          %get3A_187 = arith.index_cast %rem3A_42 : i32 to index
          %get3A_188 = arith.index_cast %add3A_148 : i32 to index
          %get3A_189 = arith.constant 64 : index
          %get3A_190 = tpu.vector_load %arg12[%get3A_187, %get3A_188, %get3A_189] {strides = array<i32>} : memref<2x128x128xf32, #tpu.memory_space<vmem>>, vector<16xf32>,
          %mul3A_191 = arith.mulf %get3A_190, %gather3A_150 : vector<16xf32>
          %swap3A_192 = arith.index_cast %rem3A_42 : i32 to index
          %swap3A_193 = arith.index_cast %add3A_148 : i32 to index
          %swap3A_194 = arith.constant 64 : index
          %swap3A_195 = tpu.vector_load %arg12[%swap3A_192, %swap3A_193, %swap3A_194] {strides = array<i32>} : memref<2x128x128xf32, #tpu.memory_space<vmem>>, vector<16xf32>,
          tpu.vector_store %arg12[%swap3A_192, %swap3A_193, %swap3A_194], %mul3A_191 {strides = array<i32>} : memref<2x128x128xf32, #tpu.memory_space<vmem>>, vector<16xf32>,
          %get3A_196 = arith.index_cast %rem3A_42 : i32 to index
          %get3A_197 = arith.index_cast %add3A_148 : i32 to index
          %get3A_198 = arith.constant 80 : index
          %get3A_199 = tpu.vector_load %arg12[%get3A_196, %get3A_197, %get3A_198] {strides = array<i32>} : memref<2x128x128xf32, #tpu.memory_space<vmem>>, vector<16xf32>,
          %mul3A_200 = arith.mulf %get3A_199, %gather3A_150 : vector<16xf32>
          %swap3A_201 = arith.index_cast %rem3A_42 : i32 to index
          %swap3A_202 = arith.index_cast %add3A_148 : i32 to index
          %swap3A_203 = arith.constant 80 : index
          %swap3A_204 = tpu.vector_load %arg12[%swap3A_201, %swap3A_202, %swap3A_203] {strides = array<i32>} : memref<2x128x128xf32, #tpu.memory_space<vmem>>, vector<16xf32>,
          tpu.vector_store %arg12[%swap3A_201, %swap3A_202, %swap3A_203], %mul3A_200 {strides = array<i32>} : memref<2x128x128xf32, #tpu.memory_space<vmem>>, vector<16xf32>,
          %get3A_205 = arith.index_cast %rem3A_42 : i32 to index
          %get3A_206 = arith.index_cast %add3A_148 : i32 to index
          %get3A_207 = arith.constant 96 : index
          %get3A_208 = tpu.vector_load %arg12[%get3A_205, %get3A_206, %get3A_207] {strides = array<i32>} : memref<2x128x128xf32, #tpu.memory_space<vmem>>, vector<16xf32>,
          %mul3A_209 = arith.mulf %get3A_208, %gather3A_150 : vector<16xf32>
          %swap3A_210 = arith.index_cast %rem3A_42 : i32 to index
          %swap3A_211 = arith.index_cast %add3A_148 : i32 to index
          %swap3A_212 = arith.constant 96 : index
          %swap3A_213 = tpu.vector_load %arg12[%swap3A_210, %swap3A_211, %swap3A_212] {strides = array<i32>} : memref<2x128x128xf32, #tpu.memory_space<vmem>>, vector<16xf32>,
          tpu.vector_store %arg12[%swap3A_210, %swap3A_211, %swap3A_212], %mul3A_209 {strides = array<i32>} : memref<2x128x128xf32, #tpu.memory_space<vmem>>, vector<16xf32>,
          %get3A_214 = arith.index_cast %rem3A_42 : i32 to index
          %get3A_215 = arith.index_cast %add3A_148 : i32 to index
          %get3A_216 = arith.constant 112 : index
          %get3A_217 = tpu.vector_load %arg12[%get3A_214, %get3A_215, %get3A_216] {strides = array<i32>} : memref<2x128x128xf32, #tpu.memory_space<vmem>>, vector<16xf32>,
          %mul3A_218 = arith.mulf %get3A_217, %gather3A_150 : vector<16xf32>
          %swap3A_219 = arith.index_cast %rem3A_42 : i32 to index
          %swap3A_220 = arith.index_cast %add3A_148 : i32 to index
          %swap3A_221 = arith.constant 112 : index
          %swap3A_222 = tpu.vector_load %arg12[%swap3A_219, %swap3A_220, %swap3A_221] {strides = array<i32>} : memref<2x128x128xf32, #tpu.memory_space<vmem>>, vector<16xf32>,
          tpu.vector_store %arg12[%swap3A_219, %swap3A_220, %swap3A_221], %mul3A_218 {strides = array<i32>} : memref<2x128x128xf32, #tpu.memory_space<vmem>>, vector<16xf32>,
          %mul3A_223 = arith.constant 8 : i32
          %mul3A_224 = arith.muli %scan3A_69, %mul3A_223 : i32
          %add3A_225 = arith.constant 2 : i32
          %add3A_226 = arith.addi %mul3A_224, %add3A_225 : i32
          %broadcast_in_dim3A_227 = vector.broadcast %add3A_226 : i32 to vector<16xi32>
          %gather3A_228 = tpu.vector_load_idx %arg11[%broadcast_in_dim3A, %broadcast_in_dim3A_227] : memref<16x128xf32, #tpu.memory_space<vmem>>[vector<16xi32>, vector<16xi32>], vector<16xf32>,
          %get3A_229 = arith.index_cast %rem3A_42 : i32 to index
          %get3A_230 = arith.index_cast %add3A_226 : i32 to index
          %get3A_231 = arith.constant 0 : index
          %get3A_232 = tpu.vector_load %arg12[%get3A_229, %get3A_230, %get3A_231] {strides = array<i32>} : memref<2x128x128xf32, #tpu.memory_space<vmem>>, vector<16xf32>,
          %mul3A_233 = arith.mulf %get3A_232, %gather3A_228 : vector<16xf32>
          %swap3A_234 = arith.index_cast %rem3A_42 : i32 to index
          %swap3A_235 = arith.index_cast %add3A_226 : i32 to index
          %swap3A_236 = arith.constant 0 : index
          %swap3A_237 = tpu.vector_load %arg12[%swap3A_234, %swap3A_235, %swap3A_236] {strides = array<i32>} : memref<2x128x128xf32, #tpu.memory_space<vmem>>, vector<16xf32>,
          tpu.vector_store %arg12[%swap3A_234, %swap3A_235, %swap3A_236], %mul3A_233 {strides = array<i32>} : memref<2x128x128xf32, #tpu.memory_space<vmem>>, vector<16xf32>,
          %get3A_238 = arith.index_cast %rem3A_42 : i32 to index
          %get3A_239 = arith.index_cast %add3A_226 : i32 to index
          %get3A_240 = arith.constant 16 : index
          %get3A_241 = tpu.vector_load %arg12[%get3A_238, %get3A_239, %get3A_240] {strides = array<i32>} : memref<2x128x128xf32, #tpu.memory_space<vmem>>, vector<16xf32>,
          %mul3A_242 = arith.mulf %get3A_241, %gather3A_228 : vector<16xf32>
          %swap3A_243 = arith.index_cast %rem3A_42 : i32 to index
          %swap3A_244 = arith.index_cast %add3A_226 : i32 to index
          %swap3A_245 = arith.constant 16 : index
          %swap3A_246 = tpu.vector_load %arg12[%swap3A_243, %swap3A_244, %swap3A_245] {strides = array<i32>} : memref<2x128x128xf32, #tpu.memory_space<vmem>>, vector<16xf32>,
          tpu.vector_store %arg12[%swap3A_243, %swap3A_244, %swap3A_245], %mul3A_242 {strides = array<i32>} : memref<2x128x128xf32, #tpu.memory_space<vmem>>, vector<16xf32>,
          %get3A_247 = arith.index_cast %rem3A_42 : i32 to index
          %get3A_248 = arith.index_cast %add3A_226 : i32 to index
          %get3A_249 = arith.constant 32 : index
          %get3A_250 = tpu.vector_load %arg12[%get3A_247, %get3A_248, %get3A_249] {strides = array<i32>} : memref<2x128x128xf32, #tpu.memory_space<vmem>>, vector<16xf32>,
          %mul3A_251 = arith.mulf %get3A_250, %gather3A_228 : vector<16xf32>
          %swap3A_252 = arith.index_cast %rem3A_42 : i32 to index
          %swap3A_253 = arith.index_cast %add3A_226 : i32 to index
          %swap3A_254 = arith.constant 32 : index
          %swap3A_255 = tpu.vector_load %arg12[%swap3A_252, %swap3A_253, %swap3A_254] {strides = array<i32>} : memref<2x128x128xf32, #tpu.memory_space<vmem>>, vector<16xf32>,
          tpu.vector_store %arg12[%swap3A_252, %swap3A_253, %swap3A_254], %mul3A_251 {strides = array<i32>} : memref<2x128x128xf32, #tpu.memory_space<vmem>>, vector<16xf32>,
          %get3A_256 = arith.index_cast %rem3A_42 : i32 to index
          %get3A_257 = arith.index_cast %add3A_226 : i32 to index
          %get3A_258 = arith.constant 48 : index
          %get3A_259 = tpu.vector_load %arg12[%get3A_256, %get3A_257, %get3A_258] {strides = array<i32>} : memref<2x128x128xf32, #tpu.memory_space<vmem>>, vector<16xf32>,
          %mul3A_260 = arith.mulf %get3A_259, %gather3A_228 : vector<16xf32>
          %swap3A_261 = arith.index_cast %rem3A_42 : i32 to index
          %swap3A_262 = arith.index_cast %add3A_226 : i32 to index
          %swap3A_263 = arith.constant 48 : index
          %swap3A_264 = tpu.vector_load %arg12[%swap3A_261, %swap3A_262, %swap3A_263] {strides = array<i32>} : memref<2x128x128xf32, #tpu.memory_space<vmem>>, vector<16xf32>,
          tpu.vector_store %arg12[%swap3A_261, %swap3A_262, %swap3A_263], %mul3A_260 {strides = array<i32>} : memref<2x128x128xf32, #tpu.memory_space<vmem>>, vector<16xf32>,
          %get3A_265 = arith.index_cast %rem3A_42 : i32 to index
          %get3A_266 = arith.index_cast %add3A_226 : i32 to index
          %get3A_267 = arith.constant 64 : index
          %get3A_268 = tpu.vector_load %arg12[%get3A_265, %get3A_266, %get3A_267] {strides = array<i32>} : memref<2x128x128xf32, #tpu.memory_space<vmem>>, vector<16xf32>,
          %mul3A_269 = arith.mulf %get3A_268, %gather3A_228 : vector<16xf32>
          %swap3A_270 = arith.index_cast %rem3A_42 : i32 to index
          %swap3A_271 = arith.index_cast %add3A_226 : i32 to index
          %swap3A_272 = arith.constant 64 : index
          %swap3A_273 = tpu.vector_load %arg12[%swap3A_270, %swap3A_271, %swap3A_272] {strides = array<i32>} : memref<2x128x128xf32, #tpu.memory_space<vmem>>, vector<16xf32>,
          tpu.vector_store %arg12[%swap3A_270, %swap3A_271, %swap3A_272], %mul3A_269 {strides = array<i32>} : memref<2x128x128xf32, #tpu.memory_space<vmem>>, vector<16xf32>,
          %get3A_274 = arith.index_cast %rem3A_42 : i32 to index
          %get3A_275 = arith.index_cast %add3A_226 : i32 to index
          %get3A_276 = arith.constant 80 : index
          %get3A_277 = tpu.vector_load %arg12[%get3A_274, %get3A_275, %get3A_276] {strides = array<i32>} : memref<2x128x128xf32, #tpu.memory_space<vmem>>, vector<16xf32>,
          %mul3A_278 = arith.mulf %get3A_277, %gather3A_228 : vector<16xf32>
          %swap3A_279 = arith.index_cast %rem3A_42 : i32 to index
          %swap3A_280 = arith.index_cast %add3A_226 : i32 to index
          %swap3A_281 = arith.constant 80 : index
          %swap3A_282 = tpu.vector_load %arg12[%swap3A_279, %swap3A_280, %swap3A_281] {strides = array<i32>} : memref<2x128x128xf32, #tpu.memory_space<vmem>>, vector<16xf32>,
          tpu.vector_store %arg12[%swap3A_279, %swap3A_280, %swap3A_281], %mul3A_278 {strides = array<i32>} : memref<2x128x128xf32, #tpu.memory_space<vmem>>, vector<16xf32>,
          %get3A_283 = arith.index_cast %rem3A_42 : i32 to index
          %get3A_284 = arith.index_cast %add3A_226 : i32 to index
          %get3A_285 = arith.constant 96 : index
          %get3A_286 = tpu.vector_load %arg12[%get3A_283, %get3A_284, %get3A_285] {strides = array<i32>} : memref<2x128x128xf32, #tpu.memory_space<vmem>>, vector<16xf32>,
          %mul3A_287 = arith.mulf %get3A_286, %gather3A_228 : vector<16xf32>
          %swap3A_288 = arith.index_cast %rem3A_42 : i32 to index
          %swap3A_289 = arith.index_cast %add3A_226 : i32 to index
          %swap3A_290 = arith.constant 96 : index
          %swap3A_291 = tpu.vector_load %arg12[%swap3A_288, %swap3A_289, %swap3A_290] {strides = array<i32>} : memref<2x128x128xf32, #tpu.memory_space<vmem>>, vector<16xf32>,
          tpu.vector_store %arg12[%swap3A_288, %swap3A_289, %swap3A_290], %mul3A_287 {strides = array<i32>} : memref<2x128x128xf32, #tpu.memory_space<vmem>>, vector<16xf32>,
          %get3A_292 = arith.index_cast %rem3A_42 : i32 to index
          %get3A_293 = arith.index_cast %add3A_226 : i32 to index
          %get3A_294 = arith.constant 112 : index
          %get3A_295 = tpu.vector_load %arg12[%get3A_292, %get3A_293, %get3A_294] {strides = array<i32>} : memref<2x128x128xf32, #tpu.memory_space<vmem>>, vector<16xf32>,
          %mul3A_296 = arith.mulf %get3A_295, %gather3A_228 : vector<16xf32>
          %swap3A_297 = arith.index_cast %rem3A_42 : i32 to index
          %swap3A_298 = arith.index_cast %add3A_226 : i32 to index
          %swap3A_299 = arith.constant 112 : index
          %swap3A_300 = tpu.vector_load %arg12[%swap3A_297, %swap3A_298, %swap3A_299] {strides = array<i32>} : memref<2x128x128xf32, #tpu.memory_space<vmem>>, vector<16xf32>,
          tpu.vector_store %arg12[%swap3A_297, %swap3A_298, %swap3A_299], %mul3A_296 {strides = array<i32>} : memref<2x128x128xf32, #tpu.memory_space<vmem>>, vector<16xf32>,
          %mul3A_301 = arith.constant 8 : i32
          %mul3A_302 = arith.muli %scan3A_69, %mul3A_301 : i32
          %add3A_303 = arith.constant 3 : i32
          %add3A_304 = arith.addi %mul3A_302, %add3A_303 : i32
          %broadcast_in_dim3A_305 = vector.broadcast %add3A_304 : i32 to vector<16xi32>
          %gather3A_306 = tpu.vector_load_idx %arg11[%broadcast_in_dim3A, %broadcast_in_dim3A_305] : memref<16x128xf32, #tpu.memory_space<vmem>>[vector<16xi32>, vector<16xi32>], vector<16xf32>,
          %get3A_307 = arith.index_cast %rem3A_42 : i32 to index
          %get3A_308 = arith.index_cast %add3A_304 : i32 to index
          %get3A_309 = arith.constant 0 : index
          %get3A_310 = tpu.vector_load %arg12[%get3A_307, %get3A_308, %get3A_309] {strides = array<i32>} : memref<2x128x128xf32, #tpu.memory_space<vmem>>, vector<16xf32>,
          %mul3A_311 = arith.mulf %get3A_310, %gather3A_306 : vector<16xf32>
          %swap3A_312 = arith.index_cast %rem3A_42 : i32 to index
          %swap3A_313 = arith.index_cast %add3A_304 : i32 to index
          %swap3A_314 = arith.constant 0 : index
          %swap3A_315 = tpu.vector_load %arg12[%swap3A_312, %swap3A_313, %swap3A_314] {strides = array<i32>} : memref<2x128x128xf32, #tpu.memory_space<vmem>>, vector<16xf32>,
          tpu.vector_store %arg12[%swap3A_312, %swap3A_313, %swap3A_314], %mul3A_311 {strides = array<i32>} : memref<2x128x128xf32, #tpu.memory_space<vmem>>, vector<16xf32>,
          %get3A_316 = arith.index_cast %rem3A_42 : i32 to index
          %get3A_317 = arith.index_cast %add3A_304 : i32 to index
          %get3A_318 = arith.constant 16 : index
          %get3A_319 = tpu.vector_load %arg12[%get3A_316, %get3A_317, %get3A_318] {strides = array<i32>} : memref<2x128x128xf32, #tpu.memory_space<vmem>>, vector<16xf32>,
          %mul3A_320 = arith.mulf %get3A_319, %gather3A_306 : vector<16xf32>
          %swap3A_321 = arith.index_cast %rem3A_42 : i32 to index
          %swap3A_322 = arith.index_cast %add3A_304 : i32 to index
          %swap3A_323 = arith.constant 16 : index
          %swap3A_324 = tpu.vector_load %arg12[%swap3A_321, %swap3A_322, %swap3A_323] {strides = array<i32>} : memref<2x128x128xf32, #tpu.memory_space<vmem>>, vector<16xf32>,
          tpu.vector_store %arg12[%swap3A_321, %swap3A_322, %swap3A_323], %mul3A_320 {strides = array<i32>} : memref<2x128x128xf32, #tpu.memory_space<vmem>>, vector<16xf32>,
          %get3A_325 = arith.index_cast %rem3A_42 : i32 to index
          %get3A_326 = arith.index_cast %add3A_304 : i32 to index
          %get3A_327 = arith.constant 32 : index
          %get3A_328 = tpu.vector_load %arg12[%get3A_325, %get3A_326, %get3A_327] {strides = array<i32>} : memref<2x128x128xf32, #tpu.memory_space<vmem>>, vector<16xf32>,
          %mul3A_329 = arith.mulf %get3A_328, %gather3A_306 : vector<16xf32>
          %swap3A_330 = arith.index_cast %rem3A_42 : i32 to index
          %swap3A_331 = arith.index_cast %add3A_304 : i32 to index
          %swap3A_332 = arith.constant 32 : index
          %swap3A_333 = tpu.vector_load %arg12[%swap3A_330, %swap3A_331, %swap3A_332] {strides = array<i32>} : memref<2x128x128xf32, #tpu.memory_space<vmem>>, vector<16xf32>,
          tpu.vector_store %arg12[%swap3A_330, %swap3A_331, %swap3A_332], %mul3A_329 {strides = array<i32>} : memref<2x128x128xf32, #tpu.memory_space<vmem>>, vector<16xf32>,
          %get3A_334 = arith.index_cast %rem3A_42 : i32 to index
          %get3A_335 = arith.index_cast %add3A_304 : i32 to index
          %get3A_336 = arith.constant 48 : index
          %get3A_337 = tpu.vector_load %arg12[%get3A_334, %get3A_335, %get3A_336] {strides = array<i32>} : memref<2x128x128xf32, #tpu.memory_space<vmem>>, vector<16xf32>,
          %mul3A_338 = arith.mulf %get3A_337, %gather3A_306 : vector<16xf32>
          %swap3A_339 = arith.index_cast %rem3A_42 : i32 to index
          %swap3A_340 = arith.index_cast %add3A_304 : i32 to index
          %swap3A_341 = arith.constant 48 : index
          %swap3A_342 = tpu.vector_load %arg12[%swap3A_339, %swap3A_340, %swap3A_341] {strides = array<i32>} : memref<2x128x128xf32, #tpu.memory_space<vmem>>, vector<16xf32>,
          tpu.vector_store %arg12[%swap3A_339, %swap3A_340, %swap3A_341], %mul3A_338 {strides = array<i32>} : memref<2x128x128xf32, #tpu.memory_space<vmem>>, vector<16xf32>,
          %get3A_343 = arith.index_cast %rem3A_42 : i32 to index
          %get3A_344 = arith.index_cast %add3A_304 : i32 to index
          %get3A_345 = arith.constant 64 : index
          %get3A_346 = tpu.vector_load %arg12[%get3A_343, %get3A_344, %get3A_345] {strides = array<i32>} : memref<2x128x128xf32, #tpu.memory_space<vmem>>, vector<16xf32>,
          %mul3A_347 = arith.mulf %get3A_346, %gather3A_306 : vector<16xf32>
          %swap3A_348 = arith.index_cast %rem3A_42 : i32 to index
          %swap3A_349 = arith.index_cast %add3A_304 : i32 to index
          %swap3A_350 = arith.constant 64 : index
          %swap3A_351 = tpu.vector_load %arg12[%swap3A_348, %swap3A_349, %swap3A_350] {strides = array<i32>} : memref<2x128x128xf32, #tpu.memory_space<vmem>>, vector<16xf32>,
          tpu.vector_store %arg12[%swap3A_348, %swap3A_349, %swap3A_350], %mul3A_347 {strides = array<i32>} : memref<2x128x128xf32, #tpu.memory_space<vmem>>, vector<16xf32>,
          %get3A_352 = arith.index_cast %rem3A_42 : i32 to index
          %get3A_353 = arith.index_cast %add3A_304 : i32 to index
          %get3A_354 = arith.constant 80 : index
          %get3A_355 = tpu.vector_load %arg12[%get3A_352, %get3A_353, %get3A_354] {strides = array<i32>} : memref<2x128x128xf32, #tpu.memory_space<vmem>>, vector<16xf32>,
          %mul3A_356 = arith.mulf %get3A_355, %gather3A_306 : vector<16xf32>
          %swap3A_357 = arith.index_cast %rem3A_42 : i32 to index
          %swap3A_358 = arith.index_cast %add3A_304 : i32 to index
          %swap3A_359 = arith.constant 80 : index
          %swap3A_360 = tpu.vector_load %arg12[%swap3A_357, %swap3A_358, %swap3A_359] {strides = array<i32>} : memref<2x128x128xf32, #tpu.memory_space<vmem>>, vector<16xf32>,
          tpu.vector_store %arg12[%swap3A_357, %swap3A_358, %swap3A_359], %mul3A_356 {strides = array<i32>} : memref<2x128x128xf32, #tpu.memory_space<vmem>>, vector<16xf32>,
          %get3A_361 = arith.index_cast %rem3A_42 : i32 to index
          %get3A_362 = arith.index_cast %add3A_304 : i32 to index
          %get3A_363 = arith.constant 96 : index
          %get3A_364 = tpu.vector_load %arg12[%get3A_361, %get3A_362, %get3A_363] {strides = array<i32>} : memref<2x128x128xf32, #tpu.memory_space<vmem>>, vector<16xf32>,
          %mul3A_365 = arith.mulf %get3A_364, %gather3A_306 : vector<16xf32>
          %swap3A_366 = arith.index_cast %rem3A_42 : i32 to index
          %swap3A_367 = arith.index_cast %add3A_304 : i32 to index
          %swap3A_368 = arith.constant 96 : index
          %swap3A_369 = tpu.vector_load %arg12[%swap3A_366, %swap3A_367, %swap3A_368] {strides = array<i32>} : memref<2x128x128xf32, #tpu.memory_space<vmem>>, vector<16xf32>,
          tpu.vector_store %arg12[%swap3A_366, %swap3A_367, %swap3A_368], %mul3A_365 {strides = array<i32>} : memref<2x128x128xf32, #tpu.memory_space<vmem>>, vector<16xf32>,
          %get3A_370 = arith.index_cast %rem3A_42 : i32 to index
          %get3A_371 = arith.index_cast %add3A_304 : i32 to index
          %get3A_372 = arith.constant 112 : index
          %get3A_373 = tpu.vector_load %arg12[%get3A_370, %get3A_371, %get3A_372] {strides = array<i32>} : memref<2x128x128xf32, #tpu.memory_space<vmem>>, vector<16xf32>,
          %mul3A_374 = arith.mulf %get3A_373, %gather3A_306 : vector<16xf32>
          %swap3A_375 = arith.index_cast %rem3A_42 : i32 to index
          %swap3A_376 = arith.index_cast %add3A_304 : i32 to index
          %swap3A_377 = arith.constant 112 : index
          %swap3A_378 = tpu.vector_load %arg12[%swap3A_375, %swap3A_376, %swap3A_377] {strides = array<i32>} : memref<2x128x128xf32, #tpu.memory_space<vmem>>, vector<16xf32>,
          tpu.vector_store %arg12[%swap3A_375, %swap3A_376, %swap3A_377], %mul3A_374 {strides = array<i32>} : memref<2x128x128xf32, #tpu.memory_space<vmem>>, vector<16xf32>,
          %mul3A_379 = arith.constant 8 : i32
          %mul3A_380 = arith.muli %scan3A_69, %mul3A_379 : i32
          %add3A_381 = arith.constant 4 : i32
          %add3A_382 = arith.addi %mul3A_380, %add3A_381 : i32
          %broadcast_in_dim3A_383 = vector.broadcast %add3A_382 : i32 to vector<16xi32>
          %gather3A_384 = tpu.vector_load_idx %arg11[%broadcast_in_dim3A, %broadcast_in_dim3A_383] : memref<16x128xf32, #tpu.memory_space<vmem>>[vector<16xi32>, vector<16xi32>], vector<16xf32>,
          %get3A_385 = arith.index_cast %rem3A_42 : i32 to index
          %get3A_386 = arith.index_cast %add3A_382 : i32 to index
          %get3A_387 = arith.constant 0 : index
          %get3A_388 = tpu.vector_load %arg12[%get3A_385, %get3A_386, %get3A_387] {strides = array<i32>} : memref<2x128x128xf32, #tpu.memory_space<vmem>>, vector<16xf32>,
          %mul3A_389 = arith.mulf %get3A_388, %gather3A_384 : vector<16xf32>
          %swap3A_390 = arith.index_cast %rem3A_42 : i32 to index
          %swap3A_391 = arith.index_cast %add3A_382 : i32 to index
          %swap3A_392 = arith.constant 0 : index
          %swap3A_393 = tpu.vector_load %arg12[%swap3A_390, %swap3A_391, %swap3A_392] {strides = array<i32>} : memref<2x128x128xf32, #tpu.memory_space<vmem>>, vector<16xf32>,
          tpu.vector_store %arg12[%swap3A_390, %swap3A_391, %swap3A_392], %mul3A_389 {strides = array<i32>} : memref<2x128x128xf32, #tpu.memory_space<vmem>>, vector<16xf32>,
          %get3A_394 = arith.index_cast %rem3A_42 : i32 to index
          %get3A_395 = arith.index_cast %add3A_382 : i32 to index
          %get3A_396 = arith.constant 16 : index
          %get3A_397 = tpu.vector_load %arg12[%get3A_394, %get3A_395, %get3A_396] {strides = array<i32>} : memref<2x128x128xf32, #tpu.memory_space<vmem>>, vector<16xf32>,
          %mul3A_398 = arith.mulf %get3A_397, %gather3A_384 : vector<16xf32>
          %swap3A_399 = arith.index_cast %rem3A_42 : i32 to index
          %swap3A_400 = arith.index_cast %add3A_382 : i32 to index
          %swap3A_401 = arith.constant 16 : index
          %swap3A_402 = tpu.vector_load %arg12[%swap3A_399, %swap3A_400, %swap3A_401] {strides = array<i32>} : memref<2x128x128xf32, #tpu.memory_space<vmem>>, vector<16xf32>,
          tpu.vector_store %arg12[%swap3A_399, %swap3A_400, %swap3A_401], %mul3A_398 {strides = array<i32>} : memref<2x128x128xf32, #tpu.memory_space<vmem>>, vector<16xf32>,
          %get3A_403 = arith.index_cast %rem3A_42 : i32 to index
          %get3A_404 = arith.index_cast %add3A_382 : i32 to index
          %get3A_405 = arith.constant 32 : index
          %get3A_406 = tpu.vector_load %arg12[%get3A_403, %get3A_404, %get3A_405] {strides = array<i32>} : memref<2x128x128xf32, #tpu.memory_space<vmem>>, vector<16xf32>,
          %mul3A_407 = arith.mulf %get3A_406, %gather3A_384 : vector<16xf32>
          %swap3A_408 = arith.index_cast %rem3A_42 : i32 to index
          %swap3A_409 = arith.index_cast %add3A_382 : i32 to index
          %swap3A_410 = arith.constant 32 : index
          %swap3A_411 = tpu.vector_load %arg12[%swap3A_408, %swap3A_409, %swap3A_410] {strides = array<i32>} : memref<2x128x128xf32, #tpu.memory_space<vmem>>, vector<16xf32>,
          tpu.vector_store %arg12[%swap3A_408, %swap3A_409, %swap3A_410], %mul3A_407 {strides = array<i32>} : memref<2x128x128xf32, #tpu.memory_space<vmem>>, vector<16xf32>,
          %get3A_412 = arith.index_cast %rem3A_42 : i32 to index
          %get3A_413 = arith.index_cast %add3A_382 : i32 to index
          %get3A_414 = arith.constant 48 : index
          %get3A_415 = tpu.vector_load %arg12[%get3A_412, %get3A_413, %get3A_414] {strides = array<i32>} : memref<2x128x128xf32, #tpu.memory_space<vmem>>, vector<16xf32>,
          %mul3A_416 = arith.mulf %get3A_415, %gather3A_384 : vector<16xf32>
          %swap3A_417 = arith.index_cast %rem3A_42 : i32 to index
          %swap3A_418 = arith.index_cast %add3A_382 : i32 to index
          %swap3A_419 = arith.constant 48 : index
          %swap3A_420 = tpu.vector_load %arg12[%swap3A_417, %swap3A_418, %swap3A_419] {strides = array<i32>} : memref<2x128x128xf32, #tpu.memory_space<vmem>>, vector<16xf32>,
          tpu.vector_store %arg12[%swap3A_417, %swap3A_418, %swap3A_419], %mul3A_416 {strides = array<i32>} : memref<2x128x128xf32, #tpu.memory_space<vmem>>, vector<16xf32>,
          %get3A_421 = arith.index_cast %rem3A_42 : i32 to index
          %get3A_422 = arith.index_cast %add3A_382 : i32 to index
          %get3A_423 = arith.constant 64 : index
          %get3A_424 = tpu.vector_load %arg12[%get3A_421, %get3A_422, %get3A_423] {strides = array<i32>} : memref<2x128x128xf32, #tpu.memory_space<vmem>>, vector<16xf32>,
          %mul3A_425 = arith.mulf %get3A_424, %gather3A_384 : vector<16xf32>
          %swap3A_426 = arith.index_cast %rem3A_42 : i32 to index
          %swap3A_427 = arith.index_cast %add3A_382 : i32 to index
          %swap3A_428 = arith.constant 64 : index
          %swap3A_429 = tpu.vector_load %arg12[%swap3A_426, %swap3A_427, %swap3A_428] {strides = array<i32>} : memref<2x128x128xf32, #tpu.memory_space<vmem>>, vector<16xf32>,
          tpu.vector_store %arg12[%swap3A_426, %swap3A_427, %swap3A_428], %mul3A_425 {strides = array<i32>} : memref<2x128x128xf32, #tpu.memory_space<vmem>>, vector<16xf32>,
          %get3A_430 = arith.index_cast %rem3A_42 : i32 to index
          %get3A_431 = arith.index_cast %add3A_382 : i32 to index
          %get3A_432 = arith.constant 80 : index
          %get3A_433 = tpu.vector_load %arg12[%get3A_430, %get3A_431, %get3A_432] {strides = array<i32>} : memref<2x128x128xf32, #tpu.memory_space<vmem>>, vector<16xf32>,
          %mul3A_434 = arith.mulf %get3A_433, %gather3A_384 : vector<16xf32>
          %swap3A_435 = arith.index_cast %rem3A_42 : i32 to index
          %swap3A_436 = arith.index_cast %add3A_382 : i32 to index
          %swap3A_437 = arith.constant 80 : index
          %swap3A_438 = tpu.vector_load %arg12[%swap3A_435, %swap3A_436, %swap3A_437] {strides = array<i32>} : memref<2x128x128xf32, #tpu.memory_space<vmem>>, vector<16xf32>,
          tpu.vector_store %arg12[%swap3A_435, %swap3A_436, %swap3A_437], %mul3A_434 {strides = array<i32>} : memref<2x128x128xf32, #tpu.memory_space<vmem>>, vector<16xf32>,
          %get3A_439 = arith.index_cast %rem3A_42 : i32 to index
          %get3A_440 = arith.index_cast %add3A_382 : i32 to index
          %get3A_441 = arith.constant 96 : index
          %get3A_442 = tpu.vector_load %arg12[%get3A_439, %get3A_440, %get3A_441] {strides = array<i32>} : memref<2x128x128xf32, #tpu.memory_space<vmem>>, vector<16xf32>,
          %mul3A_443 = arith.mulf %get3A_442, %gather3A_384 : vector<16xf32>
          %swap3A_444 = arith.index_cast %rem3A_42 : i32 to index
          %swap3A_445 = arith.index_cast %add3A_382 : i32 to index
          %swap3A_446 = arith.constant 96 : index
          %swap3A_447 = tpu.vector_load %arg12[%swap3A_444, %swap3A_445, %swap3A_446] {strides = array<i32>} : memref<2x128x128xf32, #tpu.memory_space<vmem>>, vector<16xf32>,
          tpu.vector_store %arg12[%swap3A_444, %swap3A_445, %swap3A_446], %mul3A_443 {strides = array<i32>} : memref<2x128x128xf32, #tpu.memory_space<vmem>>, vector<16xf32>,
          %get3A_448 = arith.index_cast %rem3A_42 : i32 to index
          %get3A_449 = arith.index_cast %add3A_382 : i32 to index
          %get3A_450 = arith.constant 112 : index
          %get3A_451 = tpu.vector_load %arg12[%get3A_448, %get3A_449, %get3A_450] {strides = array<i32>} : memref<2x128x128xf32, #tpu.memory_space<vmem>>, vector<16xf32>,
          %mul3A_452 = arith.mulf %get3A_451, %gather3A_384 : vector<16xf32>
          %swap3A_453 = arith.index_cast %rem3A_42 : i32 to index
          %swap3A_454 = arith.index_cast %add3A_382 : i32 to index
          %swap3A_455 = arith.constant 112 : index
          %swap3A_456 = tpu.vector_load %arg12[%swap3A_453, %swap3A_454, %swap3A_455] {strides = array<i32>} : memref<2x128x128xf32, #tpu.memory_space<vmem>>, vector<16xf32>,
          tpu.vector_store %arg12[%swap3A_453, %swap3A_454, %swap3A_455], %mul3A_452 {strides = array<i32>} : memref<2x128x128xf32, #tpu.memory_space<vmem>>, vector<16xf32>,
          %mul3A_457 = arith.constant 8 : i32
          %mul3A_458 = arith.muli %scan3A_69, %mul3A_457 : i32
          %add3A_459 = arith.constant 5 : i32
          %add3A_460 = arith.addi %mul3A_458, %add3A_459 : i32
          %broadcast_in_dim3A_461 = vector.broadcast %add3A_460 : i32 to vector<16xi32>
          %gather3A_462 = tpu.vector_load_idx %arg11[%broadcast_in_dim3A, %broadcast_in_dim3A_461] : memref<16x128xf32, #tpu.memory_space<vmem>>[vector<16xi32>, vector<16xi32>], vector<16xf32>,
          %get3A_463 = arith.index_cast %rem3A_42 : i32 to index
          %get3A_464 = arith.index_cast %add3A_460 : i32 to index
          %get3A_465 = arith.constant 0 : index
          %get3A_466 = tpu.vector_load %arg12[%get3A_463, %get3A_464, %get3A_465] {strides = array<i32>} : memref<2x128x128xf32, #tpu.memory_space<vmem>>, vector<16xf32>,
          %mul3A_467 = arith.mulf %get3A_466, %gather3A_462 : vector<16xf32>
          %swap3A_468 = arith.index_cast %rem3A_42 : i32 to index
          %swap3A_469 = arith.index_cast %add3A_460 : i32 to index
          %swap3A_470 = arith.constant 0 : index
          %swap3A_471 = tpu.vector_load %arg12[%swap3A_468, %swap3A_469, %swap3A_470] {strides = array<i32>} : memref<2x128x128xf32, #tpu.memory_space<vmem>>, vector<16xf32>,
          tpu.vector_store %arg12[%swap3A_468, %swap3A_469, %swap3A_470], %mul3A_467 {strides = array<i32>} : memref<2x128x128xf32, #tpu.memory_space<vmem>>, vector<16xf32>,
          %get3A_472 = arith.index_cast %rem3A_42 : i32 to index
          %get3A_473 = arith.index_cast %add3A_460 : i32 to index
          %get3A_474 = arith.constant 16 : index
          %get3A_475 = tpu.vector_load %arg12[%get3A_472, %get3A_473, %get3A_474] {strides = array<i32>} : memref<2x128x128xf32, #tpu.memory_space<vmem>>, vector<16xf32>,
          %mul3A_476 = arith.mulf %get3A_475, %gather3A_462 : vector<16xf32>
          %swap3A_477 = arith.index_cast %rem3A_42 : i32 to index
          %swap3A_478 = arith.index_cast %add3A_460 : i32 to index
          %swap3A_479 = arith.constant 16 : index
          %swap3A_480 = tpu.vector_load %arg12[%swap3A_477, %swap3A_478, %swap3A_479] {strides = array<i32>} : memref<2x128x128xf32, #tpu.memory_space<vmem>>, vector<16xf32>,
          tpu.vector_store %arg12[%swap3A_477, %swap3A_478, %swap3A_479], %mul3A_476 {strides = array<i32>} : memref<2x128x128xf32, #tpu.memory_space<vmem>>, vector<16xf32>,
          %get3A_481 = arith.index_cast %rem3A_42 : i32 to index
          %get3A_482 = arith.index_cast %add3A_460 : i32 to index
          %get3A_483 = arith.constant 32 : index
          %get3A_484 = tpu.vector_load %arg12[%get3A_481, %get3A_482, %get3A_483] {strides = array<i32>} : memref<2x128x128xf32, #tpu.memory_space<vmem>>, vector<16xf32>,
          %mul3A_485 = arith.mulf %get3A_484, %gather3A_462 : vector<16xf32>
          %swap3A_486 = arith.index_cast %rem3A_42 : i32 to index
          %swap3A_487 = arith.index_cast %add3A_460 : i32 to index
          %swap3A_488 = arith.constant 32 : index
          %swap3A_489 = tpu.vector_load %arg12[%swap3A_486, %swap3A_487, %swap3A_488] {strides = array<i32>} : memref<2x128x128xf32, #tpu.memory_space<vmem>>, vector<16xf32>,
          tpu.vector_store %arg12[%swap3A_486, %swap3A_487, %swap3A_488], %mul3A_485 {strides = array<i32>} : memref<2x128x128xf32, #tpu.memory_space<vmem>>, vector<16xf32>,
          %get3A_490 = arith.index_cast %rem3A_42 : i32 to index
          %get3A_491 = arith.index_cast %add3A_460 : i32 to index
          %get3A_492 = arith.constant 48 : index
          %get3A_493 = tpu.vector_load %arg12[%get3A_490, %get3A_491, %get3A_492] {strides = array<i32>} : memref<2x128x128xf32, #tpu.memory_space<vmem>>, vector<16xf32>,
          %mul3A_494 = arith.mulf %get3A_493, %gather3A_462 : vector<16xf32>
          %swap3A_495 = arith.index_cast %rem3A_42 : i32 to index
          %swap3A_496 = arith.index_cast %add3A_460 : i32 to index
          %swap3A_497 = arith.constant 48 : index
          %swap3A_498 = tpu.vector_load %arg12[%swap3A_495, %swap3A_496, %swap3A_497] {strides = array<i32>} : memref<2x128x128xf32, #tpu.memory_space<vmem>>, vector<16xf32>,
          tpu.vector_store %arg12[%swap3A_495, %swap3A_496, %swap3A_497], %mul3A_494 {strides = array<i32>} : memref<2x128x128xf32, #tpu.memory_space<vmem>>, vector<16xf32>,
          %get3A_499 = arith.index_cast %rem3A_42 : i32 to index
          %get3A_500 = arith.index_cast %add3A_460 : i32 to index
          %get3A_501 = arith.constant 64 : index
          %get3A_502 = tpu.vector_load %arg12[%get3A_499, %get3A_500, %get3A_501] {strides = array<i32>} : memref<2x128x128xf32, #tpu.memory_space<vmem>>, vector<16xf32>,
          %mul3A_503 = arith.mulf %get3A_502, %gather3A_462 : vector<16xf32>
          %swap3A_504 = arith.index_cast %rem3A_42 : i32 to index
          %swap3A_505 = arith.index_cast %add3A_460 : i32 to index
          %swap3A_506 = arith.constant 64 : index
          %swap3A_507 = tpu.vector_load %arg12[%swap3A_504, %swap3A_505, %swap3A_506] {strides = array<i32>} : memref<2x128x128xf32, #tpu.memory_space<vmem>>, vector<16xf32>,
          tpu.vector_store %arg12[%swap3A_504, %swap3A_505, %swap3A_506], %mul3A_503 {strides = array<i32>} : memref<2x128x128xf32, #tpu.memory_space<vmem>>, vector<16xf32>,
          %get3A_508 = arith.index_cast %rem3A_42 : i32 to index
          %get3A_509 = arith.index_cast %add3A_460 : i32 to index
          %get3A_510 = arith.constant 80 : index
          %get3A_511 = tpu.vector_load %arg12[%get3A_508, %get3A_509, %get3A_510] {strides = array<i32>} : memref<2x128x128xf32, #tpu.memory_space<vmem>>, vector<16xf32>,
          %mul3A_512 = arith.mulf %get3A_511, %gather3A_462 : vector<16xf32>
          %swap3A_513 = arith.index_cast %rem3A_42 : i32 to index
          %swap3A_514 = arith.index_cast %add3A_460 : i32 to index
          %swap3A_515 = arith.constant 80 : index
          %swap3A_516 = tpu.vector_load %arg12[%swap3A_513, %swap3A_514, %swap3A_515] {strides = array<i32>} : memref<2x128x128xf32, #tpu.memory_space<vmem>>, vector<16xf32>,
          tpu.vector_store %arg12[%swap3A_513, %swap3A_514, %swap3A_515], %mul3A_512 {strides = array<i32>} : memref<2x128x128xf32, #tpu.memory_space<vmem>>, vector<16xf32>,
          %get3A_517 = arith.index_cast %rem3A_42 : i32 to index
          %get3A_518 = arith.index_cast %add3A_460 : i32 to index
          %get3A_519 = arith.constant 96 : index
          %get3A_520 = tpu.vector_load %arg12[%get3A_517, %get3A_518, %get3A_519] {strides = array<i32>} : memref<2x128x128xf32, #tpu.memory_space<vmem>>, vector<16xf32>,
          %mul3A_521 = arith.mulf %get3A_520, %gather3A_462 : vector<16xf32>
          %swap3A_522 = arith.index_cast %rem3A_42 : i32 to index
          %swap3A_523 = arith.index_cast %add3A_460 : i32 to index
          %swap3A_524 = arith.constant 96 : index
          %swap3A_525 = tpu.vector_load %arg12[%swap3A_522, %swap3A_523, %swap3A_524] {strides = array<i32>} : memref<2x128x128xf32, #tpu.memory_space<vmem>>, vector<16xf32>,
          tpu.vector_store %arg12[%swap3A_522, %swap3A_523, %swap3A_524], %mul3A_521 {strides = array<i32>} : memref<2x128x128xf32, #tpu.memory_space<vmem>>, vector<16xf32>,
          %get3A_526 = arith.index_cast %rem3A_42 : i32 to index
          %get3A_527 = arith.index_cast %add3A_460 : i32 to index
          %get3A_528 = arith.constant 112 : index
          %get3A_529 = tpu.vector_load %arg12[%get3A_526, %get3A_527, %get3A_528] {strides = array<i32>} : memref<2x128x128xf32, #tpu.memory_space<vmem>>, vector<16xf32>,
          %mul3A_530 = arith.mulf %get3A_529, %gather3A_462 : vector<16xf32>
          %swap3A_531 = arith.index_cast %rem3A_42 : i32 to index
          %swap3A_532 = arith.index_cast %add3A_460 : i32 to index
          %swap3A_533 = arith.constant 112 : index
          %swap3A_534 = tpu.vector_load %arg12[%swap3A_531, %swap3A_532, %swap3A_533] {strides = array<i32>} : memref<2x128x128xf32, #tpu.memory_space<vmem>>, vector<16xf32>,
          tpu.vector_store %arg12[%swap3A_531, %swap3A_532, %swap3A_533], %mul3A_530 {strides = array<i32>} : memref<2x128x128xf32, #tpu.memory_space<vmem>>, vector<16xf32>,
          %mul3A_535 = arith.constant 8 : i32
          %mul3A_536 = arith.muli %scan3A_69, %mul3A_535 : i32
          %add3A_537 = arith.constant 6 : i32
          %add3A_538 = arith.addi %mul3A_536, %add3A_537 : i32
          %broadcast_in_dim3A_539 = vector.broadcast %add3A_538 : i32 to vector<16xi32>
          %gather3A_540 = tpu.vector_load_idx %arg11[%broadcast_in_dim3A, %broadcast_in_dim3A_539] : memref<16x128xf32, #tpu.memory_space<vmem>>[vector<16xi32>, vector<16xi32>], vector<16xf32>,
          %get3A_541 = arith.index_cast %rem3A_42 : i32 to index
          %get3A_542 = arith.index_cast %add3A_538 : i32 to index
          %get3A_543 = arith.constant 0 : index
          %get3A_544 = tpu.vector_load %arg12[%get3A_541, %get3A_542, %get3A_543] {strides = array<i32>} : memref<2x128x128xf32, #tpu.memory_space<vmem>>, vector<16xf32>,
          %mul3A_545 = arith.mulf %get3A_544, %gather3A_540 : vector<16xf32>
          %swap3A_546 = arith.index_cast %rem3A_42 : i32 to index
          %swap3A_547 = arith.index_cast %add3A_538 : i32 to index
          %swap3A_548 = arith.constant 0 : index
          %swap3A_549 = tpu.vector_load %arg12[%swap3A_546, %swap3A_547, %swap3A_548] {strides = array<i32>} : memref<2x128x128xf32, #tpu.memory_space<vmem>>, vector<16xf32>,
          tpu.vector_store %arg12[%swap3A_546, %swap3A_547, %swap3A_548], %mul3A_545 {strides = array<i32>} : memref<2x128x128xf32, #tpu.memory_space<vmem>>, vector<16xf32>,
          %get3A_550 = arith.index_cast %rem3A_42 : i32 to index
          %get3A_551 = arith.index_cast %add3A_538 : i32 to index
          %get3A_552 = arith.constant 16 : index
          %get3A_553 = tpu.vector_load %arg12[%get3A_550, %get3A_551, %get3A_552] {strides = array<i32>} : memref<2x128x128xf32, #tpu.memory_space<vmem>>, vector<16xf32>,
          %mul3A_554 = arith.mulf %get3A_553, %gather3A_540 : vector<16xf32>
          %swap3A_555 = arith.index_cast %rem3A_42 : i32 to index
          %swap3A_556 = arith.index_cast %add3A_538 : i32 to index
          %swap3A_557 = arith.constant 16 : index
          %swap3A_558 = tpu.vector_load %arg12[%swap3A_555, %swap3A_556, %swap3A_557] {strides = array<i32>} : memref<2x128x128xf32, #tpu.memory_space<vmem>>, vector<16xf32>,
          tpu.vector_store %arg12[%swap3A_555, %swap3A_556, %swap3A_557], %mul3A_554 {strides = array<i32>} : memref<2x128x128xf32, #tpu.memory_space<vmem>>, vector<16xf32>,
          %get3A_559 = arith.index_cast %rem3A_42 : i32 to index
          %get3A_560 = arith.index_cast %add3A_538 : i32 to index
          %get3A_561 = arith.constant 32 : index
          %get3A_562 = tpu.vector_load %arg12[%get3A_559, %get3A_560, %get3A_561] {strides = array<i32>} : memref<2x128x128xf32, #tpu.memory_space<vmem>>, vector<16xf32>,
          %mul3A_563 = arith.mulf %get3A_562, %gather3A_540 : vector<16xf32>
          %swap3A_564 = arith.index_cast %rem3A_42 : i32 to index
          %swap3A_565 = arith.index_cast %add3A_538 : i32 to index
          %swap3A_566 = arith.constant 32 : index
          %swap3A_567 = tpu.vector_load %arg12[%swap3A_564, %swap3A_565, %swap3A_566] {strides = array<i32>} : memref<2x128x128xf32, #tpu.memory_space<vmem>>, vector<16xf32>,
          tpu.vector_store %arg12[%swap3A_564, %swap3A_565, %swap3A_566], %mul3A_563 {strides = array<i32>} : memref<2x128x128xf32, #tpu.memory_space<vmem>>, vector<16xf32>,
          %get3A_568 = arith.index_cast %rem3A_42 : i32 to index
          %get3A_569 = arith.index_cast %add3A_538 : i32 to index
          %get3A_570 = arith.constant 48 : index
          %get3A_571 = tpu.vector_load %arg12[%get3A_568, %get3A_569, %get3A_570] {strides = array<i32>} : memref<2x128x128xf32, #tpu.memory_space<vmem>>, vector<16xf32>,
          %mul3A_572 = arith.mulf %get3A_571, %gather3A_540 : vector<16xf32>
          %swap3A_573 = arith.index_cast %rem3A_42 : i32 to index
          %swap3A_574 = arith.index_cast %add3A_538 : i32 to index
          %swap3A_575 = arith.constant 48 : index
          %swap3A_576 = tpu.vector_load %arg12[%swap3A_573, %swap3A_574, %swap3A_575] {strides = array<i32>} : memref<2x128x128xf32, #tpu.memory_space<vmem>>, vector<16xf32>,
          tpu.vector_store %arg12[%swap3A_573, %swap3A_574, %swap3A_575], %mul3A_572 {strides = array<i32>} : memref<2x128x128xf32, #tpu.memory_space<vmem>>, vector<16xf32>,
          %get3A_577 = arith.index_cast %rem3A_42 : i32 to index
          %get3A_578 = arith.index_cast %add3A_538 : i32 to index
          %get3A_579 = arith.constant 64 : index
          %get3A_580 = tpu.vector_load %arg12[%get3A_577, %get3A_578, %get3A_579] {strides = array<i32>} : memref<2x128x128xf32, #tpu.memory_space<vmem>>, vector<16xf32>,
          %mul3A_581 = arith.mulf %get3A_580, %gather3A_540 : vector<16xf32>
          %swap3A_582 = arith.index_cast %rem3A_42 : i32 to index
          %swap3A_583 = arith.index_cast %add3A_538 : i32 to index
          %swap3A_584 = arith.constant 64 : index
          %swap3A_585 = tpu.vector_load %arg12[%swap3A_582, %swap3A_583, %swap3A_584] {strides = array<i32>} : memref<2x128x128xf32, #tpu.memory_space<vmem>>, vector<16xf32>,
          tpu.vector_store %arg12[%swap3A_582, %swap3A_583, %swap3A_584], %mul3A_581 {strides = array<i32>} : memref<2x128x128xf32, #tpu.memory_space<vmem>>, vector<16xf32>,
          %get3A_586 = arith.index_cast %rem3A_42 : i32 to index
          %get3A_587 = arith.index_cast %add3A_538 : i32 to index
          %get3A_588 = arith.constant 80 : index
          %get3A_589 = tpu.vector_load %arg12[%get3A_586, %get3A_587, %get3A_588] {strides = array<i32>} : memref<2x128x128xf32, #tpu.memory_space<vmem>>, vector<16xf32>,
          %mul3A_590 = arith.mulf %get3A_589, %gather3A_540 : vector<16xf32>
          %swap3A_591 = arith.index_cast %rem3A_42 : i32 to index
          %swap3A_592 = arith.index_cast %add3A_538 : i32 to index
          %swap3A_593 = arith.constant 80 : index
          %swap3A_594 = tpu.vector_load %arg12[%swap3A_591, %swap3A_592, %swap3A_593] {strides = array<i32>} : memref<2x128x128xf32, #tpu.memory_space<vmem>>, vector<16xf32>,
          tpu.vector_store %arg12[%swap3A_591, %swap3A_592, %swap3A_593], %mul3A_590 {strides = array<i32>} : memref<2x128x128xf32, #tpu.memory_space<vmem>>, vector<16xf32>,
          %get3A_595 = arith.index_cast %rem3A_42 : i32 to index
          %get3A_596 = arith.index_cast %add3A_538 : i32 to index
          %get3A_597 = arith.constant 96 : index
          %get3A_598 = tpu.vector_load %arg12[%get3A_595, %get3A_596, %get3A_597] {strides = array<i32>} : memref<2x128x128xf32, #tpu.memory_space<vmem>>, vector<16xf32>,
          %mul3A_599 = arith.mulf %get3A_598, %gather3A_540 : vector<16xf32>
          %swap3A_600 = arith.index_cast %rem3A_42 : i32 to index
          %swap3A_601 = arith.index_cast %add3A_538 : i32 to index
          %swap3A_602 = arith.constant 96 : index
          %swap3A_603 = tpu.vector_load %arg12[%swap3A_600, %swap3A_601, %swap3A_602] {strides = array<i32>} : memref<2x128x128xf32, #tpu.memory_space<vmem>>, vector<16xf32>,
          tpu.vector_store %arg12[%swap3A_600, %swap3A_601, %swap3A_602], %mul3A_599 {strides = array<i32>} : memref<2x128x128xf32, #tpu.memory_space<vmem>>, vector<16xf32>,
          %get3A_604 = arith.index_cast %rem3A_42 : i32 to index
          %get3A_605 = arith.index_cast %add3A_538 : i32 to index
          %get3A_606 = arith.constant 112 : index
          %get3A_607 = tpu.vector_load %arg12[%get3A_604, %get3A_605, %get3A_606] {strides = array<i32>} : memref<2x128x128xf32, #tpu.memory_space<vmem>>, vector<16xf32>,
          %mul3A_608 = arith.mulf %get3A_607, %gather3A_540 : vector<16xf32>
          %swap3A_609 = arith.index_cast %rem3A_42 : i32 to index
          %swap3A_610 = arith.index_cast %add3A_538 : i32 to index
          %swap3A_611 = arith.constant 112 : index
          %swap3A_612 = tpu.vector_load %arg12[%swap3A_609, %swap3A_610, %swap3A_611] {strides = array<i32>} : memref<2x128x128xf32, #tpu.memory_space<vmem>>, vector<16xf32>,
          tpu.vector_store %arg12[%swap3A_609, %swap3A_610, %swap3A_611], %mul3A_608 {strides = array<i32>} : memref<2x128x128xf32, #tpu.memory_space<vmem>>, vector<16xf32>,
          %mul3A_613 = arith.constant 8 : i32
          %mul3A_614 = arith.muli %scan3A_69, %mul3A_613 : i32
          %add3A_615 = arith.constant 7 : i32
          %add3A_616 = arith.addi %mul3A_614, %add3A_615 : i32
          %broadcast_in_dim3A_617 = vector.broadcast %add3A_616 : i32 to vector<16xi32>
          %gather3A_618 = tpu.vector_load_idx %arg11[%broadcast_in_dim3A, %broadcast_in_dim3A_617] : memref<16x128xf32, #tpu.memory_space<vmem>>[vector<16xi32>, vector<16xi32>], vector<16xf32>,
          %get3A_619 = arith.index_cast %rem3A_42 : i32 to index
          %get3A_620 = arith.index_cast %add3A_616 : i32 to index
          %get3A_621 = arith.constant 0 : index
          %get3A_622 = tpu.vector_load %arg12[%get3A_619, %get3A_620, %get3A_621] {strides = array<i32>} : memref<2x128x128xf32, #tpu.memory_space<vmem>>, vector<16xf32>,
          %mul3A_623 = arith.mulf %get3A_622, %gather3A_618 : vector<16xf32>
          %swap3A_624 = arith.index_cast %rem3A_42 : i32 to index
          %swap3A_625 = arith.index_cast %add3A_616 : i32 to index
          %swap3A_626 = arith.constant 0 : index
          %swap3A_627 = tpu.vector_load %arg12[%swap3A_624, %swap3A_625, %swap3A_626] {strides = array<i32>} : memref<2x128x128xf32, #tpu.memory_space<vmem>>, vector<16xf32>,
          tpu.vector_store %arg12[%swap3A_624, %swap3A_625, %swap3A_626], %mul3A_623 {strides = array<i32>} : memref<2x128x128xf32, #tpu.memory_space<vmem>>, vector<16xf32>,
          %get3A_628 = arith.index_cast %rem3A_42 : i32 to index
          %get3A_629 = arith.index_cast %add3A_616 : i32 to index
          %get3A_630 = arith.constant 16 : index
          %get3A_631 = tpu.vector_load %arg12[%get3A_628, %get3A_629, %get3A_630] {strides = array<i32>} : memref<2x128x128xf32, #tpu.memory_space<vmem>>, vector<16xf32>,
          %mul3A_632 = arith.mulf %get3A_631, %gather3A_618 : vector<16xf32>
          %swap3A_633 = arith.index_cast %rem3A_42 : i32 to index
          %swap3A_634 = arith.index_cast %add3A_616 : i32 to index
          %swap3A_635 = arith.constant 16 : index
          %swap3A_636 = tpu.vector_load %arg12[%swap3A_633, %swap3A_634, %swap3A_635] {strides = array<i32>} : memref<2x128x128xf32, #tpu.memory_space<vmem>>, vector<16xf32>,
          tpu.vector_store %arg12[%swap3A_633, %swap3A_634, %swap3A_635], %mul3A_632 {strides = array<i32>} : memref<2x128x128xf32, #tpu.memory_space<vmem>>, vector<16xf32>,
          %get3A_637 = arith.index_cast %rem3A_42 : i32 to index
          %get3A_638 = arith.index_cast %add3A_616 : i32 to index
          %get3A_639 = arith.constant 32 : index
          %get3A_640 = tpu.vector_load %arg12[%get3A_637, %get3A_638, %get3A_639] {strides = array<i32>} : memref<2x128x128xf32, #tpu.memory_space<vmem>>, vector<16xf32>,
          %mul3A_641 = arith.mulf %get3A_640, %gather3A_618 : vector<16xf32>
          %swap3A_642 = arith.index_cast %rem3A_42 : i32 to index
          %swap3A_643 = arith.index_cast %add3A_616 : i32 to index
          %swap3A_644 = arith.constant 32 : index
          %swap3A_645 = tpu.vector_load %arg12[%swap3A_642, %swap3A_643, %swap3A_644] {strides = array<i32>} : memref<2x128x128xf32, #tpu.memory_space<vmem>>, vector<16xf32>,
          tpu.vector_store %arg12[%swap3A_642, %swap3A_643, %swap3A_644], %mul3A_641 {strides = array<i32>} : memref<2x128x128xf32, #tpu.memory_space<vmem>>, vector<16xf32>,
          %get3A_646 = arith.index_cast %rem3A_42 : i32 to index
          %get3A_647 = arith.index_cast %add3A_616 : i32 to index
          %get3A_648 = arith.constant 48 : index
          %get3A_649 = tpu.vector_load %arg12[%get3A_646, %get3A_647, %get3A_648] {strides = array<i32>} : memref<2x128x128xf32, #tpu.memory_space<vmem>>, vector<16xf32>,
          %mul3A_650 = arith.mulf %get3A_649, %gather3A_618 : vector<16xf32>
          %swap3A_651 = arith.index_cast %rem3A_42 : i32 to index
          %swap3A_652 = arith.index_cast %add3A_616 : i32 to index
          %swap3A_653 = arith.constant 48 : index
          %swap3A_654 = tpu.vector_load %arg12[%swap3A_651, %swap3A_652, %swap3A_653] {strides = array<i32>} : memref<2x128x128xf32, #tpu.memory_space<vmem>>, vector<16xf32>,
          tpu.vector_store %arg12[%swap3A_651, %swap3A_652, %swap3A_653], %mul3A_650 {strides = array<i32>} : memref<2x128x128xf32, #tpu.memory_space<vmem>>, vector<16xf32>,
          %get3A_655 = arith.index_cast %rem3A_42 : i32 to index
          %get3A_656 = arith.index_cast %add3A_616 : i32 to index
          %get3A_657 = arith.constant 64 : index
          %get3A_658 = tpu.vector_load %arg12[%get3A_655, %get3A_656, %get3A_657] {strides = array<i32>} : memref<2x128x128xf32, #tpu.memory_space<vmem>>, vector<16xf32>,
          %mul3A_659 = arith.mulf %get3A_658, %gather3A_618 : vector<16xf32>
          %swap3A_660 = arith.index_cast %rem3A_42 : i32 to index
          %swap3A_661 = arith.index_cast %add3A_616 : i32 to index
          %swap3A_662 = arith.constant 64 : index
          %swap3A_663 = tpu.vector_load %arg12[%swap3A_660, %swap3A_661, %swap3A_662] {strides = array<i32>} : memref<2x128x128xf32, #tpu.memory_space<vmem>>, vector<16xf32>,
          tpu.vector_store %arg12[%swap3A_660, %swap3A_661, %swap3A_662], %mul3A_659 {strides = array<i32>} : memref<2x128x128xf32, #tpu.memory_space<vmem>>, vector<16xf32>,
          %get3A_664 = arith.index_cast %rem3A_42 : i32 to index
          %get3A_665 = arith.index_cast %add3A_616 : i32 to index
          %get3A_666 = arith.constant 80 : index
          %get3A_667 = tpu.vector_load %arg12[%get3A_664, %get3A_665, %get3A_666] {strides = array<i32>} : memref<2x128x128xf32, #tpu.memory_space<vmem>>, vector<16xf32>,
          %mul3A_668 = arith.mulf %get3A_667, %gather3A_618 : vector<16xf32>
          %swap3A_669 = arith.index_cast %rem3A_42 : i32 to index
          %swap3A_670 = arith.index_cast %add3A_616 : i32 to index
          %swap3A_671 = arith.constant 80 : index
          %swap3A_672 = tpu.vector_load %arg12[%swap3A_669, %swap3A_670, %swap3A_671] {strides = array<i32>} : memref<2x128x128xf32, #tpu.memory_space<vmem>>, vector<16xf32>,
          tpu.vector_store %arg12[%swap3A_669, %swap3A_670, %swap3A_671], %mul3A_668 {strides = array<i32>} : memref<2x128x128xf32, #tpu.memory_space<vmem>>, vector<16xf32>,
          %get3A_673 = arith.index_cast %rem3A_42 : i32 to index
          %get3A_674 = arith.index_cast %add3A_616 : i32 to index
          %get3A_675 = arith.constant 96 : index
          %get3A_676 = tpu.vector_load %arg12[%get3A_673, %get3A_674, %get3A_675] {strides = array<i32>} : memref<2x128x128xf32, #tpu.memory_space<vmem>>, vector<16xf32>,
          %mul3A_677 = arith.mulf %get3A_676, %gather3A_618 : vector<16xf32>
          %swap3A_678 = arith.index_cast %rem3A_42 : i32 to index
          %swap3A_679 = arith.index_cast %add3A_616 : i32 to index
          %swap3A_680 = arith.constant 96 : index
          %swap3A_681 = tpu.vector_load %arg12[%swap3A_678, %swap3A_679, %swap3A_680] {strides = array<i32>} : memref<2x128x128xf32, #tpu.memory_space<vmem>>, vector<16xf32>,
          tpu.vector_store %arg12[%swap3A_678, %swap3A_679, %swap3A_680], %mul3A_677 {strides = array<i32>} : memref<2x128x128xf32, #tpu.memory_space<vmem>>, vector<16xf32>,
          %get3A_682 = arith.index_cast %rem3A_42 : i32 to index
          %get3A_683 = arith.index_cast %add3A_616 : i32 to index
          %get3A_684 = arith.constant 112 : index
          %get3A_685 = tpu.vector_load %arg12[%get3A_682, %get3A_683, %get3A_684] {strides = array<i32>} : memref<2x128x128xf32, #tpu.memory_space<vmem>>, vector<16xf32>,
          %mul3A_686 = arith.mulf %get3A_685, %gather3A_618 : vector<16xf32>
          %swap3A_687 = arith.index_cast %rem3A_42 : i32 to index
          %swap3A_688 = arith.index_cast %add3A_616 : i32 to index
          %swap3A_689 = arith.constant 112 : index
          %swap3A_690 = tpu.vector_load %arg12[%swap3A_687, %swap3A_688, %swap3A_689] {strides = array<i32>} : memref<2x128x128xf32, #tpu.memory_space<vmem>>, vector<16xf32>,
          tpu.vector_store %arg12[%swap3A_687, %swap3A_688, %swap3A_689], %mul3A_686 {strides = array<i32>} : memref<2x128x128xf32, #tpu.memory_space<vmem>>, vector<16xf32>,
        }
        %scan3A_68 = arith.constant 16 : i32
        "tpu.region"() ({
          %run_scoped3A = tpu.sem_alloc : memref<!tpu.dma_semaphore, #tpu.memory_space<semaphore_mem>>
          %dma_start3A = arith.constant 0 : i32
          %dma_start3A_69 = arith.constant 0 : i32
          %dma_start3A_70 = tpu.memref_slice %arg12[%rem3A_42, %dma_start3A, %dma_start3A_69] : memref<2x128x128xf32, #tpu.memory_space<vmem>> -> memref<1x128x128xf32, #tpu.memory_space<vmem>>
          %dma_start3A_71 = tpu.memref_squeeze %dma_start3A_70 : memref<1x128x128xf32, #tpu.memory_space<vmem>> -> memref<128x128xf32, #tpu.memory_space<vmem>>
          %dma_start3A_72 = arith.constant 0 : i32
          %dma_start3A_73 = tpu.memref_slice %arg10[%while3A_41, %dma_start3A_72] : memref<16x128xi32, #tpu.memory_space<vmem>> -> memref<1x128xi32, #tpu.memory_space<vmem>>
          %dma_start3A_74 = tpu.memref_squeeze %dma_start3A_73 : memref<1x128xi32, #tpu.memory_space<vmem>> -> memref<128xi32, #tpu.memory_space<vmem>>
          %dma_start3A_75 = arith.constant 0 : i32
          %dma_start3A_76 = arith.constant 0 : i32
          %dma_start3A_77 = tpu.memref_slice %arg8[%dma_start3A_75, %dma_start3A_76] : memref<10240x128xf32, #tpu.memory_space<vmem_shared>> -> memref<10240x128xf32, #tpu.memory_space<vmem_shared>>
          tpu.enqueue_indirect_dma source(%dma_start3A_71 : memref<128x128xf32, #tpu.memory_space<vmem>>) target(%dma_start3A_77 : memref<10240x128xf32, #tpu.memory_space<vmem_shared>>) offsets(%dma_start3A_74 : memref<128xi32, #tpu.memory_space<vmem>>) semaphore(%run_scoped3A : memref<!tpu.dma_semaphore, #tpu.memory_space<semaphore_mem>>) {add = true}
          %dma_wait3A_78 = arith.constant 0 : i32
          %dma_wait3A_79 = arith.constant 0 : i32
          %dma_wait3A_80 = tpu.memref_slice %arg12[%rem3A_42, %dma_wait3A_78, %dma_wait3A_79] : memref<2x128x128xf32, #tpu.memory_space<vmem>> -> memref<1x128x128xf32, #tpu.memory_space<vmem>>
          %dma_wait3A_81 = tpu.memref_squeeze %dma_wait3A_80 : memref<1x128x128xf32, #tpu.memory_space<vmem>> -> memref<128x128xf32, #tpu.memory_space<vmem>>
          %dma_wait3A_82 = arith.constant 0 : i32
          %dma_wait3A_83 = tpu.memref_slice %arg10[%while3A_41, %dma_wait3A_82] : memref<16x128xi32, #tpu.memory_space<vmem>> -> memref<1x128xi32, #tpu.memory_space<vmem>>
          %dma_wait3A_84 = tpu.memref_squeeze %dma_wait3A_83 : memref<1x128xi32, #tpu.memory_space<vmem>> -> memref<128xi32, #tpu.memory_space<vmem>>
          %dma_wait3A_85 = arith.constant 0 : i32
          %dma_wait3A_86 = arith.constant 0 : i32
          %dma_wait3A_87 = tpu.memref_slice %arg8[%dma_wait3A_85, %dma_wait3A_86] : memref<10240x128xf32, #tpu.memory_space<vmem_shared>> -> memref<10240x128xf32, #tpu.memory_space<vmem_shared>>
          tpu.wait_indirect_dma semaphore(%run_scoped3A : memref<!tpu.dma_semaphore, #tpu.memory_space<semaphore_mem>>) src(%dma_wait3A_81 : memref<128x128xf32, #tpu.memory_space<vmem>>) dst(%dma_wait3A_87 : memref<10240x128xf32, #tpu.memory_space<vmem_shared>>)
          tpu.yield
        }) : () -> ()
      }
      %while3A_40 = arith.constant 1 : i32
      scf.for %while3A_41 = %while3A_38 to %while3A_34 step %while3A_40  : i32 {
        %rem3A = arith.constant 2 : i32
        %rem3A_42 = arith.remsi %while3A_41, %rem3A : i32
        %add3A_43 = arith.constant 1 : i32
        %add3A_44 = arith.addi %while3A_41, %add3A_43 : i32
        %rem3A_45 = arith.constant 2 : i32
        %rem3A_46 = arith.remsi %add3A_44, %rem3A_45 : i32
        %add3A_47 = arith.constant 1 : i32
        %add3A_48 = arith.addi %while3A_41, %add3A_47 : i32
        %lt3A = arith.cmpi slt, %add3A_48, %min3A_29 : i32
        %convert_element_type3A_49 = arith.extui %lt3A : i1 to i32
        %cond3A_50 = arith.constant 0 : i32
        %cond3A_51 = arith.cmpi ne, %convert_element_type3A_49, %cond3A_50 : i32
        scf.if %cond3A_51 {
          %add3A_69 = arith.constant 1 : i32
          %add3A_70 = arith.addi %while3A_41, %add3A_69 : i32
          %dma_start3A = arith.constant 0 : i32
          %dma_start3A_71 = arith.constant 0 : i32
          %dma_start3A_72 = tpu.memref_slice %arg12[%rem3A_46, %dma_start3A, %dma_start3A_71] : memref<2x128x128xf32, #tpu.memory_space<vmem>> -> memref<1x128x128xf32, #tpu.memory_space<vmem>>
          %dma_start3A_73 = tpu.memref_squeeze %dma_start3A_72 : memref<1x128x128xf32, #tpu.memory_space<vmem>> -> memref<128x128xf32, #tpu.memory_space<vmem>>
          %dma_start3A_74 = arith.constant 0 : i32
          %dma_start3A_75 = tpu.memref_slice %arg9[%add3A_70, %dma_start3A_74] : memref<16x128xi32, #tpu.memory_space<vmem>> -> memref<1x128xi32, #tpu.memory_space<vmem>>
          %dma_start3A_76 = tpu.memref_squeeze %dma_start3A_75 : memref<1x128xi32, #tpu.memory_space<vmem>> -> memref<128xi32, #tpu.memory_space<vmem>>
          %dma_start3A_77 = arith.constant 0 : i32
          %dma_start3A_78 = arith.constant 0 : i32
          %dma_start3A_79 = tpu.memref_slice %arg2[%dma_start3A_77, %dma_start3A_78] : memref<10000x128xf32, #tpu.memory_space<hbm>> -> memref<10000x128xf32, #tpu.memory_space<hbm>>
          %dma_start3A_80 = tpu.memref_slice %arg13[%rem3A_46] : memref<2x!tpu.dma_semaphore, #tpu.memory_space<semaphore_mem>> -> memref<1x!tpu.dma_semaphore, #tpu.memory_space<semaphore_mem>>
          %dma_start3A_81 = tpu.memref_squeeze %dma_start3A_80 : memref<1x!tpu.dma_semaphore, #tpu.memory_space<semaphore_mem>> -> memref<!tpu.dma_semaphore, #tpu.memory_space<semaphore_mem>>
          tpu.enqueue_indirect_dma source(%dma_start3A_79 : memref<10000x128xf32, #tpu.memory_space<hbm>>) target(%dma_start3A_73 : memref<128x128xf32, #tpu.memory_space<vmem>>) offsets(%dma_start3A_76 : memref<128xi32, #tpu.memory_space<vmem>>) semaphore(%dma_start3A_81 : memref<!tpu.dma_semaphore, #tpu.memory_space<semaphore_mem>>)
        } else {
        }
        %dma_wait3A = arith.constant 0 : i32
        %dma_wait3A_52 = arith.constant 0 : i32
        %dma_wait3A_53 = tpu.memref_slice %arg12[%rem3A_42, %dma_wait3A, %dma_wait3A_52] : memref<2x128x128xf32, #tpu.memory_space<vmem>> -> memref<1x128x128xf32, #tpu.memory_space<vmem>>
        %dma_wait3A_54 = tpu.memref_squeeze %dma_wait3A_53 : memref<1x128x128xf32, #tpu.memory_space<vmem>> -> memref<128x128xf32, #tpu.memory_space<vmem>>
        %dma_wait3A_55 = arith.constant 0 : i32
        %dma_wait3A_56 = tpu.memref_slice %arg9[%while3A_41, %dma_wait3A_55] : memref<16x128xi32, #tpu.memory_space<vmem>> -> memref<1x128xi32, #tpu.memory_space<vmem>>
        %dma_wait3A_57 = tpu.memref_squeeze %dma_wait3A_56 : memref<1x128xi32, #tpu.memory_space<vmem>> -> memref<128xi32, #tpu.memory_space<vmem>>
        %dma_wait3A_58 = arith.constant 0 : i32
        %dma_wait3A_59 = arith.constant 0 : i32
        %dma_wait3A_60 = tpu.memref_slice %arg2[%dma_wait3A_58, %dma_wait3A_59] : memref<10000x128xf32, #tpu.memory_space<hbm>> -> memref<10000x128xf32, #tpu.memory_space<hbm>>
        %dma_wait3A_61 = tpu.memref_slice %arg13[%rem3A_42] : memref<2x!tpu.dma_semaphore, #tpu.memory_space<semaphore_mem>> -> memref<1x!tpu.dma_semaphore, #tpu.memory_space<semaphore_mem>>
        %dma_wait3A_62 = tpu.memref_squeeze %dma_wait3A_61 : memref<1x!tpu.dma_semaphore, #tpu.memory_space<semaphore_mem>> -> memref<!tpu.dma_semaphore, #tpu.memory_space<semaphore_mem>>
        tpu.wait_indirect_dma semaphore(%dma_wait3A_62 : memref<!tpu.dma_semaphore, #tpu.memory_space<semaphore_mem>>) src(%dma_wait3A_60 : memref<10000x128xf32, #tpu.memory_space<hbm>>) dst(%dma_wait3A_54 : memref<128x128xf32, #tpu.memory_space<vmem>>)
        %broadcast_in_dim3A = vector.broadcast %while3A_41 : i32 to vector<16xi32>
        %scan3A_63 = arith.constant 0 : i32
        %scan3A_64 = arith.constant 0 : i32
        %scan3A_65 = arith.constant 16 : i32
        %scan3A_66 = arith.addi %scan3A_64, %scan3A_65 : i32
        %scan3A_67 = arith.constant 1 : i32
        scf.for %scan3A_69 = %scan3A_64 to %scan3A_66 step %scan3A_67  : i32 {
          %mul3A_70 = arith.constant 8 : i32
          %mul3A_71 = arith.muli %scan3A_69, %mul3A_70 : i32
          %add3A_72 = arith.constant 0 : i32
          %add3A_73 = arith.addi %mul3A_71, %add3A_72 : i32
          %broadcast_in_dim3A_74 = vector.broadcast %add3A_73 : i32 to vector<16xi32>
          %gather3A = tpu.vector_load_idx %arg11[%broadcast_in_dim3A, %broadcast_in_dim3A_74] : memref<16x128xf32, #tpu.memory_space<vmem>>[vector<16xi32>, vector<16xi32>], vector<16xf32>,
          %get3A = arith.index_cast %rem3A_42 : i32 to index
          %get3A_75 = arith.index_cast %add3A_73 : i32 to index
          %get3A_76 = arith.constant 0 : index
          %get3A_77 = tpu.vector_load %arg12[%get3A, %get3A_75, %get3A_76] {strides = array<i32>} : memref<2x128x128xf32, #tpu.memory_space<vmem>>, vector<16xf32>,
          %mul3A_78 = arith.mulf %get3A_77, %gather3A : vector<16xf32>
          %swap3A = arith.index_cast %rem3A_42 : i32 to index
          %swap3A_79 = arith.index_cast %add3A_73 : i32 to index
          %swap3A_80 = arith.constant 0 : index
          %swap3A_81 = tpu.vector_load %arg12[%swap3A, %swap3A_79, %swap3A_80] {strides = array<i32>} : memref<2x128x128xf32, #tpu.memory_space<vmem>>, vector<16xf32>,
          tpu.vector_store %arg12[%swap3A, %swap3A_79, %swap3A_80], %mul3A_78 {strides = array<i32>} : memref<2x128x128xf32, #tpu.memory_space<vmem>>, vector<16xf32>,
          %get3A_82 = arith.index_cast %rem3A_42 : i32 to index
          %get3A_83 = arith.index_cast %add3A_73 : i32 to index
          %get3A_84 = arith.constant 16 : index
          %get3A_85 = tpu.vector_load %arg12[%get3A_82, %get3A_83, %get3A_84] {strides = array<i32>} : memref<2x128x128xf32, #tpu.memory_space<vmem>>, vector<16xf32>,
          %mul3A_86 = arith.mulf %get3A_85, %gather3A : vector<16xf32>
          %swap3A_87 = arith.index_cast %rem3A_42 : i32 to index
          %swap3A_88 = arith.index_cast %add3A_73 : i32 to index
          %swap3A_89 = arith.constant 16 : index
          %swap3A_90 = tpu.vector_load %arg12[%swap3A_87, %swap3A_88, %swap3A_89] {strides = array<i32>} : memref<2x128x128xf32, #tpu.memory_space<vmem>>, vector<16xf32>,
          tpu.vector_store %arg12[%swap3A_87, %swap3A_88, %swap3A_89], %mul3A_86 {strides = array<i32>} : memref<2x128x128xf32, #tpu.memory_space<vmem>>, vector<16xf32>,
          %get3A_91 = arith.index_cast %rem3A_42 : i32 to index
          %get3A_92 = arith.index_cast %add3A_73 : i32 to index
          %get3A_93 = arith.constant 32 : index
          %get3A_94 = tpu.vector_load %arg12[%get3A_91, %get3A_92, %get3A_93] {strides = array<i32>} : memref<2x128x128xf32, #tpu.memory_space<vmem>>, vector<16xf32>,
          %mul3A_95 = arith.mulf %get3A_94, %gather3A : vector<16xf32>
          %swap3A_96 = arith.index_cast %rem3A_42 : i32 to index
          %swap3A_97 = arith.index_cast %add3A_73 : i32 to index
          %swap3A_98 = arith.constant 32 : index
          %swap3A_99 = tpu.vector_load %arg12[%swap3A_96, %swap3A_97, %swap3A_98] {strides = array<i32>} : memref<2x128x128xf32, #tpu.memory_space<vmem>>, vector<16xf32>,
          tpu.vector_store %arg12[%swap3A_96, %swap3A_97, %swap3A_98], %mul3A_95 {strides = array<i32>} : memref<2x128x128xf32, #tpu.memory_space<vmem>>, vector<16xf32>,
          %get3A_100 = arith.index_cast %rem3A_42 : i32 to index
          %get3A_101 = arith.index_cast %add3A_73 : i32 to index
          %get3A_102 = arith.constant 48 : index
          %get3A_103 = tpu.vector_load %arg12[%get3A_100, %get3A_101, %get3A_102] {strides = array<i32>} : memref<2x128x128xf32, #tpu.memory_space<vmem>>, vector<16xf32>,
          %mul3A_104 = arith.mulf %get3A_103, %gather3A : vector<16xf32>
          %swap3A_105 = arith.index_cast %rem3A_42 : i32 to index
          %swap3A_106 = arith.index_cast %add3A_73 : i32 to index
          %swap3A_107 = arith.constant 48 : index
          %swap3A_108 = tpu.vector_load %arg12[%swap3A_105, %swap3A_106, %swap3A_107] {strides = array<i32>} : memref<2x128x128xf32, #tpu.memory_space<vmem>>, vector<16xf32>,
          tpu.vector_store %arg12[%swap3A_105, %swap3A_106, %swap3A_107], %mul3A_104 {strides = array<i32>} : memref<2x128x128xf32, #tpu.memory_space<vmem>>, vector<16xf32>,
          %get3A_109 = arith.index_cast %rem3A_42 : i32 to index
          %get3A_110 = arith.index_cast %add3A_73 : i32 to index
          %get3A_111 = arith.constant 64 : index
          %get3A_112 = tpu.vector_load %arg12[%get3A_109, %get3A_110, %get3A_111] {strides = array<i32>} : memref<2x128x128xf32, #tpu.memory_space<vmem>>, vector<16xf32>,
          %mul3A_113 = arith.mulf %get3A_112, %gather3A : vector<16xf32>
          %swap3A_114 = arith.index_cast %rem3A_42 : i32 to index
          %swap3A_115 = arith.index_cast %add3A_73 : i32 to index
          %swap3A_116 = arith.constant 64 : index
          %swap3A_117 = tpu.vector_load %arg12[%swap3A_114, %swap3A_115, %swap3A_116] {strides = array<i32>} : memref<2x128x128xf32, #tpu.memory_space<vmem>>, vector<16xf32>,
          tpu.vector_store %arg12[%swap3A_114, %swap3A_115, %swap3A_116], %mul3A_113 {strides = array<i32>} : memref<2x128x128xf32, #tpu.memory_space<vmem>>, vector<16xf32>,
          %get3A_118 = arith.index_cast %rem3A_42 : i32 to index
          %get3A_119 = arith.index_cast %add3A_73 : i32 to index
          %get3A_120 = arith.constant 80 : index
          %get3A_121 = tpu.vector_load %arg12[%get3A_118, %get3A_119, %get3A_120] {strides = array<i32>} : memref<2x128x128xf32, #tpu.memory_space<vmem>>, vector<16xf32>,
          %mul3A_122 = arith.mulf %get3A_121, %gather3A : vector<16xf32>
          %swap3A_123 = arith.index_cast %rem3A_42 : i32 to index
          %swap3A_124 = arith.index_cast %add3A_73 : i32 to index
          %swap3A_125 = arith.constant 80 : index
          %swap3A_126 = tpu.vector_load %arg12[%swap3A_123, %swap3A_124, %swap3A_125] {strides = array<i32>} : memref<2x128x128xf32, #tpu.memory_space<vmem>>, vector<16xf32>,
          tpu.vector_store %arg12[%swap3A_123, %swap3A_124, %swap3A_125], %mul3A_122 {strides = array<i32>} : memref<2x128x128xf32, #tpu.memory_space<vmem>>, vector<16xf32>,
          %get3A_127 = arith.index_cast %rem3A_42 : i32 to index
          %get3A_128 = arith.index_cast %add3A_73 : i32 to index
          %get3A_129 = arith.constant 96 : index
          %get3A_130 = tpu.vector_load %arg12[%get3A_127, %get3A_128, %get3A_129] {strides = array<i32>} : memref<2x128x128xf32, #tpu.memory_space<vmem>>, vector<16xf32>,
          %mul3A_131 = arith.mulf %get3A_130, %gather3A : vector<16xf32>
          %swap3A_132 = arith.index_cast %rem3A_42 : i32 to index
          %swap3A_133 = arith.index_cast %add3A_73 : i32 to index
          %swap3A_134 = arith.constant 96 : index
          %swap3A_135 = tpu.vector_load %arg12[%swap3A_132, %swap3A_133, %swap3A_134] {strides = array<i32>} : memref<2x128x128xf32, #tpu.memory_space<vmem>>, vector<16xf32>,
          tpu.vector_store %arg12[%swap3A_132, %swap3A_133, %swap3A_134], %mul3A_131 {strides = array<i32>} : memref<2x128x128xf32, #tpu.memory_space<vmem>>, vector<16xf32>,
          %get3A_136 = arith.index_cast %rem3A_42 : i32 to index
          %get3A_137 = arith.index_cast %add3A_73 : i32 to index
          %get3A_138 = arith.constant 112 : index
          %get3A_139 = tpu.vector_load %arg12[%get3A_136, %get3A_137, %get3A_138] {strides = array<i32>} : memref<2x128x128xf32, #tpu.memory_space<vmem>>, vector<16xf32>,
          %mul3A_140 = arith.mulf %get3A_139, %gather3A : vector<16xf32>
          %swap3A_141 = arith.index_cast %rem3A_42 : i32 to index
          %swap3A_142 = arith.index_cast %add3A_73 : i32 to index
          %swap3A_143 = arith.constant 112 : index
          %swap3A_144 = tpu.vector_load %arg12[%swap3A_141, %swap3A_142, %swap3A_143] {strides = array<i32>} : memref<2x128x128xf32, #tpu.memory_space<vmem>>, vector<16xf32>,
          tpu.vector_store %arg12[%swap3A_141, %swap3A_142, %swap3A_143], %mul3A_140 {strides = array<i32>} : memref<2x128x128xf32, #tpu.memory_space<vmem>>, vector<16xf32>,
          %mul3A_145 = arith.constant 8 : i32
          %mul3A_146 = arith.muli %scan3A_69, %mul3A_145 : i32
          %add3A_147 = arith.constant 1 : i32
          %add3A_148 = arith.addi %mul3A_146, %add3A_147 : i32
          %broadcast_in_dim3A_149 = vector.broadcast %add3A_148 : i32 to vector<16xi32>
          %gather3A_150 = tpu.vector_load_idx %arg11[%broadcast_in_dim3A, %broadcast_in_dim3A_149] : memref<16x128xf32, #tpu.memory_space<vmem>>[vector<16xi32>, vector<16xi32>], vector<16xf32>,
          %get3A_151 = arith.index_cast %rem3A_42 : i32 to index
          %get3A_152 = arith.index_cast %add3A_148 : i32 to index
          %get3A_153 = arith.constant 0 : index
          %get3A_154 = tpu.vector_load %arg12[%get3A_151, %get3A_152, %get3A_153] {strides = array<i32>} : memref<2x128x128xf32, #tpu.memory_space<vmem>>, vector<16xf32>,
          %mul3A_155 = arith.mulf %get3A_154, %gather3A_150 : vector<16xf32>
          %swap3A_156 = arith.index_cast %rem3A_42 : i32 to index
          %swap3A_157 = arith.index_cast %add3A_148 : i32 to index
          %swap3A_158 = arith.constant 0 : index
          %swap3A_159 = tpu.vector_load %arg12[%swap3A_156, %swap3A_157, %swap3A_158] {strides = array<i32>} : memref<2x128x128xf32, #tpu.memory_space<vmem>>, vector<16xf32>,
          tpu.vector_store %arg12[%swap3A_156, %swap3A_157, %swap3A_158], %mul3A_155 {strides = array<i32>} : memref<2x128x128xf32, #tpu.memory_space<vmem>>, vector<16xf32>,
          %get3A_160 = arith.index_cast %rem3A_42 : i32 to index
          %get3A_161 = arith.index_cast %add3A_148 : i32 to index
          %get3A_162 = arith.constant 16 : index
          %get3A_163 = tpu.vector_load %arg12[%get3A_160, %get3A_161, %get3A_162] {strides = array<i32>} : memref<2x128x128xf32, #tpu.memory_space<vmem>>, vector<16xf32>,
          %mul3A_164 = arith.mulf %get3A_163, %gather3A_150 : vector<16xf32>
          %swap3A_165 = arith.index_cast %rem3A_42 : i32 to index
          %swap3A_166 = arith.index_cast %add3A_148 : i32 to index
          %swap3A_167 = arith.constant 16 : index
          %swap3A_168 = tpu.vector_load %arg12[%swap3A_165, %swap3A_166, %swap3A_167] {strides = array<i32>} : memref<2x128x128xf32, #tpu.memory_space<vmem>>, vector<16xf32>,
          tpu.vector_store %arg12[%swap3A_165, %swap3A_166, %swap3A_167], %mul3A_164 {strides = array<i32>} : memref<2x128x128xf32, #tpu.memory_space<vmem>>, vector<16xf32>,
          %get3A_169 = arith.index_cast %rem3A_42 : i32 to index
          %get3A_170 = arith.index_cast %add3A_148 : i32 to index
          %get3A_171 = arith.constant 32 : index
          %get3A_172 = tpu.vector_load %arg12[%get3A_169, %get3A_170, %get3A_171] {strides = array<i32>} : memref<2x128x128xf32, #tpu.memory_space<vmem>>, vector<16xf32>,
          %mul3A_173 = arith.mulf %get3A_172, %gather3A_150 : vector<16xf32>
          %swap3A_174 = arith.index_cast %rem3A_42 : i32 to index
          %swap3A_175 = arith.index_cast %add3A_148 : i32 to index
          %swap3A_176 = arith.constant 32 : index
          %swap3A_177 = tpu.vector_load %arg12[%swap3A_174, %swap3A_175, %swap3A_176] {strides = array<i32>} : memref<2x128x128xf32, #tpu.memory_space<vmem>>, vector<16xf32>,
          tpu.vector_store %arg12[%swap3A_174, %swap3A_175, %swap3A_176], %mul3A_173 {strides = array<i32>} : memref<2x128x128xf32, #tpu.memory_space<vmem>>, vector<16xf32>,
          %get3A_178 = arith.index_cast %rem3A_42 : i32 to index
          %get3A_179 = arith.index_cast %add3A_148 : i32 to index
          %get3A_180 = arith.constant 48 : index
          %get3A_181 = tpu.vector_load %arg12[%get3A_178, %get3A_179, %get3A_180] {strides = array<i32>} : memref<2x128x128xf32, #tpu.memory_space<vmem>>, vector<16xf32>,
          %mul3A_182 = arith.mulf %get3A_181, %gather3A_150 : vector<16xf32>
          %swap3A_183 = arith.index_cast %rem3A_42 : i32 to index
          %swap3A_184 = arith.index_cast %add3A_148 : i32 to index
          %swap3A_185 = arith.constant 48 : index
          %swap3A_186 = tpu.vector_load %arg12[%swap3A_183, %swap3A_184, %swap3A_185] {strides = array<i32>} : memref<2x128x128xf32, #tpu.memory_space<vmem>>, vector<16xf32>,
          tpu.vector_store %arg12[%swap3A_183, %swap3A_184, %swap3A_185], %mul3A_182 {strides = array<i32>} : memref<2x128x128xf32, #tpu.memory_space<vmem>>, vector<16xf32>,
          %get3A_187 = arith.index_cast %rem3A_42 : i32 to index
          %get3A_188 = arith.index_cast %add3A_148 : i32 to index
          %get3A_189 = arith.constant 64 : index
          %get3A_190 = tpu.vector_load %arg12[%get3A_187, %get3A_188, %get3A_189] {strides = array<i32>} : memref<2x128x128xf32, #tpu.memory_space<vmem>>, vector<16xf32>,
          %mul3A_191 = arith.mulf %get3A_190, %gather3A_150 : vector<16xf32>
          %swap3A_192 = arith.index_cast %rem3A_42 : i32 to index
          %swap3A_193 = arith.index_cast %add3A_148 : i32 to index
          %swap3A_194 = arith.constant 64 : index
          %swap3A_195 = tpu.vector_load %arg12[%swap3A_192, %swap3A_193, %swap3A_194] {strides = array<i32>} : memref<2x128x128xf32, #tpu.memory_space<vmem>>, vector<16xf32>,
          tpu.vector_store %arg12[%swap3A_192, %swap3A_193, %swap3A_194], %mul3A_191 {strides = array<i32>} : memref<2x128x128xf32, #tpu.memory_space<vmem>>, vector<16xf32>,
          %get3A_196 = arith.index_cast %rem3A_42 : i32 to index
          %get3A_197 = arith.index_cast %add3A_148 : i32 to index
          %get3A_198 = arith.constant 80 : index
          %get3A_199 = tpu.vector_load %arg12[%get3A_196, %get3A_197, %get3A_198] {strides = array<i32>} : memref<2x128x128xf32, #tpu.memory_space<vmem>>, vector<16xf32>,
          %mul3A_200 = arith.mulf %get3A_199, %gather3A_150 : vector<16xf32>
          %swap3A_201 = arith.index_cast %rem3A_42 : i32 to index
          %swap3A_202 = arith.index_cast %add3A_148 : i32 to index
          %swap3A_203 = arith.constant 80 : index
          %swap3A_204 = tpu.vector_load %arg12[%swap3A_201, %swap3A_202, %swap3A_203] {strides = array<i32>} : memref<2x128x128xf32, #tpu.memory_space<vmem>>, vector<16xf32>,
          tpu.vector_store %arg12[%swap3A_201, %swap3A_202, %swap3A_203], %mul3A_200 {strides = array<i32>} : memref<2x128x128xf32, #tpu.memory_space<vmem>>, vector<16xf32>,
          %get3A_205 = arith.index_cast %rem3A_42 : i32 to index
          %get3A_206 = arith.index_cast %add3A_148 : i32 to index
          %get3A_207 = arith.constant 96 : index
          %get3A_208 = tpu.vector_load %arg12[%get3A_205, %get3A_206, %get3A_207] {strides = array<i32>} : memref<2x128x128xf32, #tpu.memory_space<vmem>>, vector<16xf32>,
          %mul3A_209 = arith.mulf %get3A_208, %gather3A_150 : vector<16xf32>
          %swap3A_210 = arith.index_cast %rem3A_42 : i32 to index
          %swap3A_211 = arith.index_cast %add3A_148 : i32 to index
          %swap3A_212 = arith.constant 96 : index
          %swap3A_213 = tpu.vector_load %arg12[%swap3A_210, %swap3A_211, %swap3A_212] {strides = array<i32>} : memref<2x128x128xf32, #tpu.memory_space<vmem>>, vector<16xf32>,
          tpu.vector_store %arg12[%swap3A_210, %swap3A_211, %swap3A_212], %mul3A_209 {strides = array<i32>} : memref<2x128x128xf32, #tpu.memory_space<vmem>>, vector<16xf32>,
          %get3A_214 = arith.index_cast %rem3A_42 : i32 to index
          %get3A_215 = arith.index_cast %add3A_148 : i32 to index
          %get3A_216 = arith.constant 112 : index
          %get3A_217 = tpu.vector_load %arg12[%get3A_214, %get3A_215, %get3A_216] {strides = array<i32>} : memref<2x128x128xf32, #tpu.memory_space<vmem>>, vector<16xf32>,
          %mul3A_218 = arith.mulf %get3A_217, %gather3A_150 : vector<16xf32>
          %swap3A_219 = arith.index_cast %rem3A_42 : i32 to index
          %swap3A_220 = arith.index_cast %add3A_148 : i32 to index
          %swap3A_221 = arith.constant 112 : index
          %swap3A_222 = tpu.vector_load %arg12[%swap3A_219, %swap3A_220, %swap3A_221] {strides = array<i32>} : memref<2x128x128xf32, #tpu.memory_space<vmem>>, vector<16xf32>,
          tpu.vector_store %arg12[%swap3A_219, %swap3A_220, %swap3A_221], %mul3A_218 {strides = array<i32>} : memref<2x128x128xf32, #tpu.memory_space<vmem>>, vector<16xf32>,
          %mul3A_223 = arith.constant 8 : i32
          %mul3A_224 = arith.muli %scan3A_69, %mul3A_223 : i32
          %add3A_225 = arith.constant 2 : i32
          %add3A_226 = arith.addi %mul3A_224, %add3A_225 : i32
          %broadcast_in_dim3A_227 = vector.broadcast %add3A_226 : i32 to vector<16xi32>
          %gather3A_228 = tpu.vector_load_idx %arg11[%broadcast_in_dim3A, %broadcast_in_dim3A_227] : memref<16x128xf32, #tpu.memory_space<vmem>>[vector<16xi32>, vector<16xi32>], vector<16xf32>,
          %get3A_229 = arith.index_cast %rem3A_42 : i32 to index
          %get3A_230 = arith.index_cast %add3A_226 : i32 to index
          %get3A_231 = arith.constant 0 : index
          %get3A_232 = tpu.vector_load %arg12[%get3A_229, %get3A_230, %get3A_231] {strides = array<i32>} : memref<2x128x128xf32, #tpu.memory_space<vmem>>, vector<16xf32>,
          %mul3A_233 = arith.mulf %get3A_232, %gather3A_228 : vector<16xf32>
          %swap3A_234 = arith.index_cast %rem3A_42 : i32 to index
          %swap3A_235 = arith.index_cast %add3A_226 : i32 to index
          %swap3A_236 = arith.constant 0 : index
          %swap3A_237 = tpu.vector_load %arg12[%swap3A_234, %swap3A_235, %swap3A_236] {strides = array<i32>} : memref<2x128x128xf32, #tpu.memory_space<vmem>>, vector<16xf32>,
          tpu.vector_store %arg12[%swap3A_234, %swap3A_235, %swap3A_236], %mul3A_233 {strides = array<i32>} : memref<2x128x128xf32, #tpu.memory_space<vmem>>, vector<16xf32>,
          %get3A_238 = arith.index_cast %rem3A_42 : i32 to index
          %get3A_239 = arith.index_cast %add3A_226 : i32 to index
          %get3A_240 = arith.constant 16 : index
          %get3A_241 = tpu.vector_load %arg12[%get3A_238, %get3A_239, %get3A_240] {strides = array<i32>} : memref<2x128x128xf32, #tpu.memory_space<vmem>>, vector<16xf32>,
          %mul3A_242 = arith.mulf %get3A_241, %gather3A_228 : vector<16xf32>
          %swap3A_243 = arith.index_cast %rem3A_42 : i32 to index
          %swap3A_244 = arith.index_cast %add3A_226 : i32 to index
          %swap3A_245 = arith.constant 16 : index
          %swap3A_246 = tpu.vector_load %arg12[%swap3A_243, %swap3A_244, %swap3A_245] {strides = array<i32>} : memref<2x128x128xf32, #tpu.memory_space<vmem>>, vector<16xf32>,
          tpu.vector_store %arg12[%swap3A_243, %swap3A_244, %swap3A_245], %mul3A_242 {strides = array<i32>} : memref<2x128x128xf32, #tpu.memory_space<vmem>>, vector<16xf32>,
          %get3A_247 = arith.index_cast %rem3A_42 : i32 to index
          %get3A_248 = arith.index_cast %add3A_226 : i32 to index
          %get3A_249 = arith.constant 32 : index
          %get3A_250 = tpu.vector_load %arg12[%get3A_247, %get3A_248, %get3A_249] {strides = array<i32>} : memref<2x128x128xf32, #tpu.memory_space<vmem>>, vector<16xf32>,
          %mul3A_251 = arith.mulf %get3A_250, %gather3A_228 : vector<16xf32>
          %swap3A_252 = arith.index_cast %rem3A_42 : i32 to index
          %swap3A_253 = arith.index_cast %add3A_226 : i32 to index
          %swap3A_254 = arith.constant 32 : index
          %swap3A_255 = tpu.vector_load %arg12[%swap3A_252, %swap3A_253, %swap3A_254] {strides = array<i32>} : memref<2x128x128xf32, #tpu.memory_space<vmem>>, vector<16xf32>,
          tpu.vector_store %arg12[%swap3A_252, %swap3A_253, %swap3A_254], %mul3A_251 {strides = array<i32>} : memref<2x128x128xf32, #tpu.memory_space<vmem>>, vector<16xf32>,
          %get3A_256 = arith.index_cast %rem3A_42 : i32 to index
          %get3A_257 = arith.index_cast %add3A_226 : i32 to index
          %get3A_258 = arith.constant 48 : index
          %get3A_259 = tpu.vector_load %arg12[%get3A_256, %get3A_257, %get3A_258] {strides = array<i32>} : memref<2x128x128xf32, #tpu.memory_space<vmem>>, vector<16xf32>,
          %mul3A_260 = arith.mulf %get3A_259, %gather3A_228 : vector<16xf32>
          %swap3A_261 = arith.index_cast %rem3A_42 : i32 to index
          %swap3A_262 = arith.index_cast %add3A_226 : i32 to index
          %swap3A_263 = arith.constant 48 : index
          %swap3A_264 = tpu.vector_load %arg12[%swap3A_261, %swap3A_262, %swap3A_263] {strides = array<i32>} : memref<2x128x128xf32, #tpu.memory_space<vmem>>, vector<16xf32>,
          tpu.vector_store %arg12[%swap3A_261, %swap3A_262, %swap3A_263], %mul3A_260 {strides = array<i32>} : memref<2x128x128xf32, #tpu.memory_space<vmem>>, vector<16xf32>,
          %get3A_265 = arith.index_cast %rem3A_42 : i32 to index
          %get3A_266 = arith.index_cast %add3A_226 : i32 to index
          %get3A_267 = arith.constant 64 : index
          %get3A_268 = tpu.vector_load %arg12[%get3A_265, %get3A_266, %get3A_267] {strides = array<i32>} : memref<2x128x128xf32, #tpu.memory_space<vmem>>, vector<16xf32>,
          %mul3A_269 = arith.mulf %get3A_268, %gather3A_228 : vector<16xf32>
          %swap3A_270 = arith.index_cast %rem3A_42 : i32 to index
          %swap3A_271 = arith.index_cast %add3A_226 : i32 to index
          %swap3A_272 = arith.constant 64 : index
          %swap3A_273 = tpu.vector_load %arg12[%swap3A_270, %swap3A_271, %swap3A_272] {strides = array<i32>} : memref<2x128x128xf32, #tpu.memory_space<vmem>>, vector<16xf32>,
          tpu.vector_store %arg12[%swap3A_270, %swap3A_271, %swap3A_272], %mul3A_269 {strides = array<i32>} : memref<2x128x128xf32, #tpu.memory_space<vmem>>, vector<16xf32>,
          %get3A_274 = arith.index_cast %rem3A_42 : i32 to index
          %get3A_275 = arith.index_cast %add3A_226 : i32 to index
          %get3A_276 = arith.constant 80 : index
          %get3A_277 = tpu.vector_load %arg12[%get3A_274, %get3A_275, %get3A_276] {strides = array<i32>} : memref<2x128x128xf32, #tpu.memory_space<vmem>>, vector<16xf32>,
          %mul3A_278 = arith.mulf %get3A_277, %gather3A_228 : vector<16xf32>
          %swap3A_279 = arith.index_cast %rem3A_42 : i32 to index
          %swap3A_280 = arith.index_cast %add3A_226 : i32 to index
          %swap3A_281 = arith.constant 80 : index
          %swap3A_282 = tpu.vector_load %arg12[%swap3A_279, %swap3A_280, %swap3A_281] {strides = array<i32>} : memref<2x128x128xf32, #tpu.memory_space<vmem>>, vector<16xf32>,
          tpu.vector_store %arg12[%swap3A_279, %swap3A_280, %swap3A_281], %mul3A_278 {strides = array<i32>} : memref<2x128x128xf32, #tpu.memory_space<vmem>>, vector<16xf32>,
          %get3A_283 = arith.index_cast %rem3A_42 : i32 to index
          %get3A_284 = arith.index_cast %add3A_226 : i32 to index
          %get3A_285 = arith.constant 96 : index
          %get3A_286 = tpu.vector_load %arg12[%get3A_283, %get3A_284, %get3A_285] {strides = array<i32>} : memref<2x128x128xf32, #tpu.memory_space<vmem>>, vector<16xf32>,
          %mul3A_287 = arith.mulf %get3A_286, %gather3A_228 : vector<16xf32>
          %swap3A_288 = arith.index_cast %rem3A_42 : i32 to index
          %swap3A_289 = arith.index_cast %add3A_226 : i32 to index
          %swap3A_290 = arith.constant 96 : index
          %swap3A_291 = tpu.vector_load %arg12[%swap3A_288, %swap3A_289, %swap3A_290] {strides = array<i32>} : memref<2x128x128xf32, #tpu.memory_space<vmem>>, vector<16xf32>,
          tpu.vector_store %arg12[%swap3A_288, %swap3A_289, %swap3A_290], %mul3A_287 {strides = array<i32>} : memref<2x128x128xf32, #tpu.memory_space<vmem>>, vector<16xf32>,
          %get3A_292 = arith.index_cast %rem3A_42 : i32 to index
          %get3A_293 = arith.index_cast %add3A_226 : i32 to index
          %get3A_294 = arith.constant 112 : index
          %get3A_295 = tpu.vector_load %arg12[%get3A_292, %get3A_293, %get3A_294] {strides = array<i32>} : memref<2x128x128xf32, #tpu.memory_space<vmem>>, vector<16xf32>,
          %mul3A_296 = arith.mulf %get3A_295, %gather3A_228 : vector<16xf32>
          %swap3A_297 = arith.index_cast %rem3A_42 : i32 to index
          %swap3A_298 = arith.index_cast %add3A_226 : i32 to index
          %swap3A_299 = arith.constant 112 : index
          %swap3A_300 = tpu.vector_load %arg12[%swap3A_297, %swap3A_298, %swap3A_299] {strides = array<i32>} : memref<2x128x128xf32, #tpu.memory_space<vmem>>, vector<16xf32>,
          tpu.vector_store %arg12[%swap3A_297, %swap3A_298, %swap3A_299], %mul3A_296 {strides = array<i32>} : memref<2x128x128xf32, #tpu.memory_space<vmem>>, vector<16xf32>,
          %mul3A_301 = arith.constant 8 : i32
          %mul3A_302 = arith.muli %scan3A_69, %mul3A_301 : i32
          %add3A_303 = arith.constant 3 : i32
          %add3A_304 = arith.addi %mul3A_302, %add3A_303 : i32
          %broadcast_in_dim3A_305 = vector.broadcast %add3A_304 : i32 to vector<16xi32>
          %gather3A_306 = tpu.vector_load_idx %arg11[%broadcast_in_dim3A, %broadcast_in_dim3A_305] : memref<16x128xf32, #tpu.memory_space<vmem>>[vector<16xi32>, vector<16xi32>], vector<16xf32>,
          %get3A_307 = arith.index_cast %rem3A_42 : i32 to index
          %get3A_308 = arith.index_cast %add3A_304 : i32 to index
          %get3A_309 = arith.constant 0 : index
          %get3A_310 = tpu.vector_load %arg12[%get3A_307, %get3A_308, %get3A_309] {strides = array<i32>} : memref<2x128x128xf32, #tpu.memory_space<vmem>>, vector<16xf32>,
          %mul3A_311 = arith.mulf %get3A_310, %gather3A_306 : vector<16xf32>
          %swap3A_312 = arith.index_cast %rem3A_42 : i32 to index
          %swap3A_313 = arith.index_cast %add3A_304 : i32 to index
          %swap3A_314 = arith.constant 0 : index
          %swap3A_315 = tpu.vector_load %arg12[%swap3A_312, %swap3A_313, %swap3A_314] {strides = array<i32>} : memref<2x128x128xf32, #tpu.memory_space<vmem>>, vector<16xf32>,
          tpu.vector_store %arg12[%swap3A_312, %swap3A_313, %swap3A_314], %mul3A_311 {strides = array<i32>} : memref<2x128x128xf32, #tpu.memory_space<vmem>>, vector<16xf32>,
          %get3A_316 = arith.index_cast %rem3A_42 : i32 to index
          %get3A_317 = arith.index_cast %add3A_304 : i32 to index
          %get3A_318 = arith.constant 16 : index
          %get3A_319 = tpu.vector_load %arg12[%get3A_316, %get3A_317, %get3A_318] {strides = array<i32>} : memref<2x128x128xf32, #tpu.memory_space<vmem>>, vector<16xf32>,
          %mul3A_320 = arith.mulf %get3A_319, %gather3A_306 : vector<16xf32>
          %swap3A_321 = arith.index_cast %rem3A_42 : i32 to index
          %swap3A_322 = arith.index_cast %add3A_304 : i32 to index
          %swap3A_323 = arith.constant 16 : index
          %swap3A_324 = tpu.vector_load %arg12[%swap3A_321, %swap3A_322, %swap3A_323] {strides = array<i32>} : memref<2x128x128xf32, #tpu.memory_space<vmem>>, vector<16xf32>,
          tpu.vector_store %arg12[%swap3A_321, %swap3A_322, %swap3A_323], %mul3A_320 {strides = array<i32>} : memref<2x128x128xf32, #tpu.memory_space<vmem>>, vector<16xf32>,
          %get3A_325 = arith.index_cast %rem3A_42 : i32 to index
          %get3A_326 = arith.index_cast %add3A_304 : i32 to index
          %get3A_327 = arith.constant 32 : index
          %get3A_328 = tpu.vector_load %arg12[%get3A_325, %get3A_326, %get3A_327] {strides = array<i32>} : memref<2x128x128xf32, #tpu.memory_space<vmem>>, vector<16xf32>,
          %mul3A_329 = arith.mulf %get3A_328, %gather3A_306 : vector<16xf32>
          %swap3A_330 = arith.index_cast %rem3A_42 : i32 to index
          %swap3A_331 = arith.index_cast %add3A_304 : i32 to index
          %swap3A_332 = arith.constant 32 : index
          %swap3A_333 = tpu.vector_load %arg12[%swap3A_330, %swap3A_331, %swap3A_332] {strides = array<i32>} : memref<2x128x128xf32, #tpu.memory_space<vmem>>, vector<16xf32>,
          tpu.vector_store %arg12[%swap3A_330, %swap3A_331, %swap3A_332], %mul3A_329 {strides = array<i32>} : memref<2x128x128xf32, #tpu.memory_space<vmem>>, vector<16xf32>,
          %get3A_334 = arith.index_cast %rem3A_42 : i32 to index
          %get3A_335 = arith.index_cast %add3A_304 : i32 to index
          %get3A_336 = arith.constant 48 : index
          %get3A_337 = tpu.vector_load %arg12[%get3A_334, %get3A_335, %get3A_336] {strides = array<i32>} : memref<2x128x128xf32, #tpu.memory_space<vmem>>, vector<16xf32>,
          %mul3A_338 = arith.mulf %get3A_337, %gather3A_306 : vector<16xf32>
          %swap3A_339 = arith.index_cast %rem3A_42 : i32 to index
          %swap3A_340 = arith.index_cast %add3A_304 : i32 to index
          %swap3A_341 = arith.constant 48 : index
          %swap3A_342 = tpu.vector_load %arg12[%swap3A_339, %swap3A_340, %swap3A_341] {strides = array<i32>} : memref<2x128x128xf32, #tpu.memory_space<vmem>>, vector<16xf32>,
          tpu.vector_store %arg12[%swap3A_339, %swap3A_340, %swap3A_341], %mul3A_338 {strides = array<i32>} : memref<2x128x128xf32, #tpu.memory_space<vmem>>, vector<16xf32>,
          %get3A_343 = arith.index_cast %rem3A_42 : i32 to index
          %get3A_344 = arith.index_cast %add3A_304 : i32 to index
          %get3A_345 = arith.constant 64 : index
          %get3A_346 = tpu.vector_load %arg12[%get3A_343, %get3A_344, %get3A_345] {strides = array<i32>} : memref<2x128x128xf32, #tpu.memory_space<vmem>>, vector<16xf32>,
          %mul3A_347 = arith.mulf %get3A_346, %gather3A_306 : vector<16xf32>
          %swap3A_348 = arith.index_cast %rem3A_42 : i32 to index
          %swap3A_349 = arith.index_cast %add3A_304 : i32 to index
          %swap3A_350 = arith.constant 64 : index
          %swap3A_351 = tpu.vector_load %arg12[%swap3A_348, %swap3A_349, %swap3A_350] {strides = array<i32>} : memref<2x128x128xf32, #tpu.memory_space<vmem>>, vector<16xf32>,
          tpu.vector_store %arg12[%swap3A_348, %swap3A_349, %swap3A_350], %mul3A_347 {strides = array<i32>} : memref<2x128x128xf32, #tpu.memory_space<vmem>>, vector<16xf32>,
          %get3A_352 = arith.index_cast %rem3A_42 : i32 to index
          %get3A_353 = arith.index_cast %add3A_304 : i32 to index
          %get3A_354 = arith.constant 80 : index
          %get3A_355 = tpu.vector_load %arg12[%get3A_352, %get3A_353, %get3A_354] {strides = array<i32>} : memref<2x128x128xf32, #tpu.memory_space<vmem>>, vector<16xf32>,
          %mul3A_356 = arith.mulf %get3A_355, %gather3A_306 : vector<16xf32>
          %swap3A_357 = arith.index_cast %rem3A_42 : i32 to index
          %swap3A_358 = arith.index_cast %add3A_304 : i32 to index
          %swap3A_359 = arith.constant 80 : index
          %swap3A_360 = tpu.vector_load %arg12[%swap3A_357, %swap3A_358, %swap3A_359] {strides = array<i32>} : memref<2x128x128xf32, #tpu.memory_space<vmem>>, vector<16xf32>,
          tpu.vector_store %arg12[%swap3A_357, %swap3A_358, %swap3A_359], %mul3A_356 {strides = array<i32>} : memref<2x128x128xf32, #tpu.memory_space<vmem>>, vector<16xf32>,
          %get3A_361 = arith.index_cast %rem3A_42 : i32 to index
          %get3A_362 = arith.index_cast %add3A_304 : i32 to index
          %get3A_363 = arith.constant 96 : index
          %get3A_364 = tpu.vector_load %arg12[%get3A_361, %get3A_362, %get3A_363] {strides = array<i32>} : memref<2x128x128xf32, #tpu.memory_space<vmem>>, vector<16xf32>,
          %mul3A_365 = arith.mulf %get3A_364, %gather3A_306 : vector<16xf32>
          %swap3A_366 = arith.index_cast %rem3A_42 : i32 to index
          %swap3A_367 = arith.index_cast %add3A_304 : i32 to index
          %swap3A_368 = arith.constant 96 : index
          %swap3A_369 = tpu.vector_load %arg12[%swap3A_366, %swap3A_367, %swap3A_368] {strides = array<i32>} : memref<2x128x128xf32, #tpu.memory_space<vmem>>, vector<16xf32>,
          tpu.vector_store %arg12[%swap3A_366, %swap3A_367, %swap3A_368], %mul3A_365 {strides = array<i32>} : memref<2x128x128xf32, #tpu.memory_space<vmem>>, vector<16xf32>,
          %get3A_370 = arith.index_cast %rem3A_42 : i32 to index
          %get3A_371 = arith.index_cast %add3A_304 : i32 to index
          %get3A_372 = arith.constant 112 : index
          %get3A_373 = tpu.vector_load %arg12[%get3A_370, %get3A_371, %get3A_372] {strides = array<i32>} : memref<2x128x128xf32, #tpu.memory_space<vmem>>, vector<16xf32>,
          %mul3A_374 = arith.mulf %get3A_373, %gather3A_306 : vector<16xf32>
          %swap3A_375 = arith.index_cast %rem3A_42 : i32 to index
          %swap3A_376 = arith.index_cast %add3A_304 : i32 to index
          %swap3A_377 = arith.constant 112 : index
          %swap3A_378 = tpu.vector_load %arg12[%swap3A_375, %swap3A_376, %swap3A_377] {strides = array<i32>} : memref<2x128x128xf32, #tpu.memory_space<vmem>>, vector<16xf32>,
          tpu.vector_store %arg12[%swap3A_375, %swap3A_376, %swap3A_377], %mul3A_374 {strides = array<i32>} : memref<2x128x128xf32, #tpu.memory_space<vmem>>, vector<16xf32>,
          %mul3A_379 = arith.constant 8 : i32
          %mul3A_380 = arith.muli %scan3A_69, %mul3A_379 : i32
          %add3A_381 = arith.constant 4 : i32
          %add3A_382 = arith.addi %mul3A_380, %add3A_381 : i32
          %broadcast_in_dim3A_383 = vector.broadcast %add3A_382 : i32 to vector<16xi32>
          %gather3A_384 = tpu.vector_load_idx %arg11[%broadcast_in_dim3A, %broadcast_in_dim3A_383] : memref<16x128xf32, #tpu.memory_space<vmem>>[vector<16xi32>, vector<16xi32>], vector<16xf32>,
          %get3A_385 = arith.index_cast %rem3A_42 : i32 to index
          %get3A_386 = arith.index_cast %add3A_382 : i32 to index
          %get3A_387 = arith.constant 0 : index
          %get3A_388 = tpu.vector_load %arg12[%get3A_385, %get3A_386, %get3A_387] {strides = array<i32>} : memref<2x128x128xf32, #tpu.memory_space<vmem>>, vector<16xf32>,
          %mul3A_389 = arith.mulf %get3A_388, %gather3A_384 : vector<16xf32>
          %swap3A_390 = arith.index_cast %rem3A_42 : i32 to index
          %swap3A_391 = arith.index_cast %add3A_382 : i32 to index
          %swap3A_392 = arith.constant 0 : index
          %swap3A_393 = tpu.vector_load %arg12[%swap3A_390, %swap3A_391, %swap3A_392] {strides = array<i32>} : memref<2x128x128xf32, #tpu.memory_space<vmem>>, vector<16xf32>,
          tpu.vector_store %arg12[%swap3A_390, %swap3A_391, %swap3A_392], %mul3A_389 {strides = array<i32>} : memref<2x128x128xf32, #tpu.memory_space<vmem>>, vector<16xf32>,
          %get3A_394 = arith.index_cast %rem3A_42 : i32 to index
          %get3A_395 = arith.index_cast %add3A_382 : i32 to index
          %get3A_396 = arith.constant 16 : index
          %get3A_397 = tpu.vector_load %arg12[%get3A_394, %get3A_395, %get3A_396] {strides = array<i32>} : memref<2x128x128xf32, #tpu.memory_space<vmem>>, vector<16xf32>,
          %mul3A_398 = arith.mulf %get3A_397, %gather3A_384 : vector<16xf32>
          %swap3A_399 = arith.index_cast %rem3A_42 : i32 to index
          %swap3A_400 = arith.index_cast %add3A_382 : i32 to index
          %swap3A_401 = arith.constant 16 : index
          %swap3A_402 = tpu.vector_load %arg12[%swap3A_399, %swap3A_400, %swap3A_401] {strides = array<i32>} : memref<2x128x128xf32, #tpu.memory_space<vmem>>, vector<16xf32>,
          tpu.vector_store %arg12[%swap3A_399, %swap3A_400, %swap3A_401], %mul3A_398 {strides = array<i32>} : memref<2x128x128xf32, #tpu.memory_space<vmem>>, vector<16xf32>,
          %get3A_403 = arith.index_cast %rem3A_42 : i32 to index
          %get3A_404 = arith.index_cast %add3A_382 : i32 to index
          %get3A_405 = arith.constant 32 : index
          %get3A_406 = tpu.vector_load %arg12[%get3A_403, %get3A_404, %get3A_405] {strides = array<i32>} : memref<2x128x128xf32, #tpu.memory_space<vmem>>, vector<16xf32>,
          %mul3A_407 = arith.mulf %get3A_406, %gather3A_384 : vector<16xf32>
          %swap3A_408 = arith.index_cast %rem3A_42 : i32 to index
          %swap3A_409 = arith.index_cast %add3A_382 : i32 to index
          %swap3A_410 = arith.constant 32 : index
          %swap3A_411 = tpu.vector_load %arg12[%swap3A_408, %swap3A_409, %swap3A_410] {strides = array<i32>} : memref<2x128x128xf32, #tpu.memory_space<vmem>>, vector<16xf32>,
          tpu.vector_store %arg12[%swap3A_408, %swap3A_409, %swap3A_410], %mul3A_407 {strides = array<i32>} : memref<2x128x128xf32, #tpu.memory_space<vmem>>, vector<16xf32>,
          %get3A_412 = arith.index_cast %rem3A_42 : i32 to index
          %get3A_413 = arith.index_cast %add3A_382 : i32 to index
          %get3A_414 = arith.constant 48 : index
          %get3A_415 = tpu.vector_load %arg12[%get3A_412, %get3A_413, %get3A_414] {strides = array<i32>} : memref<2x128x128xf32, #tpu.memory_space<vmem>>, vector<16xf32>,
          %mul3A_416 = arith.mulf %get3A_415, %gather3A_384 : vector<16xf32>
          %swap3A_417 = arith.index_cast %rem3A_42 : i32 to index
          %swap3A_418 = arith.index_cast %add3A_382 : i32 to index
          %swap3A_419 = arith.constant 48 : index
          %swap3A_420 = tpu.vector_load %arg12[%swap3A_417, %swap3A_418, %swap3A_419] {strides = array<i32>} : memref<2x128x128xf32, #tpu.memory_space<vmem>>, vector<16xf32>,
          tpu.vector_store %arg12[%swap3A_417, %swap3A_418, %swap3A_419], %mul3A_416 {strides = array<i32>} : memref<2x128x128xf32, #tpu.memory_space<vmem>>, vector<16xf32>,
          %get3A_421 = arith.index_cast %rem3A_42 : i32 to index
          %get3A_422 = arith.index_cast %add3A_382 : i32 to index
          %get3A_423 = arith.constant 64 : index
          %get3A_424 = tpu.vector_load %arg12[%get3A_421, %get3A_422, %get3A_423] {strides = array<i32>} : memref<2x128x128xf32, #tpu.memory_space<vmem>>, vector<16xf32>,
          %mul3A_425 = arith.mulf %get3A_424, %gather3A_384 : vector<16xf32>
          %swap3A_426 = arith.index_cast %rem3A_42 : i32 to index
          %swap3A_427 = arith.index_cast %add3A_382 : i32 to index
          %swap3A_428 = arith.constant 64 : index
          %swap3A_429 = tpu.vector_load %arg12[%swap3A_426, %swap3A_427, %swap3A_428] {strides = array<i32>} : memref<2x128x128xf32, #tpu.memory_space<vmem>>, vector<16xf32>,
          tpu.vector_store %arg12[%swap3A_426, %swap3A_427, %swap3A_428], %mul3A_425 {strides = array<i32>} : memref<2x128x128xf32, #tpu.memory_space<vmem>>, vector<16xf32>,
          %get3A_430 = arith.index_cast %rem3A_42 : i32 to index
          %get3A_431 = arith.index_cast %add3A_382 : i32 to index
          %get3A_432 = arith.constant 80 : index
          %get3A_433 = tpu.vector_load %arg12[%get3A_430, %get3A_431, %get3A_432] {strides = array<i32>} : memref<2x128x128xf32, #tpu.memory_space<vmem>>, vector<16xf32>,
          %mul3A_434 = arith.mulf %get3A_433, %gather3A_384 : vector<16xf32>
          %swap3A_435 = arith.index_cast %rem3A_42 : i32 to index
          %swap3A_436 = arith.index_cast %add3A_382 : i32 to index
          %swap3A_437 = arith.constant 80 : index
          %swap3A_438 = tpu.vector_load %arg12[%swap3A_435, %swap3A_436, %swap3A_437] {strides = array<i32>} : memref<2x128x128xf32, #tpu.memory_space<vmem>>, vector<16xf32>,
          tpu.vector_store %arg12[%swap3A_435, %swap3A_436, %swap3A_437], %mul3A_434 {strides = array<i32>} : memref<2x128x128xf32, #tpu.memory_space<vmem>>, vector<16xf32>,
          %get3A_439 = arith.index_cast %rem3A_42 : i32 to index
          %get3A_440 = arith.index_cast %add3A_382 : i32 to index
          %get3A_441 = arith.constant 96 : index
          %get3A_442 = tpu.vector_load %arg12[%get3A_439, %get3A_440, %get3A_441] {strides = array<i32>} : memref<2x128x128xf32, #tpu.memory_space<vmem>>, vector<16xf32>,
          %mul3A_443 = arith.mulf %get3A_442, %gather3A_384 : vector<16xf32>
          %swap3A_444 = arith.index_cast %rem3A_42 : i32 to index
          %swap3A_445 = arith.index_cast %add3A_382 : i32 to index
          %swap3A_446 = arith.constant 96 : index
          %swap3A_447 = tpu.vector_load %arg12[%swap3A_444, %swap3A_445, %swap3A_446] {strides = array<i32>} : memref<2x128x128xf32, #tpu.memory_space<vmem>>, vector<16xf32>,
          tpu.vector_store %arg12[%swap3A_444, %swap3A_445, %swap3A_446], %mul3A_443 {strides = array<i32>} : memref<2x128x128xf32, #tpu.memory_space<vmem>>, vector<16xf32>,
          %get3A_448 = arith.index_cast %rem3A_42 : i32 to index
          %get3A_449 = arith.index_cast %add3A_382 : i32 to index
          %get3A_450 = arith.constant 112 : index
          %get3A_451 = tpu.vector_load %arg12[%get3A_448, %get3A_449, %get3A_450] {strides = array<i32>} : memref<2x128x128xf32, #tpu.memory_space<vmem>>, vector<16xf32>,
          %mul3A_452 = arith.mulf %get3A_451, %gather3A_384 : vector<16xf32>
          %swap3A_453 = arith.index_cast %rem3A_42 : i32 to index
          %swap3A_454 = arith.index_cast %add3A_382 : i32 to index
          %swap3A_455 = arith.constant 112 : index
          %swap3A_456 = tpu.vector_load %arg12[%swap3A_453, %swap3A_454, %swap3A_455] {strides = array<i32>} : memref<2x128x128xf32, #tpu.memory_space<vmem>>, vector<16xf32>,
          tpu.vector_store %arg12[%swap3A_453, %swap3A_454, %swap3A_455], %mul3A_452 {strides = array<i32>} : memref<2x128x128xf32, #tpu.memory_space<vmem>>, vector<16xf32>,
          %mul3A_457 = arith.constant 8 : i32
          %mul3A_458 = arith.muli %scan3A_69, %mul3A_457 : i32
          %add3A_459 = arith.constant 5 : i32
          %add3A_460 = arith.addi %mul3A_458, %add3A_459 : i32
          %broadcast_in_dim3A_461 = vector.broadcast %add3A_460 : i32 to vector<16xi32>
          %gather3A_462 = tpu.vector_load_idx %arg11[%broadcast_in_dim3A, %broadcast_in_dim3A_461] : memref<16x128xf32, #tpu.memory_space<vmem>>[vector<16xi32>, vector<16xi32>], vector<16xf32>,
          %get3A_463 = arith.index_cast %rem3A_42 : i32 to index
          %get3A_464 = arith.index_cast %add3A_460 : i32 to index
          %get3A_465 = arith.constant 0 : index
          %get3A_466 = tpu.vector_load %arg12[%get3A_463, %get3A_464, %get3A_465] {strides = array<i32>} : memref<2x128x128xf32, #tpu.memory_space<vmem>>, vector<16xf32>,
          %mul3A_467 = arith.mulf %get3A_466, %gather3A_462 : vector<16xf32>
          %swap3A_468 = arith.index_cast %rem3A_42 : i32 to index
          %swap3A_469 = arith.index_cast %add3A_460 : i32 to index
          %swap3A_470 = arith.constant 0 : index
          %swap3A_471 = tpu.vector_load %arg12[%swap3A_468, %swap3A_469, %swap3A_470] {strides = array<i32>} : memref<2x128x128xf32, #tpu.memory_space<vmem>>, vector<16xf32>,
          tpu.vector_store %arg12[%swap3A_468, %swap3A_469, %swap3A_470], %mul3A_467 {strides = array<i32>} : memref<2x128x128xf32, #tpu.memory_space<vmem>>, vector<16xf32>,
          %get3A_472 = arith.index_cast %rem3A_42 : i32 to index
          %get3A_473 = arith.index_cast %add3A_460 : i32 to index
          %get3A_474 = arith.constant 16 : index
          %get3A_475 = tpu.vector_load %arg12[%get3A_472, %get3A_473, %get3A_474] {strides = array<i32>} : memref<2x128x128xf32, #tpu.memory_space<vmem>>, vector<16xf32>,
          %mul3A_476 = arith.mulf %get3A_475, %gather3A_462 : vector<16xf32>
          %swap3A_477 = arith.index_cast %rem3A_42 : i32 to index
          %swap3A_478 = arith.index_cast %add3A_460 : i32 to index
          %swap3A_479 = arith.constant 16 : index
          %swap3A_480 = tpu.vector_load %arg12[%swap3A_477, %swap3A_478, %swap3A_479] {strides = array<i32>} : memref<2x128x128xf32, #tpu.memory_space<vmem>>, vector<16xf32>,
          tpu.vector_store %arg12[%swap3A_477, %swap3A_478, %swap3A_479], %mul3A_476 {strides = array<i32>} : memref<2x128x128xf32, #tpu.memory_space<vmem>>, vector<16xf32>,
          %get3A_481 = arith.index_cast %rem3A_42 : i32 to index
          %get3A_482 = arith.index_cast %add3A_460 : i32 to index
          %get3A_483 = arith.constant 32 : index
          %get3A_484 = tpu.vector_load %arg12[%get3A_481, %get3A_482, %get3A_483] {strides = array<i32>} : memref<2x128x128xf32, #tpu.memory_space<vmem>>, vector<16xf32>,
          %mul3A_485 = arith.mulf %get3A_484, %gather3A_462 : vector<16xf32>
          %swap3A_486 = arith.index_cast %rem3A_42 : i32 to index
          %swap3A_487 = arith.index_cast %add3A_460 : i32 to index
          %swap3A_488 = arith.constant 32 : index
          %swap3A_489 = tpu.vector_load %arg12[%swap3A_486, %swap3A_487, %swap3A_488] {strides = array<i32>} : memref<2x128x128xf32, #tpu.memory_space<vmem>>, vector<16xf32>,
          tpu.vector_store %arg12[%swap3A_486, %swap3A_487, %swap3A_488], %mul3A_485 {strides = array<i32>} : memref<2x128x128xf32, #tpu.memory_space<vmem>>, vector<16xf32>,
          %get3A_490 = arith.index_cast %rem3A_42 : i32 to index
          %get3A_491 = arith.index_cast %add3A_460 : i32 to index
          %get3A_492 = arith.constant 48 : index
          %get3A_493 = tpu.vector_load %arg12[%get3A_490, %get3A_491, %get3A_492] {strides = array<i32>} : memref<2x128x128xf32, #tpu.memory_space<vmem>>, vector<16xf32>,
          %mul3A_494 = arith.mulf %get3A_493, %gather3A_462 : vector<16xf32>
          %swap3A_495 = arith.index_cast %rem3A_42 : i32 to index
          %swap3A_496 = arith.index_cast %add3A_460 : i32 to index
          %swap3A_497 = arith.constant 48 : index
          %swap3A_498 = tpu.vector_load %arg12[%swap3A_495, %swap3A_496, %swap3A_497] {strides = array<i32>} : memref<2x128x128xf32, #tpu.memory_space<vmem>>, vector<16xf32>,
          tpu.vector_store %arg12[%swap3A_495, %swap3A_496, %swap3A_497], %mul3A_494 {strides = array<i32>} : memref<2x128x128xf32, #tpu.memory_space<vmem>>, vector<16xf32>,
          %get3A_499 = arith.index_cast %rem3A_42 : i32 to index
          %get3A_500 = arith.index_cast %add3A_460 : i32 to index
          %get3A_501 = arith.constant 64 : index
          %get3A_502 = tpu.vector_load %arg12[%get3A_499, %get3A_500, %get3A_501] {strides = array<i32>} : memref<2x128x128xf32, #tpu.memory_space<vmem>>, vector<16xf32>,
          %mul3A_503 = arith.mulf %get3A_502, %gather3A_462 : vector<16xf32>
          %swap3A_504 = arith.index_cast %rem3A_42 : i32 to index
          %swap3A_505 = arith.index_cast %add3A_460 : i32 to index
          %swap3A_506 = arith.constant 64 : index
          %swap3A_507 = tpu.vector_load %arg12[%swap3A_504, %swap3A_505, %swap3A_506] {strides = array<i32>} : memref<2x128x128xf32, #tpu.memory_space<vmem>>, vector<16xf32>,
          tpu.vector_store %arg12[%swap3A_504, %swap3A_505, %swap3A_506], %mul3A_503 {strides = array<i32>} : memref<2x128x128xf32, #tpu.memory_space<vmem>>, vector<16xf32>,
          %get3A_508 = arith.index_cast %rem3A_42 : i32 to index
          %get3A_509 = arith.index_cast %add3A_460 : i32 to index
          %get3A_510 = arith.constant 80 : index
          %get3A_511 = tpu.vector_load %arg12[%get3A_508, %get3A_509, %get3A_510] {strides = array<i32>} : memref<2x128x128xf32, #tpu.memory_space<vmem>>, vector<16xf32>,
          %mul3A_512 = arith.mulf %get3A_511, %gather3A_462 : vector<16xf32>
          %swap3A_513 = arith.index_cast %rem3A_42 : i32 to index
          %swap3A_514 = arith.index_cast %add3A_460 : i32 to index
          %swap3A_515 = arith.constant 80 : index
          %swap3A_516 = tpu.vector_load %arg12[%swap3A_513, %swap3A_514, %swap3A_515] {strides = array<i32>} : memref<2x128x128xf32, #tpu.memory_space<vmem>>, vector<16xf32>,
          tpu.vector_store %arg12[%swap3A_513, %swap3A_514, %swap3A_515], %mul3A_512 {strides = array<i32>} : memref<2x128x128xf32, #tpu.memory_space<vmem>>, vector<16xf32>,
          %get3A_517 = arith.index_cast %rem3A_42 : i32 to index
          %get3A_518 = arith.index_cast %add3A_460 : i32 to index
          %get3A_519 = arith.constant 96 : index
          %get3A_520 = tpu.vector_load %arg12[%get3A_517, %get3A_518, %get3A_519] {strides = array<i32>} : memref<2x128x128xf32, #tpu.memory_space<vmem>>, vector<16xf32>,
          %mul3A_521 = arith.mulf %get3A_520, %gather3A_462 : vector<16xf32>
          %swap3A_522 = arith.index_cast %rem3A_42 : i32 to index
          %swap3A_523 = arith.index_cast %add3A_460 : i32 to index
          %swap3A_524 = arith.constant 96 : index
          %swap3A_525 = tpu.vector_load %arg12[%swap3A_522, %swap3A_523, %swap3A_524] {strides = array<i32>} : memref<2x128x128xf32, #tpu.memory_space<vmem>>, vector<16xf32>,
          tpu.vector_store %arg12[%swap3A_522, %swap3A_523, %swap3A_524], %mul3A_521 {strides = array<i32>} : memref<2x128x128xf32, #tpu.memory_space<vmem>>, vector<16xf32>,
          %get3A_526 = arith.index_cast %rem3A_42 : i32 to index
          %get3A_527 = arith.index_cast %add3A_460 : i32 to index
          %get3A_528 = arith.constant 112 : index
          %get3A_529 = tpu.vector_load %arg12[%get3A_526, %get3A_527, %get3A_528] {strides = array<i32>} : memref<2x128x128xf32, #tpu.memory_space<vmem>>, vector<16xf32>,
          %mul3A_530 = arith.mulf %get3A_529, %gather3A_462 : vector<16xf32>
          %swap3A_531 = arith.index_cast %rem3A_42 : i32 to index
          %swap3A_532 = arith.index_cast %add3A_460 : i32 to index
          %swap3A_533 = arith.constant 112 : index
          %swap3A_534 = tpu.vector_load %arg12[%swap3A_531, %swap3A_532, %swap3A_533] {strides = array<i32>} : memref<2x128x128xf32, #tpu.memory_space<vmem>>, vector<16xf32>,
          tpu.vector_store %arg12[%swap3A_531, %swap3A_532, %swap3A_533], %mul3A_530 {strides = array<i32>} : memref<2x128x128xf32, #tpu.memory_space<vmem>>, vector<16xf32>,
          %mul3A_535 = arith.constant 8 : i32
          %mul3A_536 = arith.muli %scan3A_69, %mul3A_535 : i32
          %add3A_537 = arith.constant 6 : i32
          %add3A_538 = arith.addi %mul3A_536, %add3A_537 : i32
          %broadcast_in_dim3A_539 = vector.broadcast %add3A_538 : i32 to vector<16xi32>
          %gather3A_540 = tpu.vector_load_idx %arg11[%broadcast_in_dim3A, %broadcast_in_dim3A_539] : memref<16x128xf32, #tpu.memory_space<vmem>>[vector<16xi32>, vector<16xi32>], vector<16xf32>,
          %get3A_541 = arith.index_cast %rem3A_42 : i32 to index
          %get3A_542 = arith.index_cast %add3A_538 : i32 to index
          %get3A_543 = arith.constant 0 : index
          %get3A_544 = tpu.vector_load %arg12[%get3A_541, %get3A_542, %get3A_543] {strides = array<i32>} : memref<2x128x128xf32, #tpu.memory_space<vmem>>, vector<16xf32>,
          %mul3A_545 = arith.mulf %get3A_544, %gather3A_540 : vector<16xf32>
          %swap3A_546 = arith.index_cast %rem3A_42 : i32 to index
          %swap3A_547 = arith.index_cast %add3A_538 : i32 to index
          %swap3A_548 = arith.constant 0 : index
          %swap3A_549 = tpu.vector_load %arg12[%swap3A_546, %swap3A_547, %swap3A_548] {strides = array<i32>} : memref<2x128x128xf32, #tpu.memory_space<vmem>>, vector<16xf32>,
          tpu.vector_store %arg12[%swap3A_546, %swap3A_547, %swap3A_548], %mul3A_545 {strides = array<i32>} : memref<2x128x128xf32, #tpu.memory_space<vmem>>, vector<16xf32>,
          %get3A_550 = arith.index_cast %rem3A_42 : i32 to index
          %get3A_551 = arith.index_cast %add3A_538 : i32 to index
          %get3A_552 = arith.constant 16 : index
          %get3A_553 = tpu.vector_load %arg12[%get3A_550, %get3A_551, %get3A_552] {strides = array<i32>} : memref<2x128x128xf32, #tpu.memory_space<vmem>>, vector<16xf32>,
          %mul3A_554 = arith.mulf %get3A_553, %gather3A_540 : vector<16xf32>
          %swap3A_555 = arith.index_cast %rem3A_42 : i32 to index
          %swap3A_556 = arith.index_cast %add3A_538 : i32 to index
          %swap3A_557 = arith.constant 16 : index
          %swap3A_558 = tpu.vector_load %arg12[%swap3A_555, %swap3A_556, %swap3A_557] {strides = array<i32>} : memref<2x128x128xf32, #tpu.memory_space<vmem>>, vector<16xf32>,
          tpu.vector_store %arg12[%swap3A_555, %swap3A_556, %swap3A_557], %mul3A_554 {strides = array<i32>} : memref<2x128x128xf32, #tpu.memory_space<vmem>>, vector<16xf32>,
          %get3A_559 = arith.index_cast %rem3A_42 : i32 to index
          %get3A_560 = arith.index_cast %add3A_538 : i32 to index
          %get3A_561 = arith.constant 32 : index
          %get3A_562 = tpu.vector_load %arg12[%get3A_559, %get3A_560, %get3A_561] {strides = array<i32>} : memref<2x128x128xf32, #tpu.memory_space<vmem>>, vector<16xf32>,
          %mul3A_563 = arith.mulf %get3A_562, %gather3A_540 : vector<16xf32>
          %swap3A_564 = arith.index_cast %rem3A_42 : i32 to index
          %swap3A_565 = arith.index_cast %add3A_538 : i32 to index
          %swap3A_566 = arith.constant 32 : index
          %swap3A_567 = tpu.vector_load %arg12[%swap3A_564, %swap3A_565, %swap3A_566] {strides = array<i32>} : memref<2x128x128xf32, #tpu.memory_space<vmem>>, vector<16xf32>,
          tpu.vector_store %arg12[%swap3A_564, %swap3A_565, %swap3A_566], %mul3A_563 {strides = array<i32>} : memref<2x128x128xf32, #tpu.memory_space<vmem>>, vector<16xf32>,
          %get3A_568 = arith.index_cast %rem3A_42 : i32 to index
          %get3A_569 = arith.index_cast %add3A_538 : i32 to index
          %get3A_570 = arith.constant 48 : index
          %get3A_571 = tpu.vector_load %arg12[%get3A_568, %get3A_569, %get3A_570] {strides = array<i32>} : memref<2x128x128xf32, #tpu.memory_space<vmem>>, vector<16xf32>,
          %mul3A_572 = arith.mulf %get3A_571, %gather3A_540 : vector<16xf32>
          %swap3A_573 = arith.index_cast %rem3A_42 : i32 to index
          %swap3A_574 = arith.index_cast %add3A_538 : i32 to index
          %swap3A_575 = arith.constant 48 : index
          %swap3A_576 = tpu.vector_load %arg12[%swap3A_573, %swap3A_574, %swap3A_575] {strides = array<i32>} : memref<2x128x128xf32, #tpu.memory_space<vmem>>, vector<16xf32>,
          tpu.vector_store %arg12[%swap3A_573, %swap3A_574, %swap3A_575], %mul3A_572 {strides = array<i32>} : memref<2x128x128xf32, #tpu.memory_space<vmem>>, vector<16xf32>,
          %get3A_577 = arith.index_cast %rem3A_42 : i32 to index
          %get3A_578 = arith.index_cast %add3A_538 : i32 to index
          %get3A_579 = arith.constant 64 : index
          %get3A_580 = tpu.vector_load %arg12[%get3A_577, %get3A_578, %get3A_579] {strides = array<i32>} : memref<2x128x128xf32, #tpu.memory_space<vmem>>, vector<16xf32>,
          %mul3A_581 = arith.mulf %get3A_580, %gather3A_540 : vector<16xf32>
          %swap3A_582 = arith.index_cast %rem3A_42 : i32 to index
          %swap3A_583 = arith.index_cast %add3A_538 : i32 to index
          %swap3A_584 = arith.constant 64 : index
          %swap3A_585 = tpu.vector_load %arg12[%swap3A_582, %swap3A_583, %swap3A_584] {strides = array<i32>} : memref<2x128x128xf32, #tpu.memory_space<vmem>>, vector<16xf32>,
          tpu.vector_store %arg12[%swap3A_582, %swap3A_583, %swap3A_584], %mul3A_581 {strides = array<i32>} : memref<2x128x128xf32, #tpu.memory_space<vmem>>, vector<16xf32>,
          %get3A_586 = arith.index_cast %rem3A_42 : i32 to index
          %get3A_587 = arith.index_cast %add3A_538 : i32 to index
          %get3A_588 = arith.constant 80 : index
          %get3A_589 = tpu.vector_load %arg12[%get3A_586, %get3A_587, %get3A_588] {strides = array<i32>} : memref<2x128x128xf32, #tpu.memory_space<vmem>>, vector<16xf32>,
          %mul3A_590 = arith.mulf %get3A_589, %gather3A_540 : vector<16xf32>
          %swap3A_591 = arith.index_cast %rem3A_42 : i32 to index
          %swap3A_592 = arith.index_cast %add3A_538 : i32 to index
          %swap3A_593 = arith.constant 80 : index
          %swap3A_594 = tpu.vector_load %arg12[%swap3A_591, %swap3A_592, %swap3A_593] {strides = array<i32>} : memref<2x128x128xf32, #tpu.memory_space<vmem>>, vector<16xf32>,
          tpu.vector_store %arg12[%swap3A_591, %swap3A_592, %swap3A_593], %mul3A_590 {strides = array<i32>} : memref<2x128x128xf32, #tpu.memory_space<vmem>>, vector<16xf32>,
          %get3A_595 = arith.index_cast %rem3A_42 : i32 to index
          %get3A_596 = arith.index_cast %add3A_538 : i32 to index
          %get3A_597 = arith.constant 96 : index
          %get3A_598 = tpu.vector_load %arg12[%get3A_595, %get3A_596, %get3A_597] {strides = array<i32>} : memref<2x128x128xf32, #tpu.memory_space<vmem>>, vector<16xf32>,
          %mul3A_599 = arith.mulf %get3A_598, %gather3A_540 : vector<16xf32>
          %swap3A_600 = arith.index_cast %rem3A_42 : i32 to index
          %swap3A_601 = arith.index_cast %add3A_538 : i32 to index
          %swap3A_602 = arith.constant 96 : index
          %swap3A_603 = tpu.vector_load %arg12[%swap3A_600, %swap3A_601, %swap3A_602] {strides = array<i32>} : memref<2x128x128xf32, #tpu.memory_space<vmem>>, vector<16xf32>,
          tpu.vector_store %arg12[%swap3A_600, %swap3A_601, %swap3A_602], %mul3A_599 {strides = array<i32>} : memref<2x128x128xf32, #tpu.memory_space<vmem>>, vector<16xf32>,
          %get3A_604 = arith.index_cast %rem3A_42 : i32 to index
          %get3A_605 = arith.index_cast %add3A_538 : i32 to index
          %get3A_606 = arith.constant 112 : index
          %get3A_607 = tpu.vector_load %arg12[%get3A_604, %get3A_605, %get3A_606] {strides = array<i32>} : memref<2x128x128xf32, #tpu.memory_space<vmem>>, vector<16xf32>,
          %mul3A_608 = arith.mulf %get3A_607, %gather3A_540 : vector<16xf32>
          %swap3A_609 = arith.index_cast %rem3A_42 : i32 to index
          %swap3A_610 = arith.index_cast %add3A_538 : i32 to index
          %swap3A_611 = arith.constant 112 : index
          %swap3A_612 = tpu.vector_load %arg12[%swap3A_609, %swap3A_610, %swap3A_611] {strides = array<i32>} : memref<2x128x128xf32, #tpu.memory_space<vmem>>, vector<16xf32>,
          tpu.vector_store %arg12[%swap3A_609, %swap3A_610, %swap3A_611], %mul3A_608 {strides = array<i32>} : memref<2x128x128xf32, #tpu.memory_space<vmem>>, vector<16xf32>,
          %mul3A_613 = arith.constant 8 : i32
          %mul3A_614 = arith.muli %scan3A_69, %mul3A_613 : i32
          %add3A_615 = arith.constant 7 : i32
          %add3A_616 = arith.addi %mul3A_614, %add3A_615 : i32
          %broadcast_in_dim3A_617 = vector.broadcast %add3A_616 : i32 to vector<16xi32>
          %gather3A_618 = tpu.vector_load_idx %arg11[%broadcast_in_dim3A, %broadcast_in_dim3A_617] : memref<16x128xf32, #tpu.memory_space<vmem>>[vector<16xi32>, vector<16xi32>], vector<16xf32>,
          %get3A_619 = arith.index_cast %rem3A_42 : i32 to index
          %get3A_620 = arith.index_cast %add3A_616 : i32 to index
          %get3A_621 = arith.constant 0 : index
          %get3A_622 = tpu.vector_load %arg12[%get3A_619, %get3A_620, %get3A_621] {strides = array<i32>} : memref<2x128x128xf32, #tpu.memory_space<vmem>>, vector<16xf32>,
          %mul3A_623 = arith.mulf %get3A_622, %gather3A_618 : vector<16xf32>
          %swap3A_624 = arith.index_cast %rem3A_42 : i32 to index
          %swap3A_625 = arith.index_cast %add3A_616 : i32 to index
          %swap3A_626 = arith.constant 0 : index
          %swap3A_627 = tpu.vector_load %arg12[%swap3A_624, %swap3A_625, %swap3A_626] {strides = array<i32>} : memref<2x128x128xf32, #tpu.memory_space<vmem>>, vector<16xf32>,
          tpu.vector_store %arg12[%swap3A_624, %swap3A_625, %swap3A_626], %mul3A_623 {strides = array<i32>} : memref<2x128x128xf32, #tpu.memory_space<vmem>>, vector<16xf32>,
          %get3A_628 = arith.index_cast %rem3A_42 : i32 to index
          %get3A_629 = arith.index_cast %add3A_616 : i32 to index
          %get3A_630 = arith.constant 16 : index
          %get3A_631 = tpu.vector_load %arg12[%get3A_628, %get3A_629, %get3A_630] {strides = array<i32>} : memref<2x128x128xf32, #tpu.memory_space<vmem>>, vector<16xf32>,
          %mul3A_632 = arith.mulf %get3A_631, %gather3A_618 : vector<16xf32>
          %swap3A_633 = arith.index_cast %rem3A_42 : i32 to index
          %swap3A_634 = arith.index_cast %add3A_616 : i32 to index
          %swap3A_635 = arith.constant 16 : index
          %swap3A_636 = tpu.vector_load %arg12[%swap3A_633, %swap3A_634, %swap3A_635] {strides = array<i32>} : memref<2x128x128xf32, #tpu.memory_space<vmem>>, vector<16xf32>,
          tpu.vector_store %arg12[%swap3A_633, %swap3A_634, %swap3A_635], %mul3A_632 {strides = array<i32>} : memref<2x128x128xf32, #tpu.memory_space<vmem>>, vector<16xf32>,
          %get3A_637 = arith.index_cast %rem3A_42 : i32 to index
          %get3A_638 = arith.index_cast %add3A_616 : i32 to index
          %get3A_639 = arith.constant 32 : index
          %get3A_640 = tpu.vector_load %arg12[%get3A_637, %get3A_638, %get3A_639] {strides = array<i32>} : memref<2x128x128xf32, #tpu.memory_space<vmem>>, vector<16xf32>,
          %mul3A_641 = arith.mulf %get3A_640, %gather3A_618 : vector<16xf32>
          %swap3A_642 = arith.index_cast %rem3A_42 : i32 to index
          %swap3A_643 = arith.index_cast %add3A_616 : i32 to index
          %swap3A_644 = arith.constant 32 : index
          %swap3A_645 = tpu.vector_load %arg12[%swap3A_642, %swap3A_643, %swap3A_644] {strides = array<i32>} : memref<2x128x128xf32, #tpu.memory_space<vmem>>, vector<16xf32>,
          tpu.vector_store %arg12[%swap3A_642, %swap3A_643, %swap3A_644], %mul3A_641 {strides = array<i32>} : memref<2x128x128xf32, #tpu.memory_space<vmem>>, vector<16xf32>,
          %get3A_646 = arith.index_cast %rem3A_42 : i32 to index
          %get3A_647 = arith.index_cast %add3A_616 : i32 to index
          %get3A_648 = arith.constant 48 : index
          %get3A_649 = tpu.vector_load %arg12[%get3A_646, %get3A_647, %get3A_648] {strides = array<i32>} : memref<2x128x128xf32, #tpu.memory_space<vmem>>, vector<16xf32>,
          %mul3A_650 = arith.mulf %get3A_649, %gather3A_618 : vector<16xf32>
          %swap3A_651 = arith.index_cast %rem3A_42 : i32 to index
          %swap3A_652 = arith.index_cast %add3A_616 : i32 to index
          %swap3A_653 = arith.constant 48 : index
          %swap3A_654 = tpu.vector_load %arg12[%swap3A_651, %swap3A_652, %swap3A_653] {strides = array<i32>} : memref<2x128x128xf32, #tpu.memory_space<vmem>>, vector<16xf32>,
          tpu.vector_store %arg12[%swap3A_651, %swap3A_652, %swap3A_653], %mul3A_650 {strides = array<i32>} : memref<2x128x128xf32, #tpu.memory_space<vmem>>, vector<16xf32>,
          %get3A_655 = arith.index_cast %rem3A_42 : i32 to index
          %get3A_656 = arith.index_cast %add3A_616 : i32 to index
          %get3A_657 = arith.constant 64 : index
          %get3A_658 = tpu.vector_load %arg12[%get3A_655, %get3A_656, %get3A_657] {strides = array<i32>} : memref<2x128x128xf32, #tpu.memory_space<vmem>>, vector<16xf32>,
          %mul3A_659 = arith.mulf %get3A_658, %gather3A_618 : vector<16xf32>
          %swap3A_660 = arith.index_cast %rem3A_42 : i32 to index
          %swap3A_661 = arith.index_cast %add3A_616 : i32 to index
          %swap3A_662 = arith.constant 64 : index
          %swap3A_663 = tpu.vector_load %arg12[%swap3A_660, %swap3A_661, %swap3A_662] {strides = array<i32>} : memref<2x128x128xf32, #tpu.memory_space<vmem>>, vector<16xf32>,
          tpu.vector_store %arg12[%swap3A_660, %swap3A_661, %swap3A_662], %mul3A_659 {strides = array<i32>} : memref<2x128x128xf32, #tpu.memory_space<vmem>>, vector<16xf32>,
          %get3A_664 = arith.index_cast %rem3A_42 : i32 to index
          %get3A_665 = arith.index_cast %add3A_616 : i32 to index
          %get3A_666 = arith.constant 80 : index
          %get3A_667 = tpu.vector_load %arg12[%get3A_664, %get3A_665, %get3A_666] {strides = array<i32>} : memref<2x128x128xf32, #tpu.memory_space<vmem>>, vector<16xf32>,
          %mul3A_668 = arith.mulf %get3A_667, %gather3A_618 : vector<16xf32>
          %swap3A_669 = arith.index_cast %rem3A_42 : i32 to index
          %swap3A_670 = arith.index_cast %add3A_616 : i32 to index
          %swap3A_671 = arith.constant 80 : index
          %swap3A_672 = tpu.vector_load %arg12[%swap3A_669, %swap3A_670, %swap3A_671] {strides = array<i32>} : memref<2x128x128xf32, #tpu.memory_space<vmem>>, vector<16xf32>,
          tpu.vector_store %arg12[%swap3A_669, %swap3A_670, %swap3A_671], %mul3A_668 {strides = array<i32>} : memref<2x128x128xf32, #tpu.memory_space<vmem>>, vector<16xf32>,
          %get3A_673 = arith.index_cast %rem3A_42 : i32 to index
          %get3A_674 = arith.index_cast %add3A_616 : i32 to index
          %get3A_675 = arith.constant 96 : index
          %get3A_676 = tpu.vector_load %arg12[%get3A_673, %get3A_674, %get3A_675] {strides = array<i32>} : memref<2x128x128xf32, #tpu.memory_space<vmem>>, vector<16xf32>,
          %mul3A_677 = arith.mulf %get3A_676, %gather3A_618 : vector<16xf32>
          %swap3A_678 = arith.index_cast %rem3A_42 : i32 to index
          %swap3A_679 = arith.index_cast %add3A_616 : i32 to index
          %swap3A_680 = arith.constant 96 : index
          %swap3A_681 = tpu.vector_load %arg12[%swap3A_678, %swap3A_679, %swap3A_680] {strides = array<i32>} : memref<2x128x128xf32, #tpu.memory_space<vmem>>, vector<16xf32>,
          tpu.vector_store %arg12[%swap3A_678, %swap3A_679, %swap3A_680], %mul3A_677 {strides = array<i32>} : memref<2x128x128xf32, #tpu.memory_space<vmem>>, vector<16xf32>,
          %get3A_682 = arith.index_cast %rem3A_42 : i32 to index
          %get3A_683 = arith.index_cast %add3A_616 : i32 to index
          %get3A_684 = arith.constant 112 : index
          %get3A_685 = tpu.vector_load %arg12[%get3A_682, %get3A_683, %get3A_684] {strides = array<i32>} : memref<2x128x128xf32, #tpu.memory_space<vmem>>, vector<16xf32>,
          %mul3A_686 = arith.mulf %get3A_685, %gather3A_618 : vector<16xf32>
          %swap3A_687 = arith.index_cast %rem3A_42 : i32 to index
          %swap3A_688 = arith.index_cast %add3A_616 : i32 to index
          %swap3A_689 = arith.constant 112 : index
          %swap3A_690 = tpu.vector_load %arg12[%swap3A_687, %swap3A_688, %swap3A_689] {strides = array<i32>} : memref<2x128x128xf32, #tpu.memory_space<vmem>>, vector<16xf32>,
          tpu.vector_store %arg12[%swap3A_687, %swap3A_688, %swap3A_689], %mul3A_686 {strides = array<i32>} : memref<2x128x128xf32, #tpu.memory_space<vmem>>, vector<16xf32>,
        }
        %scan3A_68 = arith.constant 16 : i32
        "tpu.region"() ({
          %run_scoped3A = tpu.sem_alloc : memref<!tpu.dma_semaphore, #tpu.memory_space<semaphore_mem>>
          %dma_start3A = arith.constant 0 : i32
          %dma_start3A_69 = arith.constant 0 : i32
          %dma_start3A_70 = tpu.memref_slice %arg12[%rem3A_42, %dma_start3A, %dma_start3A_69] : memref<2x128x128xf32, #tpu.memory_space<vmem>> -> memref<1x128x128xf32, #tpu.memory_space<vmem>>
          %dma_start3A_71 = tpu.memref_squeeze %dma_start3A_70 : memref<1x128x128xf32, #tpu.memory_space<vmem>> -> memref<128x128xf32, #tpu.memory_space<vmem>>
          %dma_start3A_72 = arith.constant 0 : i32
          %dma_start3A_73 = tpu.memref_slice %arg10[%while3A_41, %dma_start3A_72] : memref<16x128xi32, #tpu.memory_space<vmem>> -> memref<1x128xi32, #tpu.memory_space<vmem>>
          %dma_start3A_74 = tpu.memref_squeeze %dma_start3A_73 : memref<1x128xi32, #tpu.memory_space<vmem>> -> memref<128xi32, #tpu.memory_space<vmem>>
          %dma_start3A_75 = arith.constant 0 : i32
          %dma_start3A_76 = arith.constant 0 : i32
          %dma_start3A_77 = tpu.memref_slice %arg8[%dma_start3A_75, %dma_start3A_76] : memref<10240x128xf32, #tpu.memory_space<vmem_shared>> -> memref<10240x128xf32, #tpu.memory_space<vmem_shared>>
          tpu.enqueue_indirect_dma source(%dma_start3A_71 : memref<128x128xf32, #tpu.memory_space<vmem>>) target(%dma_start3A_77 : memref<10240x128xf32, #tpu.memory_space<vmem_shared>>) offsets(%dma_start3A_74 : memref<128xi32, #tpu.memory_space<vmem>>) semaphore(%run_scoped3A : memref<!tpu.dma_semaphore, #tpu.memory_space<semaphore_mem>>) {add = true}
          %dma_wait3A_78 = arith.constant 0 : i32
          %dma_wait3A_79 = arith.constant 0 : i32
          %dma_wait3A_80 = tpu.memref_slice %arg12[%rem3A_42, %dma_wait3A_78, %dma_wait3A_79] : memref<2x128x128xf32, #tpu.memory_space<vmem>> -> memref<1x128x128xf32, #tpu.memory_space<vmem>>
          %dma_wait3A_81 = tpu.memref_squeeze %dma_wait3A_80 : memref<1x128x128xf32, #tpu.memory_space<vmem>> -> memref<128x128xf32, #tpu.memory_space<vmem>>
          %dma_wait3A_82 = arith.constant 0 : i32
          %dma_wait3A_83 = tpu.memref_slice %arg10[%while3A_41, %dma_wait3A_82] : memref<16x128xi32, #tpu.memory_space<vmem>> -> memref<1x128xi32, #tpu.memory_space<vmem>>
          %dma_wait3A_84 = tpu.memref_squeeze %dma_wait3A_83 : memref<1x128xi32, #tpu.memory_space<vmem>> -> memref<128xi32, #tpu.memory_space<vmem>>
          %dma_wait3A_85 = arith.constant 0 : i32
          %dma_wait3A_86 = arith.constant 0 : i32
          %dma_wait3A_87 = tpu.memref_slice %arg8[%dma_wait3A_85, %dma_wait3A_86] : memref<10240x128xf32, #tpu.memory_space<vmem_shared>> -> memref<10240x128xf32, #tpu.memory_space<vmem_shared>>
          tpu.wait_indirect_dma semaphore(%run_scoped3A : memref<!tpu.dma_semaphore, #tpu.memory_space<semaphore_mem>>) src(%dma_wait3A_81 : memref<128x128xf32, #tpu.memory_space<vmem>>) dst(%dma_wait3A_87 : memref<10240x128xf32, #tpu.memory_space<vmem_shared>>)
          tpu.yield
        }) : () -> ()
      }
    }
    %scan3A_11 = arith.constant 5 : i32
    %barrier3A_12 = arith.constant 0 : index
    tpu.barrier barrier_id(%barrier3A_12)
    %mul3A_13 = arith.constant 640 : i32
    %mul3A_14 = arith.muli %arg1, %mul3A_13 : i32
    %mul3A_15 = arith.constant 640 : i32
    %mul3A_16 = arith.muli %arg1, %mul3A_15 : i32
    "tpu.region"() ({
      %run_scoped3A = tpu.sem_alloc : memref<!tpu.dma_semaphore, #tpu.memory_space<semaphore_mem>>
      %dma_start3A = arith.constant 0 : i32
      %dma_start3A_17 = tpu.memref_slice %arg7[%arg0, %mul3A_16, %dma_start3A] : memref<2x10240x128xf32, #tpu.memory_space<hbm>> -> memref<1x640x128xf32, #tpu.memory_space<hbm>>
      %dma_start3A_18 = tpu.memref_squeeze %dma_start3A_17 : memref<1x640x128xf32, #tpu.memory_space<hbm>> -> memref<640x128xf32, #tpu.memory_space<hbm>>
      %dma_start3A_19 = arith.constant 0 : i32
      %dma_start3A_20 = tpu.memref_slice %arg8[%mul3A_14, %dma_start3A_19] : memref<10240x128xf32, #tpu.memory_space<vmem_shared>> -> memref<640x128xf32, #tpu.memory_space<vmem_shared>>
      tpu.enqueue_dma source(%dma_start3A_20 : memref<640x128xf32, #tpu.memory_space<vmem_shared>>) target(%dma_start3A_18 : memref<640x128xf32, #tpu.memory_space<hbm>>) target_semaphore(%run_scoped3A : memref<!tpu.dma_semaphore, #tpu.memory_space<semaphore_mem>>)
      %dma_wait3A = arith.constant 0 : i32
      %dma_wait3A_21 = tpu.memref_slice %arg7[%arg0, %mul3A_16, %dma_wait3A] : memref<2x10240x128xf32, #tpu.memory_space<hbm>> -> memref<1x640x128xf32, #tpu.memory_space<hbm>>
      %dma_wait3A_22 = tpu.memref_squeeze %dma_wait3A_21 : memref<1x640x128xf32, #tpu.memory_space<hbm>> -> memref<640x128xf32, #tpu.memory_space<hbm>>
      %dma_wait3A_23 = arith.constant 0 : i32
      %dma_wait3A_24 = tpu.memref_slice %arg8[%mul3A_14, %dma_wait3A_23] : memref<10240x128xf32, #tpu.memory_space<vmem_shared>> -> memref<640x128xf32, #tpu.memory_space<vmem_shared>>
      tpu.wait_dma2 semaphore(%run_scoped3A : memref<!tpu.dma_semaphore, #tpu.memory_space<semaphore_mem>>) src(%dma_wait3A_24 : memref<640x128xf32, #tpu.memory_space<vmem_shared>>) dst(%dma_wait3A_22 : memref<640x128xf32, #tpu.memory_space<hbm>>)
      tpu.yield
    }) : () -> ()
    return
  }
}

#map = affine_map<(d0, d1) -> (0)>
module attributes {stable_mosaic.version = 14 : i64} {
  func.func @_z_kernel(%arg0: i32, %arg1: i32, %arg2: memref<10000xf32, #tpu.memory_space<hbm>>, %arg3: memref<10000xf32, #tpu.memory_space<hbm>>, %arg4: memref<320000xi32, #tpu.memory_space<hbm>>, %arg5: memref<320000xi32, #tpu.memory_space<hbm>>, %arg6: memref<327680xf32, #tpu.memory_space<hbm>>, %arg7: memref<320000xf32, #tpu.memory_space<hbm>>, %arg8: memref<10000xi32, #tpu.memory_space<vmem>>, %arg9: memref<10000xi32, #tpu.memory_space<vmem>>, %arg10: memref<10000xf32, #tpu.memory_space<vmem>>, %arg11: memref<10000xf32, #tpu.memory_space<vmem>>, %arg12: memref<10000xf32, #tpu.memory_space<vmem>>, %arg13: memref<10000xf32, #tpu.memory_space<vmem>>) attributes {dimension_semantics = [#tpu.dimension_semantics<core_parallel>, #tpu.dimension_semantics<subcore_parallel>], iteration_bounds = array<i64: 2, 16>, scalar_prefetch = 0 : i64, scratch_operands = 6 : i64, tpu.core_type = #tpu.core_type<sc_vector_subcore>, window_params = [{transform_indices = #map}, {transform_indices = #map}, {transform_indices = #map}, {transform_indices = #map}, {transform_indices = #map}, {transform_indices = #map}]} {
    %mul3A = arith.constant 16 : i32
    %mul3A_0 = arith.muli %arg0, %mul3A : i32
    %add3A = arith.addi %mul3A_0, %arg1 : i32
    %mul3A_1 = arith.constant 10000 : i32
    %mul3A_2 = arith.muli %add3A, %mul3A_1 : i32
    "tpu.region"() ({
      %run_scoped3A = tpu.sem_alloc : memref<!tpu.dma_semaphore, #tpu.memory_space<semaphore_mem>>
      %dma_start3A = tpu.memref_slice %arg4[%mul3A_2] : memref<320000xi32, #tpu.memory_space<hbm>> -> memref<10000xi32, #tpu.memory_space<hbm>>
      %dma_start3A_29 = tpu.memref_slice %arg4[%mul3A_2] : memref<320000xi32, #tpu.memory_space<hbm>> -> memref<10000xi32, #tpu.memory_space<hbm>>
      tpu.enqueue_dma source(%dma_start3A_29 : memref<10000xi32, #tpu.memory_space<hbm>>) target(%arg8 : memref<10000xi32, #tpu.memory_space<vmem>>) target_semaphore(%run_scoped3A : memref<!tpu.dma_semaphore, #tpu.memory_space<semaphore_mem>>)
      %dma_wait3A = tpu.memref_slice %arg4[%mul3A_2] : memref<320000xi32, #tpu.memory_space<hbm>> -> memref<10000xi32, #tpu.memory_space<hbm>>
      %dma_wait3A_30 = tpu.memref_slice %arg4[%mul3A_2] : memref<320000xi32, #tpu.memory_space<hbm>> -> memref<10000xi32, #tpu.memory_space<hbm>>
      tpu.wait_dma2 semaphore(%run_scoped3A : memref<!tpu.dma_semaphore, #tpu.memory_space<semaphore_mem>>) src(%dma_wait3A_30 : memref<10000xi32, #tpu.memory_space<hbm>>) dst(%arg8 : memref<10000xi32, #tpu.memory_space<vmem>>)
      tpu.yield
    }) : () -> ()
    "tpu.region"() ({
      %run_scoped3A = tpu.sem_alloc : memref<!tpu.dma_semaphore, #tpu.memory_space<semaphore_mem>>
      %dma_start3A = tpu.memref_slice %arg5[%mul3A_2] : memref<320000xi32, #tpu.memory_space<hbm>> -> memref<10000xi32, #tpu.memory_space<hbm>>
      %dma_start3A_29 = tpu.memref_slice %arg5[%mul3A_2] : memref<320000xi32, #tpu.memory_space<hbm>> -> memref<10000xi32, #tpu.memory_space<hbm>>
      tpu.enqueue_dma source(%dma_start3A_29 : memref<10000xi32, #tpu.memory_space<hbm>>) target(%arg9 : memref<10000xi32, #tpu.memory_space<vmem>>) target_semaphore(%run_scoped3A : memref<!tpu.dma_semaphore, #tpu.memory_space<semaphore_mem>>)
      %dma_wait3A = tpu.memref_slice %arg5[%mul3A_2] : memref<320000xi32, #tpu.memory_space<hbm>> -> memref<10000xi32, #tpu.memory_space<hbm>>
      %dma_wait3A_30 = tpu.memref_slice %arg5[%mul3A_2] : memref<320000xi32, #tpu.memory_space<hbm>> -> memref<10000xi32, #tpu.memory_space<hbm>>
      tpu.wait_dma2 semaphore(%run_scoped3A : memref<!tpu.dma_semaphore, #tpu.memory_space<semaphore_mem>>) src(%dma_wait3A_30 : memref<10000xi32, #tpu.memory_space<hbm>>) dst(%arg9 : memref<10000xi32, #tpu.memory_space<vmem>>)
      tpu.yield
    }) : () -> ()
    "tpu.region"() ({
      %run_scoped3A = tpu.sem_alloc : memref<!tpu.dma_semaphore, #tpu.memory_space<semaphore_mem>>
      tpu.enqueue_dma source(%arg2 : memref<10000xf32, #tpu.memory_space<hbm>>) target(%arg11 : memref<10000xf32, #tpu.memory_space<vmem>>) target_semaphore(%run_scoped3A : memref<!tpu.dma_semaphore, #tpu.memory_space<semaphore_mem>>)
      tpu.wait_dma2 semaphore(%run_scoped3A : memref<!tpu.dma_semaphore, #tpu.memory_space<semaphore_mem>>) src(%arg2 : memref<10000xf32, #tpu.memory_space<hbm>>) dst(%arg11 : memref<10000xf32, #tpu.memory_space<vmem>>)
      tpu.yield
    }) : () -> ()
    "tpu.region"() ({
      %run_scoped3A = tpu.sem_alloc : memref<!tpu.dma_semaphore, #tpu.memory_space<semaphore_mem>>
      tpu.enqueue_dma source(%arg3 : memref<10000xf32, #tpu.memory_space<hbm>>) target(%arg12 : memref<10000xf32, #tpu.memory_space<vmem>>) target_semaphore(%run_scoped3A : memref<!tpu.dma_semaphore, #tpu.memory_space<semaphore_mem>>)
      tpu.wait_dma2 semaphore(%run_scoped3A : memref<!tpu.dma_semaphore, #tpu.memory_space<semaphore_mem>>) src(%arg3 : memref<10000xf32, #tpu.memory_space<hbm>>) dst(%arg12 : memref<10000xf32, #tpu.memory_space<vmem>>)
      tpu.yield
    }) : () -> ()
    %broadcast_in_dim3A = arith.constant 0.000000e+00 : f32
    %broadcast_in_dim3A_3 = vector.broadcast %broadcast_in_dim3A : f32 to vector<16xf32>
    %broadcast_in_dim3A_4 = arith.constant -3.000000e+38 : f32
    %broadcast_in_dim3A_5 = vector.broadcast %broadcast_in_dim3A_4 : f32 to vector<16xf32>
    %scan3A = arith.constant 0 : i32
    %scan3A_6 = arith.constant 625 : i32
    %scan3A_7 = arith.addi %scan3A, %scan3A_6 : i32
    %scan3A_8 = arith.constant 1 : i32
    %scan3A_9:2 = scf.for %scan3A_29 = %scan3A to %scan3A_7 step %scan3A_8 iter_args(%scan3A_30 = %broadcast_in_dim3A_5, %scan3A_31 = %broadcast_in_dim3A_5) -> (vector<16xf32>, vector<16xf32>)  : i32 {
      %mul3A_32 = arith.constant 16 : i32
      %mul3A_33 = arith.muli %scan3A_29, %mul3A_32 : i32
      %swap3A = arith.index_cast %mul3A_33 : i32 to index
      %swap3A_34 = tpu.vector_load %arg13[%swap3A] {strides = array<i32>} : memref<10000xf32, #tpu.memory_space<vmem>>, vector<16xf32>,
      tpu.vector_store %arg13[%swap3A], %broadcast_in_dim3A_3 {strides = array<i32>} : memref<10000xf32, #tpu.memory_space<vmem>>, vector<16xf32>,
      %mul3A_35 = arith.constant 16 : i32
      %mul3A_36 = arith.muli %scan3A_29, %mul3A_35 : i32
      %get3A = arith.index_cast %mul3A_36 : i32 to index
      %get3A_37 = tpu.vector_load %arg11[%get3A] {strides = array<i32>} : memref<10000xf32, #tpu.memory_space<vmem>>, vector<16xf32>,
      %max3A_38 = arith.maximumf %scan3A_30, %get3A_37 : vector<16xf32>
      %mul3A_39 = arith.constant 16 : i32
      %mul3A_40 = arith.muli %scan3A_29, %mul3A_39 : i32
      %get3A_41 = arith.index_cast %mul3A_40 : i32 to index
      %get3A_42 = tpu.vector_load %arg12[%get3A_41] {strides = array<i32>} : memref<10000xf32, #tpu.memory_space<vmem>>, vector<16xf32>,
      %max3A_43 = arith.maximumf %scan3A_31, %get3A_42 : vector<16xf32>
      scf.yield %max3A_38, %max3A_43 : vector<16xf32>, vector<16xf32>
    }
    %scan3A_10 = arith.constant 625 : i32
    %reduce_max3A = arith.constant true
    %reduce_max3A_11 = vector.broadcast %reduce_max3A : i1 to vector<16xi1>
    %reduce_max3A_12 = tpu.scan <max>, %scan3A_9#0 masked %reduce_max3A_11 : vector<16xf32>, vector<16xi1> -> vector<16xf32>
    %reduce_max3A_13 = vector.extract %reduce_max3A_12[15] : f32 from vector<16xf32>
    %reduce_max3A_14 = arith.constant true
    %reduce_max3A_15 = vector.broadcast %reduce_max3A_14 : i1 to vector<16xi1>
    %reduce_max3A_16 = tpu.scan <max>, %scan3A_9#1 masked %reduce_max3A_15 : vector<16xf32>, vector<16xi1> -> vector<16xf32>
    %reduce_max3A_17 = vector.extract %reduce_max3A_16[15] : f32 from vector<16xf32>
    %add3A_18 = arith.addf %reduce_max3A_13, %reduce_max3A_17 : f32
    %mul3A_19 = arith.constant 1.000000e-01 : f32
    %mul3A_20 = arith.mulf %mul3A_19, %add3A_18 : f32
    %max3A = arith.maximumf %add3A_18, %mul3A_20 : f32
    %scan3A_21 = arith.constant 0 : i32
    %scan3A_22 = arith.constant 0 : i32
    %scan3A_23 = arith.constant 625 : i32
    %scan3A_24 = arith.addi %scan3A_22, %scan3A_23 : i32
    %scan3A_25 = arith.constant 1 : i32
    scf.for %scan3A_29 = %scan3A_22 to %scan3A_24 step %scan3A_25  : i32 {
      %mul3A_30 = arith.constant 16 : i32
      %mul3A_31 = arith.muli %scan3A_29, %mul3A_30 : i32
      %get3A = arith.index_cast %mul3A_31 : i32 to index
      %get3A_32 = tpu.vector_load %arg8[%get3A] {strides = array<i32>} : memref<10000xi32, #tpu.memory_space<vmem>>, vector<16xi32>,
      %get3A_33 = arith.index_cast %mul3A_31 : i32 to index
      %get3A_34 = tpu.vector_load %arg9[%get3A_33] {strides = array<i32>} : memref<10000xi32, #tpu.memory_space<vmem>>, vector<16xi32>,
      %gather3A = tpu.vector_load_idx %arg11[%get3A_32] : memref<10000xf32, #tpu.memory_space<vmem>>[vector<16xi32>], vector<16xf32>,
      %gather3A_35 = tpu.vector_load_idx %arg12[%get3A_34] : memref<10000xf32, #tpu.memory_space<vmem>>[vector<16xi32>], vector<16xf32>,
      %add3A_36 = arith.addf %gather3A, %gather3A_35 : vector<16xf32>
      %mul3A_37 = arith.constant 1.000000e-01 : f32
      %mul3A_38 = vector.broadcast %mul3A_37 : f32 to vector<16xf32>
      %mul3A_39 = arith.mulf %mul3A_38, %add3A_36 : vector<16xf32>
      %max3A_40 = arith.maximumf %add3A_36, %mul3A_39 : vector<16xf32>
      %sub3A = vector.broadcast %max3A : f32 to vector<16xf32>
      %sub3A_41 = arith.subf %max3A_40, %sub3A : vector<16xf32>
      %exp3A = math.exp %sub3A_41 : vector<16xf32>
      %swap3A = arith.index_cast %mul3A_31 : i32 to index
      %swap3A_42 = tpu.vector_load %arg10[%swap3A] {strides = array<i32>} : memref<10000xf32, #tpu.memory_space<vmem>>, vector<16xf32>,
      tpu.vector_store %arg10[%swap3A], %exp3A {strides = array<i32>} : memref<10000xf32, #tpu.memory_space<vmem>>, vector<16xf32>,
      tpu.vector_store_idx %arg13[%get3A_34], %exp3A {add = true} : memref<10000xf32, #tpu.memory_space<vmem>>[vector<16xi32>], vector<16xf32>,
    }
    %scan3A_26 = arith.constant 625 : i32
    "tpu.region"() ({
      %run_scoped3A = tpu.sem_alloc : memref<!tpu.dma_semaphore, #tpu.memory_space<semaphore_mem>>
      %dma_start3A = tpu.memref_slice %arg6[%mul3A_2] : memref<327680xf32, #tpu.memory_space<hbm>> -> memref<10000xf32, #tpu.memory_space<hbm>>
      %dma_start3A_29 = tpu.memref_slice %arg6[%mul3A_2] : memref<327680xf32, #tpu.memory_space<hbm>> -> memref<10000xf32, #tpu.memory_space<hbm>>
      tpu.enqueue_dma source(%arg10 : memref<10000xf32, #tpu.memory_space<vmem>>) target(%dma_start3A_29 : memref<10000xf32, #tpu.memory_space<hbm>>) target_semaphore(%run_scoped3A : memref<!tpu.dma_semaphore, #tpu.memory_space<semaphore_mem>>)
      %dma_wait3A = tpu.memref_slice %arg6[%mul3A_2] : memref<327680xf32, #tpu.memory_space<hbm>> -> memref<10000xf32, #tpu.memory_space<hbm>>
      %dma_wait3A_30 = tpu.memref_slice %arg6[%mul3A_2] : memref<327680xf32, #tpu.memory_space<hbm>> -> memref<10000xf32, #tpu.memory_space<hbm>>
      tpu.wait_dma2 semaphore(%run_scoped3A : memref<!tpu.dma_semaphore, #tpu.memory_space<semaphore_mem>>) src(%arg10 : memref<10000xf32, #tpu.memory_space<vmem>>) dst(%dma_wait3A_30 : memref<10000xf32, #tpu.memory_space<hbm>>)
      tpu.yield
    }) : () -> ()
    %mul3A_27 = arith.constant 10000 : i32
    %mul3A_28 = arith.muli %add3A, %mul3A_27 : i32
    "tpu.region"() ({
      %run_scoped3A = tpu.sem_alloc : memref<!tpu.dma_semaphore, #tpu.memory_space<semaphore_mem>>
      %dma_start3A = tpu.memref_slice %arg7[%mul3A_28] : memref<320000xf32, #tpu.memory_space<hbm>> -> memref<10000xf32, #tpu.memory_space<hbm>>
      %dma_start3A_29 = tpu.memref_slice %arg7[%mul3A_28] : memref<320000xf32, #tpu.memory_space<hbm>> -> memref<10000xf32, #tpu.memory_space<hbm>>
      tpu.enqueue_dma source(%arg13 : memref<10000xf32, #tpu.memory_space<vmem>>) target(%dma_start3A_29 : memref<10000xf32, #tpu.memory_space<hbm>>) target_semaphore(%run_scoped3A : memref<!tpu.dma_semaphore, #tpu.memory_space<semaphore_mem>>)
      %dma_wait3A = tpu.memref_slice %arg7[%mul3A_28] : memref<320000xf32, #tpu.memory_space<hbm>> -> memref<10000xf32, #tpu.memory_space<hbm>>
      %dma_wait3A_30 = tpu.memref_slice %arg7[%mul3A_28] : memref<320000xf32, #tpu.memory_space<hbm>> -> memref<10000xf32, #tpu.memory_space<hbm>>
      tpu.wait_dma2 semaphore(%run_scoped3A : memref<!tpu.dma_semaphore, #tpu.memory_space<semaphore_mem>>) src(%arg13 : memref<10000xf32, #tpu.memory_space<vmem>>) dst(%dma_wait3A_30 : memref<10000xf32, #tpu.memory_space<hbm>>)
      tpu.yield
    }) : () -> ()
    return
  }
}

module attributes {stable_mosaic.version = 14 : i64} {
  func.func @_gcn1_tc(%arg0: i32, %arg1: memref<1024x128xf32, #tpu.memory_space<vmem>>, %arg2: memref<32x1024xf32, #tpu.memory_space<vmem>>, %arg3: memref<128x128xf32, #tpu.memory_space<vmem>>, %arg4: memref<1024x128xf32, #tpu.memory_space<vmem>>) attributes {dimension_semantics = [#tpu.dimension_semantics<arbitrary>], iteration_bounds = array<i64: 10>, scalar_prefetch = 0 : i64, scratch_operands = 0 : i64, tpu.core_type = #tpu.core_type<tc>, window_params = [{transform_indices = @transform_0, window_bounds = array<i64: 1024, 128>}, {transform_indices = @transform_1, window_bounds = array<i64: 32, 1024>}, {pipeline_mode = #tpu.pipeline_mode<synchronous>, transform_indices = @transform_2, window_bounds = array<i64: 128, 128>}, {transform_indices = @transform_3, window_bounds = array<i64: 1024, 128>}]} {
    %get3A = arith.constant 0 : index
    %get3A_0 = arith.constant 0 : index
    %get3A_1 = vector.load %arg2[%get3A, %get3A_0] : memref<32x1024xf32, #tpu.memory_space<vmem>>, vector<32x1024xf32>
    %reduce_sum3A = arith.constant dense<0.000000e+00> : vector<1024xf32>
    %reduce_sum3A_2 = vector.multi_reduction <add>, %get3A_1, %reduce_sum3A [0] : vector<32x1024xf32> to vector<1024xf32>
    %max3A = arith.constant 1.000000e+00 : f32
    %max3A_3 = vector.broadcast %max3A : f32 to vector<1024xf32>
    %max3A_4 = arith.maximumf %reduce_sum3A_2, %max3A_3 : vector<1024xf32>
    %rsqrt3A = math.rsqrt %max3A_4 : vector<1024xf32>
    %get3A_5 = arith.constant 0 : index
    %get3A_6 = arith.constant 0 : index
    %get3A_7 = vector.load %arg1[%get3A_5, %get3A_6] : memref<1024x128xf32, #tpu.memory_space<vmem>>, vector<1024x128xf32>
    %broadcast_in_dim3A = vector.shape_cast %rsqrt3A : vector<1024xf32> to vector<1024x1xf32>
    %mul3A = vector.broadcast %broadcast_in_dim3A : vector<1024x1xf32> to vector<1024x128xf32>
    %mul3A_8 = arith.mulf %get3A_7, %mul3A : vector<1024x128xf32>
    %get3A_9 = arith.constant 0 : index
    %get3A_10 = arith.constant 0 : index
    %get3A_11 = vector.load %arg3[%get3A_9, %get3A_10] : memref<128x128xf32, #tpu.memory_space<vmem>>, vector<128x128xf32>
    %dot_general3A = arith.constant dense<0.000000e+00> : vector<1024x128xf32>
    %dot_general3A_12 = tpu.matmul %mul3A_8, %get3A_11, %dot_general3A {dimension_numbers = #tpu.dot_dimension_numbers<[1], [0], [0], [1], [0, 0, 1, 1], [], []>, transpose_lhs_hint = false} : vector<1024x128xf32>, vector<128x128xf32>, vector<1024x128xf32> -> vector<1024x128xf32>
    %swap3A = arith.constant 0 : index
    %swap3A_13 = arith.constant 0 : index
    %swap3A_14 = vector.load %arg4[%swap3A, %swap3A_13] : memref<1024x128xf32, #tpu.memory_space<vmem>>, vector<1024x128xf32>
    tpu.vector_store %arg4[%swap3A, %swap3A_13], %dot_general3A_12 {strides = array<i32>} : memref<1024x128xf32, #tpu.memory_space<vmem>>, vector<1024x128xf32>,
    return
  }
  func.func @transform_0(%arg0: i32) -> (i32, i32) {
    %c0_i32 = arith.constant 0 : i32
    %c0_i32_0 = arith.constant 0 : i32
    return %arg0, %c0_i32 : i32, i32
  }
  func.func @transform_1(%arg0: i32) -> (i32, i32) {
    %c0_i32 = arith.constant 0 : i32
    %c0_i32_0 = arith.constant 0 : i32
    return %c0_i32, %arg0 : i32, i32
  }
  func.func @transform_2(%arg0: i32) -> (i32, i32) {
    %c0_i32 = arith.constant 0 : i32
    %c0_i32_0 = arith.constant 0 : i32
    %c0_i32_1 = arith.constant 0 : i32
    return %c0_i32, %c0_i32_0 : i32, i32
  }
  func.func @transform_3(%arg0: i32) -> (i32, i32) {
    %c0_i32 = arith.constant 0 : i32
    %c0_i32_0 = arith.constant 0 : i32
    return %arg0, %c0_i32 : i32, i32
  }
}

module attributes {stable_mosaic.version = 14 : i64} {
  func.func @_gat_tc(%arg0: i32, %arg1: memref<2x1024x128xf32, #tpu.memory_space<vmem>>, %arg2: memref<32x1024xf32, #tpu.memory_space<vmem>>, %arg3: memref<128x128xf32, #tpu.memory_space<vmem>>, %arg4: memref<128xf32, #tpu.memory_space<vmem>>, %arg5: memref<128xf32, #tpu.memory_space<vmem>>, %arg6: memref<1024x128xf32, #tpu.memory_space<vmem>>, %arg7: memref<1x8x1024xf32, #tpu.memory_space<vmem>>, %arg8: memref<1x8x1024xf32, #tpu.memory_space<vmem>>) attributes {dimension_semantics = [#tpu.dimension_semantics<arbitrary>], iteration_bounds = array<i64: 10>, scalar_prefetch = 0 : i64, scratch_operands = 0 : i64, tpu.core_type = #tpu.core_type<tc>, window_params = [{transform_indices = @transform_0, window_bounds = array<i64: 2, 1024, 128>}, {transform_indices = @transform_1, window_bounds = array<i64: 32, 1024>}, {pipeline_mode = #tpu.pipeline_mode<synchronous>, transform_indices = @transform_2, window_bounds = array<i64: 128, 128>}, {pipeline_mode = #tpu.pipeline_mode<synchronous>, transform_indices = @transform_3, window_bounds = array<i64: 128>}, {pipeline_mode = #tpu.pipeline_mode<synchronous>, transform_indices = @transform_4, window_bounds = array<i64: 128>}, {transform_indices = @transform_5, window_bounds = array<i64: 1024, 128>}, {transform_indices = @transform_6, window_bounds = array<i64: 1, 8, 1024>}, {transform_indices = @transform_7, window_bounds = array<i64: 1, 8, 1024>}]} {
    %get3A = arith.constant 0 : index
    %get3A_0 = arith.constant 0 : index
    %get3A_1 = arith.constant 0 : index
    %get3A_2 = vector.load %arg1[%get3A, %get3A_0, %get3A_1] : memref<2x1024x128xf32, #tpu.memory_space<vmem>>, vector<1x1024x128xf32>
    %get3A_3 = vector.shape_cast %get3A_2 : vector<1x1024x128xf32> to vector<1024x128xf32>
    %get3A_4 = arith.constant 1 : index
    %get3A_5 = arith.constant 0 : index
    %get3A_6 = arith.constant 0 : index
    %get3A_7 = vector.load %arg1[%get3A_4, %get3A_5, %get3A_6] : memref<2x1024x128xf32, #tpu.memory_space<vmem>>, vector<1x1024x128xf32>
    %get3A_8 = vector.shape_cast %get3A_7 : vector<1x1024x128xf32> to vector<1024x128xf32>
    %add3A = arith.addf %get3A_3, %get3A_8 : vector<1024x128xf32>
    %get3A_9 = arith.constant 0 : index
    %get3A_10 = arith.constant 0 : index
    %get3A_11 = vector.load %arg2[%get3A_9, %get3A_10] : memref<32x1024xf32, #tpu.memory_space<vmem>>, vector<32x1024xf32>
    %reduce_sum3A = arith.constant dense<0.000000e+00> : vector<1024xf32>
    %reduce_sum3A_12 = vector.multi_reduction <add>, %get3A_11, %reduce_sum3A [0] : vector<32x1024xf32> to vector<1024xf32>
    %max3A = arith.constant 1.000000e+00 : f32
    %max3A_13 = vector.broadcast %max3A : f32 to vector<1024xf32>
    %max3A_14 = arith.maximumf %reduce_sum3A_12, %max3A_13 : vector<1024xf32>
    %rsqrt3A = math.rsqrt %max3A_14 : vector<1024xf32>
    %broadcast_in_dim3A = vector.shape_cast %rsqrt3A : vector<1024xf32> to vector<1024x1xf32>
    %mul3A = vector.broadcast %broadcast_in_dim3A : vector<1024x1xf32> to vector<1024x128xf32>
    %mul3A_15 = arith.mulf %add3A, %mul3A : vector<1024x128xf32>
    %max3A_16 = arith.constant 0.000000e+00 : f32
    %max3A_17 = vector.broadcast %max3A_16 : f32 to vector<1024x128xf32>
    %max3A_18 = arith.maximumf %mul3A_15, %max3A_17 : vector<1024x128xf32>
    %get3A_19 = arith.constant 0 : index
    %get3A_20 = arith.constant 0 : index
    %get3A_21 = vector.load %arg3[%get3A_19, %get3A_20] : memref<128x128xf32, #tpu.memory_space<vmem>>, vector<128x128xf32>
    %dot_general3A = arith.constant dense<0.000000e+00> : vector<1024x128xf32>
    %dot_general3A_22 = tpu.matmul %max3A_18, %get3A_21, %dot_general3A {dimension_numbers = #tpu.dot_dimension_numbers<[1], [0], [0], [1], [0, 0, 1, 1], [], []>, transpose_lhs_hint = false} : vector<1024x128xf32>, vector<128x128xf32>, vector<1024x128xf32> -> vector<1024x128xf32>
    %swap3A = arith.constant 0 : index
    %swap3A_23 = arith.constant 0 : index
    %swap3A_24 = vector.load %arg6[%swap3A, %swap3A_23] : memref<1024x128xf32, #tpu.memory_space<vmem>>, vector<1024x128xf32>
    tpu.vector_store %arg6[%swap3A, %swap3A_23], %dot_general3A_22 {strides = array<i32>} : memref<1024x128xf32, #tpu.memory_space<vmem>>, vector<1024x128xf32>,
    %get3A_25 = arith.constant 0 : index
    %get3A_26 = vector.load %arg4[%get3A_25] : memref<128xf32, #tpu.memory_space<vmem>>, vector<128xf32>
    %dot_general3A_27 = arith.constant dense<0.000000e+00> : vector<1024xf32>
    %dot_general3A_28 = tpu.matmul %dot_general3A_22, %get3A_26, %dot_general3A_27 {dimension_numbers = #tpu.dot_dimension_numbers<[1], [0], [0], [], [0, 0], [], []>, transpose_lhs_hint = false} : vector<1024x128xf32>, vector<128xf32>, vector<1024xf32> -> vector<1024xf32>
    %broadcast_in_dim3A_29 = vector.shape_cast %dot_general3A_28 : vector<1024xf32> to vector<1x1x1024xf32>
    %broadcast_in_dim3A_30 = vector.shape_cast %broadcast_in_dim3A_29 : vector<1x1x1024xf32> to vector<1x1x1024xf32>
    %broadcast_in_dim3A_31 = vector.broadcast %broadcast_in_dim3A_30 : vector<1x1x1024xf32> to vector<1x8x1024xf32>
    %swap3A_32 = arith.constant 0 : index
    %swap3A_33 = arith.constant 0 : index
    %swap3A_34 = arith.constant 0 : index
    %swap3A_35 = vector.load %arg7[%swap3A_32, %swap3A_33, %swap3A_34] : memref<1x8x1024xf32, #tpu.memory_space<vmem>>, vector<1x8x1024xf32>
    tpu.vector_store %arg7[%swap3A_32, %swap3A_33, %swap3A_34], %broadcast_in_dim3A_31 {strides = array<i32>} : memref<1x8x1024xf32, #tpu.memory_space<vmem>>, vector<1x8x1024xf32>,
    %get3A_36 = arith.constant 0 : index
    %get3A_37 = vector.load %arg5[%get3A_36] : memref<128xf32, #tpu.memory_space<vmem>>, vector<128xf32>
    %dot_general3A_38 = arith.constant dense<0.000000e+00> : vector<1024xf32>
    %dot_general3A_39 = tpu.matmul %dot_general3A_22, %get3A_37, %dot_general3A_38 {dimension_numbers = #tpu.dot_dimension_numbers<[1], [0], [0], [], [0, 0], [], []>, transpose_lhs_hint = false} : vector<1024x128xf32>, vector<128xf32>, vector<1024xf32> -> vector<1024xf32>
    %broadcast_in_dim3A_40 = vector.shape_cast %dot_general3A_39 : vector<1024xf32> to vector<1x1x1024xf32>
    %broadcast_in_dim3A_41 = vector.shape_cast %broadcast_in_dim3A_40 : vector<1x1x1024xf32> to vector<1x1x1024xf32>
    %broadcast_in_dim3A_42 = vector.broadcast %broadcast_in_dim3A_41 : vector<1x1x1024xf32> to vector<1x8x1024xf32>
    %swap3A_43 = arith.constant 0 : index
    %swap3A_44 = arith.constant 0 : index
    %swap3A_45 = arith.constant 0 : index
    %swap3A_46 = vector.load %arg8[%swap3A_43, %swap3A_44, %swap3A_45] : memref<1x8x1024xf32, #tpu.memory_space<vmem>>, vector<1x8x1024xf32>
    tpu.vector_store %arg8[%swap3A_43, %swap3A_44, %swap3A_45], %broadcast_in_dim3A_42 {strides = array<i32>} : memref<1x8x1024xf32, #tpu.memory_space<vmem>>, vector<1x8x1024xf32>,
    return
  }
  func.func @transform_0(%arg0: i32) -> (i32, i32, i32) {
    %c0_i32 = arith.constant 0 : i32
    %c0_i32_0 = arith.constant 0 : i32
    %c0_i32_1 = arith.constant 0 : i32
    return %c0_i32, %arg0, %c0_i32_0 : i32, i32, i32
  }
  func.func @transform_1(%arg0: i32) -> (i32, i32) {
    %c0_i32 = arith.constant 0 : i32
    %c0_i32_0 = arith.constant 0 : i32
    return %c0_i32, %arg0 : i32, i32
  }
  func.func @transform_2(%arg0: i32) -> (i32, i32) {
    %c0_i32 = arith.constant 0 : i32
    %c0_i32_0 = arith.constant 0 : i32
    %c0_i32_1 = arith.constant 0 : i32
    return %c0_i32, %c0_i32_0 : i32, i32
  }
  func.func @transform_3(%arg0: i32) -> i32 {
    %c0_i32 = arith.constant 0 : i32
    %c0_i32_0 = arith.constant 0 : i32
    return %c0_i32 : i32
  }
  func.func @transform_4(%arg0: i32) -> i32 {
    %c0_i32 = arith.constant 0 : i32
    %c0_i32_0 = arith.constant 0 : i32
    return %c0_i32 : i32
  }
  func.func @transform_5(%arg0: i32) -> (i32, i32) {
    %c0_i32 = arith.constant 0 : i32
    %c0_i32_0 = arith.constant 0 : i32
    return %arg0, %c0_i32 : i32, i32
  }
  func.func @transform_6(%arg0: i32) -> (i32, i32, i32) {
    %c0_i32 = arith.constant 0 : i32
    %c0_i32_0 = arith.constant 0 : i32
    %c0_i32_1 = arith.constant 0 : i32
    return %arg0, %c0_i32, %c0_i32_0 : i32, i32, i32
  }
  func.func @transform_7(%arg0: i32) -> (i32, i32, i32) {
    %c0_i32 = arith.constant 0 : i32
    %c0_i32_0 = arith.constant 0 : i32
    %c0_i32_1 = arith.constant 0 : i32
    return %arg0, %c0_i32, %c0_i32_0 : i32, i32, i32
  }
}

module attributes {stable_mosaic.version = 14 : i64} {
  func.func @_head_tc(%arg0: i32, %arg1: memref<2x1024x128xf32, #tpu.memory_space<vmem>>, %arg2: memref<32x1024xf32, #tpu.memory_space<vmem>>, %arg3: memref<128x10xf32, #tpu.memory_space<vmem>>, %arg4: memref<10xf32, #tpu.memory_space<vmem>>, %arg5: memref<1024x10xf32, #tpu.memory_space<vmem>>) attributes {dimension_semantics = [#tpu.dimension_semantics<arbitrary>], iteration_bounds = array<i64: 10>, scalar_prefetch = 0 : i64, scratch_operands = 0 : i64, tpu.core_type = #tpu.core_type<tc>, window_params = [{transform_indices = @transform_0, window_bounds = array<i64: 2, 1024, 128>}, {transform_indices = @transform_1, window_bounds = array<i64: 32, 1024>}, {pipeline_mode = #tpu.pipeline_mode<synchronous>, transform_indices = @transform_2, window_bounds = array<i64: 128, 10>}, {pipeline_mode = #tpu.pipeline_mode<synchronous>, transform_indices = @transform_3, window_bounds = array<i64: 10>}, {transform_indices = @transform_4, window_bounds = array<i64: 1024, 10>}]} {
    %get3A = arith.constant 0 : index
    %get3A_0 = arith.constant 0 : index
    %get3A_1 = arith.constant 0 : index
    %get3A_2 = vector.load %arg1[%get3A, %get3A_0, %get3A_1] : memref<2x1024x128xf32, #tpu.memory_space<vmem>>, vector<1x1024x128xf32>
    %get3A_3 = vector.shape_cast %get3A_2 : vector<1x1024x128xf32> to vector<1024x128xf32>
    %get3A_4 = arith.constant 1 : index
    %get3A_5 = arith.constant 0 : index
    %get3A_6 = arith.constant 0 : index
    %get3A_7 = vector.load %arg1[%get3A_4, %get3A_5, %get3A_6] : memref<2x1024x128xf32, #tpu.memory_space<vmem>>, vector<1x1024x128xf32>
    %get3A_8 = vector.shape_cast %get3A_7 : vector<1x1024x128xf32> to vector<1024x128xf32>
    %add3A = arith.addf %get3A_3, %get3A_8 : vector<1024x128xf32>
    %get3A_9 = arith.constant 0 : index
    %get3A_10 = arith.constant 0 : index
    %get3A_11 = vector.load %arg2[%get3A_9, %get3A_10] : memref<32x1024xf32, #tpu.memory_space<vmem>>, vector<32x1024xf32>
    %reduce_sum3A = arith.constant dense<0.000000e+00> : vector<1024xf32>
    %reduce_sum3A_12 = vector.multi_reduction <add>, %get3A_11, %reduce_sum3A [0] : vector<32x1024xf32> to vector<1024xf32>
    %add3A_13 = arith.constant 1.000000e-16 : f32
    %add3A_14 = vector.broadcast %add3A_13 : f32 to vector<1024xf32>
    %add3A_15 = arith.addf %reduce_sum3A_12, %add3A_14 : vector<1024xf32>
    %div3A = arith.constant 1.000000e+00 : f32
    %div3A_16 = vector.broadcast %div3A : f32 to vector<1024xf32>
    %div3A_17 = arith.divf %div3A_16, %add3A_15 : vector<1024xf32>
    %broadcast_in_dim3A = vector.shape_cast %div3A_17 : vector<1024xf32> to vector<1024x1xf32>
    %mul3A = vector.broadcast %broadcast_in_dim3A : vector<1024x1xf32> to vector<1024x128xf32>
    %mul3A_18 = arith.mulf %add3A, %mul3A : vector<1024x128xf32>
    %gt3A = arith.constant 0.000000e+00 : f32
    %gt3A_19 = vector.broadcast %gt3A : f32 to vector<1024x128xf32>
    %gt3A_20 = arith.cmpf ogt, %mul3A_18, %gt3A_19 : vector<1024x128xf32>
    %exp3A = math.exp %mul3A_18 : vector<1024x128xf32>
    %sub3A = arith.constant 1.000000e+00 : f32
    %sub3A_21 = vector.broadcast %sub3A : f32 to vector<1024x128xf32>
    %sub3A_22 = arith.subf %exp3A, %sub3A_21 : vector<1024x128xf32>
    %select_n3A = arith.select %gt3A_20, %mul3A_18, %sub3A_22 : vector<1024x128xi1>, vector<1024x128xf32>
    %get3A_23 = arith.constant 0 : index
    %get3A_24 = arith.constant 0 : index
    %get3A_25 = vector.load %arg3[%get3A_23, %get3A_24] : memref<128x10xf32, #tpu.memory_space<vmem>>, vector<128x10xf32>
    %dot_general3A = arith.constant dense<0.000000e+00> : vector<1024x10xf32>
    %dot_general3A_26 = tpu.matmul %select_n3A, %get3A_25, %dot_general3A {dimension_numbers = #tpu.dot_dimension_numbers<[1], [0], [0], [1], [0, 0, 1, 1], [], []>, transpose_lhs_hint = false} : vector<1024x128xf32>, vector<128x10xf32>, vector<1024x10xf32> -> vector<1024x10xf32>
    %get3A_27 = arith.constant 0 : index
    %get3A_28 = vector.load %arg4[%get3A_27] : memref<10xf32, #tpu.memory_space<vmem>>, vector<10xf32>
    %broadcast_in_dim3A_29 = vector.shape_cast %get3A_28 : vector<10xf32> to vector<1x10xf32>
    %add3A_30 = vector.broadcast %broadcast_in_dim3A_29 : vector<1x10xf32> to vector<1024x10xf32>
    %add3A_31 = arith.addf %dot_general3A_26, %add3A_30 : vector<1024x10xf32>
    %swap3A = arith.constant 0 : index
    %swap3A_32 = arith.constant 0 : index
    %swap3A_33 = vector.load %arg5[%swap3A, %swap3A_32] : memref<1024x10xf32, #tpu.memory_space<vmem>>, vector<1024x10xf32>
    tpu.vector_store %arg5[%swap3A, %swap3A_32], %add3A_31 {strides = array<i32>} : memref<1024x10xf32, #tpu.memory_space<vmem>>, vector<1024x10xf32>,
    return
  }
  func.func @transform_0(%arg0: i32) -> (i32, i32, i32) {
    %c0_i32 = arith.constant 0 : i32
    %c0_i32_0 = arith.constant 0 : i32
    %c0_i32_1 = arith.constant 0 : i32
    return %c0_i32, %arg0, %c0_i32_0 : i32, i32, i32
  }
  func.func @transform_1(%arg0: i32) -> (i32, i32) {
    %c0_i32 = arith.constant 0 : i32
    %c0_i32_0 = arith.constant 0 : i32
    return %c0_i32, %arg0 : i32, i32
  }
  func.func @transform_2(%arg0: i32) -> (i32, i32) {
    %c0_i32 = arith.constant 0 : i32
    %c0_i32_0 = arith.constant 0 : i32
    %c0_i32_1 = arith.constant 0 : i32
    return %c0_i32, %c0_i32_0 : i32, i32
  }
  func.func @transform_3(%arg0: i32) -> i32 {
    %c0_i32 = arith.constant 0 : i32
    %c0_i32_0 = arith.constant 0 : i32
    return %c0_i32 : i32
  }
  func.func @transform_4(%arg0: i32) -> (i32, i32) {
    %c0_i32 = arith.constant 0 : i32
    %c0_i32_0 = arith.constant 0 : i32
    return %arg0, %c0_i32 : i32, i32
  }
}

</mosaic_0001>

<sc_bundles>
// kernel: kernel.12.cloned.1.call-start
scs
__scs_entry_jumppad:
0x0: {  	(pc) =	sbr.rel $0x88, $3  }
0x1: {  	(tag) =	ssettag $0x0;
	lr =	simm.s32 $0x1  }
0x2: {  	[smem:$0x3F99] =	sst lr;
	_ =	strace $0xD0000000  }
0x3: {  	_ = 	snop  }
0x4: {  	_ = 	snop  }
0x5: {  	_ = 	snop  }
0x6: {  	_ = 	snop  }
0x7: {  	_ = 	snop  }
__scs_overlays_trampoline_lowered:
0x8: {  	[smem:$0x3FA8] =	sst s0  }
0x9: {  	[smem:$0x3FA9] =	sst s1  }
0xa: {  	[smem:$0x3FAA] =	sst s2  }
0xb: {  	[smem:$0x3FAB] =	sst s3  }
0xc: {  	[smem:$0x3FAC] =	sst s4  }
0xd: {  	[smem:$0x3FAD] =	sst s5  }
0xe: {  	[smem:$0x3FAE] =	sst s6  }
0xf: {  	[smem:$0x3FAF] =	sst s7  }
0x10: {  	[smem:$0x3FB0] =	sst s8  }
0x11: {  	[smem:$0x3FB1] =	sst s9;
	s0 =	simm.s32 @!p0 $0x0  }
0x12: {  	s1 =	sld [smem:$0x3F97];
	s0 =	simm.s32 @p0 $0x1  }
0x13: {  	[smem:$0x3FB2] =	sst s0;
	s0 =	simm.s32 @!p1 $0x0  }
0x14: {  	s2 =	sld [smem:$0x3F96];
	s0 =	simm.s32 @p1 $0x1  }
0x15: {  	[smem:$0x3FB3] =	sst s0;
	s0 =	simm.s32 @!p2 $0x0  }
0x16: {  	s3 =	sld [smem:$0x3FDB];
	s0 =	simm.s32 @p2 $0x1  }
0x17: {  	s4 =	simm.s32 $0x1BF5;
	[smem:$0x3FB5] =	sst s0  }
0x18: {  	s0 =	sld [smem:$0x3F98];
	_ =	swait.ge [sflag:s4], $0x0  }
0x19: {  	s7 =	sld [smem:$0x3F99]  }
0x1a: {  	s8 =	sadd.s32 $0xFFFFE003, lr  }
0x1b: {  	s9 =	sadd.s32 $0xFFFFFEF7, lr;
	s5 =	simm.s32 $0xFFFFFFFF;
	p2 =	slt.u32 s8, $0xFFFFF086  }
0x1c: {  	p1 =	slt.u32 s9, $0xF7A;
	s5 =	simm.s32 @!p2 $0x0  }
0x1d: {  	s5 =	simm.s32 @p1 $0x1;
	p0 =	seq.s32 s7, s2  }
0x1e: {  	s7 =	smul.u32 @!p0 $0xF7A, s2;
	p2 =	seq.s32 @!p0 s5, $0x0  }
0x1f: {  	s9 =	smul.u32 $0xF7A, s1;
	s8 =	simm.s32 @!p0 $0x1BF5;
	p2 =	por !p2, p0  }
0x20: {  	[sflag:s8] =	ssyncset.s32 @!p0 $0xFFFFF086;
	s6 =	sadd.s32 @!p0 s3, s7;
	s7 =	simm.s32 @!p0 $0x108  }
0x21: {  	s3 =	sadd.s32 s3, s9;
	s6 =	sadd.s32 @!p0 $0x88, s6;
	s7 =	simm.s32 @p2 $0x1082  }
0x22: {  	[simem:s7], [sflag:s8] =	dma.local @!p0 [hbm:s6], $0xF7A  }
0x23: {  	s9 =	sor.u32 $0xD0000000, s2;
	s6 =	simm.s32 $0x108;
	_ =	swait.ge @!p0 [sflag:s8], $0x0  }
0x24: {  	s3 =	sadd.s32 $0x88, s3;
	s6 =	simm.s32 @!p1 $0x1082;
	[sflag:s4] =	ssyncset.s32 $0xFFFFF086  }
0x25: {  	[simem:s6], [sflag:s4] =	dma.local [hbm:s3], $0xF7A  }
0x26: {  	[smem:$0x3F99] =	sst s1;
	(tag) =	ssettag s2;
	_ =	strace s9  }
0x27: {  	s1 =	sld [smem:$0x3FA9]  }
0x28: {  	s2 =	sld [smem:$0x3FAA]  }
0x29: {  	s4 =	sld [smem:$0x3FAC]  }
0x2a: {  	p0 =	seq.s32 s5, $0x0;
	s5 =	sld [smem:$0x3FAD]  }
0x2b: {  	s6 =	sld [smem:$0x3FAE]  }
0x2c: {  	s7 =	sld [smem:$0x3FAF]  }
0x2d: {  	s3 =	simm.s32 $0x108;
	s8 =	sld [smem:$0x3FB0]  }
0x2e: {  	s3 =	simm.s32 @!p0 $0x1082;
	s9 =	sld [smem:$0x3FB1]  }
0x2f: {  	lr =	sadd.s32 s0, s3;
	s0 =	sld [smem:$0x3FA8]  }
0x30: {  	s3 =	sld [smem:$0x3FAB]  }
0x31: {  	[smem:$0x3FB4] =	sst s10  }
0x32: {  	s10 =	sld [smem:$0x3FB2];
	_ =	sdelay $0x3  }
0x33: {  	p0 =	seq.s32 s10, $0x1;
	s10 =	sld [smem:$0x3FB4];
	_ =	sdelay $0x3  }
0x34: {  	[smem:$0x3FB4] =	sst s10  }
0x35: {  	s10 =	sld [smem:$0x3FB3];
	_ =	sdelay $0x3  }
0x36: {  	p1 =	seq.s32 s10, $0x1;
	s10 =	sld [smem:$0x3FB4];
	_ =	sdelay $0x3  }
0x37: {  	[smem:$0x3FB4] =	sst s10  }
0x38: {  	s10 =	sld [smem:$0x3FB5]  }
0x39: {  	_ = 	snop;
	(pc) =	sbr.ind lr, $3  }
0x3a: {  	_ = 	snop  }
0x3b: {  	_ = 	snop  }
0x3c: {  	p2 =	seq.s32 s10, $0x1;
	s10 =	sld [smem:$0x3FB4]  }
0x3d: {  	_ =	shalt  }
0x3e: {  	_ =	shalt  }
0x3f: {  	_ =	shalt  }
0x40: {  	_ =	shalt  }
0x41: {  	_ =	shalt  }
0x42: {  	_ =	shalt  }
0x43: {  	_ =	shalt  }
0x44: {  	_ =	shalt  }
0x45: {  	_ =	shalt  }
0x46: {  	_ =	shalt  }
0x47: {  	_ =	shalt  }
0x48: {  	_ =	shalt  }
0x49: {  	_ =	shalt  }
0x4a: {  	_ =	shalt  }
0x4b: {  	_ =	shalt  }
0x4c: {  	_ =	shalt  }
0x4d: {  	_ =	shalt  }
0x4e: {  	_ =	shalt  }
0x4f: {  	_ =	shalt  }
0x50: {  	_ =	shalt  }
0x51: {  	_ =	shalt  }
0x52: {  	_ =	shalt  }
0x53: {  	_ =	shalt  }
0x54: {  	_ =	shalt  }
0x55: {  	_ =	shalt  }
0x56: {  	_ =	shalt  }
0x57: {  	_ =	shalt  }
0x58: {  	_ =	shalt  }
0x59: {  	_ =	shalt  }
0x5a: {  	_ =	shalt  }
0x5b: {  	_ =	shalt  }
0x5c: {  	_ =	shalt  }
0x5d: {  	_ =	shalt  }
0x5e: {  	_ =	shalt  }
0x5f: {  	_ =	shalt  }
0x60: {  	_ =	shalt  }
0x61: {  	_ =	shalt  }
0x62: {  	_ =	shalt  }
0x63: {  	_ =	shalt  }
0x64: {  	_ =	shalt  }
0x65: {  	_ =	shalt  }
0x66: {  	_ =	shalt  }
0x67: {  	_ =	shalt  }
0x68: {  	_ =	shalt  }
0x69: {  	_ =	shalt  }
0x6a: {  	_ =	shalt  }
0x6b: {  	_ =	shalt  }
0x6c: {  	_ =	shalt  }
0x6d: {  	_ =	shalt  }
0x6e: {  	_ =	shalt  }
0x6f: {  	_ =	shalt  }
0x70: {  	_ =	shalt  }
0x71: {  	_ =	shalt  }
0x72: {  	_ =	shalt  }
0x73: {  	_ =	shalt  }
0x74: {  	_ =	shalt  }
0x75: {  	_ =	shalt  }
0x76: {  	_ =	shalt  }
0x77: {  	_ =	shalt  }
0x78: {  	_ =	shalt  }
0x79: {  	_ =	shalt  }
0x7a: {  	_ =	shalt  }
0x7b: {  	_ =	shalt  }
0x7c: {  	_ =	shalt  }
0x7d: {  	_ =	shalt  }
0x7e: {  	_ =	shalt  }
0x7f: {  	_ =	shalt  }
0x80: {  	_ =	shalt  }
0x81: {  	_ =	shalt  }
0x82: {  	_ =	shalt  }
0x83: {  	_ =	shalt  }
0x84: {  	_ =	shalt  }
0x85: {  	_ =	shalt  }
0x86: {  	_ =	shalt  }
0x87: {  	_ =	shalt  }
.Lfunc_end0:
.L_simem_size_0:
called_computation.1_lowered:
.L_overlay_start_0:
0x88: {  	s2 =	sld [smem:$0x3FD9]  }
0x89: {  	s3 =	sld [smem:$0x3FFE];
	_ =	sdelay $0x1  }
0x8a: {  	s1 =	srdreg.scid  }
0x8b: {  	s0 =	sand.u32 $0x1, s1  }
0x8c: {  	s17 =	sshll.u32 s0, $0xA;
	s2 =	sadd.s32 s3, s2  }
0x8d: {  	s2 =	sadd.s32 s2, s17  }
0x8e: {  	[smem:$0x3FC0] =	sst s2  }
0x8f: {  	_ = 	snop  }
0x90: {  	s2 =	sld [smem:$0x3FD0];
	(tm) =	ssettm $0x1  }
0x91: {  	s18 =	sld [smem:$0x3FFB];
	_ =	sdelay $0x3  }
0x92: {  	_ =	strace s18  }
0x93: {  	s3 =	sld [smem:$0x3FFC];
	_ =	sdelay $0x3  }
0x94: {  	_ =	strace s3  }
0x95: {  	s3 =	sld [smem:$0x3FFD];
	_ =	sdelay $0x3  }
0x96: {  	_ =	strace s3  }
0x97: {  	_ =	strace $0x8FFFFFFF  }
0x98: {  	s19 =	sld [smem:$0x3FDB];
	_ =	sdelay $0x1  }
0x99: {  	s4 =	simm.s32 $_scs_section_size  }
0x9a: {  	s5 =	simm.s32 $_size__tile_overlayer_lowered;
	s6 =	simm.s32 $_tile_overlayer_lowered  }
0x9b: {  	s22 =	simm.s32 $0x1BFF;
	s21 =	sshll.u32 s6, $0x1;
	s3 =	sadd.s32 s4, s19  }
0x9c: {  	s7 =	simm.s32 $0x0;
	s20 =	sshll.u32 s5, $0x1;
	s5 =	sadd.s32 s21, s3  }
0x9d: {  	[timem:s7], [sflag:s22] =	dma.local [hbm:s5], s20  }
0x9e: {  	_ =	swait.ge [sflag:s22], s20  }
0x9f: {  	s4 =	ssub.s32 $0x0, s20;
	[sflag:s22] =	ssyncset.done $0x0  }
0xa0: {  	[sflag:s22] =	ssyncadd.s32 s4;
	_ =	sdelay $0x1  }
0xa1: {  	s23 =	simm.s32 $0x1B8B  }
0xa2: {  	_ =	swait.ge [sflag:s23], $0x1  }
0xa3: {  	[sflag:s23] =	ssyncset.done $0x0  }
0xa4: {  	s25 =	simm.s32 $0x1B8E;
	s24 =	sld [smem:$0x3FFE];
	[sflag:s23] =	ssyncadd.s32 $0xFFFFFFFF  }
0xa5: {  	s26 =	simm.s32 $execute0_lowered;
	[smem:$0x3FD2] =	sst s25  }
0xa6: {  	s5 =	sshll.u32 s26, $0x1;
	_ =	strace $0x80000049;
	[dreg:$0x1] =	wrdreg $0xFFFFFFFF  }
0xa7: {  	s28 =	simm.s32 $_size_execute0_lowered;
	s3 =	sadd.s32 s3, s5;
	[dreg:$0x0] =	wrdreg $0x0  }
0xa8: {  	s5 =	sshll.u32 s28, $0x1;
	[dreg:$0x2] =	wrdreg s3  }
0xa9: {  	[dreg:$0x3] =	wrdreg s5  }
0xaa: {  	[dreg:$0x4] =	wrdreg $0xC0  }
0xab: {  	_ =	task [dreg:s7], $0x5FFFF  }
0xac: {  	[dreg:$0x1] =	wrdreg $0xFFFFFFFF  }
0xad: {  	[dreg:$0x0] =	wrdreg $0x60  }
0xae: {  	[dreg:$0x2] =	wrdreg s24  }
0xaf: {  	[dreg:$0x3] =	wrdreg s2  }
0xb0: {  	[dreg:$0x4] =	wrdreg $0x0  }
0xb1: {  	[dreg:$0x5] =	wrdreg $0x9  }
0xb2: {  	_ =	task.clear_ibuf [dreg:s7], $0x6FFFF;
	_ =	strace $0x90000049  }
0xb3: {  	s29 =	simm.s32 $0x9;
	_ =	strace $0x8000004B  }
0xb4: {  	_ =	swait.ge [sflag:s29], $0x1  }
0xb5: {  	[sflag:s29] =	ssyncadd.s32 $0xFFFFFFFF  }
0xb6: {  	_ =	strace $0x9000004B  }
0xb7: {  	_ =	sfence  }
0xb8: {  	s30 =	sld [smem:$0x0];
	_ =	sdelay $0x2  }
0xb9: {  	s31 =	sshll.u32 s1, $0xD;
	s1 =	sshrl.u32 s1, $0x2  }
0xba: {  	s3 =	sand.u32 $0x4000, s31;
	s1 =	sadd.s32 s1, s30  }
0xbb: {  	s0 =	sor.u32 s3, s0;
	s1 =	sshll.u32 s1, $0x11  }
0xbc: {  	s0 =	sor.u32 s1, s0  }
0xbd: {  	s0 =	sadd.s32 $0x8F2B, s0  }
0xbe: {  	[sflag:s0] =	ssyncadd.remote.s32 $0x1  }
0xbf: {  	_ =	sfence.sel $0xFFFF  }
0xc0: {  	[dreg:$0x0] =	wrdreg $0xFFFFFFFF;
	(pc) =	sbr.abs _section_cstart, $3  }
0xc1: {  	[dreg:$0x1] =	wrdreg $0xFFFFFFFF  }
0xc2: {  	_ =	task.clear_ibuf [dreg:s7], $0x2FFFF;
	_ =	strace $0x9FFFFFFF  }
0xc3: {  	(tm) =	ssettm $0x7FFFFFFF  }
tec
execute0_lowered:
.L_overlay_start_1:
0x0: {  	(tag) =	ssettag $0x1  }
0x1: {  	s9 =	rddreg [dreg:$0x0]  }
0x2: {  	s1 =	rddreg [dreg:$0x1]  }
0x3: {  	s2 =	rddreg [dreg:$0x2]  }
0x4: {  	s3 =	srdreg.scid;
	s4 =	simm.s32 $0x0;
	s0 =	stileid.u32  }
0x5: {  	s16 =	simm.s32 $0x14000;
	s17 =	simm.s32 $0x14800;
	s18 =	simm.s32 $0x80  }
0x6: {  	s19 =	simm.s32 $0x15000;
	s20 =	simm.s32 $0x0;
	s8 =	smul.u32 $0x14000, s0  }
0x7: {  	s10 =	sand.u32 $0x1, s3;
	[smem:$0x7FF] =	sst s4;
	s26 =	smul.u32 $0x50000, s0  }
0x8: {  	s5 =	sadd.s32 $0x3EE00, s9;
	s13 =	smul.u32 $0xFFFFFFB0, s0;
	s30 =	sshll.u32 s0, $0x6  }
0x9: {  	s7 =	smul.u32 $0x140000, s10;
	s6 =	sshll.u32 s10, $0x4;
	_ =	strace $0x8000004A  }
0xa: {  	s28 =	ssub.s32 $0x2, s10;
	s10 =	smul.u32 $0xFFFFFB00, s10;
	s11 =	sor.u32 s0, s6  }
0xb: {  	s6 =	sadd.s32 $0x2AE00, s9;
	s14 =	sshrl.u32 s28, $0x1;
	s12 =	sadd.s32 s8, s7  }
0xc: {  	s7 =	smul.u32 $0x50, s11;
	s8 =	sadd.s32 $0x34E00, s9;
	s14 =	ssub.s32 s28, s14  }
.Ltmp0:
0xd: {  	s13 =	sadd.s32 s10, s13;
	s10 =	sor.u32 $0x1C03, s30;
	(pc) =	sbr.rel .LBB2_1-.Ltmp0, $4  }
0xe: {  	s25 =	sshrl.u32 s12, $0x3;
	s12 =	sshrl.u32 s26, $0x2;
	s31 =	sadd.s32 $0x9C4, s13  }
0xf: {  	s13 =	smax.u32 s14, $0x1;
	s11 =	sadd.s32 s25, s9;
	s15 =	ssub.s32 $0x9C4, s7  }
0x10: {  	s29 =	sadd.s32 s12, s2;
	s12 =	smin.u32 s31, $0x50;
	s9 =	smin.u32 s15, $0x50  }
0x11: {  	s11 =	sadd.s32 $0x66000, s11;
	s14 =	sshrl.u32 s29, $0x3;
	s15 =	simm.s32 $0x3  }
.LBB2_7:
0x12: {  	s20 =	sadd.s32 $0x1, s20  }
0x13: {  	p0 =	sne.s32 s20, s13  }
.Ltmp1:
0x14: {  	[bflag:$0x0] =	sbarrier.arrive $0xFFFF;
	(pc) =	sbr.rel @!p0 .LBB2_8-.Ltmp1, $4  }
0x15: {  	[hbm:s11], [sflag:s10] =	dma.local [spmem:s14], $0x2800  }
0x16: {  	_ =	swait.ge [sflag:s15], $0x2800  }
0x17: {  	[sflag:s15] =	ssyncset.done $0x0  }
0x18: {  	[sflag:s15] =	ssyncadd.s32 $0xFFFFD800  }
.LBB2_1:
0x19: {  	[spmem:s14], [sflag:s10] =	dma.local [hbm:s1], $0x2800  }
.Ltmp2:
0x1a: {  	_ =	swait.ge [sflag:s15], $0x2800;
	(pc) =	sbr.rel .LBB2_2-.Ltmp2, $4  }
0x1b: {  	[sflag:s15] =	ssyncset.done $0x0  }
0x1c: {  	[sflag:s15] =	ssyncadd.s32 $0xFFFFD800  }
0x1d: {  	[bflag:$0x0] =	sbarrier.arrive $0xFFFF  }
0x1e: {  	s21 =	smov.u32 s12;
	s22 =	simm.s32 $0x0  }
.LBB2_5:
0x1f: {  	[spmem:s2] =	stream.indirect.scatter.add.f32 [tilespmem:s29], [sflag:$0x3], $0x80, s28, s18, $0xb8;
	[tilespmem:$0x1D000] =	vst v63  }
0x20: {  	_ =	swait.ge [sflag:s15], $0x4000  }
0x21: {  	[sflag:s15] =	ssyncset.done $0x0  }
0x22: {  	[sflag:s15] =	ssyncadd.s32 $0xFFFFC000  }
.LBB2_6:
0x23: {  	s22 =	sadd.s32 $0x1, s22  }
0x24: {  	p0 =	sne.s32 s22, $0x5  }
.Ltmp3:
0x25: {  	_ = 	snop;
	(pc) =	sbr.rel @!p0 .LBB2_7-.Ltmp3, $2  }
0x26: {  	_ =	sdelay $0x2  }
0x27: {  	s21 =	sadd.s32 $0xFFFFFFF0, s21  }
.LBB2_2:
0x28: {  	s23 =	sshll.u32 s22, $0x4  }
0x29: {  	s24 =	sadd.s32 s7, s23  }
0x2a: {  	s24 =	sshll.u32 s24, $0x4  }
0x2b: {  	s25 =	sadd.s32 s6, s24  }
0x2c: {  	[tilespmem:s16], [sflag:$0x3] =	stream.linear.gather [hbm4b:s25+s4], $0x800, $0x38;
	[tilespmem:$0x1D000] =	vst v63  }
0x2d: {  	s23 =	ssub.s32 s9, s23;
	_ =	swait.ge [sflag:s15], $0x800  }
0x2e: {  	p0 =	slt.s32 s23, $0x1;
	[sflag:s15] =	ssyncset.done $0x0  }
.Ltmp4:
0x2f: {  	s24 =	sadd.s32 s8, s24;
	[sflag:s15] =	ssyncadd.s32 $0xFFFFF800;
	(pc) =	sbr.rel @p0 .LBB2_6-.Ltmp4, $4  }
0x30: {  	[tilespmem:s17], [sflag:$0x3] =	stream.linear.gather [hbm4b:s24+s4], $0x800, $0x38;
	[tilespmem:$0x1D000] =	vst v63  }
0x31: {  	_ =	swait.ge [sflag:s15], $0x800  }
0x32: {  	[sflag:s15] =	ssyncset.done $0x0  }
0x33: {  	[sflag:s15] =	ssyncadd.s32 $0xFFFFF800  }
0x34: {  	p0 =	sgt.s32 s23, $0x0  }
0x35: {  	[tilespmem:s19], [sflag:$0x1] =	stream.indirect.gather [hbm4b:s5+s18], $0x80, s16, s18, $0xb8;
	[tilespmem:$0x1D000] =	vst v63  }
0x36: {  	s23 =	simm.s32 @!p0 $0x0  }
0x37: {  	s26 =	smov.u32 s21;
	p0 =	sgt.s32 s21, $0x1;
	s23 =	smin.u32 s23, $0x10  }
0x38: {  	s24 =	simm.s32 $0x1;
	s26 =	simm.s32 @!p0 $0x1;
	p0 =	sle.u32 s23, $0x1  }
0x39: {  	s29 =	sand.u32 @!p0 $0x1, s24  }
0x3a: {  	s25 =	simm.s32 $0x14080;
	s26 =	smin.u32 s26, $0x10;
	s30 =	sshll.u32 @!p0 s29, $0xE  }
0x3b: {  	s31 =	simm.s32 @!p0 $0x80;
	s29 =	sadd.s32 @!p0 $0x1, s29;
	s30 =	sadd.s32 @!p0 $0x15000, s30  }
0x3c: {  	[tilespmem:s30], [sflag:s29] =	stream.indirect.gather @!p0 [hbm4b:s5+s31], $0x80, s25, s31, $0xb8;
	[tilespmem:$0x1D000] =	vst v63  }
0x3d: {  	s28 =	simm.s32 $0x0;
	p0 =	sne.s32 s26, $0x1  }
.Ltmp5:
0x3e: {  	s28 =	sand.u32 $0x1, s28;
	(pc) =	sbr.rel @!p0 .LBB2_5-.Ltmp5, $4  }
0x3f: {  	s0 =	sadd.s32 $0x1, s28  }
0x40: {  	_ =	swait.ge [sflag:s0], $0x4000  }
0x41: {  	s29 =	sshll.u32 s28, $0xE;
	[sflag:s0] =	ssyncset.done $0x0  }
0x42: {  	s28 =	simm.s32 $0x14800;
	s29 =	sadd.s32 $0x15000, s29;
	[sflag:s0] =	ssyncadd.s32 $0xFFFFC000  }
.LBB2_4:
0x43: {  	[spmem:s2] =	stream.indirect.scatter.add.f32 [tilespmem:s29], [sflag:$0x3], $0x80, s28, s18, $0xb8;
	[tilespmem:$0x1D000] =	vst v63  }
0x44: {  	s0 =	smov.u32 s24;
	s24 =	sadd.s32 $0x1, s24;
	_ =	swait.ge [sflag:s15], $0x4000  }
0x45: {  	s0 =	sand.u32 $0x1, s0;
	p0 =	sge.u32 s24, s23;
	[sflag:s15] =	ssyncset.done $0x0  }
0x46: {  	s29 =	sand.u32 @!p0 $0x1, s24;
	s30 =	sshll.u32 s0, $0xE;
	[sflag:s15] =	ssyncadd.s32 $0xFFFFC000  }
0x47: {  	s25 =	sadd.s32 $0x80, s25;
	s31 =	sshll.u32 @!p0 s29, $0xE;
	s29 =	sadd.s32 @!p0 $0x1, s29  }
0x48: {  	s3 =	simm.s32 @!p0 $0x80;
	s0 =	sadd.s32 $0x1, s0;
	s31 =	sadd.s32 @!p0 $0x15000, s31  }
0x49: {  	[tilespmem:s31], [sflag:s29] =	stream.indirect.gather @!p0 [hbm4b:s5+s3], $0x80, s25, s3, $0xb8;
	[tilespmem:$0x1D000] =	vst v63  }
0x4a: {  	p0 =	sne.s32 s26, s24  }
.Ltmp6:
0x4b: {  	_ = 	snop;
	(pc) =	sbr.rel @p0 .LBB2_4-.Ltmp6, $4  }
0x4c: {  	_ = 	snop  }
0x4d: {  	_ =	swait.ge [sflag:s0], $0x4000  }
0x4e: {  	s28 =	sadd.s32 $0x80, s28;
	[sflag:s0] =	ssyncset.done $0x0  }
0x4f: {  	s29 =	sadd.s32 $0x15000, s30;
	[sflag:s0] =	ssyncadd.s32 $0xFFFFC000  }
.Ltmp7:
0x50: {  	_ = 	snop;
	(pc) =	sbr.rel .LBB2_5-.Ltmp7, $1  }
0x51: {  	_ =	sdelay $0x3  }
.LBB2_8:
0x52: {  	_ =	sfence.sel $0x180000  }
0x53: {  	[bflag:$0x0] =	sbarrier.arrive $0xFFFF  }
0x54: {  	_ =	strace $0x9000004A  }
0x55: {  	s0 =	stileid.u32;
	[bflag:$0x2] =	sbarrier.arrive $0xFFFF  }
0x56: {  	p0 =	sne.s32 s0, $0x0;
	s0 =	rddreg [dreg:$0x3]  }
0x57: {  	s0 =	sadd.s32 @!p0 $0x100000, s0  }
0x58: {  	[sflag:s0] =	ssyncadd.tile.s32 @!p0 $0x1;
	_ =	shalt  }
.Lfunc_end2:
_tile_overlayer_lowered:
.L_overlay_start_2:
0x59: {  	(tag) =	ssettag $0x2  }
0x5a: {  	s0 =	rddreg [dreg:$0x0];
	s2 =	stileid.u32  }
0x5b: {  	s1 =	rddreg [dreg:$0x1];
	p0 =	sne.s32 s2, $0x0  }
0x5c: {  	s3 =	rddreg [dreg:$0x2];
	[bflag:$0x3] =	sbarrier.arrive $0xFFFF;
	s2 =	simm.s32 @!p0 $0x1C03  }
0x5d: {  	[timem:s3], [sflag:s2] =	dma.local @!p0 [hbm:s0], s1  }
0x5e: {  	s0 =	simm.s32 @!p0 $0x3  }
0x5f: {  	_ =	swait.ge @!p0 [sflag:s0], s1  }
0x60: {  	s1 =	ssub.s32 @!p0 $0x0, s1;
	[sflag:s0] =	ssyncset.done @!p0 $0x0  }
0x61: {  	[sflag:s0] =	ssyncadd.s32 @!p0 s1  }
0x62: {  	[bflag:$0x3] =	sbarrier.arrive $0xFFFF  }
0x63: {  	_ =	shalt  }

// kernel: kernel.15.cloned.1.call-start
scs
__scs_entry_jumppad:
0x0: {  	(pc) =	sbr.rel $0x88, $3  }
0x1: {  	(tag) =	ssettag $0x0;
	lr =	simm.s32 $0x1  }
0x2: {  	[smem:$0x3F99] =	sst lr;
	_ =	strace $0xD0000000  }
0x3: {  	_ = 	snop  }
0x4: {  	_ = 	snop  }
0x5: {  	_ = 	snop  }
0x6: {  	_ = 	snop  }
0x7: {  	_ = 	snop  }
__scs_overlays_trampoline_lowered:
0x8: {  	[smem:$0x3FA8] =	sst s0  }
0x9: {  	[smem:$0x3FA9] =	sst s1  }
0xa: {  	[smem:$0x3FAA] =	sst s2  }
0xb: {  	[smem:$0x3FAB] =	sst s3  }
0xc: {  	[smem:$0x3FAC] =	sst s4  }
0xd: {  	[smem:$0x3FAD] =	sst s5  }
0xe: {  	[smem:$0x3FAE] =	sst s6  }
0xf: {  	[smem:$0x3FAF] =	sst s7  }
0x10: {  	[smem:$0x3FB0] =	sst s8  }
0x11: {  	[smem:$0x3FB1] =	sst s9;
	s0 =	simm.s32 @!p0 $0x0  }
0x12: {  	s1 =	sld [smem:$0x3F97];
	s0 =	simm.s32 @p0 $0x1  }
0x13: {  	[smem:$0x3FB2] =	sst s0;
	s0 =	simm.s32 @!p1 $0x0  }
0x14: {  	s2 =	sld [smem:$0x3F96];
	s0 =	simm.s32 @p1 $0x1  }
0x15: {  	[smem:$0x3FB3] =	sst s0;
	s0 =	simm.s32 @!p2 $0x0  }
0x16: {  	s3 =	sld [smem:$0x3FDB];
	s0 =	simm.s32 @p2 $0x1  }
0x17: {  	s4 =	simm.s32 $0x1BF5;
	[smem:$0x3FB5] =	sst s0  }
0x18: {  	s0 =	sld [smem:$0x3F98];
	_ =	swait.ge [sflag:s4], $0x0  }
0x19: {  	s7 =	sld [smem:$0x3F99]  }
0x1a: {  	s8 =	sadd.s32 $0xFFFFE003, lr  }
0x1b: {  	s9 =	sadd.s32 $0xFFFFFEF7, lr;
	s5 =	simm.s32 $0xFFFFFFFF;
	p2 =	slt.u32 s8, $0xFFFFF086  }
0x1c: {  	p1 =	slt.u32 s9, $0xF7A;
	s5 =	simm.s32 @!p2 $0x0  }
0x1d: {  	s5 =	simm.s32 @p1 $0x1;
	p0 =	seq.s32 s7, s2  }
0x1e: {  	s7 =	smul.u32 @!p0 $0xF7A, s2;
	p2 =	seq.s32 @!p0 s5, $0x0  }
0x1f: {  	s9 =	smul.u32 $0xF7A, s1;
	s8 =	simm.s32 @!p0 $0x1BF5;
	p2 =	por !p2, p0  }
0x20: {  	[sflag:s8] =	ssyncset.s32 @!p0 $0xFFFFF086;
	s6 =	sadd.s32 @!p0 s3, s7;
	s7 =	simm.s32 @!p0 $0x108  }
0x21: {  	s3 =	sadd.s32 s3, s9;
	s6 =	sadd.s32 @!p0 $0x88, s6;
	s7 =	simm.s32 @p2 $0x1082  }
0x22: {  	[simem:s7], [sflag:s8] =	dma.local @!p0 [hbm:s6], $0xF7A  }
0x23: {  	s9 =	sor.u32 $0xD0000000, s2;
	s6 =	simm.s32 $0x108;
	_ =	swait.ge @!p0 [sflag:s8], $0x0  }
0x24: {  	s3 =	sadd.s32 $0x88, s3;
	s6 =	simm.s32 @!p1 $0x1082;
	[sflag:s4] =	ssyncset.s32 $0xFFFFF086  }
0x25: {  	[simem:s6], [sflag:s4] =	dma.local [hbm:s3], $0xF7A  }
0x26: {  	[smem:$0x3F99] =	sst s1;
	(tag) =	ssettag s2;
	_ =	strace s9  }
0x27: {  	s1 =	sld [smem:$0x3FA9]  }
0x28: {  	s2 =	sld [smem:$0x3FAA]  }
0x29: {  	s4 =	sld [smem:$0x3FAC]  }
0x2a: {  	p0 =	seq.s32 s5, $0x0;
	s5 =	sld [smem:$0x3FAD]  }
0x2b: {  	s6 =	sld [smem:$0x3FAE]  }
0x2c: {  	s7 =	sld [smem:$0x3FAF]  }
0x2d: {  	s3 =	simm.s32 $0x108;
	s8 =	sld [smem:$0x3FB0]  }
0x2e: {  	s3 =	simm.s32 @!p0 $0x1082;
	s9 =	sld [smem:$0x3FB1]  }
0x2f: {  	lr =	sadd.s32 s0, s3;
	s0 =	sld [smem:$0x3FA8]  }
0x30: {  	s3 =	sld [smem:$0x3FAB]  }
0x31: {  	[smem:$0x3FB4] =	sst s10  }
0x32: {  	s10 =	sld [smem:$0x3FB2];
	_ =	sdelay $0x3  }
0x33: {  	p0 =	seq.s32 s10, $0x1;
	s10 =	sld [smem:$0x3FB4];
	_ =	sdelay $0x3  }
0x34: {  	[smem:$0x3FB4] =	sst s10  }
0x35: {  	s10 =	sld [smem:$0x3FB3];
	_ =	sdelay $0x3  }
0x36: {  	p1 =	seq.s32 s10, $0x1;
	s10 =	sld [smem:$0x3FB4];
	_ =	sdelay $0x3  }
0x37: {  	[smem:$0x3FB4] =	sst s10  }
0x38: {  	s10 =	sld [smem:$0x3FB5]  }
0x39: {  	_ = 	snop;
	(pc) =	sbr.ind lr, $3  }
0x3a: {  	_ = 	snop  }
0x3b: {  	_ = 	snop  }
0x3c: {  	p2 =	seq.s32 s10, $0x1;
	s10 =	sld [smem:$0x3FB4]  }
0x3d: {  	_ =	shalt  }
0x3e: {  	_ =	shalt  }
0x3f: {  	_ =	shalt  }
0x40: {  	_ =	shalt  }
0x41: {  	_ =	shalt  }
0x42: {  	_ =	shalt  }
0x43: {  	_ =	shalt  }
0x44: {  	_ =	shalt  }
0x45: {  	_ =	shalt  }
0x46: {  	_ =	shalt  }
0x47: {  	_ =	shalt  }
0x48: {  	_ =	shalt  }
0x49: {  	_ =	shalt  }
0x4a: {  	_ =	shalt  }
0x4b: {  	_ =	shalt  }
0x4c: {  	_ =	shalt  }
0x4d: {  	_ =	shalt  }
0x4e: {  	_ =	shalt  }
0x4f: {  	_ =	shalt  }
0x50: {  	_ =	shalt  }
0x51: {  	_ =	shalt  }
0x52: {  	_ =	shalt  }
0x53: {  	_ =	shalt  }
0x54: {  	_ =	shalt  }
0x55: {  	_ =	shalt  }
0x56: {  	_ =	shalt  }
0x57: {  	_ =	shalt  }
0x58: {  	_ =	shalt  }
0x59: {  	_ =	shalt  }
0x5a: {  	_ =	shalt  }
0x5b: {  	_ =	shalt  }
0x5c: {  	_ =	shalt  }
0x5d: {  	_ =	shalt  }
0x5e: {  	_ =	shalt  }
0x5f: {  	_ =	shalt  }
0x60: {  	_ =	shalt  }
0x61: {  	_ =	shalt  }
0x62: {  	_ =	shalt  }
0x63: {  	_ =	shalt  }
0x64: {  	_ =	shalt  }
0x65: {  	_ =	shalt  }
0x66: {  	_ =	shalt  }
0x67: {  	_ =	shalt  }
0x68: {  	_ =	shalt  }
0x69: {  	_ =	shalt  }
0x6a: {  	_ =	shalt  }
0x6b: {  	_ =	shalt  }
0x6c: {  	_ =	shalt  }
0x6d: {  	_ =	shalt  }
0x6e: {  	_ =	shalt  }
0x6f: {  	_ =	shalt  }
0x70: {  	_ =	shalt  }
0x71: {  	_ =	shalt  }
0x72: {  	_ =	shalt  }
0x73: {  	_ =	shalt  }
0x74: {  	_ =	shalt  }
0x75: {  	_ =	shalt  }
0x76: {  	_ =	shalt  }
0x77: {  	_ =	shalt  }
0x78: {  	_ =	shalt  }
0x79: {  	_ =	shalt  }
0x7a: {  	_ =	shalt  }
0x7b: {  	_ =	shalt  }
0x7c: {  	_ =	shalt  }
0x7d: {  	_ =	shalt  }
0x7e: {  	_ =	shalt  }
0x7f: {  	_ =	shalt  }
0x80: {  	_ =	shalt  }
0x81: {  	_ =	shalt  }
0x82: {  	_ =	shalt  }
0x83: {  	_ =	shalt  }
0x84: {  	_ =	shalt  }
0x85: {  	_ =	shalt  }
0x86: {  	_ =	shalt  }
0x87: {  	_ =	shalt  }
.Lfunc_end0:
.L_simem_size_0:
called_computation.2_lowered:
.L_overlay_start_0:
0x88: {  	s2 =	sld [smem:$0x3FD9]  }
0x89: {  	s3 =	sld [smem:$0x3FFE];
	_ =	sdelay $0x1  }
0x8a: {  	s1 =	srdreg.scid  }
0x8b: {  	s0 =	sand.u32 $0x1, s1  }
0x8c: {  	s16 =	sshll.u32 s0, $0xA;
	s2 =	sadd.s32 s3, s2  }
0x8d: {  	s2 =	sadd.s32 s2, s16  }
0x8e: {  	[smem:$0x3FC0] =	sst s2  }
0x8f: {  	_ = 	snop  }
0x90: {  	(tm) =	ssettm $0x1  }
0x91: {  	s17 =	sld [smem:$0x3FFB];
	_ =	sdelay $0x3  }
0x92: {  	_ =	strace s17  }
0x93: {  	s2 =	sld [smem:$0x3FFC];
	_ =	sdelay $0x3  }
0x94: {  	_ =	strace s2  }
0x95: {  	s2 =	sld [smem:$0x3FFD];
	_ =	sdelay $0x3  }
0x96: {  	_ =	strace s2  }
0x97: {  	_ =	strace $0x8FFFFFFF  }
0x98: {  	s18 =	sld [smem:$0x3FDB];
	_ =	sdelay $0x1  }
0x99: {  	s19 =	simm.s32 $_scs_section_size  }
0x9a: {  	s4 =	simm.s32 $_size__tile_overlayer_lowered;
	s5 =	simm.s32 $_tile_overlayer_lowered  }
0x9b: {  	s22 =	simm.s32 $0x1BFF;
	s21 =	sshll.u32 s5, $0x1;
	s2 =	sadd.s32 s19, s18  }
0x9c: {  	s6 =	simm.s32 $0x0;
	s20 =	sshll.u32 s4, $0x1;
	s4 =	sadd.s32 s21, s2  }
0x9d: {  	[timem:s6], [sflag:s22] =	dma.local [hbm:s4], s20  }
0x9e: {  	_ =	swait.ge [sflag:s22], s20  }
0x9f: {  	s3 =	ssub.s32 $0x0, s20;
	[sflag:s22] =	ssyncset.done $0x0  }
0xa0: {  	[sflag:s22] =	ssyncadd.s32 s3;
	_ =	sdelay $0x1  }
0xa1: {  	s23 =	simm.s32 $0x1B8B  }
0xa2: {  	_ =	swait.ge [sflag:s23], $0x1  }
0xa3: {  	[sflag:s23] =	ssyncset.done $0x0  }
0xa4: {  	s25 =	simm.s32 $0x1B8E;
	s24 =	sld [smem:$0x3FFE];
	[sflag:s23] =	ssyncadd.s32 $0xFFFFFFFF  }
0xa5: {  	s26 =	simm.s32 $execute0_lowered;
	[smem:$0x3FD2] =	sst s25  }
0xa6: {  	s4 =	sshll.u32 s26, $0x1;
	_ =	strace $0x8000004C;
	[dreg:$0x1] =	wrdreg $0xFFFFFFFF  }
0xa7: {  	s28 =	simm.s32 $_size_execute0_lowered;
	s2 =	sadd.s32 s2, s4;
	[dreg:$0x0] =	wrdreg $0x0  }
0xa8: {  	s4 =	sshll.u32 s28, $0x1;
	[dreg:$0x2] =	wrdreg s2  }
0xa9: {  	[dreg:$0x3] =	wrdreg s4  }
0xaa: {  	[dreg:$0x4] =	wrdreg $0xC0  }
0xab: {  	_ =	task [dreg:s6], $0x5FFFF  }
0xac: {  	[dreg:$0x1] =	wrdreg $0xFFFFFFFF  }
0xad: {  	[dreg:$0x0] =	wrdreg $0x60  }
0xae: {  	[dreg:$0x2] =	wrdreg s24  }
0xaf: {  	[dreg:$0x3] =	wrdreg $0x9  }
0xb0: {  	_ =	task.clear_ibuf [dreg:s6], $0x4FFFF;
	_ =	strace $0x9000004C  }
0xb1: {  	s29 =	simm.s32 $0x9;
	_ =	strace $0x8000004E  }
0xb2: {  	_ =	swait.ge [sflag:s29], $0x1  }
0xb3: {  	[sflag:s29] =	ssyncadd.s32 $0xFFFFFFFF  }
0xb4: {  	_ =	strace $0x9000004E  }
0xb5: {  	_ =	sfence  }
0xb6: {  	s30 =	sld [smem:$0x0];
	_ =	sdelay $0x2  }
0xb7: {  	s31 =	sshll.u32 s1, $0xD;
	s1 =	sshrl.u32 s1, $0x2  }
0xb8: {  	s3 =	sand.u32 $0x4000, s31;
	s1 =	sadd.s32 s1, s30  }
0xb9: {  	s0 =	sor.u32 s3, s0;
	s1 =	sshll.u32 s1, $0x11  }
0xba: {  	s0 =	sor.u32 s1, s0  }
0xbb: {  	s0 =	sadd.s32 $0x8F2B, s0  }
0xbc: {  	[sflag:s0] =	ssyncadd.remote.s32 $0x1  }
0xbd: {  	_ =	sfence.sel $0xFFFF  }
0xbe: {  	[dreg:$0x0] =	wrdreg $0xFFFFFFFF;
	(pc) =	sbr.abs _section_cstart, $3  }
0xbf: {  	[dreg:$0x1] =	wrdreg $0xFFFFFFFF  }
0xc0: {  	_ =	task.clear_ibuf [dreg:s6], $0x2FFFF;
	_ =	strace $0x9FFFFFFF  }
0xc1: {  	(tm) =	ssettm $0x7FFFFFFF  }
tec
execute0_lowered:
.L_overlay_start_1:
0x0: {  	(tag) =	ssettag $0x1  }
0x1: {  	s0 =	srdreg.scid;
	s5 =	rddreg [dreg:$0x0]  }
0x2: {  	s1 =	stileid.u32;
	s2 =	simm.s32 $0x0;
	s11 =	simm.s32 $0x2780  }
0x3: {  	s12 =	simm.s32 $0x7680;
	s13 =	simm.s32 $0x9E00;
	s3 =	sand.u32 $0x1, s0  }
0x4: {  	s14 =	simm.s32 $0xC580;
	s15 =	simm.s32 $0x4F00;
	s4 =	sshll.u32 s3, $0x4  }
0x5: {  	s16 =	simm.s32 $0x0;
	s0 =	rddreg [dreg:$0x1];
	s4 =	sor.u32 s1, s4  }
0x6: {  	[smem:$0x7FF] =	sst s2;
	s7 =	ssub.s32 $0x2, s3;
	s6 =	smul.u32 $0x4E2, s4  }
0x7: {  	_ =	strace $0x8000004D;
	s3 =	sadd.s32 $0x17200, s5;
	s8 =	sshrl.u32 s7, $0x1  }
0x8: {  	s4 =	sadd.s32 $0x17800, s5;
	s10 =	ssub.s32 s7, s8;
	s9 =	sadd.s32 s6, s5  }
0x9: {  	s5 =	sadd.s32 $0xD400, s9;
	s6 =	sadd.s32 $0x3600, s9;
	s7 =	sadd.s32 $0x66000, s9  }
0xa: {  	v0 =	vimm.f32 $0.0e+00;
	s8 =	sadd.s32 $0x17E00, s9;
	s9 =	smax.u32 s10, $0x1;
	s10 =	simm.s32 $0x1  }
.LBB2_1:
0xb: {  	[tilespmem:s2], [sflag:$0x1] =	stream.linear.gather [hbm4b:s5+s2], $0x2710, $0x38;
	[tilespmem:$0xED00] =	vst v63  }
0xc: {  	_ =	swait.ge [sflag:s10], $0x2710  }
0xd: {  	[sflag:s10] =	ssyncset.done $0x0  }
0xe: {  	[sflag:s10] =	ssyncadd.s32 $0xFFFFD8F0  }
0xf: {  	[tilespmem:s11], [sflag:$0x1] =	stream.linear.gather [hbm4b:s6+s2], $0x2710, $0x38;
	[tilespmem:$0xED00] =	vst v63  }
0x10: {  	_ =	swait.ge [sflag:s10], $0x2710  }
0x11: {  	[sflag:s10] =	ssyncset.done $0x0  }
0x12: {  	[sflag:s10] =	ssyncadd.s32 $0xFFFFD8F0  }
0x13: {  	[tilespmem:s12], [sflag:$0x1] =	stream.linear.gather [hbm4b:s3+s2], $0x2780, $0x38;
	[tilespmem:$0xED00] =	vst v63  }
0x14: {  	_ =	swait.ge [sflag:s10], $0x2780  }
0x15: {  	[sflag:s10] =	ssyncset.done $0x0  }
0x16: {  	[sflag:s10] =	ssyncadd.s32 $0xFFFFD880  }
0x17: {  	[tilespmem:s13], [sflag:$0x1] =	stream.linear.gather [hbm4b:s4+s2], $0x2780, $0x38;
	[tilespmem:$0xED00] =	vst v63  }
0x18: {  	_ =	swait.ge [sflag:s10], $0x2780  }
0x19: {  	[sflag:s10] =	ssyncset.done $0x0  }
0x1a: {  	s18 =	simm.s32 $0x0;
	[sflag:s10] =	ssyncadd.s32 $0xFFFFD880  }
0x1b: {  	v2 =	vld [tilespmem:s18+$0x9E00]  }
0x1c: {  	v1 =	vimm.f32 $-3.000000010e+38;
	s17 =	simm.s32 $0x40;
	v3 =	vimm.f32 $-3.000000010e+38;
	[tilespmem:s18+$0xC580] =	vst v0;
	v4 =	vld [tilespmem:s18+$0x7680]  }
.LBB2_2:
0x1d: {  	p0 =	sne.s32 s17, $0x9C00  }
.Ltmp0:
0x1e: {  	_ = 	snop;
	(pc) =	sbr.rel @p0 .LBB2_2-.Ltmp0, $4  }
0x1f: {  	_ = 	snop  }
0x20: {  	s18 =	sshra.s32 s17, $0x2;
	s17 =	sadd.s32 $0x40, s17;
	v1 =	vmax.f32 v1, v2  }
0x21: {  	[tilespmem:s18+$0xC580] =	vst v0;
	v2 =	vld [tilespmem:s18+$0x9E00];
	v3 =	vmax.f32 v3, v4  }
0x22: {  	v4 =	vld [tilespmem:s18+$0x7680]  }
0x23: {  	_ =	sdelay $0x3  }
0x24: {  	v3 =	vmax.f32 v3, v4  }
0x25: {  	v1 =	vmax.f32 v1, v2;
	(xrf0) =	vmax.scan.msk.f32 $0xffff, v3  }
0x26: {  	(xrf0) =	vmax.scan.msk.f32 $0xffff, v1;
	_ =	sdelay $0x4  }
0x27: {  	v1, _, _ =	vpop (xrf0)  }
0x28: {  	(v2sf) =	vpush v1, $0xF;
	v1, _, _ =	vpop (xrf0)  }
0x29: {  	(v2sf) =	vpush v1, $0xF;
	_ =	sdelay $0xd  }
0x2a: {  	s17 =	spop (v2sf)  }
0x2b: {  	s18 =	spop (v2sf)  }
0x2c: {  	s18 =	sadd.f32 s18, s17;
	_ =	sdelay $0x1  }
0x2d: {  	s19 =	smul.f32 $1.000000010e-01, s18  }
0x2e: {  	s17 =	simm.s32 $0x0  }
0x2f: {  	v3 =	vld [tilespmem:s17+$0x0];
	s18 =	smax.f32 s18, s19  }
0x30: {  	v2 =	vld [tilespmem:s17+$0x2780];
	v1 =	vmov s18;
	s18 =	simm.s32 $0x40  }
.LBB2_4:
0x31: {  	p0 =	sne.s32 s18, $0x9C00;
	_ =	sdelay $0x5  }
0x32: {  	v3 =	vld.idx.msk [tilespmem:v3+s12+$0x0], $0xffff  }
0x33: {  	v4 =	vld.idx.msk [tilespmem:v2+s13+$0x0], $0xffff;
	_ =	sdelay $0x5  }
0x34: {  	v3 =	vadd.f32 v4, v3;
	_ =	sdelay $0x1  }
0x35: {  	v4 =	vmul.f32 $1.000000010e-01, v3;
	_ =	sdelay $0x1  }
0x36: {  	v3 =	vmax.f32 v3, v4  }
0x37: {  	v3 =	vsub.f32 v3, v1;
	_ =	sdelay $0x1  }
0x38: {  	v3 =	vmul.f32 $1.442695020e+00, v3;
	_ =	sdelay $0x1  }
0x39: {  	(erf) = vpow2.f32 v3;
	_ =	sdelay $0x8  }
.Ltmp1:
0x3a: {  	v3 =	vpop (erf);
	(pc) =	sbr.rel @p0 .LBB2_4-.Ltmp1, $4  }
0x3b: {  	[tilespmem:s17+$0x4F00] =	vst v3  }
0x3c: {  	s17 =	sshra.s32 s18, $0x2;
	[tilespmem:v2+s14+$0x0] =	vst.idx.add.f32.msk $0xffff, v3  }
0x3d: {  	v3 =	vld [tilespmem:s17+$0x0]  }
0x3e: {  	s18 =	sadd.s32 $0x40, s18;
	v2 =	vld [tilespmem:s17+$0x2780]  }
0x3f: {  	_ =	sdelay $0x6  }
0x40: {  	v3 =	vld.idx.msk [tilespmem:v3+s12+$0x0], $0xffff  }
0x41: {  	v4 =	vld.idx.msk [tilespmem:v2+s13+$0x0], $0xffff;
	_ =	sdelay $0x4  }
0x42: {  	v3 =	vadd.f32 v4, v3;
	_ =	sdelay $0x1  }
0x43: {  	v4 =	vmul.f32 $1.000000010e-01, v3;
	_ =	sdelay $0x1  }
0x44: {  	v3 =	vmax.f32 v3, v4  }
0x45: {  	v1 =	vsub.f32 v3, v1;
	_ =	sdelay $0x1  }
0x46: {  	v1 =	vmul.f32 $1.442695020e+00, v1;
	_ =	sdelay $0x1  }
0x47: {  	(erf) = vpow2.f32 v1;
	_ =	sdelay $0x8  }
0x48: {  	v1 =	vpop (erf)  }
0x49: {  	[tilespmem:s17+$0x4F00] =	vst v1  }
0x4a: {  	[tilespmem:v2+s14+$0x0] =	vst.idx.add.f32.msk $0xffff, v1  }
0x4b: {  	[hbm4b:s7+s2] =	stream.linear.scatter [tilespmem:s15], [sflag:$0x1], $0x2710, $0x38;
	[tilespmem:$0xED00] =	vst v63  }
0x4c: {  	s16 =	sadd.s32 $0x1, s16;
	_ =	swait.ge [sflag:s10], $0x2710  }
0x4d: {  	p0 =	sne.s32 s16, s9;
	[sflag:s10] =	ssyncset.done $0x0  }
.Ltmp2:
0x4e: {  	[sflag:s10] =	ssyncadd.s32 $0xFFFFD8F0;
	(pc) =	sbr.rel @p0 .LBB2_1-.Ltmp2, $4  }
0x4f: {  	[hbm4b:s8+s2] =	stream.linear.scatter [tilespmem:s14], [sflag:$0x1], $0x2710, $0x38;
	[tilespmem:$0xED00] =	vst v63  }
0x50: {  	_ =	swait.ge [sflag:s10], $0x2710  }
0x51: {  	[sflag:s10] =	ssyncset.done $0x0  }
0x52: {  	[sflag:s10] =	ssyncadd.s32 $0xFFFFD8F0  }
0x53: {  	_ =	sfence.sel $0x180000  }
0x54: {  	[bflag:$0x0] =	sbarrier.arrive $0xFFFF  }
0x55: {  	p0 =	sne.s32 s1, $0x0;
	_ =	strace $0x9000004D  }
0x56: {  	s0 =	sadd.s32 @!p0 $0x100000, s0;
	[bflag:$0x2] =	sbarrier.arrive $0xFFFF  }
0x57: {  	[sflag:s0] =	ssyncadd.tile.s32 @!p0 $0x1;
	_ =	shalt  }
.Lfunc_end2:
_tile_overlayer_lowered:
.L_overlay_start_2:
0x58: {  	(tag) =	ssettag $0x2  }
0x59: {  	s0 =	rddreg [dreg:$0x0];
	s2 =	stileid.u32  }
0x5a: {  	s1 =	rddreg [dreg:$0x1];
	p0 =	sne.s32 s2, $0x0  }
0x5b: {  	s3 =	rddreg [dreg:$0x2];
	[bflag:$0x3] =	sbarrier.arrive $0xFFFF;
	s2 =	simm.s32 @!p0 $0x1C01  }
0x5c: {  	[timem:s3], [sflag:s2] =	dma.local @!p0 [hbm:s0], s1  }
0x5d: {  	s0 =	simm.s32 @!p0 $0x1  }
0x5e: {  	_ =	swait.ge @!p0 [sflag:s0], s1  }
0x5f: {  	s1 =	ssub.s32 @!p0 $0x0, s1;
	[sflag:s0] =	ssyncset.done @!p0 $0x0  }
0x60: {  	[sflag:s0] =	ssyncadd.s32 @!p0 s1  }
0x61: {  	[bflag:$0x3] =	sbarrier.arrive $0xFFFF  }
0x62: {  	_ =	shalt  }

// kernel: kernel.18.cloned.1.call-start
scs
__scs_entry_jumppad:
0x0: {  	(pc) =	sbr.rel $0x88, $3  }
0x1: {  	(tag) =	ssettag $0x0;
	lr =	simm.s32 $0x1  }
0x2: {  	[smem:$0x3F99] =	sst lr;
	_ =	strace $0xD0000000  }
0x3: {  	_ = 	snop  }
0x4: {  	_ = 	snop  }
0x5: {  	_ = 	snop  }
0x6: {  	_ = 	snop  }
0x7: {  	_ = 	snop  }
__scs_overlays_trampoline_lowered:
0x8: {  	[smem:$0x3FA8] =	sst s0  }
0x9: {  	[smem:$0x3FA9] =	sst s1  }
0xa: {  	[smem:$0x3FAA] =	sst s2  }
0xb: {  	[smem:$0x3FAB] =	sst s3  }
0xc: {  	[smem:$0x3FAC] =	sst s4  }
0xd: {  	[smem:$0x3FAD] =	sst s5  }
0xe: {  	[smem:$0x3FAE] =	sst s6  }
0xf: {  	[smem:$0x3FAF] =	sst s7  }
0x10: {  	[smem:$0x3FB0] =	sst s8  }
0x11: {  	[smem:$0x3FB1] =	sst s9;
	s0 =	simm.s32 @!p0 $0x0  }
0x12: {  	s1 =	sld [smem:$0x3F97];
	s0 =	simm.s32 @p0 $0x1  }
0x13: {  	[smem:$0x3FB2] =	sst s0;
	s0 =	simm.s32 @!p1 $0x0  }
0x14: {  	s2 =	sld [smem:$0x3F96];
	s0 =	simm.s32 @p1 $0x1  }
0x15: {  	[smem:$0x3FB3] =	sst s0;
	s0 =	simm.s32 @!p2 $0x0  }
0x16: {  	s3 =	sld [smem:$0x3FDB];
	s0 =	simm.s32 @p2 $0x1  }
0x17: {  	s4 =	simm.s32 $0x1BF5;
	[smem:$0x3FB5] =	sst s0  }
0x18: {  	s0 =	sld [smem:$0x3F98];
	_ =	swait.ge [sflag:s4], $0x0  }
0x19: {  	s7 =	sld [smem:$0x3F99]  }
0x1a: {  	s8 =	sadd.s32 $0xFFFFE003, lr  }
0x1b: {  	s9 =	sadd.s32 $0xFFFFFEF7, lr;
	s5 =	simm.s32 $0xFFFFFFFF;
	p2 =	slt.u32 s8, $0xFFFFF086  }
0x1c: {  	p1 =	slt.u32 s9, $0xF7A;
	s5 =	simm.s32 @!p2 $0x0  }
0x1d: {  	s5 =	simm.s32 @p1 $0x1;
	p0 =	seq.s32 s7, s2  }
0x1e: {  	s7 =	smul.u32 @!p0 $0xF7A, s2;
	p2 =	seq.s32 @!p0 s5, $0x0  }
0x1f: {  	s9 =	smul.u32 $0xF7A, s1;
	s8 =	simm.s32 @!p0 $0x1BF5;
	p2 =	por !p2, p0  }
0x20: {  	[sflag:s8] =	ssyncset.s32 @!p0 $0xFFFFF086;
	s6 =	sadd.s32 @!p0 s3, s7;
	s7 =	simm.s32 @!p0 $0x108  }
0x21: {  	s3 =	sadd.s32 s3, s9;
	s6 =	sadd.s32 @!p0 $0x88, s6;
	s7 =	simm.s32 @p2 $0x1082  }
0x22: {  	[simem:s7], [sflag:s8] =	dma.local @!p0 [hbm:s6], $0xF7A  }
0x23: {  	s9 =	sor.u32 $0xD0000000, s2;
	s6 =	simm.s32 $0x108;
	_ =	swait.ge @!p0 [sflag:s8], $0x0  }
0x24: {  	s3 =	sadd.s32 $0x88, s3;
	s6 =	simm.s32 @!p1 $0x1082;
	[sflag:s4] =	ssyncset.s32 $0xFFFFF086  }
0x25: {  	[simem:s6], [sflag:s4] =	dma.local [hbm:s3], $0xF7A  }
0x26: {  	[smem:$0x3F99] =	sst s1;
	(tag) =	ssettag s2;
	_ =	strace s9  }
0x27: {  	s1 =	sld [smem:$0x3FA9]  }
0x28: {  	s2 =	sld [smem:$0x3FAA]  }
0x29: {  	s4 =	sld [smem:$0x3FAC]  }
0x2a: {  	p0 =	seq.s32 s5, $0x0;
	s5 =	sld [smem:$0x3FAD]  }
0x2b: {  	s6 =	sld [smem:$0x3FAE]  }
0x2c: {  	s7 =	sld [smem:$0x3FAF]  }
0x2d: {  	s3 =	simm.s32 $0x108;
	s8 =	sld [smem:$0x3FB0]  }
0x2e: {  	s3 =	simm.s32 @!p0 $0x1082;
	s9 =	sld [smem:$0x3FB1]  }
0x2f: {  	lr =	sadd.s32 s0, s3;
	s0 =	sld [smem:$0x3FA8]  }
0x30: {  	s3 =	sld [smem:$0x3FAB]  }
0x31: {  	[smem:$0x3FB4] =	sst s10  }
0x32: {  	s10 =	sld [smem:$0x3FB2];
	_ =	sdelay $0x3  }
0x33: {  	p0 =	seq.s32 s10, $0x1;
	s10 =	sld [smem:$0x3FB4];
	_ =	sdelay $0x3  }
0x34: {  	[smem:$0x3FB4] =	sst s10  }
0x35: {  	s10 =	sld [smem:$0x3FB3];
	_ =	sdelay $0x3  }
0x36: {  	p1 =	seq.s32 s10, $0x1;
	s10 =	sld [smem:$0x3FB4];
	_ =	sdelay $0x3  }
0x37: {  	[smem:$0x3FB4] =	sst s10  }
0x38: {  	s10 =	sld [smem:$0x3FB5]  }
0x39: {  	_ = 	snop;
	(pc) =	sbr.ind lr, $3  }
0x3a: {  	_ = 	snop  }
0x3b: {  	_ = 	snop  }
0x3c: {  	p2 =	seq.s32 s10, $0x1;
	s10 =	sld [smem:$0x3FB4]  }
0x3d: {  	_ =	shalt  }
0x3e: {  	_ =	shalt  }
0x3f: {  	_ =	shalt  }
0x40: {  	_ =	shalt  }
0x41: {  	_ =	shalt  }
0x42: {  	_ =	shalt  }
0x43: {  	_ =	shalt  }
0x44: {  	_ =	shalt  }
0x45: {  	_ =	shalt  }
0x46: {  	_ =	shalt  }
0x47: {  	_ =	shalt  }
0x48: {  	_ =	shalt  }
0x49: {  	_ =	shalt  }
0x4a: {  	_ =	shalt  }
0x4b: {  	_ =	shalt  }
0x4c: {  	_ =	shalt  }
0x4d: {  	_ =	shalt  }
0x4e: {  	_ =	shalt  }
0x4f: {  	_ =	shalt  }
0x50: {  	_ =	shalt  }
0x51: {  	_ =	shalt  }
0x52: {  	_ =	shalt  }
0x53: {  	_ =	shalt  }
0x54: {  	_ =	shalt  }
0x55: {  	_ =	shalt  }
0x56: {  	_ =	shalt  }
0x57: {  	_ =	shalt  }
0x58: {  	_ =	shalt  }
0x59: {  	_ =	shalt  }
0x5a: {  	_ =	shalt  }
0x5b: {  	_ =	shalt  }
0x5c: {  	_ =	shalt  }
0x5d: {  	_ =	shalt  }
0x5e: {  	_ =	shalt  }
0x5f: {  	_ =	shalt  }
0x60: {  	_ =	shalt  }
0x61: {  	_ =	shalt  }
0x62: {  	_ =	shalt  }
0x63: {  	_ =	shalt  }
0x64: {  	_ =	shalt  }
0x65: {  	_ =	shalt  }
0x66: {  	_ =	shalt  }
0x67: {  	_ =	shalt  }
0x68: {  	_ =	shalt  }
0x69: {  	_ =	shalt  }
0x6a: {  	_ =	shalt  }
0x6b: {  	_ =	shalt  }
0x6c: {  	_ =	shalt  }
0x6d: {  	_ =	shalt  }
0x6e: {  	_ =	shalt  }
0x6f: {  	_ =	shalt  }
0x70: {  	_ =	shalt  }
0x71: {  	_ =	shalt  }
0x72: {  	_ =	shalt  }
0x73: {  	_ =	shalt  }
0x74: {  	_ =	shalt  }
0x75: {  	_ =	shalt  }
0x76: {  	_ =	shalt  }
0x77: {  	_ =	shalt  }
0x78: {  	_ =	shalt  }
0x79: {  	_ =	shalt  }
0x7a: {  	_ =	shalt  }
0x7b: {  	_ =	shalt  }
0x7c: {  	_ =	shalt  }
0x7d: {  	_ =	shalt  }
0x7e: {  	_ =	shalt  }
0x7f: {  	_ =	shalt  }
0x80: {  	_ =	shalt  }
0x81: {  	_ =	shalt  }
0x82: {  	_ =	shalt  }
0x83: {  	_ =	shalt  }
0x84: {  	_ =	shalt  }
0x85: {  	_ =	shalt  }
0x86: {  	_ =	shalt  }
0x87: {  	_ =	shalt  }
.Lfunc_end0:
.L_simem_size_0:
called_computation.3_lowered:
.L_overlay_start_0:
0x88: {  	s2 =	sld [smem:$0x3FD9]  }
0x89: {  	s3 =	sld [smem:$0x3FFE];
	_ =	sdelay $0x1  }
0x8a: {  	s1 =	srdreg.scid  }
0x8b: {  	s0 =	sand.u32 $0x1, s1  }
0x8c: {  	s17 =	sshll.u32 s0, $0xA;
	s2 =	sadd.s32 s3, s2  }
0x8d: {  	s2 =	sadd.s32 s2, s17  }
0x8e: {  	[smem:$0x3FC0] =	sst s2  }
0x8f: {  	_ = 	snop  }
0x90: {  	s2 =	sld [smem:$0x3FD0];
	(tm) =	ssettm $0x1  }
0x91: {  	s18 =	sld [smem:$0x3FFB];
	_ =	sdelay $0x3  }
0x92: {  	_ =	strace s18  }
0x93: {  	s3 =	sld [smem:$0x3FFC];
	_ =	sdelay $0x3  }
0x94: {  	_ =	strace s3  }
0x95: {  	s3 =	sld [smem:$0x3FFD];
	_ =	sdelay $0x3  }
0x96: {  	_ =	strace s3  }
0x97: {  	_ =	strace $0x8FFFFFFF  }
0x98: {  	s19 =	sld [smem:$0x3FDB];
	_ =	sdelay $0x1  }
0x99: {  	s4 =	simm.s32 $_scs_section_size  }
0x9a: {  	s5 =	simm.s32 $_size__tile_overlayer_lowered;
	s6 =	simm.s32 $_tile_overlayer_lowered  }
0x9b: {  	s22 =	simm.s32 $0x1BFF;
	s21 =	sshll.u32 s6, $0x1;
	s3 =	sadd.s32 s4, s19  }
0x9c: {  	s7 =	simm.s32 $0x0;
	s20 =	sshll.u32 s5, $0x1;
	s5 =	sadd.s32 s21, s3  }
0x9d: {  	[timem:s7], [sflag:s22] =	dma.local [hbm:s5], s20  }
0x9e: {  	_ =	swait.ge [sflag:s22], s20  }
0x9f: {  	s4 =	ssub.s32 $0x0, s20;
	[sflag:s22] =	ssyncset.done $0x0  }
0xa0: {  	[sflag:s22] =	ssyncadd.s32 s4;
	_ =	sdelay $0x1  }
0xa1: {  	s23 =	simm.s32 $0x1B8B  }
0xa2: {  	_ =	swait.ge [sflag:s23], $0x1  }
0xa3: {  	[sflag:s23] =	ssyncset.done $0x0  }
0xa4: {  	s25 =	simm.s32 $0x1B8E;
	s24 =	sld [smem:$0x3FFE];
	[sflag:s23] =	ssyncadd.s32 $0xFFFFFFFF  }
0xa5: {  	s26 =	simm.s32 $execute0_lowered;
	[smem:$0x3FD2] =	sst s25  }
0xa6: {  	s5 =	sshll.u32 s26, $0x1;
	_ =	strace $0x8000004F;
	[dreg:$0x1] =	wrdreg $0xFFFFFFFF  }
0xa7: {  	s28 =	simm.s32 $_size_execute0_lowered;
	s3 =	sadd.s32 s3, s5;
	[dreg:$0x0] =	wrdreg $0x0  }
0xa8: {  	s5 =	sshll.u32 s28, $0x1;
	[dreg:$0x2] =	wrdreg s3  }
0xa9: {  	[dreg:$0x3] =	wrdreg s5  }
0xaa: {  	[dreg:$0x4] =	wrdreg $0xC0  }
0xab: {  	_ =	task [dreg:s7], $0x5FFFF  }
0xac: {  	[dreg:$0x1] =	wrdreg $0xFFFFFFFF  }
0xad: {  	[dreg:$0x0] =	wrdreg $0x60  }
0xae: {  	[dreg:$0x2] =	wrdreg s24  }
0xaf: {  	[dreg:$0x3] =	wrdreg s2  }
0xb0: {  	[dreg:$0x4] =	wrdreg $0x0  }
0xb1: {  	[dreg:$0x5] =	wrdreg $0x9  }
0xb2: {  	_ =	task.clear_ibuf [dreg:s7], $0x6FFFF;
	_ =	strace $0x9000004F  }
0xb3: {  	s29 =	simm.s32 $0x9;
	_ =	strace $0x80000051  }
0xb4: {  	_ =	swait.ge [sflag:s29], $0x1  }
0xb5: {  	[sflag:s29] =	ssyncadd.s32 $0xFFFFFFFF  }
0xb6: {  	_ =	strace $0x90000051  }
0xb7: {  	_ =	sfence  }
0xb8: {  	s30 =	sld [smem:$0x0];
	_ =	sdelay $0x2  }
0xb9: {  	s31 =	sshll.u32 s1, $0xD;
	s1 =	sshrl.u32 s1, $0x2  }
0xba: {  	s3 =	sand.u32 $0x4000, s31;
	s1 =	sadd.s32 s1, s30  }
0xbb: {  	s0 =	sor.u32 s3, s0;
	s1 =	sshll.u32 s1, $0x11  }
0xbc: {  	s0 =	sor.u32 s1, s0  }
0xbd: {  	s0 =	sadd.s32 $0x8F2B, s0  }
0xbe: {  	[sflag:s0] =	ssyncadd.remote.s32 $0x1  }
0xbf: {  	_ =	sfence.sel $0xFFFF  }
0xc0: {  	[dreg:$0x0] =	wrdreg $0xFFFFFFFF;
	(pc) =	sbr.abs _section_cstart, $3  }
0xc1: {  	[dreg:$0x1] =	wrdreg $0xFFFFFFFF  }
0xc2: {  	_ =	task.clear_ibuf [dreg:s7], $0x2FFFF;
	_ =	strace $0x9FFFFFFF  }
0xc3: {  	(tm) =	ssettm $0x7FFFFFFF  }
tec
execute0_lowered:
.L_overlay_start_1:
0x0: {  	(tag) =	ssettag $0x1  }
0x1: {  	s0 =	rddreg [dreg:$0x0]  }
0x2: {  	s2 =	rddreg [dreg:$0x2];
	s4 =	simm.s32 $0x0  }
0x3: {  	s1 =	srdreg.scid;
	s14 =	stileid.u32;
	s16 =	simm.s32 $0x3  }
0x4: {  	s17 =	simm.s32 $0x14000;
	s18 =	simm.s32 $0x14800;
	s19 =	simm.s32 $0x15000  }
0x5: {  	s20 =	simm.s32 $0x80;
	s21 =	simm.s32 $0x15800;
	s22 =	simm.s32 $0x0  }
0x6: {  	[smem:$0x7FF] =	sst s4;
	s1 =	sand.u32 $0x1, s1;
	s10 =	smul.u32 $0x14000, s14  }
0x7: {  	s6 =	sadd.s32 $0x2AE00, s0;
	s8 =	sadd.s32 $0x34E00, s0;
	s11 =	smul.u32 $0x50000, s14  }
0x8: {  	s9 =	sadd.s32 $0x66000, s0;
	s12 =	smul.u32 $0xFFFFFFB0, s14;
	s30 =	sshll.u32 s14, $0x6  }
0x9: {  	s3 =	smul.u32 $0x140000, s1;
	s5 =	sshll.u32 s1, $0x4;
	_ =	strace $0x80000050  }
0xa: {  	s25 =	ssub.s32 $0x2, s1;
	s1 =	smul.u32 $0xFFFFFB00, s1;
	s7 =	sor.u32 s14, s5  }
0xb: {  	s5 =	sadd.s32 $0x3EE00, s0;
	s13 =	sshrl.u32 s25, $0x1;
	s11 =	sshrl.u32 s11, $0x2  }
0xc: {  	s7 =	smul.u32 $0x50, s7;
	s3 =	sadd.s32 s10, s3;
	s26 =	ssub.s32 s25, s13  }
.Ltmp0:
0xd: {  	s1 =	sadd.s32 s1, s12;
	s29 =	sadd.s32 s11, s2;
	(pc) =	sbr.rel .LBB2_1-.Ltmp0, $4  }
0xe: {  	s11 =	sor.u32 $0x1C03, s30;
	s3 =	sshrl.u32 s3, $0x3;
	s1 =	sadd.s32 $0x9C4, s1  }
0xf: {  	s31 =	smax.u32 s26, $0x1;
	s15 =	sshrl.u32 s29, $0x3;
	s0 =	sadd.s32 s3, s0  }
0x10: {  	s28 =	ssub.s32 $0x9C4, s7;
	[dreg:$0x5] =	wrdreg s31;
	s0 =	sadd.s32 $0x70000, s0  }
0x11: {  	s13 =	smin.u32 s1, $0x50;
	s10 =	smin.u32 s28, $0x50;
	[dreg:$0x4] =	wrdreg s0  }
.LBB2_8:
0x12: {  	[bflag:$0x0] =	sbarrier.arrive $0xFFFF  }
0x13: {  	s0 =	rddreg [dreg:$0x4]  }
0x14: {  	[hbm:s0], [sflag:s11] =	dma.local [spmem:s15], $0x2800  }
0x15: {  	_ =	swait.ge [sflag:s16], $0x2800  }
0x16: {  	s22 =	sadd.s32 $0x1, s22;
	s31 =	rddreg [dreg:$0x5]  }
0x17: {  	p0 =	sne.s32 s22, s31  }
.Ltmp1:
0x18: {  	_ = 	snop;
	(pc) =	sbr.rel @!p0 .LBB2_9-.Ltmp1, $3  }
0x19: {  	_ =	sdelay $0x1  }
0x1a: {  	[sflag:s16] =	ssyncset.done $0x0  }
0x1b: {  	[sflag:s16] =	ssyncadd.s32 $0xFFFFD800  }
.LBB2_1:
0x1c: {  	s0 =	rddreg [dreg:$0x1]  }
0x1d: {  	[spmem:s15], [sflag:s11] =	dma.local [hbm:s0], $0x2800  }
.Ltmp2:
0x1e: {  	_ =	swait.ge [sflag:s16], $0x2800;
	(pc) =	sbr.rel .LBB2_2-.Ltmp2, $4  }
0x1f: {  	[sflag:s16] =	ssyncset.done $0x0  }
0x20: {  	[sflag:s16] =	ssyncadd.s32 $0xFFFFD800  }
0x21: {  	[bflag:$0x0] =	sbarrier.arrive $0xFFFF  }
0x22: {  	s23 =	smov.u32 s13;
	s24 =	simm.s32 $0x0  }
.LBB2_7:
0x23: {  	s24 =	sadd.s32 $0x1, s24  }
0x24: {  	p0 =	sne.s32 s24, $0x5  }
.Ltmp3:
0x25: {  	_ = 	snop;
	(pc) =	sbr.rel @!p0 .LBB2_8-.Ltmp3, $2  }
0x26: {  	_ =	sdelay $0x2  }
0x27: {  	s23 =	sadd.s32 $0xFFFFFFF0, s23  }
.LBB2_2:
0x28: {  	s0 =	sshll.u32 s24, $0x4  }
0x29: {  	s1 =	sadd.s32 s7, s0  }
0x2a: {  	s1 =	sshll.u32 s1, $0x4  }
0x2b: {  	s3 =	sadd.s32 s6, s1  }
0x2c: {  	[tilespmem:s17], [sflag:$0x3] =	stream.linear.gather [hbm4b:s3+s4], $0x800, $0x38;
	[tilespmem:$0x1D800] =	vst v63  }
0x2d: {  	_ =	swait.ge [sflag:s16], $0x800  }
0x2e: {  	[sflag:s16] =	ssyncset.done $0x0  }
0x2f: {  	s31 =	sadd.s32 s8, s1;
	[sflag:s16] =	ssyncadd.s32 $0xFFFFF800  }
0x30: {  	[tilespmem:s18], [sflag:$0x3] =	stream.linear.gather [hbm4b:s31+s4], $0x800, $0x38;
	[tilespmem:$0x1D800] =	vst v63  }
0x31: {  	s0 =	ssub.s32 s10, s0;
	_ =	swait.ge [sflag:s16], $0x800  }
0x32: {  	p0 =	slt.s32 s0, $0x1;
	[sflag:s16] =	ssyncset.done $0x0  }
.Ltmp4:
0x33: {  	s1 =	sadd.s32 s9, s1;
	[sflag:s16] =	ssyncadd.s32 $0xFFFFF800;
	(pc) =	sbr.rel @p0 .LBB2_7-.Ltmp4, $4  }
0x34: {  	[tilespmem:s19], [sflag:$0x3] =	stream.linear.gather [hbm4b:s1+s4], $0x800, $0x38;
	[tilespmem:$0x1D800] =	vst v63  }
0x35: {  	_ =	swait.ge [sflag:s16], $0x800  }
0x36: {  	[sflag:s16] =	ssyncset.done $0x0  }
0x37: {  	[sflag:s16] =	ssyncadd.s32 $0xFFFFF800  }
0x38: {  	p0 =	sgt.s32 s23, $0x1;
	s1 =	smov.u32 s23  }
0x39: {  	[tilespmem:s21], [sflag:$0x1] =	stream.indirect.gather [hbm4b:s5+s20], $0x80, s17, s20, $0xb8;
	[tilespmem:$0x1D800] =	vst v63  }
0x3a: {  	s1 =	simm.s32 @!p0 $0x1;
	p0 =	sgt.s32 s0, $0x0  }
0x3b: {  	s29 =	simm.s32 $0x0;
	s0 =	simm.s32 @!p0 $0x0  }
0x3c: {  	s25 =	smin.u32 s1, $0x10;
	p0 =	por $0x0, $0x0;
	s26 =	smin.u32 s0, $0x10  }
.LBB2_4:
0x3d: {  	s28 =	sadd.s32 $0x1, s29  }
0x3e: {  	s0 =	simm.s32 $0x0;
	p1 =	sge.u32 s28, s26  }
0x3f: {  	s3 =	sshll.u32 s29, $0x7;
	v1 =	vmov s0;
	s1 =	sand.u32 @!p1 $0x1, s28  }
0x40: {  	v0 =	vmov s3;
	s30 =	sshll.u32 @!p1 s28, $0x7;
	v1 =	vand.u32 $0x78, v1;
	s12 =	sshll.u32 @!p1 s1, $0xE  }
0x41: {  	s0 =	sand.u32 $0x1, s29;
	v1 =	vor.u32 v0, v1;
	s3 =	sadd.s32 @!p1 $0x15800, s12;
	s12 =	sand.u32 @!p1 $0x3FFFFF80, s30  }
0x42: {  	s1 =	sadd.s32 @!p1 $0x1, s1;
	s30 =	simm.s32 @!p1 $0x80;
	v1 =	vbroadcast v1, $0x0;
	s12 =	sadd.s32 @!p1 $0x14000, s12  }
0x43: {  	[tilespmem:s3], [sflag:s1] =	stream.indirect.gather @!p1 [hbm4b:s5+s30], $0x80, s12, s30, $0xb8;
	[tilespmem:$0x1D800] =	vst v63  }
0x44: {  	s12 =	sadd.s32 $0x1, s0  }
0x45: {  	s3 =	simm.s32 $0x1;
	_ =	swait.ge [sflag:s12], $0x4000  }
0x46: {  	s3 =	simm.s32 @!p0 $0x0;
	[sflag:s12] =	ssyncset.done $0x0  }
0x47: {  	s3 =	sshll.u32 s3, $0xE;
	[sflag:s12] =	ssyncadd.s32 $0xFFFFC000  }
0x48: {  	s30 =	sadd.s32 $0x15A00, s3;
	v1 =	vld.idx.msk [tilespmem:v1+s19+$0x0], $0xffff  }
0x49: {  	v2 =	vld [tilespmem:s30+$0xFFFFFE00]  }
0x4a: {  	v3 =	vld [tilespmem:s30+$0xFFFFFE70]  }
0x4b: {  	v4 =	vld [tilespmem:s30+$0xFFFFFE50]  }
0x4c: {  	v5 =	vld [tilespmem:s30+$0xFFFFFE20]  }
0x4d: {  	v6 =	vld [tilespmem:s30+$0xFFFFFE30]  }
0x4e: {  	s14 =	simm.s32 $0x1;
	v7 =	vld [tilespmem:s30+$0xFFFFFE10];
	v2 =	vmul.f32 v2, v1  }
0x4f: {  	v9 =	vmov s14;
	v8 =	vld [tilespmem:s30+$0xFFFFFE60];
	v3 =	vmul.f32 v3, v1  }
0x50: {  	v10 =	vld [tilespmem:s30+$0xFFFFFE40];
	v4 =	vmul.f32 v4, v1;
	[tilespmem:s30+$0xFFFFFE00] =	vst v2;
	v2 =	vand.u32 $0x79, v9  }
0x51: {  	v5 =	vmul.f32 v5, v1;
	[tilespmem:s30+$0xFFFFFE70] =	vst v3;
	v2 =	vor.u32 v0, v2  }
0x52: {  	v3 =	vmul.f32 v6, v1;
	[tilespmem:s30+$0xFFFFFE50] =	vst v4;
	v2 =	vbroadcast v2, $0x0  }
0x53: {  	v4 =	vmul.f32 v7, v1;
	[tilespmem:s30+$0xFFFFFE20] =	vst v5  }
0x54: {  	v5 =	vmul.f32 v8, v1;
	[tilespmem:s30+$0xFFFFFE30] =	vst v3  }
0x55: {  	v1 =	vmul.f32 v10, v1;
	[tilespmem:s30+$0xFFFFFE10] =	vst v4  }
0x56: {  	[tilespmem:s30+$0xFFFFFE60] =	vst v5  }
0x57: {  	[tilespmem:s30+$0xFFFFFE40] =	vst v1;
	v1 =	vld [tilespmem:s30+$0xFFFFFEE0]  }
0x58: {  	v2 =	vld.idx.msk [tilespmem:v2+s19+$0x0], $0xffff  }
0x59: {  	v3 =	vld [tilespmem:s30+$0xFFFFFE80]  }
0x5a: {  	v4 =	vld [tilespmem:s30+$0xFFFFFE90]  }
0x5b: {  	v5 =	vld [tilespmem:s30+$0xFFFFFED0]  }
0x5c: {  	v6 =	vld [tilespmem:s30+$0xFFFFFEC0]  }
0x5d: {  	s3 =	simm.s32 $0x2;
	v7 =	vld [tilespmem:s30+$0xFFFFFEB0];
	v1 =	vmul.f32 v1, v2  }
0x5e: {  	v8 =	vld [tilespmem:s30+$0xFFFFFEF0];
	v9 =	vmov s3;
	v3 =	vmul.f32 v3, v2  }
0x5f: {  	v10 =	vld [tilespmem:s30+$0xFFFFFEA0];
	v4 =	vmul.f32 v4, v2;
	[tilespmem:s30+$0xFFFFFEE0] =	vst v1;
	v1 =	vand.u32 $0x7A, v9  }
0x60: {  	v5 =	vmul.f32 v5, v2;
	[tilespmem:s30+$0xFFFFFE80] =	vst v3;
	v1 =	vor.u32 v0, v1  }
0x61: {  	v3 =	vmul.f32 v6, v2;
	[tilespmem:s30+$0xFFFFFE90] =	vst v4;
	v1 =	vbroadcast v1, $0x0  }
0x62: {  	v4 =	vmul.f32 v7, v2;
	[tilespmem:s30+$0xFFFFFED0] =	vst v5  }
0x63: {  	v5 =	vmul.f32 v8, v2;
	[tilespmem:s30+$0xFFFFFEC0] =	vst v3  }
0x64: {  	v2 =	vmul.f32 v10, v2;
	[tilespmem:s30+$0xFFFFFEB0] =	vst v4  }
0x65: {  	[tilespmem:s30+$0xFFFFFEF0] =	vst v5  }
0x66: {  	[tilespmem:s30+$0xFFFFFEA0] =	vst v2;
	v2 =	vld [tilespmem:s30+$0xFFFFFF40]  }
0x67: {  	v1 =	vld.idx.msk [tilespmem:v1+s19+$0x0], $0xffff  }
0x68: {  	v4 =	vld [tilespmem:s30+$0xFFFFFF20]  }
0x69: {  	v5 =	vld [tilespmem:s30+$0xFFFFFF10]  }
0x6a: {  	v6 =	vld [tilespmem:s30+$0xFFFFFF50]  }
0x6b: {  	v3 =	vld [tilespmem:s30+$0xFFFFFF70]  }
0x6c: {  	s12 =	simm.s32 $0x3;
	v7 =	vld [tilespmem:s30+$0xFFFFFF00];
	v2 =	vmul.f32 v2, v1  }
0x6d: {  	v8 =	vld [tilespmem:s30+$0xFFFFFF30];
	v10 =	vmov s12;
	v4 =	vmul.f32 v4, v1  }
0x6e: {  	v9 =	vld [tilespmem:s30+$0xFFFFFF60];
	v5 =	vmul.f32 v5, v1;
	[tilespmem:s30+$0xFFFFFF40] =	vst v2;
	v2 =	vand.u32 $0x7B, v10  }
0x6f: {  	v6 =	vmul.f32 v6, v1;
	[tilespmem:s30+$0xFFFFFF20] =	vst v4;
	v2 =	vor.u32 v0, v2  }
0x70: {  	v3 =	vmul.f32 v3, v1;
	[tilespmem:s30+$0xFFFFFF10] =	vst v5;
	v2 =	vbroadcast v2, $0x0  }
0x71: {  	v4 =	vmul.f32 v7, v1;
	[tilespmem:s30+$0xFFFFFF50] =	vst v6  }
0x72: {  	v5 =	vmul.f32 v8, v1;
	[tilespmem:s30+$0xFFFFFF70] =	vst v3  }
0x73: {  	v1 =	vmul.f32 v9, v1;
	[tilespmem:s30+$0xFFFFFF00] =	vst v4  }
0x74: {  	[tilespmem:s30+$0xFFFFFF30] =	vst v5  }
0x75: {  	[tilespmem:s30+$0xFFFFFF60] =	vst v1  }
0x76: {  	v1 =	vld.idx.msk [tilespmem:v2+s19+$0x0], $0xffff  }
0x77: {  	v2 =	vld [tilespmem:s30+$0xFFFFFFA0]  }
0x78: {  	v4 =	vld [tilespmem:s30+$0xFFFFFFE0]  }
0x79: {  	v5 =	vld [tilespmem:s30+$0xFFFFFF80]  }
0x7a: {  	v6 =	vld [tilespmem:s30+$0xFFFFFFC0]  }
0x7b: {  	v7 =	vld [tilespmem:s30+$0xFFFFFFF0]  }
0x7c: {  	s14 =	simm.s32 $0x4;
	v3 =	vld [tilespmem:s30+$0xFFFFFF90];
	v2 =	vmul.f32 v2, v1  }
0x7d: {  	v9 =	vld [tilespmem:s30+$0xFFFFFFB0];
	v10 =	vmov s14;
	v4 =	vmul.f32 v4, v1  }
0x7e: {  	v8 =	vld [tilespmem:s30+$0xFFFFFFD0];
	v5 =	vmul.f32 v5, v1;
	[tilespmem:s30+$0xFFFFFFA0] =	vst v2;
	v2 =	vand.u32 $0x7C, v10  }
0x7f: {  	v6 =	vmul.f32 v6, v1;
	[tilespmem:s30+$0xFFFFFFE0] =	vst v4;
	v2 =	vor.u32 v0, v2  }
0x80: {  	v4 =	vmul.f32 v7, v1;
	[tilespmem:s30+$0xFFFFFF80] =	vst v5;
	v5 =	vbroadcast v2, $0x0  }
0x81: {  	[tilespmem:s30+$0xFFFFFFC0] =	vst v6;
	v2 =	vmul.f32 v3, v1  }
0x82: {  	v6 =	vld [tilespmem:s30+$0x0];
	v3 =	vmul.f32 v9, v1;
	[tilespmem:s30+$0xFFFFFFF0] =	vst v4  }
0x83: {  	v10 =	vld [tilespmem:s30+$0x40];
	v1 =	vmul.f32 v8, v1;
	[tilespmem:s30+$0xFFFFFF90] =	vst v2  }
0x84: {  	v7 =	vld [tilespmem:s30+$0x20];
	[tilespmem:s30+$0xFFFFFFB0] =	vst v3  }
0x85: {  	v8 =	vld [tilespmem:s30+$0x30];
	[tilespmem:s30+$0xFFFFFFD0] =	vst v1  }
0x86: {  	v1 =	vld.idx.msk [tilespmem:v5+s19+$0x0], $0xffff  }
0x87: {  	v4 =	vld [tilespmem:s30+$0x70]  }
0x88: {  	v2 =	vld [tilespmem:s30+$0x50]  }
0x89: {  	s0 =	sshll.u32 s0, $0xE;
	v3 =	vld [tilespmem:s30+$0x10]  }
0x8a: {  	s1 =	simm.s32 $0xF;
	s31 =	sadd.s32 $0x15800, s0;
	v5 =	vld [tilespmem:s30+$0x60]  }
0x8b: {  	s0 =	smov.u32 s30;
	s3 =	simm.s32 $0x7;
	s12 =	simm.s32 $0x5;
	v9 =	vmul.f32 v6, v1;
	v6 =	vmul.f32 v10, v1  }
.LBB2_5:
0x8c: {  	p1 =	sne.s32 s1, $0x7F  }
0x8d: {  	v7 =	vmul.f32 v7, v1;
	v8 =	vmul.f32 v8, v1;
	v10 =	vmov s12;
	s30 =	sadd.s32 $0x400, s30;
	s12 =	smov.u32 s1;
	s1 =	sadd.s32 $0x8, s1  }
0x8e: {  	v3 =	vmul.f32 v3, v1;
	v2 =	vmul.f32 v2, v1;
	[tilespmem:s0+$0x0] =	vst v9;
	v9 =	vand.u32 $0x7D, v10  }
0x8f: {  	[tilespmem:s0+$0x20] =	vst v7;
	v5 =	vmul.f32 v5, v1;
	v1 =	vmul.f32 v4, v1;
	v4 =	vor.u32 v0, v9  }
0x90: {  	[tilespmem:s0+$0x50] =	vst v2;
	v2 =	vbroadcast v4, $0x0  }
0x91: {  	[tilespmem:s0+$0x40] =	vst v6  }
0x92: {  	[tilespmem:s0+$0x10] =	vst v3;
	v3 =	vld [tilespmem:s0+$0x80]  }
0x93: {  	[tilespmem:s0+$0x30] =	vst v8;
	v4 =	vld [tilespmem:s0+$0xE0]  }
0x94: {  	[tilespmem:s0+$0x70] =	vst v1;
	v1 =	vld [tilespmem:s0+$0x90]  }
0x95: {  	[tilespmem:s0+$0x60] =	vst v5;
	v5 =	vld [tilespmem:s0+$0xF0]  }
0x96: {  	v2 =	vld.idx.msk [tilespmem:v2+s19+$0x0], $0xffff  }
0x97: {  	v6 =	vld [tilespmem:s0+$0xD0]  }
0x98: {  	v7 =	vld [tilespmem:s0+$0xA0]  }
0x99: {  	v8 =	vld [tilespmem:s0+$0xC0]  }
0x9a: {  	v9 =	vld [tilespmem:s0+$0xB0];
	_ =	sdelay $0x1  }
0x9b: {  	s14 =	sadd.s32 $0xFFFFFFFF, s3;
	v3 =	vmul.f32 v3, v2;
	v6 =	vmul.f32 v6, v2  }
0x9c: {  	v10 =	vmov s14;
	v5 =	vmul.f32 v5, v2;
	v7 =	vmul.f32 v7, v2  }
0x9d: {  	v1 =	vmul.f32 v1, v2;
	[tilespmem:s0+$0x80] =	vst v3;
	v3 =	vmul.f32 v8, v2;
	v8 =	vand.u32 $0x7E, v10  }
0x9e: {  	v9 =	vmul.f32 v9, v2;
	[tilespmem:s0+$0xD0] =	vst v6;
	v2 =	vmul.f32 v4, v2;
	v4 =	vor.u32 v0, v8  }
0x9f: {  	[tilespmem:s0+$0xF0] =	vst v5;
	v4 =	vbroadcast v4, $0x0  }
0xa0: {  	[tilespmem:s0+$0x90] =	vst v1  }
0xa1: {  	[tilespmem:s0+$0xE0] =	vst v2;
	v1 =	vld [tilespmem:s0+$0x170]  }
0xa2: {  	[tilespmem:s0+$0xC0] =	vst v3;
	v2 =	vld [tilespmem:s0+$0x160]  }
0xa3: {  	[tilespmem:s0+$0xA0] =	vst v7;
	v3 =	vld [tilespmem:s0+$0x130]  }
0xa4: {  	[tilespmem:s0+$0xB0] =	vst v9;
	v5 =	vld [tilespmem:s0+$0x110]  }
0xa5: {  	v4 =	vld.idx.msk [tilespmem:v4+s19+$0x0], $0xffff  }
0xa6: {  	v6 =	vld [tilespmem:s0+$0x100]  }
0xa7: {  	v7 =	vld [tilespmem:s0+$0x120]  }
0xa8: {  	v8 =	vld [tilespmem:s0+$0x140]  }
0xa9: {  	v9 =	vld [tilespmem:s0+$0x150];
	_ =	sdelay $0x1  }
0xaa: {  	v5 =	vmul.f32 v5, v4;
	v6 =	vmul.f32 v6, v4  }
0xab: {  	v10 =	vmov s3;
	s3 =	smov.u32 s12;
	v3 =	vmul.f32 v3, v4;
	v7 =	vmul.f32 v7, v4  }
0xac: {  	v2 =	vmul.f32 v2, v4;
	[tilespmem:s0+$0x100] =	vst v6;
	v6 =	vmul.f32 v8, v4;
	v8 =	vand.u32 $0x7F, v10  }
0xad: {  	v1 =	vmul.f32 v1, v4;
	[tilespmem:s0+$0x110] =	vst v5;
	v5 =	vmul.f32 v9, v4;
	v4 =	vor.u32 v0, v8  }
0xae: {  	[tilespmem:s0+$0x130] =	vst v3;
	v3 =	vbroadcast v4, $0x0  }
0xaf: {  	[tilespmem:s0+$0x160] =	vst v2  }
0xb0: {  	[tilespmem:s0+$0x170] =	vst v1;
	v1 =	vld [tilespmem:s0+$0x180]  }
0xb1: {  	[tilespmem:s0+$0x120] =	vst v7;
	v2 =	vld [tilespmem:s0+$0x1D0]  }
0xb2: {  	[tilespmem:s0+$0x150] =	vst v5;
	v4 =	vld [tilespmem:s0+$0x1F0]  }
0xb3: {  	[tilespmem:s0+$0x140] =	vst v6;
	v5 =	vld [tilespmem:s0+$0x1A0]  }
0xb4: {  	v3 =	vld.idx.msk [tilespmem:v3+s19+$0x0], $0xffff  }
0xb5: {  	v6 =	vld [tilespmem:s0+$0x190]  }
0xb6: {  	v7 =	vld [tilespmem:s0+$0x1B0]  }
0xb7: {  	v8 =	vld [tilespmem:s0+$0x1C0]  }
0xb8: {  	v9 =	vld [tilespmem:s0+$0x1E0];
	_ =	sdelay $0x1  }
0xb9: {  	s12 =	sadd.s32 $0xFFFFFFF9, s3;
	v1 =	vmul.f32 v1, v3;
	v6 =	vmul.f32 v6, v3  }
0xba: {  	v10 =	vmov s12;
	v5 =	vmul.f32 v5, v3;
	v7 =	vmul.f32 v7, v3  }
0xbb: {  	v10 =	vand.u32 $0x78, v10;
	v2 =	vmul.f32 v2, v3;
	[tilespmem:s0+$0x180] =	vst v1;
	v1 =	vmul.f32 v8, v3  }
0xbc: {  	v8 =	vor.u32 v0, v10;
	[tilespmem:s0+$0x190] =	vst v6;
	v6 =	vmul.f32 v9, v3;
	v3 =	vmul.f32 v4, v3  }
0xbd: {  	v4 =	vbroadcast v8, $0x0;
	[tilespmem:s0+$0x1D0] =	vst v2  }
0xbe: {  	[tilespmem:s0+$0x1F0] =	vst v3  }
0xbf: {  	v2 =	vld [tilespmem:s30+$0xFFFFFE40];
	[tilespmem:s0+$0x1A0] =	vst v5  }
0xc0: {  	v3 =	vld [tilespmem:s30+$0xFFFFFE60];
	[tilespmem:s0+$0x1B0] =	vst v7  }
0xc1: {  	v5 =	vld [tilespmem:s30+$0xFFFFFE50];
	[tilespmem:s0+$0x1E0] =	vst v6  }
0xc2: {  	v6 =	vld [tilespmem:s30+$0xFFFFFE70];
	[tilespmem:s0+$0x1C0] =	vst v1;
	s0 =	smov.u32 s30  }
0xc3: {  	v1 =	vld.idx.msk [tilespmem:v4+s19+$0x0], $0xffff  }
0xc4: {  	v4 =	vld [tilespmem:s30+$0xFFFFFE00]  }
0xc5: {  	v7 =	vld [tilespmem:s30+$0xFFFFFE20]  }
0xc6: {  	v8 =	vld [tilespmem:s30+$0xFFFFFE10]  }
0xc7: {  	v9 =	vld [tilespmem:s30+$0xFFFFFE30];
	_ =	sdelay $0x1  }
0xc8: {  	s12 =	sadd.s32 $0xFFFFFFFA, s3;
	v6 =	vmul.f32 v6, v1;
	v4 =	vmul.f32 v4, v1  }
0xc9: {  	v10 =	vmov s12;
	v5 =	vmul.f32 v5, v1;
	v7 =	vmul.f32 v7, v1  }
0xca: {  	v3 =	vmul.f32 v3, v1;
	[tilespmem:s30+$0xFFFFFE00] =	vst v4;
	v4 =	vmul.f32 v8, v1;
	v8 =	vand.u32 $0x79, v10  }
0xcb: {  	v9 =	vmul.f32 v9, v1;
	v1 =	vmul.f32 v2, v1;
	[tilespmem:s30+$0xFFFFFE70] =	vst v6;
	v2 =	vor.u32 v0, v8  }
0xcc: {  	[tilespmem:s30+$0xFFFFFE50] =	vst v5;
	v2 =	vbroadcast v2, $0x0  }
0xcd: {  	[tilespmem:s30+$0xFFFFFE20] =	vst v7  }
0xce: {  	[tilespmem:s30+$0xFFFFFE30] =	vst v9;
	v5 =	vld [tilespmem:s30+$0xFFFFFEF0]  }
0xcf: {  	[tilespmem:s30+$0xFFFFFE10] =	vst v4;
	v4 =	vld [tilespmem:s30+$0xFFFFFED0]  }
0xd0: {  	[tilespmem:s30+$0xFFFFFE60] =	vst v3;
	v3 =	vld [tilespmem:s30+$0xFFFFFEB0]  }
0xd1: {  	[tilespmem:s30+$0xFFFFFE40] =	vst v1;
	v1 =	vld [tilespmem:s30+$0xFFFFFEE0]  }
0xd2: {  	v2 =	vld.idx.msk [tilespmem:v2+s19+$0x0], $0xffff  }
0xd3: {  	v6 =	vld [tilespmem:s30+$0xFFFFFE80]  }
0xd4: {  	v7 =	vld [tilespmem:s30+$0xFFFFFE90]  }
0xd5: {  	v8 =	vld [tilespmem:s30+$0xFFFFFEA0]  }
0xd6: {  	v9 =	vld [tilespmem:s30+$0xFFFFFEC0];
	_ =	sdelay $0x1  }
0xd7: {  	s12 =	sadd.s32 $0xFFFFFFFB, s3;
	v1 =	vmul.f32 v1, v2;
	v6 =	vmul.f32 v6, v2  }
0xd8: {  	v10 =	vmov s12;
	v3 =	vmul.f32 v3, v2;
	v7 =	vmul.f32 v7, v2  }
0xd9: {  	v4 =	vmul.f32 v4, v2;
	v8 =	vmul.f32 v8, v2;
	[tilespmem:s30+$0xFFFFFEE0] =	vst v1;
	v1 =	vand.u32 $0x7A, v10  }
0xda: {  	[tilespmem:s30+$0xFFFFFE80] =	vst v6;
	v6 =	vmul.f32 v9, v2;
	v2 =	vmul.f32 v5, v2;
	v1 =	vor.u32 v0, v1  }
0xdb: {  	[tilespmem:s30+$0xFFFFFE90] =	vst v7;
	v1 =	vbroadcast v1, $0x0  }
0xdc: {  	[tilespmem:s30+$0xFFFFFED0] =	vst v4  }
0xdd: {  	[tilespmem:s30+$0xFFFFFEC0] =	vst v6;
	v4 =	vld [tilespmem:s30+$0xFFFFFF70]  }
0xde: {  	[tilespmem:s30+$0xFFFFFEB0] =	vst v3;
	v3 =	vld [tilespmem:s30+$0xFFFFFF50]  }
0xdf: {  	[tilespmem:s30+$0xFFFFFEF0] =	vst v2;
	v2 =	vld [tilespmem:s30+$0xFFFFFF30]  }
0xe0: {  	[tilespmem:s30+$0xFFFFFEA0] =	vst v8;
	v5 =	vld [tilespmem:s30+$0xFFFFFF40]  }
0xe1: {  	v1 =	vld.idx.msk [tilespmem:v1+s19+$0x0], $0xffff  }
0xe2: {  	v6 =	vld [tilespmem:s30+$0xFFFFFF20]  }
0xe3: {  	v7 =	vld [tilespmem:s30+$0xFFFFFF10]  }
0xe4: {  	v8 =	vld [tilespmem:s30+$0xFFFFFF00]  }
0xe5: {  	v9 =	vld [tilespmem:s30+$0xFFFFFF60];
	_ =	sdelay $0x1  }
0xe6: {  	s12 =	sadd.s32 $0xFFFFFFFC, s3;
	v5 =	vmul.f32 v5, v1;
	v6 =	vmul.f32 v6, v1  }
0xe7: {  	v10 =	vmov s12;
	v2 =	vmul.f32 v2, v1;
	v7 =	vmul.f32 v7, v1  }
0xe8: {  	v3 =	vmul.f32 v3, v1;
	v8 =	vmul.f32 v8, v1;
	[tilespmem:s30+$0xFFFFFF40] =	vst v5;
	v5 =	vand.u32 $0x7B, v10  }
0xe9: {  	[tilespmem:s30+$0xFFFFFF20] =	vst v6;
	v6 =	vmul.f32 v9, v1;
	v1 =	vmul.f32 v4, v1;
	v4 =	vor.u32 v0, v5  }
0xea: {  	[tilespmem:s30+$0xFFFFFF10] =	vst v7;
	v4 =	vbroadcast v4, $0x0  }
0xeb: {  	[tilespmem:s30+$0xFFFFFF50] =	vst v3  }
0xec: {  	[tilespmem:s30+$0xFFFFFF00] =	vst v8;
	v3 =	vld [tilespmem:s30+$0xFFFFFFF0]  }
0xed: {  	[tilespmem:s30+$0xFFFFFF30] =	vst v2;
	v2 =	vld [tilespmem:s30+$0xFFFFFFD0]  }
0xee: {  	[tilespmem:s30+$0xFFFFFF70] =	vst v1;
	v1 =	vld [tilespmem:s30+$0xFFFFFF90]  }
0xef: {  	[tilespmem:s30+$0xFFFFFF60] =	vst v6;
	v5 =	vld [tilespmem:s30+$0xFFFFFFE0]  }
0xf0: {  	v4 =	vld.idx.msk [tilespmem:v4+s19+$0x0], $0xffff  }
0xf1: {  	v6 =	vld [tilespmem:s30+$0xFFFFFFA0]  }
0xf2: {  	v7 =	vld [tilespmem:s30+$0xFFFFFF80]  }
0xf3: {  	v8 =	vld [tilespmem:s30+$0xFFFFFFC0]  }
0xf4: {  	v9 =	vld [tilespmem:s30+$0xFFFFFFB0];
	_ =	sdelay $0x1  }
0xf5: {  	s12 =	sadd.s32 $0xFFFFFFFD, s3;
	v5 =	vmul.f32 v5, v4;
	v6 =	vmul.f32 v6, v4  }
0xf6: {  	v10 =	vmov s12;
	v1 =	vmul.f32 v1, v4;
	v7 =	vmul.f32 v7, v4  }
0xf7: {  	[tilespmem:s30+$0xFFFFFFA0] =	vst v6;
	v6 =	vmul.f32 v8, v4;
	v8 =	vmul.f32 v2, v4;
	v2 =	vand.u32 $0x7C, v10  }
0xf8: {  	v3 =	vmul.f32 v3, v4;
	v9 =	vmul.f32 v9, v4;
	[tilespmem:s30+$0xFFFFFFE0] =	vst v5;
	v2 =	vor.u32 v0, v2  }
0xf9: {  	[tilespmem:s30+$0xFFFFFF80] =	vst v7;
	v4 =	vbroadcast v2, $0x0  }
0xfa: {  	[tilespmem:s30+$0xFFFFFFC0] =	vst v6  }
0xfb: {  	[tilespmem:s30+$0xFFFFFFF0] =	vst v3;
	v2 =	vld [tilespmem:s30+$0x50]  }
0xfc: {  	[tilespmem:s30+$0xFFFFFF90] =	vst v1;
	v7 =	vld [tilespmem:s30+$0x20]  }
0xfd: {  	[tilespmem:s30+$0xFFFFFFB0] =	vst v9;
	v6 =	vld [tilespmem:s30+$0x0]  }
0xfe: {  	[tilespmem:s30+$0xFFFFFFD0] =	vst v8;
	v3 =	vld [tilespmem:s30+$0x10]  }
0xff: {  	v1 =	vld.idx.msk [tilespmem:v4+s19+$0x0], $0xffff  }
0x100: {  	v10 =	vld [tilespmem:s30+$0x40]  }
.Ltmp5:
0x101: {  	v8 =	vld [tilespmem:s30+$0x30];
	(pc) =	sbr.rel @p1 .LBB2_5-.Ltmp5, $3  }
0x102: {  	v4 =	vld [tilespmem:s30+$0x70]  }
0x103: {  	v5 =	vld [tilespmem:s30+$0x60];
	_ =	sdelay $0x1  }
0x104: {  	s12 =	sadd.s32 $0xFFFFFFFE, s3;
	v9 =	vmul.f32 v6, v1;
	v6 =	vmul.f32 v10, v1  }
0x105: {  	v10 =	vmov s12  }
0x106: {  	v7 =	vmul.f32 v7, v1;
	[tilespmem:s0+$0x0] =	vst v9;
	v18 =	vand.u32 $0x7D, v10  }
0x107: {  	v2 =	vmul.f32 v2, v1;
	[tilespmem:s0+$0x40] =	vst v6;
	v19 =	vor.u32 v0, v18  }
0x108: {  	v3 =	vmul.f32 v3, v1;
	[tilespmem:s0+$0x20] =	vst v7;
	v20 =	vbroadcast v19, $0x0  }
0x109: {  	v21 =	vmul.f32 v8, v1;
	[tilespmem:s0+$0x50] =	vst v2  }
0x10a: {  	v4 =	vmul.f32 v4, v1;
	[tilespmem:s0+$0x10] =	vst v3  }
0x10b: {  	v23 =	vmul.f32 v5, v1;
	[tilespmem:s0+$0x30] =	vst v21  }
0x10c: {  	[tilespmem:s0+$0x70] =	vst v4  }
0x10d: {  	v22 =	vld [tilespmem:s0+$0x80];
	[tilespmem:s0+$0x60] =	vst v23  }
0x10e: {  	v1 =	vld.idx.msk [tilespmem:v20+s19+$0x0], $0xffff  }
0x10f: {  	v25 =	vld [tilespmem:s0+$0xD0]  }
0x110: {  	v26 =	vld [tilespmem:s0+$0xF0]  }
0x111: {  	v24 =	vld [tilespmem:s0+$0x90]  }
0x112: {  	v27 =	vld [tilespmem:s0+$0xE0]  }
0x113: {  	v29 =	vld [tilespmem:s0+$0xC0];
	s1 =	sadd.s32 $0xFFFFFFFF, s3;
	v3 =	vmul.f32 v22, v1  }
0x114: {  	v28 =	vld [tilespmem:s0+$0xA0];
	v31 =	vmov s1;
	v2 =	vmul.f32 v25, v1  }
0x115: {  	v30 =	vld [tilespmem:s0+$0xB0];
	v32 =	vand.u32 $0x7E, v31;
	v5 =	vmul.f32 v26, v1;
	[tilespmem:s0+$0x80] =	vst v3  }
0x116: {  	v33 =	vor.u32 v0, v32;
	v4 =	vmul.f32 v24, v1;
	[tilespmem:s0+$0xD0] =	vst v2  }
0x117: {  	v34 =	vmul.f32 v27, v1;
	[tilespmem:s0+$0xF0] =	vst v5;
	v2 =	vbroadcast v33, $0x0  }
0x118: {  	v35 =	vmul.f32 v29, v1;
	[tilespmem:s0+$0x90] =	vst v4  }
0x119: {  	v36 =	vmul.f32 v28, v1;
	[tilespmem:s0+$0xE0] =	vst v34  }
0x11a: {  	v1 =	vmul.f32 v30, v1;
	[tilespmem:s0+$0xC0] =	vst v35  }
0x11b: {  	[tilespmem:s0+$0xA0] =	vst v36  }
0x11c: {  	v37 =	vld [tilespmem:s0+$0x100];
	[tilespmem:s0+$0xB0] =	vst v1  }
0x11d: {  	v1 =	vld.idx.msk [tilespmem:v2+s19+$0x0], $0xffff  }
0x11e: {  	v38 =	vld [tilespmem:s0+$0x110]  }
0x11f: {  	v39 =	vld [tilespmem:s0+$0x130]  }
0x120: {  	v40 =	vld [tilespmem:s0+$0x160]  }
0x121: {  	v41 =	vld [tilespmem:s0+$0x170]  }
0x122: {  	v42 =	vld [tilespmem:s0+$0x120];
	v2 =	vmul.f32 v37, v1  }
0x123: {  	v43 =	vld [tilespmem:s0+$0x150];
	v44 =	vmov s3;
	v3 =	vmul.f32 v38, v1  }
0x124: {  	v45 =	vld [tilespmem:s0+$0x140];
	v46 =	vand.u32 $0x7F, v44;
	v4 =	vmul.f32 v39, v1;
	[tilespmem:s0+$0x100] =	vst v2  }
0x125: {  	v47 =	vor.u32 v0, v46;
	v5 =	vmul.f32 v40, v1;
	[tilespmem:s0+$0x110] =	vst v3  }
0x126: {  	v0 =	vbroadcast v47, $0x0;
	v48 =	vmul.f32 v41, v1;
	[tilespmem:s0+$0x130] =	vst v4  }
0x127: {  	v49 =	vmul.f32 v42, v1;
	[tilespmem:s0+$0x160] =	vst v5  }
0x128: {  	v50 =	vmul.f32 v43, v1;
	[tilespmem:s0+$0x170] =	vst v48  }
0x129: {  	v1 =	vmul.f32 v45, v1;
	[tilespmem:s0+$0x120] =	vst v49  }
0x12a: {  	[tilespmem:s0+$0x150] =	vst v50  }
0x12b: {  	v51 =	vld [tilespmem:s0+$0x180];
	[tilespmem:s0+$0x140] =	vst v1  }
0x12c: {  	v0 =	vld.idx.msk [tilespmem:v0+s19+$0x0], $0xffff  }
0x12d: {  	v52 =	vld [tilespmem:s0+$0x190]  }
0x12e: {  	v53 =	vld [tilespmem:s0+$0x1D0]  }
0x12f: {  	v54 =	vld [tilespmem:s0+$0x1F0]  }
0x130: {  	v55 =	vld [tilespmem:s0+$0x1A0]  }
0x131: {  	v56 =	vld [tilespmem:s0+$0x1B0];
	v2 =	vmul.f32 v51, v0  }
0x132: {  	v57 =	vld [tilespmem:s0+$0x1E0];
	v1 =	vmul.f32 v52, v0  }
0x133: {  	v58 =	vld [tilespmem:s0+$0x1C0];
	v59 =	vmul.f32 v53, v0;
	[tilespmem:s0+$0x180] =	vst v2  }
0x134: {  	v60 =	vmul.f32 v54, v0;
	[tilespmem:s0+$0x190] =	vst v1  }
0x135: {  	v61 =	vmul.f32 v55, v0;
	[tilespmem:s0+$0x1D0] =	vst v59  }
0x136: {  	v62 =	vmul.f32 v56, v0;
	[tilespmem:s0+$0x1F0] =	vst v60  }
0x137: {  	v63 =	vmul.f32 v57, v0;
	[tilespmem:s0+$0x1A0] =	vst v61  }
0x138: {  	s14 =	sshll.u32 s29, $0x9;
	v0 =	vmul.f32 v58, v0;
	[tilespmem:s0+$0x1B0] =	vst v62  }
0x139: {  	s1 =	sshra.s32 s14, $0x2;
	[tilespmem:s0+$0x1E0] =	vst v63  }
0x13a: {  	p1 =	sne.s32 s28, s25;
	s30 =	sadd.s32 $0x14800, s1;
	[tilespmem:s0+$0x1C0] =	vst v0  }
0x13b: {  	[spmem:s2] =	stream.indirect.scatter.add.f32 [tilespmem:s31], [sflag:$0x3], $0x80, s30, s20, $0xb8;
	[tilespmem:$0x1D800] =	vst v63  }
.Ltmp6:
0x13c: {  	_ = 	snop;
	(pc) =	sbr.rel @p1 .LBB2_4-.Ltmp6, $4  }
.Ltmp7:
0x13d: {  	_ = 	snop;
	(pc) =	sbr.rel @!p1 .LBB2_7-.Ltmp7, $4  }
0x13e: {  	_ =	swait.ge [sflag:s16], $0x4000  }
0x13f: {  	[sflag:s16] =	ssyncset.done $0x0  }
0x140: {  	p0 =	por !p0, !p0;
	s29 =	smov.u32 s28;
	[sflag:s16] =	ssyncadd.s32 $0xFFFFC000  }
0x141: {  	_ = 	snop  }
.LBB2_9:
0x142: {  	_ =	sfence.sel $0x180000  }
0x143: {  	[bflag:$0x0] =	sbarrier.arrive $0xFFFF  }
0x144: {  	_ =	strace $0x90000050  }
0x145: {  	s0 =	stileid.u32;
	[bflag:$0x2] =	sbarrier.arrive $0xFFFF  }
0x146: {  	p0 =	sne.s32 s0, $0x0;
	s0 =	rddreg [dreg:$0x3]  }
0x147: {  	s0 =	sadd.s32 @!p0 $0x100000, s0  }
0x148: {  	[sflag:s0] =	ssyncadd.tile.s32 @!p0 $0x1;
	_ =	shalt  }
.Lfunc_end2:
_tile_overlayer_lowered:
.L_overlay_start_2:
0x149: {  	(tag) =	ssettag $0x2  }
0x14a: {  	s0 =	rddreg [dreg:$0x0];
	s2 =	stileid.u32  }
0x14b: {  	s1 =	rddreg [dreg:$0x1];
	p0 =	sne.s32 s2, $0x0  }
0x14c: {  	s3 =	rddreg [dreg:$0x2];
	[bflag:$0x3] =	sbarrier.arrive $0xFFFF;
	s2 =	simm.s32 @!p0 $0x1C03  }
0x14d: {  	[timem:s3], [sflag:s2] =	dma.local @!p0 [hbm:s0], s1  }
0x14e: {  	s0 =	simm.s32 @!p0 $0x3  }
0x14f: {  	_ =	swait.ge @!p0 [sflag:s0], s1  }
0x150: {  	s1 =	ssub.s32 @!p0 $0x0, s1;
	[sflag:s0] =	ssyncset.done @!p0 $0x0  }
0x151: {  	[sflag:s0] =	ssyncadd.s32 @!p0 s1  }
0x152: {  	[bflag:$0x3] =	sbarrier.arrive $0xFFFF  }
0x153: {  	_ =	shalt  }

// kernel: kernel.9.cloned.1.call-start
scs
__scs_entry_jumppad:
0x0: {  	(pc) =	sbr.rel $0x88, $3  }
0x1: {  	(tag) =	ssettag $0x0;
	lr =	simm.s32 $0x1  }
0x2: {  	[smem:$0x3F99] =	sst lr;
	_ =	strace $0xD0000000  }
0x3: {  	_ = 	snop  }
0x4: {  	_ = 	snop  }
0x5: {  	_ = 	snop  }
0x6: {  	_ = 	snop  }
0x7: {  	_ = 	snop  }
__scs_overlays_trampoline_lowered:
0x8: {  	[smem:$0x3FA8] =	sst s0  }
0x9: {  	[smem:$0x3FA9] =	sst s1  }
0xa: {  	[smem:$0x3FAA] =	sst s2  }
0xb: {  	[smem:$0x3FAB] =	sst s3  }
0xc: {  	[smem:$0x3FAC] =	sst s4  }
0xd: {  	[smem:$0x3FAD] =	sst s5  }
0xe: {  	[smem:$0x3FAE] =	sst s6  }
0xf: {  	[smem:$0x3FAF] =	sst s7  }
0x10: {  	[smem:$0x3FB0] =	sst s8  }
0x11: {  	[smem:$0x3FB1] =	sst s9;
	s0 =	simm.s32 @!p0 $0x0  }
0x12: {  	s1 =	sld [smem:$0x3F97];
	s0 =	simm.s32 @p0 $0x1  }
0x13: {  	[smem:$0x3FB2] =	sst s0;
	s0 =	simm.s32 @!p1 $0x0  }
0x14: {  	s2 =	sld [smem:$0x3F96];
	s0 =	simm.s32 @p1 $0x1  }
0x15: {  	[smem:$0x3FB3] =	sst s0;
	s0 =	simm.s32 @!p2 $0x0  }
0x16: {  	s3 =	sld [smem:$0x3FDB];
	s0 =	simm.s32 @p2 $0x1  }
0x17: {  	s4 =	simm.s32 $0x1BF5;
	[smem:$0x3FB5] =	sst s0  }
0x18: {  	s0 =	sld [smem:$0x3F98];
	_ =	swait.ge [sflag:s4], $0x0  }
0x19: {  	s7 =	sld [smem:$0x3F99]  }
0x1a: {  	s8 =	sadd.s32 $0xFFFFE003, lr  }
0x1b: {  	s9 =	sadd.s32 $0xFFFFFEF7, lr;
	s5 =	simm.s32 $0xFFFFFFFF;
	p2 =	slt.u32 s8, $0xFFFFF086  }
0x1c: {  	p1 =	slt.u32 s9, $0xF7A;
	s5 =	simm.s32 @!p2 $0x0  }
0x1d: {  	s5 =	simm.s32 @p1 $0x1;
	p0 =	seq.s32 s7, s2  }
0x1e: {  	s7 =	smul.u32 @!p0 $0xF7A, s2;
	p2 =	seq.s32 @!p0 s5, $0x0  }
0x1f: {  	s9 =	smul.u32 $0xF7A, s1;
	s8 =	simm.s32 @!p0 $0x1BF5;
	p2 =	por !p2, p0  }
0x20: {  	[sflag:s8] =	ssyncset.s32 @!p0 $0xFFFFF086;
	s6 =	sadd.s32 @!p0 s3, s7;
	s7 =	simm.s32 @!p0 $0x108  }
0x21: {  	s3 =	sadd.s32 s3, s9;
	s6 =	sadd.s32 @!p0 $0x88, s6;
	s7 =	simm.s32 @p2 $0x1082  }
0x22: {  	[simem:s7], [sflag:s8] =	dma.local @!p0 [hbm:s6], $0xF7A  }
0x23: {  	s9 =	sor.u32 $0xD0000000, s2;
	s6 =	simm.s32 $0x108;
	_ =	swait.ge @!p0 [sflag:s8], $0x0  }
0x24: {  	s3 =	sadd.s32 $0x88, s3;
	s6 =	simm.s32 @!p1 $0x1082;
	[sflag:s4] =	ssyncset.s32 $0xFFFFF086  }
0x25: {  	[simem:s6], [sflag:s4] =	dma.local [hbm:s3], $0xF7A  }
0x26: {  	[smem:$0x3F99] =	sst s1;
	(tag) =	ssettag s2;
	_ =	strace s9  }
0x27: {  	s1 =	sld [smem:$0x3FA9]  }
0x28: {  	s2 =	sld [smem:$0x3FAA]  }
0x29: {  	s4 =	sld [smem:$0x3FAC]  }
0x2a: {  	p0 =	seq.s32 s5, $0x0;
	s5 =	sld [smem:$0x3FAD]  }
0x2b: {  	s6 =	sld [smem:$0x3FAE]  }
0x2c: {  	s7 =	sld [smem:$0x3FAF]  }
0x2d: {  	s3 =	simm.s32 $0x108;
	s8 =	sld [smem:$0x3FB0]  }
0x2e: {  	s3 =	simm.s32 @!p0 $0x1082;
	s9 =	sld [smem:$0x3FB1]  }
0x2f: {  	lr =	sadd.s32 s0, s3;
	s0 =	sld [smem:$0x3FA8]  }
0x30: {  	s3 =	sld [smem:$0x3FAB]  }
0x31: {  	[smem:$0x3FB4] =	sst s10  }
0x32: {  	s10 =	sld [smem:$0x3FB2];
	_ =	sdelay $0x3  }
0x33: {  	p0 =	seq.s32 s10, $0x1;
	s10 =	sld [smem:$0x3FB4];
	_ =	sdelay $0x3  }
0x34: {  	[smem:$0x3FB4] =	sst s10  }
0x35: {  	s10 =	sld [smem:$0x3FB3];
	_ =	sdelay $0x3  }
0x36: {  	p1 =	seq.s32 s10, $0x1;
	s10 =	sld [smem:$0x3FB4];
	_ =	sdelay $0x3  }
0x37: {  	[smem:$0x3FB4] =	sst s10  }
0x38: {  	s10 =	sld [smem:$0x3FB5]  }
0x39: {  	_ = 	snop;
	(pc) =	sbr.ind lr, $3  }
0x3a: {  	_ = 	snop  }
0x3b: {  	_ = 	snop  }
0x3c: {  	p2 =	seq.s32 s10, $0x1;
	s10 =	sld [smem:$0x3FB4]  }
0x3d: {  	_ =	shalt  }
0x3e: {  	_ =	shalt  }
0x3f: {  	_ =	shalt  }
0x40: {  	_ =	shalt  }
0x41: {  	_ =	shalt  }
0x42: {  	_ =	shalt  }
0x43: {  	_ =	shalt  }
0x44: {  	_ =	shalt  }
0x45: {  	_ =	shalt  }
0x46: {  	_ =	shalt  }
0x47: {  	_ =	shalt  }
0x48: {  	_ =	shalt  }
0x49: {  	_ =	shalt  }
0x4a: {  	_ =	shalt  }
0x4b: {  	_ =	shalt  }
0x4c: {  	_ =	shalt  }
0x4d: {  	_ =	shalt  }
0x4e: {  	_ =	shalt  }
0x4f: {  	_ =	shalt  }
0x50: {  	_ =	shalt  }
0x51: {  	_ =	shalt  }
0x52: {  	_ =	shalt  }
0x53: {  	_ =	shalt  }
0x54: {  	_ =	shalt  }
0x55: {  	_ =	shalt  }
0x56: {  	_ =	shalt  }
0x57: {  	_ =	shalt  }
0x58: {  	_ =	shalt  }
0x59: {  	_ =	shalt  }
0x5a: {  	_ =	shalt  }
0x5b: {  	_ =	shalt  }
0x5c: {  	_ =	shalt  }
0x5d: {  	_ =	shalt  }
0x5e: {  	_ =	shalt  }
0x5f: {  	_ =	shalt  }
0x60: {  	_ =	shalt  }
0x61: {  	_ =	shalt  }
0x62: {  	_ =	shalt  }
0x63: {  	_ =	shalt  }
0x64: {  	_ =	shalt  }
0x65: {  	_ =	shalt  }
0x66: {  	_ =	shalt  }
0x67: {  	_ =	shalt  }
0x68: {  	_ =	shalt  }
0x69: {  	_ =	shalt  }
0x6a: {  	_ =	shalt  }
0x6b: {  	_ =	shalt  }
0x6c: {  	_ =	shalt  }
0x6d: {  	_ =	shalt  }
0x6e: {  	_ =	shalt  }
0x6f: {  	_ =	shalt  }
0x70: {  	_ =	shalt  }
0x71: {  	_ =	shalt  }
0x72: {  	_ =	shalt  }
0x73: {  	_ =	shalt  }
0x74: {  	_ =	shalt  }
0x75: {  	_ =	shalt  }
0x76: {  	_ =	shalt  }
0x77: {  	_ =	shalt  }
0x78: {  	_ =	shalt  }
0x79: {  	_ =	shalt  }
0x7a: {  	_ =	shalt  }
0x7b: {  	_ =	shalt  }
0x7c: {  	_ =	shalt  }
0x7d: {  	_ =	shalt  }
0x7e: {  	_ =	shalt  }
0x7f: {  	_ =	shalt  }
0x80: {  	_ =	shalt  }
0x81: {  	_ =	shalt  }
0x82: {  	_ =	shalt  }
0x83: {  	_ =	shalt  }
0x84: {  	_ =	shalt  }
0x85: {  	_ =	shalt  }
0x86: {  	_ =	shalt  }
0x87: {  	_ =	shalt  }
.Lfunc_end0:
.L_simem_size_0:
called_computation_lowered:
.L_overlay_start_0:
0x88: {  	s2 =	sld [smem:$0x3FD9]  }
0x89: {  	s3 =	sld [smem:$0x3FFE];
	_ =	sdelay $0x1  }
0x8a: {  	s1 =	srdreg.scid  }
0x8b: {  	s0 =	sand.u32 $0x1, s1  }
0x8c: {  	s16 =	sshll.u32 s0, $0xA;
	s2 =	sadd.s32 s3, s2  }
0x8d: {  	s2 =	sadd.s32 s2, s16  }
0x8e: {  	[smem:$0x3FC0] =	sst s2  }
0x8f: {  	_ = 	snop  }
0x90: {  	(tm) =	ssettm $0x1  }
0x91: {  	s17 =	sld [smem:$0x3FFB];
	_ =	sdelay $0x3  }
0x92: {  	_ =	strace s17  }
0x93: {  	s2 =	sld [smem:$0x3FFC];
	_ =	sdelay $0x3  }
0x94: {  	_ =	strace s2  }
0x95: {  	s2 =	sld [smem:$0x3FFD];
	_ =	sdelay $0x3  }
0x96: {  	_ =	strace s2  }
0x97: {  	_ =	strace $0x8FFFFFFF  }
0x98: {  	s18 =	sld [smem:$0x3FDB];
	_ =	sdelay $0x1  }
0x99: {  	s19 =	simm.s32 $_scs_section_size  }
0x9a: {  	s4 =	simm.s32 $_size__tile_overlayer_lowered;
	s5 =	simm.s32 $_tile_overlayer_lowered  }
0x9b: {  	s22 =	simm.s32 $0x1BFF;
	s21 =	sshll.u32 s5, $0x1;
	s2 =	sadd.s32 s19, s18  }
0x9c: {  	s6 =	simm.s32 $0x0;
	s20 =	sshll.u32 s4, $0x1;
	s4 =	sadd.s32 s21, s2  }
0x9d: {  	[timem:s6], [sflag:s22] =	dma.local [hbm:s4], s20  }
0x9e: {  	_ =	swait.ge [sflag:s22], s20  }
0x9f: {  	s3 =	ssub.s32 $0x0, s20;
	[sflag:s22] =	ssyncset.done $0x0  }
0xa0: {  	[sflag:s22] =	ssyncadd.s32 s3;
	_ =	sdelay $0x1  }
0xa1: {  	s23 =	simm.s32 $0x1B8B  }
0xa2: {  	_ =	swait.ge [sflag:s23], $0x1  }
0xa3: {  	[sflag:s23] =	ssyncset.done $0x0  }
0xa4: {  	s25 =	simm.s32 $0x1B8E;
	s24 =	sld [smem:$0x3FFE];
	[sflag:s23] =	ssyncadd.s32 $0xFFFFFFFF  }
0xa5: {  	s26 =	simm.s32 $execute0_lowered;
	[smem:$0x3FD2] =	sst s25  }
0xa6: {  	s4 =	sshll.u32 s26, $0x1;
	_ =	strace $0x80000046;
	[dreg:$0x1] =	wrdreg $0xFFFFFFFF  }
0xa7: {  	s28 =	simm.s32 $_size_execute0_lowered;
	s2 =	sadd.s32 s2, s4;
	[dreg:$0x0] =	wrdreg $0x0  }
0xa8: {  	s4 =	sshll.u32 s28, $0x1;
	[dreg:$0x2] =	wrdreg s2  }
0xa9: {  	[dreg:$0x3] =	wrdreg s4  }
0xaa: {  	[dreg:$0x4] =	wrdreg $0xC0  }
0xab: {  	_ =	task [dreg:s6], $0x5FFFF  }
0xac: {  	[dreg:$0x1] =	wrdreg $0xFFFFFFFF  }
0xad: {  	[dreg:$0x0] =	wrdreg $0x60  }
0xae: {  	[dreg:$0x2] =	wrdreg s24  }
0xaf: {  	[dreg:$0x3] =	wrdreg $0x9  }
0xb0: {  	_ =	task.clear_ibuf [dreg:s6], $0x4FFFF;
	_ =	strace $0x90000046  }
0xb1: {  	s29 =	simm.s32 $0x9;
	_ =	strace $0x80000048  }
0xb2: {  	_ =	swait.ge [sflag:s29], $0x1  }
0xb3: {  	[sflag:s29] =	ssyncadd.s32 $0xFFFFFFFF  }
0xb4: {  	_ =	strace $0x90000048  }
0xb5: {  	_ =	sfence  }
0xb6: {  	s30 =	sld [smem:$0x0];
	_ =	sdelay $0x2  }
0xb7: {  	s31 =	sshll.u32 s1, $0xD;
	s1 =	sshrl.u32 s1, $0x2  }
0xb8: {  	s3 =	sand.u32 $0x4000, s31;
	s1 =	sadd.s32 s1, s30  }
0xb9: {  	s0 =	sor.u32 s3, s0;
	s1 =	sshll.u32 s1, $0x11  }
0xba: {  	s0 =	sor.u32 s1, s0  }
0xbb: {  	s0 =	sadd.s32 $0x8F2B, s0  }
0xbc: {  	[sflag:s0] =	ssyncadd.remote.s32 $0x1  }
0xbd: {  	_ =	sfence.sel $0xFFFF  }
0xbe: {  	[dreg:$0x0] =	wrdreg $0xFFFFFFFF;
	(pc) =	sbr.abs _section_cstart, $3  }
0xbf: {  	[dreg:$0x1] =	wrdreg $0xFFFFFFFF  }
0xc0: {  	_ =	task.clear_ibuf [dreg:s6], $0x2FFFF;
	_ =	strace $0x9FFFFFFF  }
0xc1: {  	(tm) =	ssettm $0x7FFFFFFF  }
tec
execute0_lowered:
.L_overlay_start_1:
0x0: {  	(tag) =	ssettag $0x1  }
0x1: {  	s0 =	srdreg.scid  }
0x2: {  	s4 =	rddreg [dreg:$0x0];
	s2 =	simm.s32 $0x0;
	s3 =	sand.u32 $0x1, s0  }
0x3: {  	s8 =	simm.s32 $0x1;
	s0 =	stileid.u32;
	s1 =	sshll.u32 s3, $0x4  }
0x4: {  	s9 =	simm.s32 $0x2780;
	s10 =	simm.s32 $0x4F00;
	s1 =	sor.u32 s0, s1  }
0x5: {  	s11 =	simm.s32 $0x7680;
	s3 =	ssub.s32 $0x2, s3;
	s5 =	smul.u32 $0x4E2, s1  }
0x6: {  	s12 =	simm.s32 $0x0;
	[smem:$0x7FF] =	sst s2;
	s31 =	sshrl.u32 s3, $0x1  }
0x7: {  	s1 =	rddreg [dreg:$0x1];
	s7 =	ssub.s32 s3, s31;
	s6 =	sadd.s32 s5, s4  }
0x8: {  	_ =	strace $0x80000047;
	s7 =	smax.u32 s7, $0x1;
	s3 =	sadd.s32 $0xD400, s6  }
0x9: {  	v0 =	vimm.f32 $0.0e+00;
	v1 =	vimm.f32 $1.000000000e+00;
	s4 =	sadd.s32 $0x3600, s6;
	s5 =	sadd.s32 $0x17200, s6;
	s6 =	sadd.s32 $0x21000, s6  }
.LBB2_1:
0xa: {  	[tilespmem:s2], [sflag:$0x1] =	stream.linear.gather [hbm4b:s3+s2], $0x2710, $0x38;
	[tilespmem:$0x9E00] =	vst v63  }
0xb: {  	_ =	swait.ge [sflag:s8], $0x2710  }
0xc: {  	[sflag:s8] =	ssyncset.done $0x0  }
0xd: {  	[sflag:s8] =	ssyncadd.s32 $0xFFFFD8F0  }
0xe: {  	[tilespmem:s9], [sflag:$0x1] =	stream.linear.gather [hbm4b:s4+s2], $0x2710, $0x38;
	[tilespmem:$0x9E00] =	vst v63  }
0xf: {  	_ =	swait.ge [sflag:s8], $0x2710  }
0x10: {  	[sflag:s8] =	ssyncset.done $0x0  }
0x11: {  	s13 =	simm.s32 $0x0;
	[sflag:s8] =	ssyncadd.s32 $0xFFFFD8F0  }
.LBB2_2:
0x12: {  	p0 =	sne.s32 s13, $0x9C00  }
.Ltmp0:
0x13: {  	_ = 	snop;
	(pc) =	sbr.rel @p0 .LBB2_2-.Ltmp0, $4  }
0x14: {  	_ = 	snop  }
0x15: {  	s14 =	sshra.s32 s13, $0x2  }
0x16: {  	[tilespmem:s14+$0x4F00] =	vst v0  }
0x17: {  	s13 =	sadd.s32 $0x40, s13;
	[tilespmem:s14+$0x7680] =	vst v0  }
0x18: {  	s14 =	simm.s32 $0x0;
	s13 =	simm.s32 $0x40  }
.LBB2_4:
0x19: {  	p0 =	sne.s32 s13, $0x9C00;
	v2 =	vld [tilespmem:s14+$0x0];
	_ =	sdelay $0x7  }
0x1a: {  	[tilespmem:v2+s10+$0x0] =	vst.idx.add.f32.msk $0xffff, v1  }
0x1b: {  	v2 =	vld [tilespmem:s14+$0x2780];
	_ =	sdelay $0x3  }
.Ltmp1:
0x1c: {  	(pc) =	sbr.rel @p0 .LBB2_4-.Ltmp1, $2  }
0x1d: {  	_ =	sdelay $0x2  }
0x1e: {  	s14 =	sshra.s32 s13, $0x2;
	s13 =	sadd.s32 $0x40, s13;
	[tilespmem:v2+s11+$0x0] =	vst.idx.add.f32.msk $0xffff, v1  }
0x1f: {  	v2 =	vld [tilespmem:s14+$0x0];
	_ =	sdelay $0x7  }
0x20: {  	[tilespmem:v2+s10+$0x0] =	vst.idx.add.f32.msk $0xffff, v1  }
0x21: {  	v2 =	vld [tilespmem:s14+$0x2780];
	_ =	sdelay $0x7  }
0x22: {  	[tilespmem:v2+s11+$0x0] =	vst.idx.add.f32.msk $0xffff, v1  }
0x23: {  	[hbm4b:s5+s2] =	stream.linear.scatter [tilespmem:s10], [sflag:$0x1], $0x2710, $0x38;
	[tilespmem:$0x9E00] =	vst v63  }
0x24: {  	s12 =	sadd.s32 $0x1, s12;
	_ =	swait.ge [sflag:s8], $0x2710  }
0x25: {  	p0 =	sne.s32 s12, s7;
	[sflag:s8] =	ssyncset.done $0x0  }
.Ltmp2:
0x26: {  	[sflag:s8] =	ssyncadd.s32 $0xFFFFD8F0;
	(pc) =	sbr.rel @p0 .LBB2_1-.Ltmp2, $4  }
0x27: {  	[hbm4b:s6+s2] =	stream.linear.scatter [tilespmem:s11], [sflag:$0x1], $0x2710, $0x38;
	[tilespmem:$0x9E00] =	vst v63  }
0x28: {  	_ =	swait.ge [sflag:s8], $0x2710  }
0x29: {  	[sflag:s8] =	ssyncset.done $0x0  }
0x2a: {  	[sflag:s8] =	ssyncadd.s32 $0xFFFFD8F0  }
0x2b: {  	_ =	sfence.sel $0x180000  }
0x2c: {  	[bflag:$0x0] =	sbarrier.arrive $0xFFFF  }
0x2d: {  	p0 =	sne.s32 s0, $0x0;
	_ =	strace $0x90000047  }
0x2e: {  	s0 =	sadd.s32 @!p0 $0x100000, s1;
	[bflag:$0x2] =	sbarrier.arrive $0xFFFF  }
0x2f: {  	[sflag:s0] =	ssyncadd.tile.s32 @!p0 $0x1;
	_ =	shalt  }
.Lfunc_end2:
_tile_overlayer_lowered:
.L_overlay_start_2:
0x30: {  	(tag) =	ssettag $0x2  }
0x31: {  	s0 =	rddreg [dreg:$0x0];
	s2 =	stileid.u32  }
0x32: {  	s1 =	rddreg [dreg:$0x1];
	p0 =	sne.s32 s2, $0x0  }
0x33: {  	s3 =	rddreg [dreg:$0x2];
	[bflag:$0x3] =	sbarrier.arrive $0xFFFF;
	s2 =	simm.s32 @!p0 $0x1C01  }
0x34: {  	[timem:s3], [sflag:s2] =	dma.local @!p0 [hbm:s0], s1  }
0x35: {  	s0 =	simm.s32 @!p0 $0x1  }
0x36: {  	_ =	swait.ge @!p0 [sflag:s0], s1  }
0x37: {  	s1 =	ssub.s32 @!p0 $0x0, s1;
	[sflag:s0] =	ssyncset.done @!p0 $0x0  }
0x38: {  	[sflag:s0] =	ssyncadd.s32 @!p0 s1  }
0x39: {  	[bflag:$0x3] =	sbarrier.arrive $0xFFFF  }
0x3a: {  	_ =	shalt  }

</sc_bundles>
